<compile_context>
chip_gen: v7x
topology: tpu7x:2x2x1
jax: 0.10.2.dev20260603
libtpu: 0.0.44.dev20260713+nightly
codegen_flags: <defaults>
</compile_context>

<pallas_src>
import jax
import jax.numpy as jnp
from jax import lax
from jax.experimental import pallas as pl
from jax.experimental.pallas import tpu as pltpu
from jax.experimental.pallas import tpu_sc as plsc

_NC = 2
_NS = 16
_NW = _NC * _NS
_L = 16
_B = 16384
_RPW = _B // _NW
_EMB = 64
_KWP = 20
_CH = 128
_NG = _RPW // _L


def _kw_score_body(kt_ref, w_ref, out_ref):
    w = w_ref[...][:, 0]
    out_ref[...] = jnp.sum(kt_ref[...] * w, axis=1)


def _kw_scores(keyword_table, mlp_W):
    n, d = keyword_table.shape
    blk = 8192
    grid = (n + blk - 1) // blk
    return pl.pallas_call(
        _kw_score_body,
        grid=(grid,),
        in_specs=[
            pl.BlockSpec((blk, d), lambda i: (i, 0)),
            pl.BlockSpec((d, 1), lambda i: (0, 0)),
        ],
        out_specs=pl.BlockSpec((blk,), lambda i: (i,)),
        out_shape=jax.ShapeDtypeStruct((n,), jnp.float32),
    )(keyword_table, mlp_W)


def _sc_body(uid_hbm, iid_hbm, kw16_hbm, utab_hbm, itab_hbm,
             bu_hbm, bi_hbm, kws_hbm, mb_hbm, out_hbm,
             uid_v, iid_v, u_rows, i_rows, ub_v, ib_v, widx_v, kwin_v,
             kwidx_t, kwval_v, out_v, mb_v,
             sem_ui, sem_b, sem_w, sem_kv):
    wid = lax.axis_index("s") * _NC + lax.axis_index("c")
    base = wid * _RPW
    pltpu.sync_copy(uid_hbm.at[pl.ds(base, _RPW)], uid_v)
    pltpu.sync_copy(iid_hbm.at[pl.ds(base, _RPW)], iid_v)
    pltpu.sync_copy(mb_hbm, mb_v.at[pl.ds(0, 1)])

    iota = lax.iota(jnp.int32, _L)
    zerosf = jnp.zeros((_L,), jnp.float32)

    def bw(g, carry):
        iid16 = iid_v[pl.ds(g * _L, _L)]
        a16 = lax.shift_right_logical(iid16 * _KWP, 4)
        pos = 2 * (g * _L + iota)
        plsc.store_scatter(widx_v, [pos], a16)
        plsc.store_scatter(widx_v, [pos + 1], a16 + 1)
        return carry

    lax.fori_loop(0, _NG, bw, 0)

    copies = []
    for c in range((2 * _RPW) // _CH):
        s = pl.ds(c * _CH, _CH)
        copies.append(pltpu.async_copy(kw16_hbm.at[widx_v.at[s]],
                                       kwin_v.at[s], sem_w))
    ui_copies = []
    for c in range(_RPW // _CH):
        s = pl.ds(c * _CH, _CH)
        ui_copies.append(pltpu.async_copy(utab_hbm.at[uid_v.at[s]],
                                          u_rows.at[s], sem_ui))
        ui_copies.append(pltpu.async_copy(itab_hbm.at[iid_v.at[s]],
                                          i_rows.at[s], sem_ui))
    b_copies = []
    for c in range(_RPW // _CH):
        s = pl.ds(c * _CH, _CH)
        b_copies.append(pltpu.async_copy(bu_hbm.at[uid_v.at[s]],
                                         ub_v.at[s], sem_b))
        b_copies.append(pltpu.async_copy(bi_hbm.at[iid_v.at[s]],
                                         ib_v.at[s], sem_b))
    for d in copies:
        d.wait()

    def tr(g, carry):
        iid16 = iid_v[pl.ds(g * _L, _L)]
        flat = iid16 * _KWP
        off = lax.bitwise_and(flat, 15)
        r32 = 32 * (g * _L + iota) + off
        for k in range(_KWP):
            p = r32 + k
            row = lax.shift_right_logical(p, 4)
            col = lax.bitwise_and(p, 15)
            vals = plsc.load_gather(kwin_v, [row, col])
            kwidx_t[pl.ds(k * _RPW + g * _L, _L)] = vals
        return carry

    lax.fori_loop(0, _NG, tr, 0)

    kv_copies = []
    for c in range((_RPW * _KWP) // _CH):
        s = pl.ds(c * _CH, _CH)
        kv_copies.append(pltpu.async_copy(kws_hbm.at[kwidx_t.at[s]],
                                          kwval_v.at[s], sem_kv))
    for d in ui_copies:
        d.wait()
    for d in b_copies:
        d.wait()

    mb = mb_v[...][0]

    def group(g, carry):
        acc = zerosf
        for l in range(_L):
            r = g * _L + l
            u0 = u_rows[r, pl.ds(0, _L)]
            u1 = u_rows[r, pl.ds(_L, _L)]
            u2 = u_rows[r, pl.ds(2 * _L, _L)]
            u3 = u_rows[r, pl.ds(3 * _L, _L)]
            i0 = i_rows[r, pl.ds(0, _L)]
            i1 = i_rows[r, pl.ds(_L, _L)]
            i2 = i_rows[r, pl.ds(2 * _L, _L)]
            i3 = i_rows[r, pl.ds(3 * _L, _L)]
            mf = u0 * i0 + u1 * i1 + u2 * i2 + u3 * i3
            s = jnp.sum(mf)
            acc = jnp.where(iota == l, s, acc)
        ub16 = ub_v[pl.ds(g * _L, _L)]
        ib16 = ib_v[pl.ds(g * _L, _L)]
        out_v[pl.ds(g * _L, _L)] = acc + ub16 + ib16 + mb
        return carry

    lax.fori_loop(0, _NG, group, 0)

    for d in kv_copies:
        d.wait()

    def kwadd(g, carry):
        acc = out_v[pl.ds(g * _L, _L)]
        for k in range(_KWP):
            acc = acc + kwval_v[pl.ds(k * _RPW + g * _L, _L)]
        out_v[pl.ds(g * _L, _L)] = acc
        return carry

    lax.fori_loop(0, _NG, kwadd, 0)
    pltpu.sync_copy(out_v, out_hbm.at[pl.ds(base, _RPW)])


def kernel(user_ids, item_ids, item_keywords, keyword_table, user_table,
           item_table, bias_u, bias_i, mlp_W, mlp_b):
    kw_score = _kw_scores(keyword_table, mlp_W)
    kw16 = jnp.reshape(item_keywords, (-1, 16))
    bu1 = jnp.reshape(bias_u, (-1,))
    bi1 = jnp.reshape(bias_i, (-1,))
    mesh = plsc.VectorSubcoreMesh(core_axis_name="c", subcore_axis_name="s",
                                  num_cores=_NC, num_subcores=_NS)
    run = pl.kernel(
        _sc_body,
        out_type=jax.ShapeDtypeStruct((_B,), jnp.float32),
        mesh=mesh,
        compiler_params=pltpu.CompilerParams(needs_layout_passes=False,
                                             use_tc_tiling_on_sc=False),
        scratch_types=[
            pltpu.VMEM((_RPW,), jnp.int32),
            pltpu.VMEM((_RPW,), jnp.int32),
            pltpu.VMEM((_RPW, _EMB), jnp.float32),
            pltpu.VMEM((_RPW, _EMB), jnp.float32),
            pltpu.VMEM((_RPW,), jnp.float32),
            pltpu.VMEM((_RPW,), jnp.float32),
            pltpu.VMEM((2 * _RPW,), jnp.int32),
            pltpu.VMEM((2 * _RPW, 16), jnp.int32),
            pltpu.VMEM((_RPW * _KWP,), jnp.int32),
            pltpu.VMEM((_RPW * _KWP,), jnp.float32),
            pltpu.VMEM((_RPW,), jnp.float32),
            pltpu.VMEM((_L,), jnp.float32),
            pltpu.SemaphoreType.DMA,
            pltpu.SemaphoreType.DMA,
            pltpu.SemaphoreType.DMA,
            pltpu.SemaphoreType.DMA,
        ],
    )
    return run(user_ids, item_ids, kw16, user_table, item_table,
               bu1, bi1, kw_score, mlp_b)

# --- scband reference (transcript-rebuilt; emitter-appended) ---
"""Pipeline reference for scband-rsmodel-36816459661534 (READ-ONLY COPY).

The authoritative reference and input builder live on the scoring server;
editing this copy changes nothing except your own understanding.
"""

import jax, jax.numpy as jnp
import numpy as np

B = 16384
NUM_USERS = 100000
NUM_ITEMS = 100000
NUM_KEYWORDS = 100000
EMB = 64
KW_EMB = 32
KW_PER_ITEM = 20


def setup_inputs(seed: int = 0) -> dict:
    key = jax.random.key(seed)
    ks = jax.random.split(key, 10)
    user_ids = jax.random.randint(ks[0], (B,), 0, NUM_USERS + 1, dtype=jnp.int32)
    item_ids = jax.random.randint(ks[1], (B,), 0, NUM_ITEMS, dtype=jnp.int32)
    item_keywords = jax.random.randint(ks[2], (NUM_ITEMS, KW_PER_ITEM), 0, NUM_KEYWORDS + 1, dtype=jnp.int32)
    keyword_table = jax.random.normal(ks[3], (NUM_KEYWORDS + 1, KW_EMB), dtype=jnp.float32) * 0.1
    user_table = jax.random.normal(ks[4], (NUM_USERS + 1, EMB), dtype=jnp.float32) * 0.1
    item_table = jax.random.normal(ks[5], (NUM_ITEMS, EMB), dtype=jnp.float32) * 0.1
    bias_u = jax.random.normal(ks[6], (NUM_USERS + 1, 1), dtype=jnp.float32) * 0.1
    bias_i = jax.random.normal(ks[7], (NUM_ITEMS, 1), dtype=jnp.float32) * 0.1
    mlp_W = jax.random.normal(ks[8], (KW_EMB, 1), dtype=jnp.float32) * 0.1
    mlp_b = jnp.zeros((1,), dtype=jnp.float32)
    return {
        'user_ids': user_ids,
        'item_ids': item_ids,
        'item_keywords': item_keywords,
        'keyword_table': keyword_table,
        'user_table': user_table,
        'item_table': item_table,
        'bias_u': bias_u,
        'bias_i': bias_i,
        'mlp_W': mlp_W,
        'mlp_b': mlp_b,
    }


def reference(user_ids, item_ids, item_keywords, keyword_table, user_table, item_table, bias_u, bias_i, mlp_W, mlp_b):
    # bias lookups: [B, 1]
    user_bias = jnp.take(bias_u, user_ids, axis=0)
    item_bias = jnp.take(bias_i, item_ids, axis=0)
    # embedding lookups: [B, EMB]
    users_embedding = jnp.take(user_table, user_ids, axis=0)
    items_embedding = jnp.take(item_table, item_ids, axis=0)
    # matrix-factorization interaction
    mf = users_embedding * items_embedding
    # two-hop keyword lookup: item -> keyword ids -> keyword embeddings
    item_keyword = jnp.take(item_keywords, item_ids, axis=0)            # [B, KW_PER_ITEM]
    item_keyword_embedding = jnp.take(keyword_table, item_keyword, axis=0)  # [B, KW_PER_ITEM, KW_EMB]
    item_encode = jnp.sum(item_keyword_embedding, axis=1)               # [B, KW_EMB]
    item_encode = item_encode @ mlp_W + mlp_b                           # [B, 1]
    r = (jnp.squeeze(user_bias, -1) + jnp.squeeze(item_bias, -1)
         + jnp.sum(mf, axis=1) + jnp.sum(item_encode, axis=1))
    return r

if __name__ == "__main__":
    import jax
    _d = setup_inputs()
    print(jax.jit(kernel)(*tuple(_d.values())))

</pallas_src>

<mosaic_0001>
#map = affine_map<(d0, d1) -> (0)>
#map1 = affine_map<(d0, d1) -> (0, 0)>
module attributes {stable_mosaic.version = 14 : i64} {
  func.func @_sc_body(%arg0: i32, %arg1: i32, %arg2: memref<16384xi32, #tpu.memory_space<hbm>>, %arg3: memref<16384xi32, #tpu.memory_space<hbm>>, %arg4: memref<125000x16xi32, #tpu.memory_space<hbm>>, %arg5: memref<100001x64xf32, #tpu.memory_space<hbm>>, %arg6: memref<100000x64xf32, #tpu.memory_space<hbm>>, %arg7: memref<100001xf32, #tpu.memory_space<hbm>>, %arg8: memref<100000xf32, #tpu.memory_space<hbm>>, %arg9: memref<100001xf32, #tpu.memory_space<hbm>>, %arg10: memref<1xf32, #tpu.memory_space<hbm>>, %arg11: memref<16384xf32, #tpu.memory_space<hbm>>, %arg12: memref<512xi32, #tpu.memory_space<vmem>>, %arg13: memref<512xi32, #tpu.memory_space<vmem>>, %arg14: memref<512x64xf32, #tpu.memory_space<vmem>>, %arg15: memref<512x64xf32, #tpu.memory_space<vmem>>, %arg16: memref<512xf32, #tpu.memory_space<vmem>>, %arg17: memref<512xf32, #tpu.memory_space<vmem>>, %arg18: memref<1024xi32, #tpu.memory_space<vmem>>, %arg19: memref<1024x16xi32, #tpu.memory_space<vmem>>, %arg20: memref<10240xi32, #tpu.memory_space<vmem>>, %arg21: memref<10240xf32, #tpu.memory_space<vmem>>, %arg22: memref<512xf32, #tpu.memory_space<vmem>>, %arg23: memref<16xf32, #tpu.memory_space<vmem>>, %arg24: memref<!tpu.dma_semaphore, #tpu.memory_space<semaphore_mem>>, %arg25: memref<!tpu.dma_semaphore, #tpu.memory_space<semaphore_mem>>, %arg26: memref<!tpu.dma_semaphore, #tpu.memory_space<semaphore_mem>>, %arg27: memref<!tpu.dma_semaphore, #tpu.memory_space<semaphore_mem>>) attributes {dimension_semantics = [#tpu.dimension_semantics<core_parallel>, #tpu.dimension_semantics<subcore_parallel>], iteration_bounds = array<i64: 2, 16>, scalar_prefetch = 0 : i64, scratch_operands = 16 : i64, tpu.core_type = #tpu.core_type<sc_vector_subcore>, window_params = [{transform_indices = #map}, {transform_indices = #map}, {transform_indices = #map1}, {transform_indices = #map1}, {transform_indices = #map1}, {transform_indices = #map}, {transform_indices = #map}, {transform_indices = #map}, {transform_indices = #map}, {transform_indices = #map}]} {
    %mul3A = arith.constant 2 : i32
    %mul3A_0 = arith.muli %arg1, %mul3A : i32
    %add3A = arith.addi %mul3A_0, %arg0 : i32
    %mul3A_1 = arith.constant 512 : i32
    %mul3A_2 = arith.muli %add3A, %mul3A_1 : i32
    "tpu.region"() ({
      %run_scoped3A = tpu.sem_alloc : memref<!tpu.dma_semaphore, #tpu.memory_space<semaphore_mem>>
      %dma_start3A_1338 = tpu.memref_slice %arg2[%mul3A_2] : memref<16384xi32, #tpu.memory_space<hbm>> -> memref<512xi32, #tpu.memory_space<hbm>>
      %dma_start3A_1339 = tpu.memref_slice %arg2[%mul3A_2] : memref<16384xi32, #tpu.memory_space<hbm>> -> memref<512xi32, #tpu.memory_space<hbm>>
      tpu.enqueue_dma source(%dma_start3A_1339 : memref<512xi32, #tpu.memory_space<hbm>>) target(%arg12 : memref<512xi32, #tpu.memory_space<vmem>>) target_semaphore(%run_scoped3A : memref<!tpu.dma_semaphore, #tpu.memory_space<semaphore_mem>>)
      %dma_wait3A_1340 = tpu.memref_slice %arg2[%mul3A_2] : memref<16384xi32, #tpu.memory_space<hbm>> -> memref<512xi32, #tpu.memory_space<hbm>>
      %dma_wait3A_1341 = tpu.memref_slice %arg2[%mul3A_2] : memref<16384xi32, #tpu.memory_space<hbm>> -> memref<512xi32, #tpu.memory_space<hbm>>
      tpu.wait_dma2 semaphore(%run_scoped3A : memref<!tpu.dma_semaphore, #tpu.memory_space<semaphore_mem>>) src(%dma_wait3A_1341 : memref<512xi32, #tpu.memory_space<hbm>>) dst(%arg12 : memref<512xi32, #tpu.memory_space<vmem>>)
      tpu.yield
    }) : () -> ()
    "tpu.region"() ({
      %run_scoped3A = tpu.sem_alloc : memref<!tpu.dma_semaphore, #tpu.memory_space<semaphore_mem>>
      %dma_start3A_1338 = tpu.memref_slice %arg3[%mul3A_2] : memref<16384xi32, #tpu.memory_space<hbm>> -> memref<512xi32, #tpu.memory_space<hbm>>
      %dma_start3A_1339 = tpu.memref_slice %arg3[%mul3A_2] : memref<16384xi32, #tpu.memory_space<hbm>> -> memref<512xi32, #tpu.memory_space<hbm>>
      tpu.enqueue_dma source(%dma_start3A_1339 : memref<512xi32, #tpu.memory_space<hbm>>) target(%arg13 : memref<512xi32, #tpu.memory_space<vmem>>) target_semaphore(%run_scoped3A : memref<!tpu.dma_semaphore, #tpu.memory_space<semaphore_mem>>)
      %dma_wait3A_1340 = tpu.memref_slice %arg3[%mul3A_2] : memref<16384xi32, #tpu.memory_space<hbm>> -> memref<512xi32, #tpu.memory_space<hbm>>
      %dma_wait3A_1341 = tpu.memref_slice %arg3[%mul3A_2] : memref<16384xi32, #tpu.memory_space<hbm>> -> memref<512xi32, #tpu.memory_space<hbm>>
      tpu.wait_dma2 semaphore(%run_scoped3A : memref<!tpu.dma_semaphore, #tpu.memory_space<semaphore_mem>>) src(%dma_wait3A_1341 : memref<512xi32, #tpu.memory_space<hbm>>) dst(%arg13 : memref<512xi32, #tpu.memory_space<vmem>>)
      tpu.yield
    }) : () -> ()
    "tpu.region"() ({
      %run_scoped3A = tpu.sem_alloc : memref<!tpu.dma_semaphore, #tpu.memory_space<semaphore_mem>>
      %dma_start3A_1338 = arith.constant 0 : i32
      %dma_start3A_1339 = tpu.memref_slice %arg23[%dma_start3A_1338] : memref<16xf32, #tpu.memory_space<vmem>> -> memref<1xf32, #tpu.memory_space<vmem>>
      %dma_start3A_1340 = arith.constant 0 : i32
      %dma_start3A_1341 = tpu.memref_slice %arg23[%dma_start3A_1340] : memref<16xf32, #tpu.memory_space<vmem>> -> memref<1xf32, #tpu.memory_space<vmem>>
      tpu.enqueue_dma source(%arg10 : memref<1xf32, #tpu.memory_space<hbm>>) target(%dma_start3A_1341 : memref<1xf32, #tpu.memory_space<vmem>>) target_semaphore(%run_scoped3A : memref<!tpu.dma_semaphore, #tpu.memory_space<semaphore_mem>>)
      %dma_wait3A_1342 = arith.constant 0 : i32
      %dma_wait3A_1343 = tpu.memref_slice %arg23[%dma_wait3A_1342] : memref<16xf32, #tpu.memory_space<vmem>> -> memref<1xf32, #tpu.memory_space<vmem>>
      %dma_wait3A_1344 = arith.constant 0 : i32
      %dma_wait3A_1345 = tpu.memref_slice %arg23[%dma_wait3A_1344] : memref<16xf32, #tpu.memory_space<vmem>> -> memref<1xf32, #tpu.memory_space<vmem>>
      tpu.wait_dma2 semaphore(%run_scoped3A : memref<!tpu.dma_semaphore, #tpu.memory_space<semaphore_mem>>) src(%arg10 : memref<1xf32, #tpu.memory_space<hbm>>) dst(%dma_wait3A_1345 : memref<1xf32, #tpu.memory_space<vmem>>)
      tpu.yield
    }) : () -> ()
    %iota3A = tpu.iota {dimensions = array<i32: 0>} : vector<16xi32>
    %broadcast_in_dim3A = arith.constant 0.000000e+00 : f32
    %broadcast_in_dim3A_3 = vector.broadcast %broadcast_in_dim3A : f32 to vector<16xf32>
    %scan3A = arith.constant 0 : i32
    %scan3A_4 = arith.constant 0 : i32
    %scan3A_5 = arith.constant 32 : i32
    %scan3A_6 = arith.addi %scan3A_4, %scan3A_5 : i32
    %scan3A_7 = arith.constant 1 : i32
    scf.for %scan3A_1338 = %scan3A_4 to %scan3A_6 step %scan3A_7  : i32 {
      %mul3A_1339 = arith.constant 16 : i32
      %mul3A_1340 = arith.muli %scan3A_1338, %mul3A_1339 : i32
      %get3A_1341 = arith.index_cast %mul3A_1340 : i32 to index
      %get3A_1342 = tpu.vector_load %arg13[%get3A_1341] {strides = array<i32>} : memref<512xi32, #tpu.memory_space<vmem>>, vector<16xi32>,
      %mul3A_1343 = arith.constant 20 : i32
      %mul3A_1344 = vector.broadcast %mul3A_1343 : i32 to vector<16xi32>
      %mul3A_1345 = arith.muli %get3A_1342, %mul3A_1344 : vector<16xi32>
      %shift_right_logical3A = arith.constant 4 : i32
      %shift_right_logical3A_1346 = vector.broadcast %shift_right_logical3A : i32 to vector<16xi32>
      %shift_right_logical3A_1347 = arith.shrui %mul3A_1345, %shift_right_logical3A_1346 : vector<16xi32>
      %mul3A_1348 = arith.constant 16 : i32
      %mul3A_1349 = arith.muli %scan3A_1338, %mul3A_1348 : i32
      %add3A_1350 = vector.broadcast %mul3A_1349 : i32 to vector<16xi32>
      %add3A_1351 = arith.addi %add3A_1350, %iota3A : vector<16xi32>
      %mul3A_1352 = arith.constant 2 : i32
      %mul3A_1353 = vector.broadcast %mul3A_1352 : i32 to vector<16xi32>
      %mul3A_1354 = arith.muli %mul3A_1353, %add3A_1351 : vector<16xi32>
      tpu.vector_store_idx %arg18[%mul3A_1354], %shift_right_logical3A_1347 : memref<1024xi32, #tpu.memory_space<vmem>>[vector<16xi32>], vector<16xi32>,
      %add3A_1355 = arith.constant 1 : i32
      %add3A_1356 = vector.broadcast %add3A_1355 : i32 to vector<16xi32>
      %add3A_1357 = arith.addi %mul3A_1354, %add3A_1356 : vector<16xi32>
      %add3A_1358 = arith.constant 1 : i32
      %add3A_1359 = vector.broadcast %add3A_1358 : i32 to vector<16xi32>
      %add3A_1360 = arith.addi %shift_right_logical3A_1347, %add3A_1359 : vector<16xi32>
      tpu.vector_store_idx %arg18[%add3A_1357], %add3A_1360 : memref<1024xi32, #tpu.memory_space<vmem>>[vector<16xi32>], vector<16xi32>,
    }
    %scan3A_8 = arith.constant 32 : i32
    %dma_start3A = arith.constant 0 : i32
    %dma_start3A_9 = arith.constant 0 : i32
    %dma_start3A_10 = tpu.memref_slice %arg19[%dma_start3A, %dma_start3A_9] : memref<1024x16xi32, #tpu.memory_space<vmem>> -> memref<128x16xi32, #tpu.memory_space<vmem>>
    %dma_start3A_11 = arith.constant 0 : i32
    %dma_start3A_12 = tpu.memref_slice %arg18[%dma_start3A_11] : memref<1024xi32, #tpu.memory_space<vmem>> -> memref<128xi32, #tpu.memory_space<vmem>>
    %dma_start3A_13 = arith.constant 0 : i32
    %dma_start3A_14 = arith.constant 0 : i32
    %dma_start3A_15 = tpu.memref_slice %arg4[%dma_start3A_13, %dma_start3A_14] : memref<125000x16xi32, #tpu.memory_space<hbm>> -> memref<125000x16xi32, #tpu.memory_space<hbm>>
    tpu.enqueue_indirect_dma source(%dma_start3A_15 : memref<125000x16xi32, #tpu.memory_space<hbm>>) target(%dma_start3A_10 : memref<128x16xi32, #tpu.memory_space<vmem>>) offsets(%dma_start3A_12 : memref<128xi32, #tpu.memory_space<vmem>>) semaphore(%arg26 : memref<!tpu.dma_semaphore, #tpu.memory_space<semaphore_mem>>)
    %dma_start3A_16 = arith.constant 128 : i32
    %dma_start3A_17 = arith.constant 0 : i32
    %dma_start3A_18 = tpu.memref_slice %arg19[%dma_start3A_16, %dma_start3A_17] : memref<1024x16xi32, #tpu.memory_space<vmem>> -> memref<128x16xi32, #tpu.memory_space<vmem>>
    %dma_start3A_19 = arith.constant 128 : i32
    %dma_start3A_20 = tpu.memref_slice %arg18[%dma_start3A_19] : memref<1024xi32, #tpu.memory_space<vmem>> -> memref<128xi32, #tpu.memory_space<vmem>>
    %dma_start3A_21 = arith.constant 0 : i32
    %dma_start3A_22 = arith.constant 0 : i32
    %dma_start3A_23 = tpu.memref_slice %arg4[%dma_start3A_21, %dma_start3A_22] : memref<125000x16xi32, #tpu.memory_space<hbm>> -> memref<125000x16xi32, #tpu.memory_space<hbm>>
    tpu.enqueue_indirect_dma source(%dma_start3A_23 : memref<125000x16xi32, #tpu.memory_space<hbm>>) target(%dma_start3A_18 : memref<128x16xi32, #tpu.memory_space<vmem>>) offsets(%dma_start3A_20 : memref<128xi32, #tpu.memory_space<vmem>>) semaphore(%arg26 : memref<!tpu.dma_semaphore, #tpu.memory_space<semaphore_mem>>)
    %dma_start3A_24 = arith.constant 256 : i32
    %dma_start3A_25 = arith.constant 0 : i32
    %dma_start3A_26 = tpu.memref_slice %arg19[%dma_start3A_24, %dma_start3A_25] : memref<1024x16xi32, #tpu.memory_space<vmem>> -> memref<128x16xi32, #tpu.memory_space<vmem>>
    %dma_start3A_27 = arith.constant 256 : i32
    %dma_start3A_28 = tpu.memref_slice %arg18[%dma_start3A_27] : memref<1024xi32, #tpu.memory_space<vmem>> -> memref<128xi32, #tpu.memory_space<vmem>>
    %dma_start3A_29 = arith.constant 0 : i32
    %dma_start3A_30 = arith.constant 0 : i32
    %dma_start3A_31 = tpu.memref_slice %arg4[%dma_start3A_29, %dma_start3A_30] : memref<125000x16xi32, #tpu.memory_space<hbm>> -> memref<125000x16xi32, #tpu.memory_space<hbm>>
    tpu.enqueue_indirect_dma source(%dma_start3A_31 : memref<125000x16xi32, #tpu.memory_space<hbm>>) target(%dma_start3A_26 : memref<128x16xi32, #tpu.memory_space<vmem>>) offsets(%dma_start3A_28 : memref<128xi32, #tpu.memory_space<vmem>>) semaphore(%arg26 : memref<!tpu.dma_semaphore, #tpu.memory_space<semaphore_mem>>)
    %dma_start3A_32 = arith.constant 384 : i32
    %dma_start3A_33 = arith.constant 0 : i32
    %dma_start3A_34 = tpu.memref_slice %arg19[%dma_start3A_32, %dma_start3A_33] : memref<1024x16xi32, #tpu.memory_space<vmem>> -> memref<128x16xi32, #tpu.memory_space<vmem>>
    %dma_start3A_35 = arith.constant 384 : i32
    %dma_start3A_36 = tpu.memref_slice %arg18[%dma_start3A_35] : memref<1024xi32, #tpu.memory_space<vmem>> -> memref<128xi32, #tpu.memory_space<vmem>>
    %dma_start3A_37 = arith.constant 0 : i32
    %dma_start3A_38 = arith.constant 0 : i32
    %dma_start3A_39 = tpu.memref_slice %arg4[%dma_start3A_37, %dma_start3A_38] : memref<125000x16xi32, #tpu.memory_space<hbm>> -> memref<125000x16xi32, #tpu.memory_space<hbm>>
    tpu.enqueue_indirect_dma source(%dma_start3A_39 : memref<125000x16xi32, #tpu.memory_space<hbm>>) target(%dma_start3A_34 : memref<128x16xi32, #tpu.memory_space<vmem>>) offsets(%dma_start3A_36 : memref<128xi32, #tpu.memory_space<vmem>>) semaphore(%arg26 : memref<!tpu.dma_semaphore, #tpu.memory_space<semaphore_mem>>)
    %dma_start3A_40 = arith.constant 512 : i32
    %dma_start3A_41 = arith.constant 0 : i32
    %dma_start3A_42 = tpu.memref_slice %arg19[%dma_start3A_40, %dma_start3A_41] : memref<1024x16xi32, #tpu.memory_space<vmem>> -> memref<128x16xi32, #tpu.memory_space<vmem>>
    %dma_start3A_43 = arith.constant 512 : i32
    %dma_start3A_44 = tpu.memref_slice %arg18[%dma_start3A_43] : memref<1024xi32, #tpu.memory_space<vmem>> -> memref<128xi32, #tpu.memory_space<vmem>>
    %dma_start3A_45 = arith.constant 0 : i32
    %dma_start3A_46 = arith.constant 0 : i32
    %dma_start3A_47 = tpu.memref_slice %arg4[%dma_start3A_45, %dma_start3A_46] : memref<125000x16xi32, #tpu.memory_space<hbm>> -> memref<125000x16xi32, #tpu.memory_space<hbm>>
    tpu.enqueue_indirect_dma source(%dma_start3A_47 : memref<125000x16xi32, #tpu.memory_space<hbm>>) target(%dma_start3A_42 : memref<128x16xi32, #tpu.memory_space<vmem>>) offsets(%dma_start3A_44 : memref<128xi32, #tpu.memory_space<vmem>>) semaphore(%arg26 : memref<!tpu.dma_semaphore, #tpu.memory_space<semaphore_mem>>)
    %dma_start3A_48 = arith.constant 640 : i32
    %dma_start3A_49 = arith.constant 0 : i32
    %dma_start3A_50 = tpu.memref_slice %arg19[%dma_start3A_48, %dma_start3A_49] : memref<1024x16xi32, #tpu.memory_space<vmem>> -> memref<128x16xi32, #tpu.memory_space<vmem>>
    %dma_start3A_51 = arith.constant 640 : i32
    %dma_start3A_52 = tpu.memref_slice %arg18[%dma_start3A_51] : memref<1024xi32, #tpu.memory_space<vmem>> -> memref<128xi32, #tpu.memory_space<vmem>>
    %dma_start3A_53 = arith.constant 0 : i32
    %dma_start3A_54 = arith.constant 0 : i32
    %dma_start3A_55 = tpu.memref_slice %arg4[%dma_start3A_53, %dma_start3A_54] : memref<125000x16xi32, #tpu.memory_space<hbm>> -> memref<125000x16xi32, #tpu.memory_space<hbm>>
    tpu.enqueue_indirect_dma source(%dma_start3A_55 : memref<125000x16xi32, #tpu.memory_space<hbm>>) target(%dma_start3A_50 : memref<128x16xi32, #tpu.memory_space<vmem>>) offsets(%dma_start3A_52 : memref<128xi32, #tpu.memory_space<vmem>>) semaphore(%arg26 : memref<!tpu.dma_semaphore, #tpu.memory_space<semaphore_mem>>)
    %dma_start3A_56 = arith.constant 768 : i32
    %dma_start3A_57 = arith.constant 0 : i32
    %dma_start3A_58 = tpu.memref_slice %arg19[%dma_start3A_56, %dma_start3A_57] : memref<1024x16xi32, #tpu.memory_space<vmem>> -> memref<128x16xi32, #tpu.memory_space<vmem>>
    %dma_start3A_59 = arith.constant 768 : i32
    %dma_start3A_60 = tpu.memref_slice %arg18[%dma_start3A_59] : memref<1024xi32, #tpu.memory_space<vmem>> -> memref<128xi32, #tpu.memory_space<vmem>>
    %dma_start3A_61 = arith.constant 0 : i32
    %dma_start3A_62 = arith.constant 0 : i32
    %dma_start3A_63 = tpu.memref_slice %arg4[%dma_start3A_61, %dma_start3A_62] : memref<125000x16xi32, #tpu.memory_space<hbm>> -> memref<125000x16xi32, #tpu.memory_space<hbm>>
    tpu.enqueue_indirect_dma source(%dma_start3A_63 : memref<125000x16xi32, #tpu.memory_space<hbm>>) target(%dma_start3A_58 : memref<128x16xi32, #tpu.memory_space<vmem>>) offsets(%dma_start3A_60 : memref<128xi32, #tpu.memory_space<vmem>>) semaphore(%arg26 : memref<!tpu.dma_semaphore, #tpu.memory_space<semaphore_mem>>)
    %dma_start3A_64 = arith.constant 896 : i32
    %dma_start3A_65 = arith.constant 0 : i32
    %dma_start3A_66 = tpu.memref_slice %arg19[%dma_start3A_64, %dma_start3A_65] : memref<1024x16xi32, #tpu.memory_space<vmem>> -> memref<128x16xi32, #tpu.memory_space<vmem>>
    %dma_start3A_67 = arith.constant 896 : i32
    %dma_start3A_68 = tpu.memref_slice %arg18[%dma_start3A_67] : memref<1024xi32, #tpu.memory_space<vmem>> -> memref<128xi32, #tpu.memory_space<vmem>>
    %dma_start3A_69 = arith.constant 0 : i32
    %dma_start3A_70 = arith.constant 0 : i32
    %dma_start3A_71 = tpu.memref_slice %arg4[%dma_start3A_69, %dma_start3A_70] : memref<125000x16xi32, #tpu.memory_space<hbm>> -> memref<125000x16xi32, #tpu.memory_space<hbm>>
    tpu.enqueue_indirect_dma source(%dma_start3A_71 : memref<125000x16xi32, #tpu.memory_space<hbm>>) target(%dma_start3A_66 : memref<128x16xi32, #tpu.memory_space<vmem>>) offsets(%dma_start3A_68 : memref<128xi32, #tpu.memory_space<vmem>>) semaphore(%arg26 : memref<!tpu.dma_semaphore, #tpu.memory_space<semaphore_mem>>)
    %dma_start3A_72 = arith.constant 0 : i32
    %dma_start3A_73 = arith.constant 0 : i32
    %dma_start3A_74 = tpu.memref_slice %arg14[%dma_start3A_72, %dma_start3A_73] : memref<512x64xf32, #tpu.memory_space<vmem>> -> memref<128x64xf32, #tpu.memory_space<vmem>>
    %dma_start3A_75 = arith.constant 0 : i32
    %dma_start3A_76 = tpu.memref_slice %arg12[%dma_start3A_75] : memref<512xi32, #tpu.memory_space<vmem>> -> memref<128xi32, #tpu.memory_space<vmem>>
    %dma_start3A_77 = arith.constant 0 : i32
    %dma_start3A_78 = arith.constant 0 : i32
    %dma_start3A_79 = tpu.memref_slice %arg5[%dma_start3A_77, %dma_start3A_78] : memref<100001x64xf32, #tpu.memory_space<hbm>> -> memref<100001x64xf32, #tpu.memory_space<hbm>>
    tpu.enqueue_indirect_dma source(%dma_start3A_79 : memref<100001x64xf32, #tpu.memory_space<hbm>>) target(%dma_start3A_74 : memref<128x64xf32, #tpu.memory_space<vmem>>) offsets(%dma_start3A_76 : memref<128xi32, #tpu.memory_space<vmem>>) semaphore(%arg24 : memref<!tpu.dma_semaphore, #tpu.memory_space<semaphore_mem>>)
    %dma_start3A_80 = arith.constant 0 : i32
    %dma_start3A_81 = arith.constant 0 : i32
    %dma_start3A_82 = tpu.memref_slice %arg15[%dma_start3A_80, %dma_start3A_81] : memref<512x64xf32, #tpu.memory_space<vmem>> -> memref<128x64xf32, #tpu.memory_space<vmem>>
    %dma_start3A_83 = arith.constant 0 : i32
    %dma_start3A_84 = tpu.memref_slice %arg13[%dma_start3A_83] : memref<512xi32, #tpu.memory_space<vmem>> -> memref<128xi32, #tpu.memory_space<vmem>>
    %dma_start3A_85 = arith.constant 0 : i32
    %dma_start3A_86 = arith.constant 0 : i32
    %dma_start3A_87 = tpu.memref_slice %arg6[%dma_start3A_85, %dma_start3A_86] : memref<100000x64xf32, #tpu.memory_space<hbm>> -> memref<100000x64xf32, #tpu.memory_space<hbm>>
    tpu.enqueue_indirect_dma source(%dma_start3A_87 : memref<100000x64xf32, #tpu.memory_space<hbm>>) target(%dma_start3A_82 : memref<128x64xf32, #tpu.memory_space<vmem>>) offsets(%dma_start3A_84 : memref<128xi32, #tpu.memory_space<vmem>>) semaphore(%arg24 : memref<!tpu.dma_semaphore, #tpu.memory_space<semaphore_mem>>)
    %dma_start3A_88 = arith.constant 128 : i32
    %dma_start3A_89 = arith.constant 0 : i32
    %dma_start3A_90 = tpu.memref_slice %arg14[%dma_start3A_88, %dma_start3A_89] : memref<512x64xf32, #tpu.memory_space<vmem>> -> memref<128x64xf32, #tpu.memory_space<vmem>>
    %dma_start3A_91 = arith.constant 128 : i32
    %dma_start3A_92 = tpu.memref_slice %arg12[%dma_start3A_91] : memref<512xi32, #tpu.memory_space<vmem>> -> memref<128xi32, #tpu.memory_space<vmem>>
    %dma_start3A_93 = arith.constant 0 : i32
    %dma_start3A_94 = arith.constant 0 : i32
    %dma_start3A_95 = tpu.memref_slice %arg5[%dma_start3A_93, %dma_start3A_94] : memref<100001x64xf32, #tpu.memory_space<hbm>> -> memref<100001x64xf32, #tpu.memory_space<hbm>>
    tpu.enqueue_indirect_dma source(%dma_start3A_95 : memref<100001x64xf32, #tpu.memory_space<hbm>>) target(%dma_start3A_90 : memref<128x64xf32, #tpu.memory_space<vmem>>) offsets(%dma_start3A_92 : memref<128xi32, #tpu.memory_space<vmem>>) semaphore(%arg24 : memref<!tpu.dma_semaphore, #tpu.memory_space<semaphore_mem>>)
    %dma_start3A_96 = arith.constant 128 : i32
    %dma_start3A_97 = arith.constant 0 : i32
    %dma_start3A_98 = tpu.memref_slice %arg15[%dma_start3A_96, %dma_start3A_97] : memref<512x64xf32, #tpu.memory_space<vmem>> -> memref<128x64xf32, #tpu.memory_space<vmem>>
    %dma_start3A_99 = arith.constant 128 : i32
    %dma_start3A_100 = tpu.memref_slice %arg13[%dma_start3A_99] : memref<512xi32, #tpu.memory_space<vmem>> -> memref<128xi32, #tpu.memory_space<vmem>>
    %dma_start3A_101 = arith.constant 0 : i32
    %dma_start3A_102 = arith.constant 0 : i32
    %dma_start3A_103 = tpu.memref_slice %arg6[%dma_start3A_101, %dma_start3A_102] : memref<100000x64xf32, #tpu.memory_space<hbm>> -> memref<100000x64xf32, #tpu.memory_space<hbm>>
    tpu.enqueue_indirect_dma source(%dma_start3A_103 : memref<100000x64xf32, #tpu.memory_space<hbm>>) target(%dma_start3A_98 : memref<128x64xf32, #tpu.memory_space<vmem>>) offsets(%dma_start3A_100 : memref<128xi32, #tpu.memory_space<vmem>>) semaphore(%arg24 : memref<!tpu.dma_semaphore, #tpu.memory_space<semaphore_mem>>)
    %dma_start3A_104 = arith.constant 256 : i32
    %dma_start3A_105 = arith.constant 0 : i32
    %dma_start3A_106 = tpu.memref_slice %arg14[%dma_start3A_104, %dma_start3A_105] : memref<512x64xf32, #tpu.memory_space<vmem>> -> memref<128x64xf32, #tpu.memory_space<vmem>>
    %dma_start3A_107 = arith.constant 256 : i32
    %dma_start3A_108 = tpu.memref_slice %arg12[%dma_start3A_107] : memref<512xi32, #tpu.memory_space<vmem>> -> memref<128xi32, #tpu.memory_space<vmem>>
    %dma_start3A_109 = arith.constant 0 : i32
    %dma_start3A_110 = arith.constant 0 : i32
    %dma_start3A_111 = tpu.memref_slice %arg5[%dma_start3A_109, %dma_start3A_110] : memref<100001x64xf32, #tpu.memory_space<hbm>> -> memref<100001x64xf32, #tpu.memory_space<hbm>>
    tpu.enqueue_indirect_dma source(%dma_start3A_111 : memref<100001x64xf32, #tpu.memory_space<hbm>>) target(%dma_start3A_106 : memref<128x64xf32, #tpu.memory_space<vmem>>) offsets(%dma_start3A_108 : memref<128xi32, #tpu.memory_space<vmem>>) semaphore(%arg24 : memref<!tpu.dma_semaphore, #tpu.memory_space<semaphore_mem>>)
    %dma_start3A_112 = arith.constant 256 : i32
    %dma_start3A_113 = arith.constant 0 : i32
    %dma_start3A_114 = tpu.memref_slice %arg15[%dma_start3A_112, %dma_start3A_113] : memref<512x64xf32, #tpu.memory_space<vmem>> -> memref<128x64xf32, #tpu.memory_space<vmem>>
    %dma_start3A_115 = arith.constant 256 : i32
    %dma_start3A_116 = tpu.memref_slice %arg13[%dma_start3A_115] : memref<512xi32, #tpu.memory_space<vmem>> -> memref<128xi32, #tpu.memory_space<vmem>>
    %dma_start3A_117 = arith.constant 0 : i32
    %dma_start3A_118 = arith.constant 0 : i32
    %dma_start3A_119 = tpu.memref_slice %arg6[%dma_start3A_117, %dma_start3A_118] : memref<100000x64xf32, #tpu.memory_space<hbm>> -> memref<100000x64xf32, #tpu.memory_space<hbm>>
    tpu.enqueue_indirect_dma source(%dma_start3A_119 : memref<100000x64xf32, #tpu.memory_space<hbm>>) target(%dma_start3A_114 : memref<128x64xf32, #tpu.memory_space<vmem>>) offsets(%dma_start3A_116 : memref<128xi32, #tpu.memory_space<vmem>>) semaphore(%arg24 : memref<!tpu.dma_semaphore, #tpu.memory_space<semaphore_mem>>)
    %dma_start3A_120 = arith.constant 384 : i32
    %dma_start3A_121 = arith.constant 0 : i32
    %dma_start3A_122 = tpu.memref_slice %arg14[%dma_start3A_120, %dma_start3A_121] : memref<512x64xf32, #tpu.memory_space<vmem>> -> memref<128x64xf32, #tpu.memory_space<vmem>>
    %dma_start3A_123 = arith.constant 384 : i32
    %dma_start3A_124 = tpu.memref_slice %arg12[%dma_start3A_123] : memref<512xi32, #tpu.memory_space<vmem>> -> memref<128xi32, #tpu.memory_space<vmem>>
    %dma_start3A_125 = arith.constant 0 : i32
    %dma_start3A_126 = arith.constant 0 : i32
    %dma_start3A_127 = tpu.memref_slice %arg5[%dma_start3A_125, %dma_start3A_126] : memref<100001x64xf32, #tpu.memory_space<hbm>> -> memref<100001x64xf32, #tpu.memory_space<hbm>>
    tpu.enqueue_indirect_dma source(%dma_start3A_127 : memref<100001x64xf32, #tpu.memory_space<hbm>>) target(%dma_start3A_122 : memref<128x64xf32, #tpu.memory_space<vmem>>) offsets(%dma_start3A_124 : memref<128xi32, #tpu.memory_space<vmem>>) semaphore(%arg24 : memref<!tpu.dma_semaphore, #tpu.memory_space<semaphore_mem>>)
    %dma_start3A_128 = arith.constant 384 : i32
    %dma_start3A_129 = arith.constant 0 : i32
    %dma_start3A_130 = tpu.memref_slice %arg15[%dma_start3A_128, %dma_start3A_129] : memref<512x64xf32, #tpu.memory_space<vmem>> -> memref<128x64xf32, #tpu.memory_space<vmem>>
    %dma_start3A_131 = arith.constant 384 : i32
    %dma_start3A_132 = tpu.memref_slice %arg13[%dma_start3A_131] : memref<512xi32, #tpu.memory_space<vmem>> -> memref<128xi32, #tpu.memory_space<vmem>>
    %dma_start3A_133 = arith.constant 0 : i32
    %dma_start3A_134 = arith.constant 0 : i32
    %dma_start3A_135 = tpu.memref_slice %arg6[%dma_start3A_133, %dma_start3A_134] : memref<100000x64xf32, #tpu.memory_space<hbm>> -> memref<100000x64xf32, #tpu.memory_space<hbm>>
    tpu.enqueue_indirect_dma source(%dma_start3A_135 : memref<100000x64xf32, #tpu.memory_space<hbm>>) target(%dma_start3A_130 : memref<128x64xf32, #tpu.memory_space<vmem>>) offsets(%dma_start3A_132 : memref<128xi32, #tpu.memory_space<vmem>>) semaphore(%arg24 : memref<!tpu.dma_semaphore, #tpu.memory_space<semaphore_mem>>)
    %dma_start3A_136 = arith.constant 0 : i32
    %dma_start3A_137 = tpu.memref_slice %arg16[%dma_start3A_136] : memref<512xf32, #tpu.memory_space<vmem>> -> memref<128xf32, #tpu.memory_space<vmem>>
    %dma_start3A_138 = arith.constant 0 : i32
    %dma_start3A_139 = tpu.memref_slice %arg12[%dma_start3A_138] : memref<512xi32, #tpu.memory_space<vmem>> -> memref<128xi32, #tpu.memory_space<vmem>>
    %dma_start3A_140 = arith.constant 0 : i32
    %dma_start3A_141 = tpu.memref_slice %arg7[%dma_start3A_140] : memref<100001xf32, #tpu.memory_space<hbm>> -> memref<100001xf32, #tpu.memory_space<hbm>>
    tpu.enqueue_indirect_dma source(%dma_start3A_141 : memref<100001xf32, #tpu.memory_space<hbm>>) target(%dma_start3A_137 : memref<128xf32, #tpu.memory_space<vmem>>) offsets(%dma_start3A_139 : memref<128xi32, #tpu.memory_space<vmem>>) semaphore(%arg25 : memref<!tpu.dma_semaphore, #tpu.memory_space<semaphore_mem>>)
    %dma_start3A_142 = arith.constant 0 : i32
    %dma_start3A_143 = tpu.memref_slice %arg17[%dma_start3A_142] : memref<512xf32, #tpu.memory_space<vmem>> -> memref<128xf32, #tpu.memory_space<vmem>>
    %dma_start3A_144 = arith.constant 0 : i32
    %dma_start3A_145 = tpu.memref_slice %arg13[%dma_start3A_144] : memref<512xi32, #tpu.memory_space<vmem>> -> memref<128xi32, #tpu.memory_space<vmem>>
    %dma_start3A_146 = arith.constant 0 : i32
    %dma_start3A_147 = tpu.memref_slice %arg8[%dma_start3A_146] : memref<100000xf32, #tpu.memory_space<hbm>> -> memref<100000xf32, #tpu.memory_space<hbm>>
    tpu.enqueue_indirect_dma source(%dma_start3A_147 : memref<100000xf32, #tpu.memory_space<hbm>>) target(%dma_start3A_143 : memref<128xf32, #tpu.memory_space<vmem>>) offsets(%dma_start3A_145 : memref<128xi32, #tpu.memory_space<vmem>>) semaphore(%arg25 : memref<!tpu.dma_semaphore, #tpu.memory_space<semaphore_mem>>)
    %dma_start3A_148 = arith.constant 128 : i32
    %dma_start3A_149 = tpu.memref_slice %arg16[%dma_start3A_148] : memref<512xf32, #tpu.memory_space<vmem>> -> memref<128xf32, #tpu.memory_space<vmem>>
    %dma_start3A_150 = arith.constant 128 : i32
    %dma_start3A_151 = tpu.memref_slice %arg12[%dma_start3A_150] : memref<512xi32, #tpu.memory_space<vmem>> -> memref<128xi32, #tpu.memory_space<vmem>>
    %dma_start3A_152 = arith.constant 0 : i32
    %dma_start3A_153 = tpu.memref_slice %arg7[%dma_start3A_152] : memref<100001xf32, #tpu.memory_space<hbm>> -> memref<100001xf32, #tpu.memory_space<hbm>>
    tpu.enqueue_indirect_dma source(%dma_start3A_153 : memref<100001xf32, #tpu.memory_space<hbm>>) target(%dma_start3A_149 : memref<128xf32, #tpu.memory_space<vmem>>) offsets(%dma_start3A_151 : memref<128xi32, #tpu.memory_space<vmem>>) semaphore(%arg25 : memref<!tpu.dma_semaphore, #tpu.memory_space<semaphore_mem>>)
    %dma_start3A_154 = arith.constant 128 : i32
    %dma_start3A_155 = tpu.memref_slice %arg17[%dma_start3A_154] : memref<512xf32, #tpu.memory_space<vmem>> -> memref<128xf32, #tpu.memory_space<vmem>>
    %dma_start3A_156 = arith.constant 128 : i32
    %dma_start3A_157 = tpu.memref_slice %arg13[%dma_start3A_156] : memref<512xi32, #tpu.memory_space<vmem>> -> memref<128xi32, #tpu.memory_space<vmem>>
    %dma_start3A_158 = arith.constant 0 : i32
    %dma_start3A_159 = tpu.memref_slice %arg8[%dma_start3A_158] : memref<100000xf32, #tpu.memory_space<hbm>> -> memref<100000xf32, #tpu.memory_space<hbm>>
    tpu.enqueue_indirect_dma source(%dma_start3A_159 : memref<100000xf32, #tpu.memory_space<hbm>>) target(%dma_start3A_155 : memref<128xf32, #tpu.memory_space<vmem>>) offsets(%dma_start3A_157 : memref<128xi32, #tpu.memory_space<vmem>>) semaphore(%arg25 : memref<!tpu.dma_semaphore, #tpu.memory_space<semaphore_mem>>)
    %dma_start3A_160 = arith.constant 256 : i32
    %dma_start3A_161 = tpu.memref_slice %arg16[%dma_start3A_160] : memref<512xf32, #tpu.memory_space<vmem>> -> memref<128xf32, #tpu.memory_space<vmem>>
    %dma_start3A_162 = arith.constant 256 : i32
    %dma_start3A_163 = tpu.memref_slice %arg12[%dma_start3A_162] : memref<512xi32, #tpu.memory_space<vmem>> -> memref<128xi32, #tpu.memory_space<vmem>>
    %dma_start3A_164 = arith.constant 0 : i32
    %dma_start3A_165 = tpu.memref_slice %arg7[%dma_start3A_164] : memref<100001xf32, #tpu.memory_space<hbm>> -> memref<100001xf32, #tpu.memory_space<hbm>>
    tpu.enqueue_indirect_dma source(%dma_start3A_165 : memref<100001xf32, #tpu.memory_space<hbm>>) target(%dma_start3A_161 : memref<128xf32, #tpu.memory_space<vmem>>) offsets(%dma_start3A_163 : memref<128xi32, #tpu.memory_space<vmem>>) semaphore(%arg25 : memref<!tpu.dma_semaphore, #tpu.memory_space<semaphore_mem>>)
    %dma_start3A_166 = arith.constant 256 : i32
    %dma_start3A_167 = tpu.memref_slice %arg17[%dma_start3A_166] : memref<512xf32, #tpu.memory_space<vmem>> -> memref<128xf32, #tpu.memory_space<vmem>>
    %dma_start3A_168 = arith.constant 256 : i32
    %dma_start3A_169 = tpu.memref_slice %arg13[%dma_start3A_168] : memref<512xi32, #tpu.memory_space<vmem>> -> memref<128xi32, #tpu.memory_space<vmem>>
    %dma_start3A_170 = arith.constant 0 : i32
    %dma_start3A_171 = tpu.memref_slice %arg8[%dma_start3A_170] : memref<100000xf32, #tpu.memory_space<hbm>> -> memref<100000xf32, #tpu.memory_space<hbm>>
    tpu.enqueue_indirect_dma source(%dma_start3A_171 : memref<100000xf32, #tpu.memory_space<hbm>>) target(%dma_start3A_167 : memref<128xf32, #tpu.memory_space<vmem>>) offsets(%dma_start3A_169 : memref<128xi32, #tpu.memory_space<vmem>>) semaphore(%arg25 : memref<!tpu.dma_semaphore, #tpu.memory_space<semaphore_mem>>)
    %dma_start3A_172 = arith.constant 384 : i32
    %dma_start3A_173 = tpu.memref_slice %arg16[%dma_start3A_172] : memref<512xf32, #tpu.memory_space<vmem>> -> memref<128xf32, #tpu.memory_space<vmem>>
    %dma_start3A_174 = arith.constant 384 : i32
    %dma_start3A_175 = tpu.memref_slice %arg12[%dma_start3A_174] : memref<512xi32, #tpu.memory_space<vmem>> -> memref<128xi32, #tpu.memory_space<vmem>>
    %dma_start3A_176 = arith.constant 0 : i32
    %dma_start3A_177 = tpu.memref_slice %arg7[%dma_start3A_176] : memref<100001xf32, #tpu.memory_space<hbm>> -> memref<100001xf32, #tpu.memory_space<hbm>>
    tpu.enqueue_indirect_dma source(%dma_start3A_177 : memref<100001xf32, #tpu.memory_space<hbm>>) target(%dma_start3A_173 : memref<128xf32, #tpu.memory_space<vmem>>) offsets(%dma_start3A_175 : memref<128xi32, #tpu.memory_space<vmem>>) semaphore(%arg25 : memref<!tpu.dma_semaphore, #tpu.memory_space<semaphore_mem>>)
    %dma_start3A_178 = arith.constant 384 : i32
    %dma_start3A_179 = tpu.memref_slice %arg17[%dma_start3A_178] : memref<512xf32, #tpu.memory_space<vmem>> -> memref<128xf32, #tpu.memory_space<vmem>>
    %dma_start3A_180 = arith.constant 384 : i32
    %dma_start3A_181 = tpu.memref_slice %arg13[%dma_start3A_180] : memref<512xi32, #tpu.memory_space<vmem>> -> memref<128xi32, #tpu.memory_space<vmem>>
    %dma_start3A_182 = arith.constant 0 : i32
    %dma_start3A_183 = tpu.memref_slice %arg8[%dma_start3A_182] : memref<100000xf32, #tpu.memory_space<hbm>> -> memref<100000xf32, #tpu.memory_space<hbm>>
    tpu.enqueue_indirect_dma source(%dma_start3A_183 : memref<100000xf32, #tpu.memory_space<hbm>>) target(%dma_start3A_179 : memref<128xf32, #tpu.memory_space<vmem>>) offsets(%dma_start3A_181 : memref<128xi32, #tpu.memory_space<vmem>>) semaphore(%arg25 : memref<!tpu.dma_semaphore, #tpu.memory_space<semaphore_mem>>)
    %dma_wait3A = arith.constant 0 : i32
    %dma_wait3A_184 = arith.constant 0 : i32
    %dma_wait3A_185 = tpu.memref_slice %arg19[%dma_wait3A, %dma_wait3A_184] : memref<1024x16xi32, #tpu.memory_space<vmem>> -> memref<128x16xi32, #tpu.memory_space<vmem>>
    %dma_wait3A_186 = arith.constant 0 : i32
    %dma_wait3A_187 = tpu.memref_slice %arg18[%dma_wait3A_186] : memref<1024xi32, #tpu.memory_space<vmem>> -> memref<128xi32, #tpu.memory_space<vmem>>
    %dma_wait3A_188 = arith.constant 0 : i32
    %dma_wait3A_189 = arith.constant 0 : i32
    %dma_wait3A_190 = tpu.memref_slice %arg4[%dma_wait3A_188, %dma_wait3A_189] : memref<125000x16xi32, #tpu.memory_space<hbm>> -> memref<125000x16xi32, #tpu.memory_space<hbm>>
    tpu.wait_indirect_dma semaphore(%arg26 : memref<!tpu.dma_semaphore, #tpu.memory_space<semaphore_mem>>) src(%dma_wait3A_190 : memref<125000x16xi32, #tpu.memory_space<hbm>>) dst(%dma_wait3A_185 : memref<128x16xi32, #tpu.memory_space<vmem>>)
    %dma_wait3A_191 = arith.constant 128 : i32
    %dma_wait3A_192 = arith.constant 0 : i32
    %dma_wait3A_193 = tpu.memref_slice %arg19[%dma_wait3A_191, %dma_wait3A_192] : memref<1024x16xi32, #tpu.memory_space<vmem>> -> memref<128x16xi32, #tpu.memory_space<vmem>>
    %dma_wait3A_194 = arith.constant 128 : i32
    %dma_wait3A_195 = tpu.memref_slice %arg18[%dma_wait3A_194] : memref<1024xi32, #tpu.memory_space<vmem>> -> memref<128xi32, #tpu.memory_space<vmem>>
    %dma_wait3A_196 = arith.constant 0 : i32
    %dma_wait3A_197 = arith.constant 0 : i32
    %dma_wait3A_198 = tpu.memref_slice %arg4[%dma_wait3A_196, %dma_wait3A_197] : memref<125000x16xi32, #tpu.memory_space<hbm>> -> memref<125000x16xi32, #tpu.memory_space<hbm>>
    tpu.wait_indirect_dma semaphore(%arg26 : memref<!tpu.dma_semaphore, #tpu.memory_space<semaphore_mem>>) src(%dma_wait3A_198 : memref<125000x16xi32, #tpu.memory_space<hbm>>) dst(%dma_wait3A_193 : memref<128x16xi32, #tpu.memory_space<vmem>>)
    %dma_wait3A_199 = arith.constant 256 : i32
    %dma_wait3A_200 = arith.constant 0 : i32
    %dma_wait3A_201 = tpu.memref_slice %arg19[%dma_wait3A_199, %dma_wait3A_200] : memref<1024x16xi32, #tpu.memory_space<vmem>> -> memref<128x16xi32, #tpu.memory_space<vmem>>
    %dma_wait3A_202 = arith.constant 256 : i32
    %dma_wait3A_203 = tpu.memref_slice %arg18[%dma_wait3A_202] : memref<1024xi32, #tpu.memory_space<vmem>> -> memref<128xi32, #tpu.memory_space<vmem>>
    %dma_wait3A_204 = arith.constant 0 : i32
    %dma_wait3A_205 = arith.constant 0 : i32
    %dma_wait3A_206 = tpu.memref_slice %arg4[%dma_wait3A_204, %dma_wait3A_205] : memref<125000x16xi32, #tpu.memory_space<hbm>> -> memref<125000x16xi32, #tpu.memory_space<hbm>>
    tpu.wait_indirect_dma semaphore(%arg26 : memref<!tpu.dma_semaphore, #tpu.memory_space<semaphore_mem>>) src(%dma_wait3A_206 : memref<125000x16xi32, #tpu.memory_space<hbm>>) dst(%dma_wait3A_201 : memref<128x16xi32, #tpu.memory_space<vmem>>)
    %dma_wait3A_207 = arith.constant 384 : i32
    %dma_wait3A_208 = arith.constant 0 : i32
    %dma_wait3A_209 = tpu.memref_slice %arg19[%dma_wait3A_207, %dma_wait3A_208] : memref<1024x16xi32, #tpu.memory_space<vmem>> -> memref<128x16xi32, #tpu.memory_space<vmem>>
    %dma_wait3A_210 = arith.constant 384 : i32
    %dma_wait3A_211 = tpu.memref_slice %arg18[%dma_wait3A_210] : memref<1024xi32, #tpu.memory_space<vmem>> -> memref<128xi32, #tpu.memory_space<vmem>>
    %dma_wait3A_212 = arith.constant 0 : i32
    %dma_wait3A_213 = arith.constant 0 : i32
    %dma_wait3A_214 = tpu.memref_slice %arg4[%dma_wait3A_212, %dma_wait3A_213] : memref<125000x16xi32, #tpu.memory_space<hbm>> -> memref<125000x16xi32, #tpu.memory_space<hbm>>
    tpu.wait_indirect_dma semaphore(%arg26 : memref<!tpu.dma_semaphore, #tpu.memory_space<semaphore_mem>>) src(%dma_wait3A_214 : memref<125000x16xi32, #tpu.memory_space<hbm>>) dst(%dma_wait3A_209 : memref<128x16xi32, #tpu.memory_space<vmem>>)
    %dma_wait3A_215 = arith.constant 512 : i32
    %dma_wait3A_216 = arith.constant 0 : i32
    %dma_wait3A_217 = tpu.memref_slice %arg19[%dma_wait3A_215, %dma_wait3A_216] : memref<1024x16xi32, #tpu.memory_space<vmem>> -> memref<128x16xi32, #tpu.memory_space<vmem>>
    %dma_wait3A_218 = arith.constant 512 : i32
    %dma_wait3A_219 = tpu.memref_slice %arg18[%dma_wait3A_218] : memref<1024xi32, #tpu.memory_space<vmem>> -> memref<128xi32, #tpu.memory_space<vmem>>
    %dma_wait3A_220 = arith.constant 0 : i32
    %dma_wait3A_221 = arith.constant 0 : i32
    %dma_wait3A_222 = tpu.memref_slice %arg4[%dma_wait3A_220, %dma_wait3A_221] : memref<125000x16xi32, #tpu.memory_space<hbm>> -> memref<125000x16xi32, #tpu.memory_space<hbm>>
    tpu.wait_indirect_dma semaphore(%arg26 : memref<!tpu.dma_semaphore, #tpu.memory_space<semaphore_mem>>) src(%dma_wait3A_222 : memref<125000x16xi32, #tpu.memory_space<hbm>>) dst(%dma_wait3A_217 : memref<128x16xi32, #tpu.memory_space<vmem>>)
    %dma_wait3A_223 = arith.constant 640 : i32
    %dma_wait3A_224 = arith.constant 0 : i32
    %dma_wait3A_225 = tpu.memref_slice %arg19[%dma_wait3A_223, %dma_wait3A_224] : memref<1024x16xi32, #tpu.memory_space<vmem>> -> memref<128x16xi32, #tpu.memory_space<vmem>>
    %dma_wait3A_226 = arith.constant 640 : i32
    %dma_wait3A_227 = tpu.memref_slice %arg18[%dma_wait3A_226] : memref<1024xi32, #tpu.memory_space<vmem>> -> memref<128xi32, #tpu.memory_space<vmem>>
    %dma_wait3A_228 = arith.constant 0 : i32
    %dma_wait3A_229 = arith.constant 0 : i32
    %dma_wait3A_230 = tpu.memref_slice %arg4[%dma_wait3A_228, %dma_wait3A_229] : memref<125000x16xi32, #tpu.memory_space<hbm>> -> memref<125000x16xi32, #tpu.memory_space<hbm>>
    tpu.wait_indirect_dma semaphore(%arg26 : memref<!tpu.dma_semaphore, #tpu.memory_space<semaphore_mem>>) src(%dma_wait3A_230 : memref<125000x16xi32, #tpu.memory_space<hbm>>) dst(%dma_wait3A_225 : memref<128x16xi32, #tpu.memory_space<vmem>>)
    %dma_wait3A_231 = arith.constant 768 : i32
    %dma_wait3A_232 = arith.constant 0 : i32
    %dma_wait3A_233 = tpu.memref_slice %arg19[%dma_wait3A_231, %dma_wait3A_232] : memref<1024x16xi32, #tpu.memory_space<vmem>> -> memref<128x16xi32, #tpu.memory_space<vmem>>
    %dma_wait3A_234 = arith.constant 768 : i32
    %dma_wait3A_235 = tpu.memref_slice %arg18[%dma_wait3A_234] : memref<1024xi32, #tpu.memory_space<vmem>> -> memref<128xi32, #tpu.memory_space<vmem>>
    %dma_wait3A_236 = arith.constant 0 : i32
    %dma_wait3A_237 = arith.constant 0 : i32
    %dma_wait3A_238 = tpu.memref_slice %arg4[%dma_wait3A_236, %dma_wait3A_237] : memref<125000x16xi32, #tpu.memory_space<hbm>> -> memref<125000x16xi32, #tpu.memory_space<hbm>>
    tpu.wait_indirect_dma semaphore(%arg26 : memref<!tpu.dma_semaphore, #tpu.memory_space<semaphore_mem>>) src(%dma_wait3A_238 : memref<125000x16xi32, #tpu.memory_space<hbm>>) dst(%dma_wait3A_233 : memref<128x16xi32, #tpu.memory_space<vmem>>)
    %dma_wait3A_239 = arith.constant 896 : i32
    %dma_wait3A_240 = arith.constant 0 : i32
    %dma_wait3A_241 = tpu.memref_slice %arg19[%dma_wait3A_239, %dma_wait3A_240] : memref<1024x16xi32, #tpu.memory_space<vmem>> -> memref<128x16xi32, #tpu.memory_space<vmem>>
    %dma_wait3A_242 = arith.constant 896 : i32
    %dma_wait3A_243 = tpu.memref_slice %arg18[%dma_wait3A_242] : memref<1024xi32, #tpu.memory_space<vmem>> -> memref<128xi32, #tpu.memory_space<vmem>>
    %dma_wait3A_244 = arith.constant 0 : i32
    %dma_wait3A_245 = arith.constant 0 : i32
    %dma_wait3A_246 = tpu.memref_slice %arg4[%dma_wait3A_244, %dma_wait3A_245] : memref<125000x16xi32, #tpu.memory_space<hbm>> -> memref<125000x16xi32, #tpu.memory_space<hbm>>
    tpu.wait_indirect_dma semaphore(%arg26 : memref<!tpu.dma_semaphore, #tpu.memory_space<semaphore_mem>>) src(%dma_wait3A_246 : memref<125000x16xi32, #tpu.memory_space<hbm>>) dst(%dma_wait3A_241 : memref<128x16xi32, #tpu.memory_space<vmem>>)
    %scan3A_247 = arith.constant 0 : i32
    %scan3A_248 = arith.constant 0 : i32
    %scan3A_249 = arith.constant 32 : i32
    %scan3A_250 = arith.addi %scan3A_248, %scan3A_249 : i32
    %scan3A_251 = arith.constant 1 : i32
    scf.for %scan3A_1338 = %scan3A_248 to %scan3A_250 step %scan3A_251  : i32 {
      %mul3A_1339 = arith.constant 16 : i32
      %mul3A_1340 = arith.muli %scan3A_1338, %mul3A_1339 : i32
      %get3A_1341 = arith.index_cast %mul3A_1340 : i32 to index
      %get3A_1342 = tpu.vector_load %arg13[%get3A_1341] {strides = array<i32>} : memref<512xi32, #tpu.memory_space<vmem>>, vector<16xi32>,
      %mul3A_1343 = arith.constant 20 : i32
      %mul3A_1344 = vector.broadcast %mul3A_1343 : i32 to vector<16xi32>
      %mul3A_1345 = arith.muli %get3A_1342, %mul3A_1344 : vector<16xi32>
      %and3A = arith.constant 15 : i32
      %and3A_1346 = vector.broadcast %and3A : i32 to vector<16xi32>
      %and3A_1347 = arith.andi %mul3A_1345, %and3A_1346 : vector<16xi32>
      %mul3A_1348 = arith.constant 16 : i32
      %mul3A_1349 = arith.muli %scan3A_1338, %mul3A_1348 : i32
      %add3A_1350 = vector.broadcast %mul3A_1349 : i32 to vector<16xi32>
      %add3A_1351 = arith.addi %add3A_1350, %iota3A : vector<16xi32>
      %mul3A_1352 = arith.constant 32 : i32
      %mul3A_1353 = vector.broadcast %mul3A_1352 : i32 to vector<16xi32>
      %mul3A_1354 = arith.muli %mul3A_1353, %add3A_1351 : vector<16xi32>
      %add3A_1355 = arith.addi %mul3A_1354, %and3A_1347 : vector<16xi32>
      %add3A_1356 = arith.constant 0 : i32
      %add3A_1357 = vector.broadcast %add3A_1356 : i32 to vector<16xi32>
      %add3A_1358 = arith.addi %add3A_1355, %add3A_1357 : vector<16xi32>
      %shift_right_logical3A = arith.constant 4 : i32
      %shift_right_logical3A_1359 = vector.broadcast %shift_right_logical3A : i32 to vector<16xi32>
      %shift_right_logical3A_1360 = arith.shrui %add3A_1358, %shift_right_logical3A_1359 : vector<16xi32>
      %and3A_1361 = arith.constant 15 : i32
      %and3A_1362 = vector.broadcast %and3A_1361 : i32 to vector<16xi32>
      %and3A_1363 = arith.andi %add3A_1358, %and3A_1362 : vector<16xi32>
      %gather3A = tpu.vector_load_idx %arg19[%shift_right_logical3A_1360, %and3A_1363] : memref<1024x16xi32, #tpu.memory_space<vmem>>[vector<16xi32>, vector<16xi32>], vector<16xi32>,
      %mul3A_1364 = arith.constant 16 : i32
      %mul3A_1365 = arith.muli %scan3A_1338, %mul3A_1364 : i32
      %add3A_1366 = arith.constant 0 : i32
      %add3A_1367 = arith.addi %add3A_1366, %mul3A_1365 : i32
      %swap3A = arith.index_cast %add3A_1367 : i32 to index
      %swap3A_1368 = tpu.vector_load %arg20[%swap3A] {strides = array<i32>} : memref<10240xi32, #tpu.memory_space<vmem>>, vector<16xi32>,
      tpu.vector_store %arg20[%swap3A], %gather3A {strides = array<i32>} : memref<10240xi32, #tpu.memory_space<vmem>>, vector<16xi32>,
      %add3A_1369 = arith.constant 1 : i32
      %add3A_1370 = vector.broadcast %add3A_1369 : i32 to vector<16xi32>
      %add3A_1371 = arith.addi %add3A_1355, %add3A_1370 : vector<16xi32>
      %shift_right_logical3A_1372 = arith.constant 4 : i32
      %shift_right_logical3A_1373 = vector.broadcast %shift_right_logical3A_1372 : i32 to vector<16xi32>
      %shift_right_logical3A_1374 = arith.shrui %add3A_1371, %shift_right_logical3A_1373 : vector<16xi32>
      %and3A_1375 = arith.constant 15 : i32
      %and3A_1376 = vector.broadcast %and3A_1375 : i32 to vector<16xi32>
      %and3A_1377 = arith.andi %add3A_1371, %and3A_1376 : vector<16xi32>
      %gather3A_1378 = tpu.vector_load_idx %arg19[%shift_right_logical3A_1374, %and3A_1377] : memref<1024x16xi32, #tpu.memory_space<vmem>>[vector<16xi32>, vector<16xi32>], vector<16xi32>,
      %mul3A_1379 = arith.constant 16 : i32
      %mul3A_1380 = arith.muli %scan3A_1338, %mul3A_1379 : i32
      %add3A_1381 = arith.constant 512 : i32
      %add3A_1382 = arith.addi %add3A_1381, %mul3A_1380 : i32
      %swap3A_1383 = arith.index_cast %add3A_1382 : i32 to index
      %swap3A_1384 = tpu.vector_load %arg20[%swap3A_1383] {strides = array<i32>} : memref<10240xi32, #tpu.memory_space<vmem>>, vector<16xi32>,
      tpu.vector_store %arg20[%swap3A_1383], %gather3A_1378 {strides = array<i32>} : memref<10240xi32, #tpu.memory_space<vmem>>, vector<16xi32>,
      %add3A_1385 = arith.constant 2 : i32
      %add3A_1386 = vector.broadcast %add3A_1385 : i32 to vector<16xi32>
      %add3A_1387 = arith.addi %add3A_1355, %add3A_1386 : vector<16xi32>
      %shift_right_logical3A_1388 = arith.constant 4 : i32
      %shift_right_logical3A_1389 = vector.broadcast %shift_right_logical3A_1388 : i32 to vector<16xi32>
      %shift_right_logical3A_1390 = arith.shrui %add3A_1387, %shift_right_logical3A_1389 : vector<16xi32>
      %and3A_1391 = arith.constant 15 : i32
      %and3A_1392 = vector.broadcast %and3A_1391 : i32 to vector<16xi32>
      %and3A_1393 = arith.andi %add3A_1387, %and3A_1392 : vector<16xi32>
      %gather3A_1394 = tpu.vector_load_idx %arg19[%shift_right_logical3A_1390, %and3A_1393] : memref<1024x16xi32, #tpu.memory_space<vmem>>[vector<16xi32>, vector<16xi32>], vector<16xi32>,
      %mul3A_1395 = arith.constant 16 : i32
      %mul3A_1396 = arith.muli %scan3A_1338, %mul3A_1395 : i32
      %add3A_1397 = arith.constant 1024 : i32
      %add3A_1398 = arith.addi %add3A_1397, %mul3A_1396 : i32
      %swap3A_1399 = arith.index_cast %add3A_1398 : i32 to index
      %swap3A_1400 = tpu.vector_load %arg20[%swap3A_1399] {strides = array<i32>} : memref<10240xi32, #tpu.memory_space<vmem>>, vector<16xi32>,
      tpu.vector_store %arg20[%swap3A_1399], %gather3A_1394 {strides = array<i32>} : memref<10240xi32, #tpu.memory_space<vmem>>, vector<16xi32>,
      %add3A_1401 = arith.constant 3 : i32
      %add3A_1402 = vector.broadcast %add3A_1401 : i32 to vector<16xi32>
      %add3A_1403 = arith.addi %add3A_1355, %add3A_1402 : vector<16xi32>
      %shift_right_logical3A_1404 = arith.constant 4 : i32
      %shift_right_logical3A_1405 = vector.broadcast %shift_right_logical3A_1404 : i32 to vector<16xi32>
      %shift_right_logical3A_1406 = arith.shrui %add3A_1403, %shift_right_logical3A_1405 : vector<16xi32>
      %and3A_1407 = arith.constant 15 : i32
      %and3A_1408 = vector.broadcast %and3A_1407 : i32 to vector<16xi32>
      %and3A_1409 = arith.andi %add3A_1403, %and3A_1408 : vector<16xi32>
      %gather3A_1410 = tpu.vector_load_idx %arg19[%shift_right_logical3A_1406, %and3A_1409] : memref<1024x16xi32, #tpu.memory_space<vmem>>[vector<16xi32>, vector<16xi32>], vector<16xi32>,
      %mul3A_1411 = arith.constant 16 : i32
      %mul3A_1412 = arith.muli %scan3A_1338, %mul3A_1411 : i32
      %add3A_1413 = arith.constant 1536 : i32
      %add3A_1414 = arith.addi %add3A_1413, %mul3A_1412 : i32
      %swap3A_1415 = arith.index_cast %add3A_1414 : i32 to index
      %swap3A_1416 = tpu.vector_load %arg20[%swap3A_1415] {strides = array<i32>} : memref<10240xi32, #tpu.memory_space<vmem>>, vector<16xi32>,
      tpu.vector_store %arg20[%swap3A_1415], %gather3A_1410 {strides = array<i32>} : memref<10240xi32, #tpu.memory_space<vmem>>, vector<16xi32>,
      %add3A_1417 = arith.constant 4 : i32
      %add3A_1418 = vector.broadcast %add3A_1417 : i32 to vector<16xi32>
      %add3A_1419 = arith.addi %add3A_1355, %add3A_1418 : vector<16xi32>
      %shift_right_logical3A_1420 = arith.constant 4 : i32
      %shift_right_logical3A_1421 = vector.broadcast %shift_right_logical3A_1420 : i32 to vector<16xi32>
      %shift_right_logical3A_1422 = arith.shrui %add3A_1419, %shift_right_logical3A_1421 : vector<16xi32>
      %and3A_1423 = arith.constant 15 : i32
      %and3A_1424 = vector.broadcast %and3A_1423 : i32 to vector<16xi32>
      %and3A_1425 = arith.andi %add3A_1419, %and3A_1424 : vector<16xi32>
      %gather3A_1426 = tpu.vector_load_idx %arg19[%shift_right_logical3A_1422, %and3A_1425] : memref<1024x16xi32, #tpu.memory_space<vmem>>[vector<16xi32>, vector<16xi32>], vector<16xi32>,
      %mul3A_1427 = arith.constant 16 : i32
      %mul3A_1428 = arith.muli %scan3A_1338, %mul3A_1427 : i32
      %add3A_1429 = arith.constant 2048 : i32
      %add3A_1430 = arith.addi %add3A_1429, %mul3A_1428 : i32
      %swap3A_1431 = arith.index_cast %add3A_1430 : i32 to index
      %swap3A_1432 = tpu.vector_load %arg20[%swap3A_1431] {strides = array<i32>} : memref<10240xi32, #tpu.memory_space<vmem>>, vector<16xi32>,
      tpu.vector_store %arg20[%swap3A_1431], %gather3A_1426 {strides = array<i32>} : memref<10240xi32, #tpu.memory_space<vmem>>, vector<16xi32>,
      %add3A_1433 = arith.constant 5 : i32
      %add3A_1434 = vector.broadcast %add3A_1433 : i32 to vector<16xi32>
      %add3A_1435 = arith.addi %add3A_1355, %add3A_1434 : vector<16xi32>
      %shift_right_logical3A_1436 = arith.constant 4 : i32
      %shift_right_logical3A_1437 = vector.broadcast %shift_right_logical3A_1436 : i32 to vector<16xi32>
      %shift_right_logical3A_1438 = arith.shrui %add3A_1435, %shift_right_logical3A_1437 : vector<16xi32>
      %and3A_1439 = arith.constant 15 : i32
      %and3A_1440 = vector.broadcast %and3A_1439 : i32 to vector<16xi32>
      %and3A_1441 = arith.andi %add3A_1435, %and3A_1440 : vector<16xi32>
      %gather3A_1442 = tpu.vector_load_idx %arg19[%shift_right_logical3A_1438, %and3A_1441] : memref<1024x16xi32, #tpu.memory_space<vmem>>[vector<16xi32>, vector<16xi32>], vector<16xi32>,
      %mul3A_1443 = arith.constant 16 : i32
      %mul3A_1444 = arith.muli %scan3A_1338, %mul3A_1443 : i32
      %add3A_1445 = arith.constant 2560 : i32
      %add3A_1446 = arith.addi %add3A_1445, %mul3A_1444 : i32
      %swap3A_1447 = arith.index_cast %add3A_1446 : i32 to index
      %swap3A_1448 = tpu.vector_load %arg20[%swap3A_1447] {strides = array<i32>} : memref<10240xi32, #tpu.memory_space<vmem>>, vector<16xi32>,
      tpu.vector_store %arg20[%swap3A_1447], %gather3A_1442 {strides = array<i32>} : memref<10240xi32, #tpu.memory_space<vmem>>, vector<16xi32>,
      %add3A_1449 = arith.constant 6 : i32
      %add3A_1450 = vector.broadcast %add3A_1449 : i32 to vector<16xi32>
      %add3A_1451 = arith.addi %add3A_1355, %add3A_1450 : vector<16xi32>
      %shift_right_logical3A_1452 = arith.constant 4 : i32
      %shift_right_logical3A_1453 = vector.broadcast %shift_right_logical3A_1452 : i32 to vector<16xi32>
      %shift_right_logical3A_1454 = arith.shrui %add3A_1451, %shift_right_logical3A_1453 : vector<16xi32>
      %and3A_1455 = arith.constant 15 : i32
      %and3A_1456 = vector.broadcast %and3A_1455 : i32 to vector<16xi32>
      %and3A_1457 = arith.andi %add3A_1451, %and3A_1456 : vector<16xi32>
      %gather3A_1458 = tpu.vector_load_idx %arg19[%shift_right_logical3A_1454, %and3A_1457] : memref<1024x16xi32, #tpu.memory_space<vmem>>[vector<16xi32>, vector<16xi32>], vector<16xi32>,
      %mul3A_1459 = arith.constant 16 : i32
      %mul3A_1460 = arith.muli %scan3A_1338, %mul3A_1459 : i32
      %add3A_1461 = arith.constant 3072 : i32
      %add3A_1462 = arith.addi %add3A_1461, %mul3A_1460 : i32
      %swap3A_1463 = arith.index_cast %add3A_1462 : i32 to index
      %swap3A_1464 = tpu.vector_load %arg20[%swap3A_1463] {strides = array<i32>} : memref<10240xi32, #tpu.memory_space<vmem>>, vector<16xi32>,
      tpu.vector_store %arg20[%swap3A_1463], %gather3A_1458 {strides = array<i32>} : memref<10240xi32, #tpu.memory_space<vmem>>, vector<16xi32>,
      %add3A_1465 = arith.constant 7 : i32
      %add3A_1466 = vector.broadcast %add3A_1465 : i32 to vector<16xi32>
      %add3A_1467 = arith.addi %add3A_1355, %add3A_1466 : vector<16xi32>
      %shift_right_logical3A_1468 = arith.constant 4 : i32
      %shift_right_logical3A_1469 = vector.broadcast %shift_right_logical3A_1468 : i32 to vector<16xi32>
      %shift_right_logical3A_1470 = arith.shrui %add3A_1467, %shift_right_logical3A_1469 : vector<16xi32>
      %and3A_1471 = arith.constant 15 : i32
      %and3A_1472 = vector.broadcast %and3A_1471 : i32 to vector<16xi32>
      %and3A_1473 = arith.andi %add3A_1467, %and3A_1472 : vector<16xi32>
      %gather3A_1474 = tpu.vector_load_idx %arg19[%shift_right_logical3A_1470, %and3A_1473] : memref<1024x16xi32, #tpu.memory_space<vmem>>[vector<16xi32>, vector<16xi32>], vector<16xi32>,
      %mul3A_1475 = arith.constant 16 : i32
      %mul3A_1476 = arith.muli %scan3A_1338, %mul3A_1475 : i32
      %add3A_1477 = arith.constant 3584 : i32
      %add3A_1478 = arith.addi %add3A_1477, %mul3A_1476 : i32
      %swap3A_1479 = arith.index_cast %add3A_1478 : i32 to index
      %swap3A_1480 = tpu.vector_load %arg20[%swap3A_1479] {strides = array<i32>} : memref<10240xi32, #tpu.memory_space<vmem>>, vector<16xi32>,
      tpu.vector_store %arg20[%swap3A_1479], %gather3A_1474 {strides = array<i32>} : memref<10240xi32, #tpu.memory_space<vmem>>, vector<16xi32>,
      %add3A_1481 = arith.constant 8 : i32
      %add3A_1482 = vector.broadcast %add3A_1481 : i32 to vector<16xi32>
      %add3A_1483 = arith.addi %add3A_1355, %add3A_1482 : vector<16xi32>
      %shift_right_logical3A_1484 = arith.constant 4 : i32
      %shift_right_logical3A_1485 = vector.broadcast %shift_right_logical3A_1484 : i32 to vector<16xi32>
      %shift_right_logical3A_1486 = arith.shrui %add3A_1483, %shift_right_logical3A_1485 : vector<16xi32>
      %and3A_1487 = arith.constant 15 : i32
      %and3A_1488 = vector.broadcast %and3A_1487 : i32 to vector<16xi32>
      %and3A_1489 = arith.andi %add3A_1483, %and3A_1488 : vector<16xi32>
      %gather3A_1490 = tpu.vector_load_idx %arg19[%shift_right_logical3A_1486, %and3A_1489] : memref<1024x16xi32, #tpu.memory_space<vmem>>[vector<16xi32>, vector<16xi32>], vector<16xi32>,
      %mul3A_1491 = arith.constant 16 : i32
      %mul3A_1492 = arith.muli %scan3A_1338, %mul3A_1491 : i32
      %add3A_1493 = arith.constant 4096 : i32
      %add3A_1494 = arith.addi %add3A_1493, %mul3A_1492 : i32
      %swap3A_1495 = arith.index_cast %add3A_1494 : i32 to index
      %swap3A_1496 = tpu.vector_load %arg20[%swap3A_1495] {strides = array<i32>} : memref<10240xi32, #tpu.memory_space<vmem>>, vector<16xi32>,
      tpu.vector_store %arg20[%swap3A_1495], %gather3A_1490 {strides = array<i32>} : memref<10240xi32, #tpu.memory_space<vmem>>, vector<16xi32>,
      %add3A_1497 = arith.constant 9 : i32
      %add3A_1498 = vector.broadcast %add3A_1497 : i32 to vector<16xi32>
      %add3A_1499 = arith.addi %add3A_1355, %add3A_1498 : vector<16xi32>
      %shift_right_logical3A_1500 = arith.constant 4 : i32
      %shift_right_logical3A_1501 = vector.broadcast %shift_right_logical3A_1500 : i32 to vector<16xi32>
      %shift_right_logical3A_1502 = arith.shrui %add3A_1499, %shift_right_logical3A_1501 : vector<16xi32>
      %and3A_1503 = arith.constant 15 : i32
      %and3A_1504 = vector.broadcast %and3A_1503 : i32 to vector<16xi32>
      %and3A_1505 = arith.andi %add3A_1499, %and3A_1504 : vector<16xi32>
      %gather3A_1506 = tpu.vector_load_idx %arg19[%shift_right_logical3A_1502, %and3A_1505] : memref<1024x16xi32, #tpu.memory_space<vmem>>[vector<16xi32>, vector<16xi32>], vector<16xi32>,
      %mul3A_1507 = arith.constant 16 : i32
      %mul3A_1508 = arith.muli %scan3A_1338, %mul3A_1507 : i32
      %add3A_1509 = arith.constant 4608 : i32
      %add3A_1510 = arith.addi %add3A_1509, %mul3A_1508 : i32
      %swap3A_1511 = arith.index_cast %add3A_1510 : i32 to index
      %swap3A_1512 = tpu.vector_load %arg20[%swap3A_1511] {strides = array<i32>} : memref<10240xi32, #tpu.memory_space<vmem>>, vector<16xi32>,
      tpu.vector_store %arg20[%swap3A_1511], %gather3A_1506 {strides = array<i32>} : memref<10240xi32, #tpu.memory_space<vmem>>, vector<16xi32>,
      %add3A_1513 = arith.constant 10 : i32
      %add3A_1514 = vector.broadcast %add3A_1513 : i32 to vector<16xi32>
      %add3A_1515 = arith.addi %add3A_1355, %add3A_1514 : vector<16xi32>
      %shift_right_logical3A_1516 = arith.constant 4 : i32
      %shift_right_logical3A_1517 = vector.broadcast %shift_right_logical3A_1516 : i32 to vector<16xi32>
      %shift_right_logical3A_1518 = arith.shrui %add3A_1515, %shift_right_logical3A_1517 : vector<16xi32>
      %and3A_1519 = arith.constant 15 : i32
      %and3A_1520 = vector.broadcast %and3A_1519 : i32 to vector<16xi32>
      %and3A_1521 = arith.andi %add3A_1515, %and3A_1520 : vector<16xi32>
      %gather3A_1522 = tpu.vector_load_idx %arg19[%shift_right_logical3A_1518, %and3A_1521] : memref<1024x16xi32, #tpu.memory_space<vmem>>[vector<16xi32>, vector<16xi32>], vector<16xi32>,
      %mul3A_1523 = arith.constant 16 : i32
      %mul3A_1524 = arith.muli %scan3A_1338, %mul3A_1523 : i32
      %add3A_1525 = arith.constant 5120 : i32
      %add3A_1526 = arith.addi %add3A_1525, %mul3A_1524 : i32
      %swap3A_1527 = arith.index_cast %add3A_1526 : i32 to index
      %swap3A_1528 = tpu.vector_load %arg20[%swap3A_1527] {strides = array<i32>} : memref<10240xi32, #tpu.memory_space<vmem>>, vector<16xi32>,
      tpu.vector_store %arg20[%swap3A_1527], %gather3A_1522 {strides = array<i32>} : memref<10240xi32, #tpu.memory_space<vmem>>, vector<16xi32>,
      %add3A_1529 = arith.constant 11 : i32
      %add3A_1530 = vector.broadcast %add3A_1529 : i32 to vector<16xi32>
      %add3A_1531 = arith.addi %add3A_1355, %add3A_1530 : vector<16xi32>
      %shift_right_logical3A_1532 = arith.constant 4 : i32
      %shift_right_logical3A_1533 = vector.broadcast %shift_right_logical3A_1532 : i32 to vector<16xi32>
      %shift_right_logical3A_1534 = arith.shrui %add3A_1531, %shift_right_logical3A_1533 : vector<16xi32>
      %and3A_1535 = arith.constant 15 : i32
      %and3A_1536 = vector.broadcast %and3A_1535 : i32 to vector<16xi32>
      %and3A_1537 = arith.andi %add3A_1531, %and3A_1536 : vector<16xi32>
      %gather3A_1538 = tpu.vector_load_idx %arg19[%shift_right_logical3A_1534, %and3A_1537] : memref<1024x16xi32, #tpu.memory_space<vmem>>[vector<16xi32>, vector<16xi32>], vector<16xi32>,
      %mul3A_1539 = arith.constant 16 : i32
      %mul3A_1540 = arith.muli %scan3A_1338, %mul3A_1539 : i32
      %add3A_1541 = arith.constant 5632 : i32
      %add3A_1542 = arith.addi %add3A_1541, %mul3A_1540 : i32
      %swap3A_1543 = arith.index_cast %add3A_1542 : i32 to index
      %swap3A_1544 = tpu.vector_load %arg20[%swap3A_1543] {strides = array<i32>} : memref<10240xi32, #tpu.memory_space<vmem>>, vector<16xi32>,
      tpu.vector_store %arg20[%swap3A_1543], %gather3A_1538 {strides = array<i32>} : memref<10240xi32, #tpu.memory_space<vmem>>, vector<16xi32>,
      %add3A_1545 = arith.constant 12 : i32
      %add3A_1546 = vector.broadcast %add3A_1545 : i32 to vector<16xi32>
      %add3A_1547 = arith.addi %add3A_1355, %add3A_1546 : vector<16xi32>
      %shift_right_logical3A_1548 = arith.constant 4 : i32
      %shift_right_logical3A_1549 = vector.broadcast %shift_right_logical3A_1548 : i32 to vector<16xi32>
      %shift_right_logical3A_1550 = arith.shrui %add3A_1547, %shift_right_logical3A_1549 : vector<16xi32>
      %and3A_1551 = arith.constant 15 : i32
      %and3A_1552 = vector.broadcast %and3A_1551 : i32 to vector<16xi32>
      %and3A_1553 = arith.andi %add3A_1547, %and3A_1552 : vector<16xi32>
      %gather3A_1554 = tpu.vector_load_idx %arg19[%shift_right_logical3A_1550, %and3A_1553] : memref<1024x16xi32, #tpu.memory_space<vmem>>[vector<16xi32>, vector<16xi32>], vector<16xi32>,
      %mul3A_1555 = arith.constant 16 : i32
      %mul3A_1556 = arith.muli %scan3A_1338, %mul3A_1555 : i32
      %add3A_1557 = arith.constant 6144 : i32
      %add3A_1558 = arith.addi %add3A_1557, %mul3A_1556 : i32
      %swap3A_1559 = arith.index_cast %add3A_1558 : i32 to index
      %swap3A_1560 = tpu.vector_load %arg20[%swap3A_1559] {strides = array<i32>} : memref<10240xi32, #tpu.memory_space<vmem>>, vector<16xi32>,
      tpu.vector_store %arg20[%swap3A_1559], %gather3A_1554 {strides = array<i32>} : memref<10240xi32, #tpu.memory_space<vmem>>, vector<16xi32>,
      %add3A_1561 = arith.constant 13 : i32
      %add3A_1562 = vector.broadcast %add3A_1561 : i32 to vector<16xi32>
      %add3A_1563 = arith.addi %add3A_1355, %add3A_1562 : vector<16xi32>
      %shift_right_logical3A_1564 = arith.constant 4 : i32
      %shift_right_logical3A_1565 = vector.broadcast %shift_right_logical3A_1564 : i32 to vector<16xi32>
      %shift_right_logical3A_1566 = arith.shrui %add3A_1563, %shift_right_logical3A_1565 : vector<16xi32>
      %and3A_1567 = arith.constant 15 : i32
      %and3A_1568 = vector.broadcast %and3A_1567 : i32 to vector<16xi32>
      %and3A_1569 = arith.andi %add3A_1563, %and3A_1568 : vector<16xi32>
      %gather3A_1570 = tpu.vector_load_idx %arg19[%shift_right_logical3A_1566, %and3A_1569] : memref<1024x16xi32, #tpu.memory_space<vmem>>[vector<16xi32>, vector<16xi32>], vector<16xi32>,
      %mul3A_1571 = arith.constant 16 : i32
      %mul3A_1572 = arith.muli %scan3A_1338, %mul3A_1571 : i32
      %add3A_1573 = arith.constant 6656 : i32
      %add3A_1574 = arith.addi %add3A_1573, %mul3A_1572 : i32
      %swap3A_1575 = arith.index_cast %add3A_1574 : i32 to index
      %swap3A_1576 = tpu.vector_load %arg20[%swap3A_1575] {strides = array<i32>} : memref<10240xi32, #tpu.memory_space<vmem>>, vector<16xi32>,
      tpu.vector_store %arg20[%swap3A_1575], %gather3A_1570 {strides = array<i32>} : memref<10240xi32, #tpu.memory_space<vmem>>, vector<16xi32>,
      %add3A_1577 = arith.constant 14 : i32
      %add3A_1578 = vector.broadcast %add3A_1577 : i32 to vector<16xi32>
      %add3A_1579 = arith.addi %add3A_1355, %add3A_1578 : vector<16xi32>
      %shift_right_logical3A_1580 = arith.constant 4 : i32
      %shift_right_logical3A_1581 = vector.broadcast %shift_right_logical3A_1580 : i32 to vector<16xi32>
      %shift_right_logical3A_1582 = arith.shrui %add3A_1579, %shift_right_logical3A_1581 : vector<16xi32>
      %and3A_1583 = arith.constant 15 : i32
      %and3A_1584 = vector.broadcast %and3A_1583 : i32 to vector<16xi32>
      %and3A_1585 = arith.andi %add3A_1579, %and3A_1584 : vector<16xi32>
      %gather3A_1586 = tpu.vector_load_idx %arg19[%shift_right_logical3A_1582, %and3A_1585] : memref<1024x16xi32, #tpu.memory_space<vmem>>[vector<16xi32>, vector<16xi32>], vector<16xi32>,
      %mul3A_1587 = arith.constant 16 : i32
      %mul3A_1588 = arith.muli %scan3A_1338, %mul3A_1587 : i32
      %add3A_1589 = arith.constant 7168 : i32
      %add3A_1590 = arith.addi %add3A_1589, %mul3A_1588 : i32
      %swap3A_1591 = arith.index_cast %add3A_1590 : i32 to index
      %swap3A_1592 = tpu.vector_load %arg20[%swap3A_1591] {strides = array<i32>} : memref<10240xi32, #tpu.memory_space<vmem>>, vector<16xi32>,
      tpu.vector_store %arg20[%swap3A_1591], %gather3A_1586 {strides = array<i32>} : memref<10240xi32, #tpu.memory_space<vmem>>, vector<16xi32>,
      %add3A_1593 = arith.constant 15 : i32
      %add3A_1594 = vector.broadcast %add3A_1593 : i32 to vector<16xi32>
      %add3A_1595 = arith.addi %add3A_1355, %add3A_1594 : vector<16xi32>
      %shift_right_logical3A_1596 = arith.constant 4 : i32
      %shift_right_logical3A_1597 = vector.broadcast %shift_right_logical3A_1596 : i32 to vector<16xi32>
      %shift_right_logical3A_1598 = arith.shrui %add3A_1595, %shift_right_logical3A_1597 : vector<16xi32>
      %and3A_1599 = arith.constant 15 : i32
      %and3A_1600 = vector.broadcast %and3A_1599 : i32 to vector<16xi32>
      %and3A_1601 = arith.andi %add3A_1595, %and3A_1600 : vector<16xi32>
      %gather3A_1602 = tpu.vector_load_idx %arg19[%shift_right_logical3A_1598, %and3A_1601] : memref<1024x16xi32, #tpu.memory_space<vmem>>[vector<16xi32>, vector<16xi32>], vector<16xi32>,
      %mul3A_1603 = arith.constant 16 : i32
      %mul3A_1604 = arith.muli %scan3A_1338, %mul3A_1603 : i32
      %add3A_1605 = arith.constant 7680 : i32
      %add3A_1606 = arith.addi %add3A_1605, %mul3A_1604 : i32
      %swap3A_1607 = arith.index_cast %add3A_1606 : i32 to index
      %swap3A_1608 = tpu.vector_load %arg20[%swap3A_1607] {strides = array<i32>} : memref<10240xi32, #tpu.memory_space<vmem>>, vector<16xi32>,
      tpu.vector_store %arg20[%swap3A_1607], %gather3A_1602 {strides = array<i32>} : memref<10240xi32, #tpu.memory_space<vmem>>, vector<16xi32>,
      %add3A_1609 = arith.constant 16 : i32
      %add3A_1610 = vector.broadcast %add3A_1609 : i32 to vector<16xi32>
      %add3A_1611 = arith.addi %add3A_1355, %add3A_1610 : vector<16xi32>
      %shift_right_logical3A_1612 = arith.constant 4 : i32
      %shift_right_logical3A_1613 = vector.broadcast %shift_right_logical3A_1612 : i32 to vector<16xi32>
      %shift_right_logical3A_1614 = arith.shrui %add3A_1611, %shift_right_logical3A_1613 : vector<16xi32>
      %and3A_1615 = arith.constant 15 : i32
      %and3A_1616 = vector.broadcast %and3A_1615 : i32 to vector<16xi32>
      %and3A_1617 = arith.andi %add3A_1611, %and3A_1616 : vector<16xi32>
      %gather3A_1618 = tpu.vector_load_idx %arg19[%shift_right_logical3A_1614, %and3A_1617] : memref<1024x16xi32, #tpu.memory_space<vmem>>[vector<16xi32>, vector<16xi32>], vector<16xi32>,
      %mul3A_1619 = arith.constant 16 : i32
      %mul3A_1620 = arith.muli %scan3A_1338, %mul3A_1619 : i32
      %add3A_1621 = arith.constant 8192 : i32
      %add3A_1622 = arith.addi %add3A_1621, %mul3A_1620 : i32
      %swap3A_1623 = arith.index_cast %add3A_1622 : i32 to index
      %swap3A_1624 = tpu.vector_load %arg20[%swap3A_1623] {strides = array<i32>} : memref<10240xi32, #tpu.memory_space<vmem>>, vector<16xi32>,
      tpu.vector_store %arg20[%swap3A_1623], %gather3A_1618 {strides = array<i32>} : memref<10240xi32, #tpu.memory_space<vmem>>, vector<16xi32>,
      %add3A_1625 = arith.constant 17 : i32
      %add3A_1626 = vector.broadcast %add3A_1625 : i32 to vector<16xi32>
      %add3A_1627 = arith.addi %add3A_1355, %add3A_1626 : vector<16xi32>
      %shift_right_logical3A_1628 = arith.constant 4 : i32
      %shift_right_logical3A_1629 = vector.broadcast %shift_right_logical3A_1628 : i32 to vector<16xi32>
      %shift_right_logical3A_1630 = arith.shrui %add3A_1627, %shift_right_logical3A_1629 : vector<16xi32>
      %and3A_1631 = arith.constant 15 : i32
      %and3A_1632 = vector.broadcast %and3A_1631 : i32 to vector<16xi32>
      %and3A_1633 = arith.andi %add3A_1627, %and3A_1632 : vector<16xi32>
      %gather3A_1634 = tpu.vector_load_idx %arg19[%shift_right_logical3A_1630, %and3A_1633] : memref<1024x16xi32, #tpu.memory_space<vmem>>[vector<16xi32>, vector<16xi32>], vector<16xi32>,
      %mul3A_1635 = arith.constant 16 : i32
      %mul3A_1636 = arith.muli %scan3A_1338, %mul3A_1635 : i32
      %add3A_1637 = arith.constant 8704 : i32
      %add3A_1638 = arith.addi %add3A_1637, %mul3A_1636 : i32
      %swap3A_1639 = arith.index_cast %add3A_1638 : i32 to index
      %swap3A_1640 = tpu.vector_load %arg20[%swap3A_1639] {strides = array<i32>} : memref<10240xi32, #tpu.memory_space<vmem>>, vector<16xi32>,
      tpu.vector_store %arg20[%swap3A_1639], %gather3A_1634 {strides = array<i32>} : memref<10240xi32, #tpu.memory_space<vmem>>, vector<16xi32>,
      %add3A_1641 = arith.constant 18 : i32
      %add3A_1642 = vector.broadcast %add3A_1641 : i32 to vector<16xi32>
      %add3A_1643 = arith.addi %add3A_1355, %add3A_1642 : vector<16xi32>
      %shift_right_logical3A_1644 = arith.constant 4 : i32
      %shift_right_logical3A_1645 = vector.broadcast %shift_right_logical3A_1644 : i32 to vector<16xi32>
      %shift_right_logical3A_1646 = arith.shrui %add3A_1643, %shift_right_logical3A_1645 : vector<16xi32>
      %and3A_1647 = arith.constant 15 : i32
      %and3A_1648 = vector.broadcast %and3A_1647 : i32 to vector<16xi32>
      %and3A_1649 = arith.andi %add3A_1643, %and3A_1648 : vector<16xi32>
      %gather3A_1650 = tpu.vector_load_idx %arg19[%shift_right_logical3A_1646, %and3A_1649] : memref<1024x16xi32, #tpu.memory_space<vmem>>[vector<16xi32>, vector<16xi32>], vector<16xi32>,
      %mul3A_1651 = arith.constant 16 : i32
      %mul3A_1652 = arith.muli %scan3A_1338, %mul3A_1651 : i32
      %add3A_1653 = arith.constant 9216 : i32
      %add3A_1654 = arith.addi %add3A_1653, %mul3A_1652 : i32
      %swap3A_1655 = arith.index_cast %add3A_1654 : i32 to index
      %swap3A_1656 = tpu.vector_load %arg20[%swap3A_1655] {strides = array<i32>} : memref<10240xi32, #tpu.memory_space<vmem>>, vector<16xi32>,
      tpu.vector_store %arg20[%swap3A_1655], %gather3A_1650 {strides = array<i32>} : memref<10240xi32, #tpu.memory_space<vmem>>, vector<16xi32>,
      %add3A_1657 = arith.constant 19 : i32
      %add3A_1658 = vector.broadcast %add3A_1657 : i32 to vector<16xi32>
      %add3A_1659 = arith.addi %add3A_1355, %add3A_1658 : vector<16xi32>
      %shift_right_logical3A_1660 = arith.constant 4 : i32
      %shift_right_logical3A_1661 = vector.broadcast %shift_right_logical3A_1660 : i32 to vector<16xi32>
      %shift_right_logical3A_1662 = arith.shrui %add3A_1659, %shift_right_logical3A_1661 : vector<16xi32>
      %and3A_1663 = arith.constant 15 : i32
      %and3A_1664 = vector.broadcast %and3A_1663 : i32 to vector<16xi32>
      %and3A_1665 = arith.andi %add3A_1659, %and3A_1664 : vector<16xi32>
      %gather3A_1666 = tpu.vector_load_idx %arg19[%shift_right_logical3A_1662, %and3A_1665] : memref<1024x16xi32, #tpu.memory_space<vmem>>[vector<16xi32>, vector<16xi32>], vector<16xi32>,
      %mul3A_1667 = arith.constant 16 : i32
      %mul3A_1668 = arith.muli %scan3A_1338, %mul3A_1667 : i32
      %add3A_1669 = arith.constant 9728 : i32
      %add3A_1670 = arith.addi %add3A_1669, %mul3A_1668 : i32
      %swap3A_1671 = arith.index_cast %add3A_1670 : i32 to index
      %swap3A_1672 = tpu.vector_load %arg20[%swap3A_1671] {strides = array<i32>} : memref<10240xi32, #tpu.memory_space<vmem>>, vector<16xi32>,
      tpu.vector_store %arg20[%swap3A_1671], %gather3A_1666 {strides = array<i32>} : memref<10240xi32, #tpu.memory_space<vmem>>, vector<16xi32>,
    }
    %scan3A_252 = arith.constant 32 : i32
    %dma_start3A_253 = arith.constant 0 : i32
    %dma_start3A_254 = tpu.memref_slice %arg21[%dma_start3A_253] : memref<10240xf32, #tpu.memory_space<vmem>> -> memref<128xf32, #tpu.memory_space<vmem>>
    %dma_start3A_255 = arith.constant 0 : i32
    %dma_start3A_256 = tpu.memref_slice %arg20[%dma_start3A_255] : memref<10240xi32, #tpu.memory_space<vmem>> -> memref<128xi32, #tpu.memory_space<vmem>>
    %dma_start3A_257 = arith.constant 0 : i32
    %dma_start3A_258 = tpu.memref_slice %arg9[%dma_start3A_257] : memref<100001xf32, #tpu.memory_space<hbm>> -> memref<100001xf32, #tpu.memory_space<hbm>>
    tpu.enqueue_indirect_dma source(%dma_start3A_258 : memref<100001xf32, #tpu.memory_space<hbm>>) target(%dma_start3A_254 : memref<128xf32, #tpu.memory_space<vmem>>) offsets(%dma_start3A_256 : memref<128xi32, #tpu.memory_space<vmem>>) semaphore(%arg27 : memref<!tpu.dma_semaphore, #tpu.memory_space<semaphore_mem>>)
    %dma_start3A_259 = arith.constant 128 : i32
    %dma_start3A_260 = tpu.memref_slice %arg21[%dma_start3A_259] : memref<10240xf32, #tpu.memory_space<vmem>> -> memref<128xf32, #tpu.memory_space<vmem>>
    %dma_start3A_261 = arith.constant 128 : i32
    %dma_start3A_262 = tpu.memref_slice %arg20[%dma_start3A_261] : memref<10240xi32, #tpu.memory_space<vmem>> -> memref<128xi32, #tpu.memory_space<vmem>>
    %dma_start3A_263 = arith.constant 0 : i32
    %dma_start3A_264 = tpu.memref_slice %arg9[%dma_start3A_263] : memref<100001xf32, #tpu.memory_space<hbm>> -> memref<100001xf32, #tpu.memory_space<hbm>>
    tpu.enqueue_indirect_dma source(%dma_start3A_264 : memref<100001xf32, #tpu.memory_space<hbm>>) target(%dma_start3A_260 : memref<128xf32, #tpu.memory_space<vmem>>) offsets(%dma_start3A_262 : memref<128xi32, #tpu.memory_space<vmem>>) semaphore(%arg27 : memref<!tpu.dma_semaphore, #tpu.memory_space<semaphore_mem>>)
    %dma_start3A_265 = arith.constant 256 : i32
    %dma_start3A_266 = tpu.memref_slice %arg21[%dma_start3A_265] : memref<10240xf32, #tpu.memory_space<vmem>> -> memref<128xf32, #tpu.memory_space<vmem>>
    %dma_start3A_267 = arith.constant 256 : i32
    %dma_start3A_268 = tpu.memref_slice %arg20[%dma_start3A_267] : memref<10240xi32, #tpu.memory_space<vmem>> -> memref<128xi32, #tpu.memory_space<vmem>>
    %dma_start3A_269 = arith.constant 0 : i32
    %dma_start3A_270 = tpu.memref_slice %arg9[%dma_start3A_269] : memref<100001xf32, #tpu.memory_space<hbm>> -> memref<100001xf32, #tpu.memory_space<hbm>>
    tpu.enqueue_indirect_dma source(%dma_start3A_270 : memref<100001xf32, #tpu.memory_space<hbm>>) target(%dma_start3A_266 : memref<128xf32, #tpu.memory_space<vmem>>) offsets(%dma_start3A_268 : memref<128xi32, #tpu.memory_space<vmem>>) semaphore(%arg27 : memref<!tpu.dma_semaphore, #tpu.memory_space<semaphore_mem>>)
    %dma_start3A_271 = arith.constant 384 : i32
    %dma_start3A_272 = tpu.memref_slice %arg21[%dma_start3A_271] : memref<10240xf32, #tpu.memory_space<vmem>> -> memref<128xf32, #tpu.memory_space<vmem>>
    %dma_start3A_273 = arith.constant 384 : i32
    %dma_start3A_274 = tpu.memref_slice %arg20[%dma_start3A_273] : memref<10240xi32, #tpu.memory_space<vmem>> -> memref<128xi32, #tpu.memory_space<vmem>>
    %dma_start3A_275 = arith.constant 0 : i32
    %dma_start3A_276 = tpu.memref_slice %arg9[%dma_start3A_275] : memref<100001xf32, #tpu.memory_space<hbm>> -> memref<100001xf32, #tpu.memory_space<hbm>>
    tpu.enqueue_indirect_dma source(%dma_start3A_276 : memref<100001xf32, #tpu.memory_space<hbm>>) target(%dma_start3A_272 : memref<128xf32, #tpu.memory_space<vmem>>) offsets(%dma_start3A_274 : memref<128xi32, #tpu.memory_space<vmem>>) semaphore(%arg27 : memref<!tpu.dma_semaphore, #tpu.memory_space<semaphore_mem>>)
    %dma_start3A_277 = arith.constant 512 : i32
    %dma_start3A_278 = tpu.memref_slice %arg21[%dma_start3A_277] : memref<10240xf32, #tpu.memory_space<vmem>> -> memref<128xf32, #tpu.memory_space<vmem>>
    %dma_start3A_279 = arith.constant 512 : i32
    %dma_start3A_280 = tpu.memref_slice %arg20[%dma_start3A_279] : memref<10240xi32, #tpu.memory_space<vmem>> -> memref<128xi32, #tpu.memory_space<vmem>>
    %dma_start3A_281 = arith.constant 0 : i32
    %dma_start3A_282 = tpu.memref_slice %arg9[%dma_start3A_281] : memref<100001xf32, #tpu.memory_space<hbm>> -> memref<100001xf32, #tpu.memory_space<hbm>>
    tpu.enqueue_indirect_dma source(%dma_start3A_282 : memref<100001xf32, #tpu.memory_space<hbm>>) target(%dma_start3A_278 : memref<128xf32, #tpu.memory_space<vmem>>) offsets(%dma_start3A_280 : memref<128xi32, #tpu.memory_space<vmem>>) semaphore(%arg27 : memref<!tpu.dma_semaphore, #tpu.memory_space<semaphore_mem>>)
    %dma_start3A_283 = arith.constant 640 : i32
    %dma_start3A_284 = tpu.memref_slice %arg21[%dma_start3A_283] : memref<10240xf32, #tpu.memory_space<vmem>> -> memref<128xf32, #tpu.memory_space<vmem>>
    %dma_start3A_285 = arith.constant 640 : i32
    %dma_start3A_286 = tpu.memref_slice %arg20[%dma_start3A_285] : memref<10240xi32, #tpu.memory_space<vmem>> -> memref<128xi32, #tpu.memory_space<vmem>>
    %dma_start3A_287 = arith.constant 0 : i32
    %dma_start3A_288 = tpu.memref_slice %arg9[%dma_start3A_287] : memref<100001xf32, #tpu.memory_space<hbm>> -> memref<100001xf32, #tpu.memory_space<hbm>>
    tpu.enqueue_indirect_dma source(%dma_start3A_288 : memref<100001xf32, #tpu.memory_space<hbm>>) target(%dma_start3A_284 : memref<128xf32, #tpu.memory_space<vmem>>) offsets(%dma_start3A_286 : memref<128xi32, #tpu.memory_space<vmem>>) semaphore(%arg27 : memref<!tpu.dma_semaphore, #tpu.memory_space<semaphore_mem>>)
    %dma_start3A_289 = arith.constant 768 : i32
    %dma_start3A_290 = tpu.memref_slice %arg21[%dma_start3A_289] : memref<10240xf32, #tpu.memory_space<vmem>> -> memref<128xf32, #tpu.memory_space<vmem>>
    %dma_start3A_291 = arith.constant 768 : i32
    %dma_start3A_292 = tpu.memref_slice %arg20[%dma_start3A_291] : memref<10240xi32, #tpu.memory_space<vmem>> -> memref<128xi32, #tpu.memory_space<vmem>>
    %dma_start3A_293 = arith.constant 0 : i32
    %dma_start3A_294 = tpu.memref_slice %arg9[%dma_start3A_293] : memref<100001xf32, #tpu.memory_space<hbm>> -> memref<100001xf32, #tpu.memory_space<hbm>>
    tpu.enqueue_indirect_dma source(%dma_start3A_294 : memref<100001xf32, #tpu.memory_space<hbm>>) target(%dma_start3A_290 : memref<128xf32, #tpu.memory_space<vmem>>) offsets(%dma_start3A_292 : memref<128xi32, #tpu.memory_space<vmem>>) semaphore(%arg27 : memref<!tpu.dma_semaphore, #tpu.memory_space<semaphore_mem>>)
    %dma_start3A_295 = arith.constant 896 : i32
    %dma_start3A_296 = tpu.memref_slice %arg21[%dma_start3A_295] : memref<10240xf32, #tpu.memory_space<vmem>> -> memref<128xf32, #tpu.memory_space<vmem>>
    %dma_start3A_297 = arith.constant 896 : i32
    %dma_start3A_298 = tpu.memref_slice %arg20[%dma_start3A_297] : memref<10240xi32, #tpu.memory_space<vmem>> -> memref<128xi32, #tpu.memory_space<vmem>>
    %dma_start3A_299 = arith.constant 0 : i32
    %dma_start3A_300 = tpu.memref_slice %arg9[%dma_start3A_299] : memref<100001xf32, #tpu.memory_space<hbm>> -> memref<100001xf32, #tpu.memory_space<hbm>>
    tpu.enqueue_indirect_dma source(%dma_start3A_300 : memref<100001xf32, #tpu.memory_space<hbm>>) target(%dma_start3A_296 : memref<128xf32, #tpu.memory_space<vmem>>) offsets(%dma_start3A_298 : memref<128xi32, #tpu.memory_space<vmem>>) semaphore(%arg27 : memref<!tpu.dma_semaphore, #tpu.memory_space<semaphore_mem>>)
    %dma_start3A_301 = arith.constant 1024 : i32
    %dma_start3A_302 = tpu.memref_slice %arg21[%dma_start3A_301] : memref<10240xf32, #tpu.memory_space<vmem>> -> memref<128xf32, #tpu.memory_space<vmem>>
    %dma_start3A_303 = arith.constant 1024 : i32
    %dma_start3A_304 = tpu.memref_slice %arg20[%dma_start3A_303] : memref<10240xi32, #tpu.memory_space<vmem>> -> memref<128xi32, #tpu.memory_space<vmem>>
    %dma_start3A_305 = arith.constant 0 : i32
    %dma_start3A_306 = tpu.memref_slice %arg9[%dma_start3A_305] : memref<100001xf32, #tpu.memory_space<hbm>> -> memref<100001xf32, #tpu.memory_space<hbm>>
    tpu.enqueue_indirect_dma source(%dma_start3A_306 : memref<100001xf32, #tpu.memory_space<hbm>>) target(%dma_start3A_302 : memref<128xf32, #tpu.memory_space<vmem>>) offsets(%dma_start3A_304 : memref<128xi32, #tpu.memory_space<vmem>>) semaphore(%arg27 : memref<!tpu.dma_semaphore, #tpu.memory_space<semaphore_mem>>)
    %dma_start3A_307 = arith.constant 1152 : i32
    %dma_start3A_308 = tpu.memref_slice %arg21[%dma_start3A_307] : memref<10240xf32, #tpu.memory_space<vmem>> -> memref<128xf32, #tpu.memory_space<vmem>>
    %dma_start3A_309 = arith.constant 1152 : i32
    %dma_start3A_310 = tpu.memref_slice %arg20[%dma_start3A_309] : memref<10240xi32, #tpu.memory_space<vmem>> -> memref<128xi32, #tpu.memory_space<vmem>>
    %dma_start3A_311 = arith.constant 0 : i32
    %dma_start3A_312 = tpu.memref_slice %arg9[%dma_start3A_311] : memref<100001xf32, #tpu.memory_space<hbm>> -> memref<100001xf32, #tpu.memory_space<hbm>>
    tpu.enqueue_indirect_dma source(%dma_start3A_312 : memref<100001xf32, #tpu.memory_space<hbm>>) target(%dma_start3A_308 : memref<128xf32, #tpu.memory_space<vmem>>) offsets(%dma_start3A_310 : memref<128xi32, #tpu.memory_space<vmem>>) semaphore(%arg27 : memref<!tpu.dma_semaphore, #tpu.memory_space<semaphore_mem>>)
    %dma_start3A_313 = arith.constant 1280 : i32
    %dma_start3A_314 = tpu.memref_slice %arg21[%dma_start3A_313] : memref<10240xf32, #tpu.memory_space<vmem>> -> memref<128xf32, #tpu.memory_space<vmem>>
    %dma_start3A_315 = arith.constant 1280 : i32
    %dma_start3A_316 = tpu.memref_slice %arg20[%dma_start3A_315] : memref<10240xi32, #tpu.memory_space<vmem>> -> memref<128xi32, #tpu.memory_space<vmem>>
    %dma_start3A_317 = arith.constant 0 : i32
    %dma_start3A_318 = tpu.memref_slice %arg9[%dma_start3A_317] : memref<100001xf32, #tpu.memory_space<hbm>> -> memref<100001xf32, #tpu.memory_space<hbm>>
    tpu.enqueue_indirect_dma source(%dma_start3A_318 : memref<100001xf32, #tpu.memory_space<hbm>>) target(%dma_start3A_314 : memref<128xf32, #tpu.memory_space<vmem>>) offsets(%dma_start3A_316 : memref<128xi32, #tpu.memory_space<vmem>>) semaphore(%arg27 : memref<!tpu.dma_semaphore, #tpu.memory_space<semaphore_mem>>)
    %dma_start3A_319 = arith.constant 1408 : i32
    %dma_start3A_320 = tpu.memref_slice %arg21[%dma_start3A_319] : memref<10240xf32, #tpu.memory_space<vmem>> -> memref<128xf32, #tpu.memory_space<vmem>>
    %dma_start3A_321 = arith.constant 1408 : i32
    %dma_start3A_322 = tpu.memref_slice %arg20[%dma_start3A_321] : memref<10240xi32, #tpu.memory_space<vmem>> -> memref<128xi32, #tpu.memory_space<vmem>>
    %dma_start3A_323 = arith.constant 0 : i32
    %dma_start3A_324 = tpu.memref_slice %arg9[%dma_start3A_323] : memref<100001xf32, #tpu.memory_space<hbm>> -> memref<100001xf32, #tpu.memory_space<hbm>>
    tpu.enqueue_indirect_dma source(%dma_start3A_324 : memref<100001xf32, #tpu.memory_space<hbm>>) target(%dma_start3A_320 : memref<128xf32, #tpu.memory_space<vmem>>) offsets(%dma_start3A_322 : memref<128xi32, #tpu.memory_space<vmem>>) semaphore(%arg27 : memref<!tpu.dma_semaphore, #tpu.memory_space<semaphore_mem>>)
    %dma_start3A_325 = arith.constant 1536 : i32
    %dma_start3A_326 = tpu.memref_slice %arg21[%dma_start3A_325] : memref<10240xf32, #tpu.memory_space<vmem>> -> memref<128xf32, #tpu.memory_space<vmem>>
    %dma_start3A_327 = arith.constant 1536 : i32
    %dma_start3A_328 = tpu.memref_slice %arg20[%dma_start3A_327] : memref<10240xi32, #tpu.memory_space<vmem>> -> memref<128xi32, #tpu.memory_space<vmem>>
    %dma_start3A_329 = arith.constant 0 : i32
    %dma_start3A_330 = tpu.memref_slice %arg9[%dma_start3A_329] : memref<100001xf32, #tpu.memory_space<hbm>> -> memref<100001xf32, #tpu.memory_space<hbm>>
    tpu.enqueue_indirect_dma source(%dma_start3A_330 : memref<100001xf32, #tpu.memory_space<hbm>>) target(%dma_start3A_326 : memref<128xf32, #tpu.memory_space<vmem>>) offsets(%dma_start3A_328 : memref<128xi32, #tpu.memory_space<vmem>>) semaphore(%arg27 : memref<!tpu.dma_semaphore, #tpu.memory_space<semaphore_mem>>)
    %dma_start3A_331 = arith.constant 1664 : i32
    %dma_start3A_332 = tpu.memref_slice %arg21[%dma_start3A_331] : memref<10240xf32, #tpu.memory_space<vmem>> -> memref<128xf32, #tpu.memory_space<vmem>>
    %dma_start3A_333 = arith.constant 1664 : i32
    %dma_start3A_334 = tpu.memref_slice %arg20[%dma_start3A_333] : memref<10240xi32, #tpu.memory_space<vmem>> -> memref<128xi32, #tpu.memory_space<vmem>>
    %dma_start3A_335 = arith.constant 0 : i32
    %dma_start3A_336 = tpu.memref_slice %arg9[%dma_start3A_335] : memref<100001xf32, #tpu.memory_space<hbm>> -> memref<100001xf32, #tpu.memory_space<hbm>>
    tpu.enqueue_indirect_dma source(%dma_start3A_336 : memref<100001xf32, #tpu.memory_space<hbm>>) target(%dma_start3A_332 : memref<128xf32, #tpu.memory_space<vmem>>) offsets(%dma_start3A_334 : memref<128xi32, #tpu.memory_space<vmem>>) semaphore(%arg27 : memref<!tpu.dma_semaphore, #tpu.memory_space<semaphore_mem>>)
    %dma_start3A_337 = arith.constant 1792 : i32
    %dma_start3A_338 = tpu.memref_slice %arg21[%dma_start3A_337] : memref<10240xf32, #tpu.memory_space<vmem>> -> memref<128xf32, #tpu.memory_space<vmem>>
    %dma_start3A_339 = arith.constant 1792 : i32
    %dma_start3A_340 = tpu.memref_slice %arg20[%dma_start3A_339] : memref<10240xi32, #tpu.memory_space<vmem>> -> memref<128xi32, #tpu.memory_space<vmem>>
    %dma_start3A_341 = arith.constant 0 : i32
    %dma_start3A_342 = tpu.memref_slice %arg9[%dma_start3A_341] : memref<100001xf32, #tpu.memory_space<hbm>> -> memref<100001xf32, #tpu.memory_space<hbm>>
    tpu.enqueue_indirect_dma source(%dma_start3A_342 : memref<100001xf32, #tpu.memory_space<hbm>>) target(%dma_start3A_338 : memref<128xf32, #tpu.memory_space<vmem>>) offsets(%dma_start3A_340 : memref<128xi32, #tpu.memory_space<vmem>>) semaphore(%arg27 : memref<!tpu.dma_semaphore, #tpu.memory_space<semaphore_mem>>)
    %dma_start3A_343 = arith.constant 1920 : i32
    %dma_start3A_344 = tpu.memref_slice %arg21[%dma_start3A_343] : memref<10240xf32, #tpu.memory_space<vmem>> -> memref<128xf32, #tpu.memory_space<vmem>>
    %dma_start3A_345 = arith.constant 1920 : i32
    %dma_start3A_346 = tpu.memref_slice %arg20[%dma_start3A_345] : memref<10240xi32, #tpu.memory_space<vmem>> -> memref<128xi32, #tpu.memory_space<vmem>>
    %dma_start3A_347 = arith.constant 0 : i32
    %dma_start3A_348 = tpu.memref_slice %arg9[%dma_start3A_347] : memref<100001xf32, #tpu.memory_space<hbm>> -> memref<100001xf32, #tpu.memory_space<hbm>>
    tpu.enqueue_indirect_dma source(%dma_start3A_348 : memref<100001xf32, #tpu.memory_space<hbm>>) target(%dma_start3A_344 : memref<128xf32, #tpu.memory_space<vmem>>) offsets(%dma_start3A_346 : memref<128xi32, #tpu.memory_space<vmem>>) semaphore(%arg27 : memref<!tpu.dma_semaphore, #tpu.memory_space<semaphore_mem>>)
    %dma_start3A_349 = arith.constant 2048 : i32
    %dma_start3A_350 = tpu.memref_slice %arg21[%dma_start3A_349] : memref<10240xf32, #tpu.memory_space<vmem>> -> memref<128xf32, #tpu.memory_space<vmem>>
    %dma_start3A_351 = arith.constant 2048 : i32
    %dma_start3A_352 = tpu.memref_slice %arg20[%dma_start3A_351] : memref<10240xi32, #tpu.memory_space<vmem>> -> memref<128xi32, #tpu.memory_space<vmem>>
    %dma_start3A_353 = arith.constant 0 : i32
    %dma_start3A_354 = tpu.memref_slice %arg9[%dma_start3A_353] : memref<100001xf32, #tpu.memory_space<hbm>> -> memref<100001xf32, #tpu.memory_space<hbm>>
    tpu.enqueue_indirect_dma source(%dma_start3A_354 : memref<100001xf32, #tpu.memory_space<hbm>>) target(%dma_start3A_350 : memref<128xf32, #tpu.memory_space<vmem>>) offsets(%dma_start3A_352 : memref<128xi32, #tpu.memory_space<vmem>>) semaphore(%arg27 : memref<!tpu.dma_semaphore, #tpu.memory_space<semaphore_mem>>)
    %dma_start3A_355 = arith.constant 2176 : i32
    %dma_start3A_356 = tpu.memref_slice %arg21[%dma_start3A_355] : memref<10240xf32, #tpu.memory_space<vmem>> -> memref<128xf32, #tpu.memory_space<vmem>>
    %dma_start3A_357 = arith.constant 2176 : i32
    %dma_start3A_358 = tpu.memref_slice %arg20[%dma_start3A_357] : memref<10240xi32, #tpu.memory_space<vmem>> -> memref<128xi32, #tpu.memory_space<vmem>>
    %dma_start3A_359 = arith.constant 0 : i32
    %dma_start3A_360 = tpu.memref_slice %arg9[%dma_start3A_359] : memref<100001xf32, #tpu.memory_space<hbm>> -> memref<100001xf32, #tpu.memory_space<hbm>>
    tpu.enqueue_indirect_dma source(%dma_start3A_360 : memref<100001xf32, #tpu.memory_space<hbm>>) target(%dma_start3A_356 : memref<128xf32, #tpu.memory_space<vmem>>) offsets(%dma_start3A_358 : memref<128xi32, #tpu.memory_space<vmem>>) semaphore(%arg27 : memref<!tpu.dma_semaphore, #tpu.memory_space<semaphore_mem>>)
    %dma_start3A_361 = arith.constant 2304 : i32
    %dma_start3A_362 = tpu.memref_slice %arg21[%dma_start3A_361] : memref<10240xf32, #tpu.memory_space<vmem>> -> memref<128xf32, #tpu.memory_space<vmem>>
    %dma_start3A_363 = arith.constant 2304 : i32
    %dma_start3A_364 = tpu.memref_slice %arg20[%dma_start3A_363] : memref<10240xi32, #tpu.memory_space<vmem>> -> memref<128xi32, #tpu.memory_space<vmem>>
    %dma_start3A_365 = arith.constant 0 : i32
    %dma_start3A_366 = tpu.memref_slice %arg9[%dma_start3A_365] : memref<100001xf32, #tpu.memory_space<hbm>> -> memref<100001xf32, #tpu.memory_space<hbm>>
    tpu.enqueue_indirect_dma source(%dma_start3A_366 : memref<100001xf32, #tpu.memory_space<hbm>>) target(%dma_start3A_362 : memref<128xf32, #tpu.memory_space<vmem>>) offsets(%dma_start3A_364 : memref<128xi32, #tpu.memory_space<vmem>>) semaphore(%arg27 : memref<!tpu.dma_semaphore, #tpu.memory_space<semaphore_mem>>)
    %dma_start3A_367 = arith.constant 2432 : i32
    %dma_start3A_368 = tpu.memref_slice %arg21[%dma_start3A_367] : memref<10240xf32, #tpu.memory_space<vmem>> -> memref<128xf32, #tpu.memory_space<vmem>>
    %dma_start3A_369 = arith.constant 2432 : i32
    %dma_start3A_370 = tpu.memref_slice %arg20[%dma_start3A_369] : memref<10240xi32, #tpu.memory_space<vmem>> -> memref<128xi32, #tpu.memory_space<vmem>>
    %dma_start3A_371 = arith.constant 0 : i32
    %dma_start3A_372 = tpu.memref_slice %arg9[%dma_start3A_371] : memref<100001xf32, #tpu.memory_space<hbm>> -> memref<100001xf32, #tpu.memory_space<hbm>>
    tpu.enqueue_indirect_dma source(%dma_start3A_372 : memref<100001xf32, #tpu.memory_space<hbm>>) target(%dma_start3A_368 : memref<128xf32, #tpu.memory_space<vmem>>) offsets(%dma_start3A_370 : memref<128xi32, #tpu.memory_space<vmem>>) semaphore(%arg27 : memref<!tpu.dma_semaphore, #tpu.memory_space<semaphore_mem>>)
    %dma_start3A_373 = arith.constant 2560 : i32
    %dma_start3A_374 = tpu.memref_slice %arg21[%dma_start3A_373] : memref<10240xf32, #tpu.memory_space<vmem>> -> memref<128xf32, #tpu.memory_space<vmem>>
    %dma_start3A_375 = arith.constant 2560 : i32
    %dma_start3A_376 = tpu.memref_slice %arg20[%dma_start3A_375] : memref<10240xi32, #tpu.memory_space<vmem>> -> memref<128xi32, #tpu.memory_space<vmem>>
    %dma_start3A_377 = arith.constant 0 : i32
    %dma_start3A_378 = tpu.memref_slice %arg9[%dma_start3A_377] : memref<100001xf32, #tpu.memory_space<hbm>> -> memref<100001xf32, #tpu.memory_space<hbm>>
    tpu.enqueue_indirect_dma source(%dma_start3A_378 : memref<100001xf32, #tpu.memory_space<hbm>>) target(%dma_start3A_374 : memref<128xf32, #tpu.memory_space<vmem>>) offsets(%dma_start3A_376 : memref<128xi32, #tpu.memory_space<vmem>>) semaphore(%arg27 : memref<!tpu.dma_semaphore, #tpu.memory_space<semaphore_mem>>)
    %dma_start3A_379 = arith.constant 2688 : i32
    %dma_start3A_380 = tpu.memref_slice %arg21[%dma_start3A_379] : memref<10240xf32, #tpu.memory_space<vmem>> -> memref<128xf32, #tpu.memory_space<vmem>>
    %dma_start3A_381 = arith.constant 2688 : i32
    %dma_start3A_382 = tpu.memref_slice %arg20[%dma_start3A_381] : memref<10240xi32, #tpu.memory_space<vmem>> -> memref<128xi32, #tpu.memory_space<vmem>>
    %dma_start3A_383 = arith.constant 0 : i32
    %dma_start3A_384 = tpu.memref_slice %arg9[%dma_start3A_383] : memref<100001xf32, #tpu.memory_space<hbm>> -> memref<100001xf32, #tpu.memory_space<hbm>>
    tpu.enqueue_indirect_dma source(%dma_start3A_384 : memref<100001xf32, #tpu.memory_space<hbm>>) target(%dma_start3A_380 : memref<128xf32, #tpu.memory_space<vmem>>) offsets(%dma_start3A_382 : memref<128xi32, #tpu.memory_space<vmem>>) semaphore(%arg27 : memref<!tpu.dma_semaphore, #tpu.memory_space<semaphore_mem>>)
    %dma_start3A_385 = arith.constant 2816 : i32
    %dma_start3A_386 = tpu.memref_slice %arg21[%dma_start3A_385] : memref<10240xf32, #tpu.memory_space<vmem>> -> memref<128xf32, #tpu.memory_space<vmem>>
    %dma_start3A_387 = arith.constant 2816 : i32
    %dma_start3A_388 = tpu.memref_slice %arg20[%dma_start3A_387] : memref<10240xi32, #tpu.memory_space<vmem>> -> memref<128xi32, #tpu.memory_space<vmem>>
    %dma_start3A_389 = arith.constant 0 : i32
    %dma_start3A_390 = tpu.memref_slice %arg9[%dma_start3A_389] : memref<100001xf32, #tpu.memory_space<hbm>> -> memref<100001xf32, #tpu.memory_space<hbm>>
    tpu.enqueue_indirect_dma source(%dma_start3A_390 : memref<100001xf32, #tpu.memory_space<hbm>>) target(%dma_start3A_386 : memref<128xf32, #tpu.memory_space<vmem>>) offsets(%dma_start3A_388 : memref<128xi32, #tpu.memory_space<vmem>>) semaphore(%arg27 : memref<!tpu.dma_semaphore, #tpu.memory_space<semaphore_mem>>)
    %dma_start3A_391 = arith.constant 2944 : i32
    %dma_start3A_392 = tpu.memref_slice %arg21[%dma_start3A_391] : memref<10240xf32, #tpu.memory_space<vmem>> -> memref<128xf32, #tpu.memory_space<vmem>>
    %dma_start3A_393 = arith.constant 2944 : i32
    %dma_start3A_394 = tpu.memref_slice %arg20[%dma_start3A_393] : memref<10240xi32, #tpu.memory_space<vmem>> -> memref<128xi32, #tpu.memory_space<vmem>>
    %dma_start3A_395 = arith.constant 0 : i32
    %dma_start3A_396 = tpu.memref_slice %arg9[%dma_start3A_395] : memref<100001xf32, #tpu.memory_space<hbm>> -> memref<100001xf32, #tpu.memory_space<hbm>>
    tpu.enqueue_indirect_dma source(%dma_start3A_396 : memref<100001xf32, #tpu.memory_space<hbm>>) target(%dma_start3A_392 : memref<128xf32, #tpu.memory_space<vmem>>) offsets(%dma_start3A_394 : memref<128xi32, #tpu.memory_space<vmem>>) semaphore(%arg27 : memref<!tpu.dma_semaphore, #tpu.memory_space<semaphore_mem>>)
    %dma_start3A_397 = arith.constant 3072 : i32
    %dma_start3A_398 = tpu.memref_slice %arg21[%dma_start3A_397] : memref<10240xf32, #tpu.memory_space<vmem>> -> memref<128xf32, #tpu.memory_space<vmem>>
    %dma_start3A_399 = arith.constant 3072 : i32
    %dma_start3A_400 = tpu.memref_slice %arg20[%dma_start3A_399] : memref<10240xi32, #tpu.memory_space<vmem>> -> memref<128xi32, #tpu.memory_space<vmem>>
    %dma_start3A_401 = arith.constant 0 : i32
    %dma_start3A_402 = tpu.memref_slice %arg9[%dma_start3A_401] : memref<100001xf32, #tpu.memory_space<hbm>> -> memref<100001xf32, #tpu.memory_space<hbm>>
    tpu.enqueue_indirect_dma source(%dma_start3A_402 : memref<100001xf32, #tpu.memory_space<hbm>>) target(%dma_start3A_398 : memref<128xf32, #tpu.memory_space<vmem>>) offsets(%dma_start3A_400 : memref<128xi32, #tpu.memory_space<vmem>>) semaphore(%arg27 : memref<!tpu.dma_semaphore, #tpu.memory_space<semaphore_mem>>)
    %dma_start3A_403 = arith.constant 3200 : i32
    %dma_start3A_404 = tpu.memref_slice %arg21[%dma_start3A_403] : memref<10240xf32, #tpu.memory_space<vmem>> -> memref<128xf32, #tpu.memory_space<vmem>>
    %dma_start3A_405 = arith.constant 3200 : i32
    %dma_start3A_406 = tpu.memref_slice %arg20[%dma_start3A_405] : memref<10240xi32, #tpu.memory_space<vmem>> -> memref<128xi32, #tpu.memory_space<vmem>>
    %dma_start3A_407 = arith.constant 0 : i32
    %dma_start3A_408 = tpu.memref_slice %arg9[%dma_start3A_407] : memref<100001xf32, #tpu.memory_space<hbm>> -> memref<100001xf32, #tpu.memory_space<hbm>>
    tpu.enqueue_indirect_dma source(%dma_start3A_408 : memref<100001xf32, #tpu.memory_space<hbm>>) target(%dma_start3A_404 : memref<128xf32, #tpu.memory_space<vmem>>) offsets(%dma_start3A_406 : memref<128xi32, #tpu.memory_space<vmem>>) semaphore(%arg27 : memref<!tpu.dma_semaphore, #tpu.memory_space<semaphore_mem>>)
    %dma_start3A_409 = arith.constant 3328 : i32
    %dma_start3A_410 = tpu.memref_slice %arg21[%dma_start3A_409] : memref<10240xf32, #tpu.memory_space<vmem>> -> memref<128xf32, #tpu.memory_space<vmem>>
    %dma_start3A_411 = arith.constant 3328 : i32
    %dma_start3A_412 = tpu.memref_slice %arg20[%dma_start3A_411] : memref<10240xi32, #tpu.memory_space<vmem>> -> memref<128xi32, #tpu.memory_space<vmem>>
    %dma_start3A_413 = arith.constant 0 : i32
    %dma_start3A_414 = tpu.memref_slice %arg9[%dma_start3A_413] : memref<100001xf32, #tpu.memory_space<hbm>> -> memref<100001xf32, #tpu.memory_space<hbm>>
    tpu.enqueue_indirect_dma source(%dma_start3A_414 : memref<100001xf32, #tpu.memory_space<hbm>>) target(%dma_start3A_410 : memref<128xf32, #tpu.memory_space<vmem>>) offsets(%dma_start3A_412 : memref<128xi32, #tpu.memory_space<vmem>>) semaphore(%arg27 : memref<!tpu.dma_semaphore, #tpu.memory_space<semaphore_mem>>)
    %dma_start3A_415 = arith.constant 3456 : i32
    %dma_start3A_416 = tpu.memref_slice %arg21[%dma_start3A_415] : memref<10240xf32, #tpu.memory_space<vmem>> -> memref<128xf32, #tpu.memory_space<vmem>>
    %dma_start3A_417 = arith.constant 3456 : i32
    %dma_start3A_418 = tpu.memref_slice %arg20[%dma_start3A_417] : memref<10240xi32, #tpu.memory_space<vmem>> -> memref<128xi32, #tpu.memory_space<vmem>>
    %dma_start3A_419 = arith.constant 0 : i32
    %dma_start3A_420 = tpu.memref_slice %arg9[%dma_start3A_419] : memref<100001xf32, #tpu.memory_space<hbm>> -> memref<100001xf32, #tpu.memory_space<hbm>>
    tpu.enqueue_indirect_dma source(%dma_start3A_420 : memref<100001xf32, #tpu.memory_space<hbm>>) target(%dma_start3A_416 : memref<128xf32, #tpu.memory_space<vmem>>) offsets(%dma_start3A_418 : memref<128xi32, #tpu.memory_space<vmem>>) semaphore(%arg27 : memref<!tpu.dma_semaphore, #tpu.memory_space<semaphore_mem>>)
    %dma_start3A_421 = arith.constant 3584 : i32
    %dma_start3A_422 = tpu.memref_slice %arg21[%dma_start3A_421] : memref<10240xf32, #tpu.memory_space<vmem>> -> memref<128xf32, #tpu.memory_space<vmem>>
    %dma_start3A_423 = arith.constant 3584 : i32
    %dma_start3A_424 = tpu.memref_slice %arg20[%dma_start3A_423] : memref<10240xi32, #tpu.memory_space<vmem>> -> memref<128xi32, #tpu.memory_space<vmem>>
    %dma_start3A_425 = arith.constant 0 : i32
    %dma_start3A_426 = tpu.memref_slice %arg9[%dma_start3A_425] : memref<100001xf32, #tpu.memory_space<hbm>> -> memref<100001xf32, #tpu.memory_space<hbm>>
    tpu.enqueue_indirect_dma source(%dma_start3A_426 : memref<100001xf32, #tpu.memory_space<hbm>>) target(%dma_start3A_422 : memref<128xf32, #tpu.memory_space<vmem>>) offsets(%dma_start3A_424 : memref<128xi32, #tpu.memory_space<vmem>>) semaphore(%arg27 : memref<!tpu.dma_semaphore, #tpu.memory_space<semaphore_mem>>)
    %dma_start3A_427 = arith.constant 3712 : i32
    %dma_start3A_428 = tpu.memref_slice %arg21[%dma_start3A_427] : memref<10240xf32, #tpu.memory_space<vmem>> -> memref<128xf32, #tpu.memory_space<vmem>>
    %dma_start3A_429 = arith.constant 3712 : i32
    %dma_start3A_430 = tpu.memref_slice %arg20[%dma_start3A_429] : memref<10240xi32, #tpu.memory_space<vmem>> -> memref<128xi32, #tpu.memory_space<vmem>>
    %dma_start3A_431 = arith.constant 0 : i32
    %dma_start3A_432 = tpu.memref_slice %arg9[%dma_start3A_431] : memref<100001xf32, #tpu.memory_space<hbm>> -> memref<100001xf32, #tpu.memory_space<hbm>>
    tpu.enqueue_indirect_dma source(%dma_start3A_432 : memref<100001xf32, #tpu.memory_space<hbm>>) target(%dma_start3A_428 : memref<128xf32, #tpu.memory_space<vmem>>) offsets(%dma_start3A_430 : memref<128xi32, #tpu.memory_space<vmem>>) semaphore(%arg27 : memref<!tpu.dma_semaphore, #tpu.memory_space<semaphore_mem>>)
    %dma_start3A_433 = arith.constant 3840 : i32
    %dma_start3A_434 = tpu.memref_slice %arg21[%dma_start3A_433] : memref<10240xf32, #tpu.memory_space<vmem>> -> memref<128xf32, #tpu.memory_space<vmem>>
    %dma_start3A_435 = arith.constant 3840 : i32
    %dma_start3A_436 = tpu.memref_slice %arg20[%dma_start3A_435] : memref<10240xi32, #tpu.memory_space<vmem>> -> memref<128xi32, #tpu.memory_space<vmem>>
    %dma_start3A_437 = arith.constant 0 : i32
    %dma_start3A_438 = tpu.memref_slice %arg9[%dma_start3A_437] : memref<100001xf32, #tpu.memory_space<hbm>> -> memref<100001xf32, #tpu.memory_space<hbm>>
    tpu.enqueue_indirect_dma source(%dma_start3A_438 : memref<100001xf32, #tpu.memory_space<hbm>>) target(%dma_start3A_434 : memref<128xf32, #tpu.memory_space<vmem>>) offsets(%dma_start3A_436 : memref<128xi32, #tpu.memory_space<vmem>>) semaphore(%arg27 : memref<!tpu.dma_semaphore, #tpu.memory_space<semaphore_mem>>)
    %dma_start3A_439 = arith.constant 3968 : i32
    %dma_start3A_440 = tpu.memref_slice %arg21[%dma_start3A_439] : memref<10240xf32, #tpu.memory_space<vmem>> -> memref<128xf32, #tpu.memory_space<vmem>>
    %dma_start3A_441 = arith.constant 3968 : i32
    %dma_start3A_442 = tpu.memref_slice %arg20[%dma_start3A_441] : memref<10240xi32, #tpu.memory_space<vmem>> -> memref<128xi32, #tpu.memory_space<vmem>>
    %dma_start3A_443 = arith.constant 0 : i32
    %dma_start3A_444 = tpu.memref_slice %arg9[%dma_start3A_443] : memref<100001xf32, #tpu.memory_space<hbm>> -> memref<100001xf32, #tpu.memory_space<hbm>>
    tpu.enqueue_indirect_dma source(%dma_start3A_444 : memref<100001xf32, #tpu.memory_space<hbm>>) target(%dma_start3A_440 : memref<128xf32, #tpu.memory_space<vmem>>) offsets(%dma_start3A_442 : memref<128xi32, #tpu.memory_space<vmem>>) semaphore(%arg27 : memref<!tpu.dma_semaphore, #tpu.memory_space<semaphore_mem>>)
    %dma_start3A_445 = arith.constant 4096 : i32
    %dma_start3A_446 = tpu.memref_slice %arg21[%dma_start3A_445] : memref<10240xf32, #tpu.memory_space<vmem>> -> memref<128xf32, #tpu.memory_space<vmem>>
    %dma_start3A_447 = arith.constant 4096 : i32
    %dma_start3A_448 = tpu.memref_slice %arg20[%dma_start3A_447] : memref<10240xi32, #tpu.memory_space<vmem>> -> memref<128xi32, #tpu.memory_space<vmem>>
    %dma_start3A_449 = arith.constant 0 : i32
    %dma_start3A_450 = tpu.memref_slice %arg9[%dma_start3A_449] : memref<100001xf32, #tpu.memory_space<hbm>> -> memref<100001xf32, #tpu.memory_space<hbm>>
    tpu.enqueue_indirect_dma source(%dma_start3A_450 : memref<100001xf32, #tpu.memory_space<hbm>>) target(%dma_start3A_446 : memref<128xf32, #tpu.memory_space<vmem>>) offsets(%dma_start3A_448 : memref<128xi32, #tpu.memory_space<vmem>>) semaphore(%arg27 : memref<!tpu.dma_semaphore, #tpu.memory_space<semaphore_mem>>)
    %dma_start3A_451 = arith.constant 4224 : i32
    %dma_start3A_452 = tpu.memref_slice %arg21[%dma_start3A_451] : memref<10240xf32, #tpu.memory_space<vmem>> -> memref<128xf32, #tpu.memory_space<vmem>>
    %dma_start3A_453 = arith.constant 4224 : i32
    %dma_start3A_454 = tpu.memref_slice %arg20[%dma_start3A_453] : memref<10240xi32, #tpu.memory_space<vmem>> -> memref<128xi32, #tpu.memory_space<vmem>>
    %dma_start3A_455 = arith.constant 0 : i32
    %dma_start3A_456 = tpu.memref_slice %arg9[%dma_start3A_455] : memref<100001xf32, #tpu.memory_space<hbm>> -> memref<100001xf32, #tpu.memory_space<hbm>>
    tpu.enqueue_indirect_dma source(%dma_start3A_456 : memref<100001xf32, #tpu.memory_space<hbm>>) target(%dma_start3A_452 : memref<128xf32, #tpu.memory_space<vmem>>) offsets(%dma_start3A_454 : memref<128xi32, #tpu.memory_space<vmem>>) semaphore(%arg27 : memref<!tpu.dma_semaphore, #tpu.memory_space<semaphore_mem>>)
    %dma_start3A_457 = arith.constant 4352 : i32
    %dma_start3A_458 = tpu.memref_slice %arg21[%dma_start3A_457] : memref<10240xf32, #tpu.memory_space<vmem>> -> memref<128xf32, #tpu.memory_space<vmem>>
    %dma_start3A_459 = arith.constant 4352 : i32
    %dma_start3A_460 = tpu.memref_slice %arg20[%dma_start3A_459] : memref<10240xi32, #tpu.memory_space<vmem>> -> memref<128xi32, #tpu.memory_space<vmem>>
    %dma_start3A_461 = arith.constant 0 : i32
    %dma_start3A_462 = tpu.memref_slice %arg9[%dma_start3A_461] : memref<100001xf32, #tpu.memory_space<hbm>> -> memref<100001xf32, #tpu.memory_space<hbm>>
    tpu.enqueue_indirect_dma source(%dma_start3A_462 : memref<100001xf32, #tpu.memory_space<hbm>>) target(%dma_start3A_458 : memref<128xf32, #tpu.memory_space<vmem>>) offsets(%dma_start3A_460 : memref<128xi32, #tpu.memory_space<vmem>>) semaphore(%arg27 : memref<!tpu.dma_semaphore, #tpu.memory_space<semaphore_mem>>)
    %dma_start3A_463 = arith.constant 4480 : i32
    %dma_start3A_464 = tpu.memref_slice %arg21[%dma_start3A_463] : memref<10240xf32, #tpu.memory_space<vmem>> -> memref<128xf32, #tpu.memory_space<vmem>>
    %dma_start3A_465 = arith.constant 4480 : i32
    %dma_start3A_466 = tpu.memref_slice %arg20[%dma_start3A_465] : memref<10240xi32, #tpu.memory_space<vmem>> -> memref<128xi32, #tpu.memory_space<vmem>>
    %dma_start3A_467 = arith.constant 0 : i32
    %dma_start3A_468 = tpu.memref_slice %arg9[%dma_start3A_467] : memref<100001xf32, #tpu.memory_space<hbm>> -> memref<100001xf32, #tpu.memory_space<hbm>>
    tpu.enqueue_indirect_dma source(%dma_start3A_468 : memref<100001xf32, #tpu.memory_space<hbm>>) target(%dma_start3A_464 : memref<128xf32, #tpu.memory_space<vmem>>) offsets(%dma_start3A_466 : memref<128xi32, #tpu.memory_space<vmem>>) semaphore(%arg27 : memref<!tpu.dma_semaphore, #tpu.memory_space<semaphore_mem>>)
    %dma_start3A_469 = arith.constant 4608 : i32
    %dma_start3A_470 = tpu.memref_slice %arg21[%dma_start3A_469] : memref<10240xf32, #tpu.memory_space<vmem>> -> memref<128xf32, #tpu.memory_space<vmem>>
    %dma_start3A_471 = arith.constant 4608 : i32
    %dma_start3A_472 = tpu.memref_slice %arg20[%dma_start3A_471] : memref<10240xi32, #tpu.memory_space<vmem>> -> memref<128xi32, #tpu.memory_space<vmem>>
    %dma_start3A_473 = arith.constant 0 : i32
    %dma_start3A_474 = tpu.memref_slice %arg9[%dma_start3A_473] : memref<100001xf32, #tpu.memory_space<hbm>> -> memref<100001xf32, #tpu.memory_space<hbm>>
    tpu.enqueue_indirect_dma source(%dma_start3A_474 : memref<100001xf32, #tpu.memory_space<hbm>>) target(%dma_start3A_470 : memref<128xf32, #tpu.memory_space<vmem>>) offsets(%dma_start3A_472 : memref<128xi32, #tpu.memory_space<vmem>>) semaphore(%arg27 : memref<!tpu.dma_semaphore, #tpu.memory_space<semaphore_mem>>)
    %dma_start3A_475 = arith.constant 4736 : i32
    %dma_start3A_476 = tpu.memref_slice %arg21[%dma_start3A_475] : memref<10240xf32, #tpu.memory_space<vmem>> -> memref<128xf32, #tpu.memory_space<vmem>>
    %dma_start3A_477 = arith.constant 4736 : i32
    %dma_start3A_478 = tpu.memref_slice %arg20[%dma_start3A_477] : memref<10240xi32, #tpu.memory_space<vmem>> -> memref<128xi32, #tpu.memory_space<vmem>>
    %dma_start3A_479 = arith.constant 0 : i32
    %dma_start3A_480 = tpu.memref_slice %arg9[%dma_start3A_479] : memref<100001xf32, #tpu.memory_space<hbm>> -> memref<100001xf32, #tpu.memory_space<hbm>>
    tpu.enqueue_indirect_dma source(%dma_start3A_480 : memref<100001xf32, #tpu.memory_space<hbm>>) target(%dma_start3A_476 : memref<128xf32, #tpu.memory_space<vmem>>) offsets(%dma_start3A_478 : memref<128xi32, #tpu.memory_space<vmem>>) semaphore(%arg27 : memref<!tpu.dma_semaphore, #tpu.memory_space<semaphore_mem>>)
    %dma_start3A_481 = arith.constant 4864 : i32
    %dma_start3A_482 = tpu.memref_slice %arg21[%dma_start3A_481] : memref<10240xf32, #tpu.memory_space<vmem>> -> memref<128xf32, #tpu.memory_space<vmem>>
    %dma_start3A_483 = arith.constant 4864 : i32
    %dma_start3A_484 = tpu.memref_slice %arg20[%dma_start3A_483] : memref<10240xi32, #tpu.memory_space<vmem>> -> memref<128xi32, #tpu.memory_space<vmem>>
    %dma_start3A_485 = arith.constant 0 : i32
    %dma_start3A_486 = tpu.memref_slice %arg9[%dma_start3A_485] : memref<100001xf32, #tpu.memory_space<hbm>> -> memref<100001xf32, #tpu.memory_space<hbm>>
    tpu.enqueue_indirect_dma source(%dma_start3A_486 : memref<100001xf32, #tpu.memory_space<hbm>>) target(%dma_start3A_482 : memref<128xf32, #tpu.memory_space<vmem>>) offsets(%dma_start3A_484 : memref<128xi32, #tpu.memory_space<vmem>>) semaphore(%arg27 : memref<!tpu.dma_semaphore, #tpu.memory_space<semaphore_mem>>)
    %dma_start3A_487 = arith.constant 4992 : i32
    %dma_start3A_488 = tpu.memref_slice %arg21[%dma_start3A_487] : memref<10240xf32, #tpu.memory_space<vmem>> -> memref<128xf32, #tpu.memory_space<vmem>>
    %dma_start3A_489 = arith.constant 4992 : i32
    %dma_start3A_490 = tpu.memref_slice %arg20[%dma_start3A_489] : memref<10240xi32, #tpu.memory_space<vmem>> -> memref<128xi32, #tpu.memory_space<vmem>>
    %dma_start3A_491 = arith.constant 0 : i32
    %dma_start3A_492 = tpu.memref_slice %arg9[%dma_start3A_491] : memref<100001xf32, #tpu.memory_space<hbm>> -> memref<100001xf32, #tpu.memory_space<hbm>>
    tpu.enqueue_indirect_dma source(%dma_start3A_492 : memref<100001xf32, #tpu.memory_space<hbm>>) target(%dma_start3A_488 : memref<128xf32, #tpu.memory_space<vmem>>) offsets(%dma_start3A_490 : memref<128xi32, #tpu.memory_space<vmem>>) semaphore(%arg27 : memref<!tpu.dma_semaphore, #tpu.memory_space<semaphore_mem>>)
    %dma_start3A_493 = arith.constant 5120 : i32
    %dma_start3A_494 = tpu.memref_slice %arg21[%dma_start3A_493] : memref<10240xf32, #tpu.memory_space<vmem>> -> memref<128xf32, #tpu.memory_space<vmem>>
    %dma_start3A_495 = arith.constant 5120 : i32
    %dma_start3A_496 = tpu.memref_slice %arg20[%dma_start3A_495] : memref<10240xi32, #tpu.memory_space<vmem>> -> memref<128xi32, #tpu.memory_space<vmem>>
    %dma_start3A_497 = arith.constant 0 : i32
    %dma_start3A_498 = tpu.memref_slice %arg9[%dma_start3A_497] : memref<100001xf32, #tpu.memory_space<hbm>> -> memref<100001xf32, #tpu.memory_space<hbm>>
    tpu.enqueue_indirect_dma source(%dma_start3A_498 : memref<100001xf32, #tpu.memory_space<hbm>>) target(%dma_start3A_494 : memref<128xf32, #tpu.memory_space<vmem>>) offsets(%dma_start3A_496 : memref<128xi32, #tpu.memory_space<vmem>>) semaphore(%arg27 : memref<!tpu.dma_semaphore, #tpu.memory_space<semaphore_mem>>)
    %dma_start3A_499 = arith.constant 5248 : i32
    %dma_start3A_500 = tpu.memref_slice %arg21[%dma_start3A_499] : memref<10240xf32, #tpu.memory_space<vmem>> -> memref<128xf32, #tpu.memory_space<vmem>>
    %dma_start3A_501 = arith.constant 5248 : i32
    %dma_start3A_502 = tpu.memref_slice %arg20[%dma_start3A_501] : memref<10240xi32, #tpu.memory_space<vmem>> -> memref<128xi32, #tpu.memory_space<vmem>>
    %dma_start3A_503 = arith.constant 0 : i32
    %dma_start3A_504 = tpu.memref_slice %arg9[%dma_start3A_503] : memref<100001xf32, #tpu.memory_space<hbm>> -> memref<100001xf32, #tpu.memory_space<hbm>>
    tpu.enqueue_indirect_dma source(%dma_start3A_504 : memref<100001xf32, #tpu.memory_space<hbm>>) target(%dma_start3A_500 : memref<128xf32, #tpu.memory_space<vmem>>) offsets(%dma_start3A_502 : memref<128xi32, #tpu.memory_space<vmem>>) semaphore(%arg27 : memref<!tpu.dma_semaphore, #tpu.memory_space<semaphore_mem>>)
    %dma_start3A_505 = arith.constant 5376 : i32
    %dma_start3A_506 = tpu.memref_slice %arg21[%dma_start3A_505] : memref<10240xf32, #tpu.memory_space<vmem>> -> memref<128xf32, #tpu.memory_space<vmem>>
    %dma_start3A_507 = arith.constant 5376 : i32
    %dma_start3A_508 = tpu.memref_slice %arg20[%dma_start3A_507] : memref<10240xi32, #tpu.memory_space<vmem>> -> memref<128xi32, #tpu.memory_space<vmem>>
    %dma_start3A_509 = arith.constant 0 : i32
    %dma_start3A_510 = tpu.memref_slice %arg9[%dma_start3A_509] : memref<100001xf32, #tpu.memory_space<hbm>> -> memref<100001xf32, #tpu.memory_space<hbm>>
    tpu.enqueue_indirect_dma source(%dma_start3A_510 : memref<100001xf32, #tpu.memory_space<hbm>>) target(%dma_start3A_506 : memref<128xf32, #tpu.memory_space<vmem>>) offsets(%dma_start3A_508 : memref<128xi32, #tpu.memory_space<vmem>>) semaphore(%arg27 : memref<!tpu.dma_semaphore, #tpu.memory_space<semaphore_mem>>)
    %dma_start3A_511 = arith.constant 5504 : i32
    %dma_start3A_512 = tpu.memref_slice %arg21[%dma_start3A_511] : memref<10240xf32, #tpu.memory_space<vmem>> -> memref<128xf32, #tpu.memory_space<vmem>>
    %dma_start3A_513 = arith.constant 5504 : i32
    %dma_start3A_514 = tpu.memref_slice %arg20[%dma_start3A_513] : memref<10240xi32, #tpu.memory_space<vmem>> -> memref<128xi32, #tpu.memory_space<vmem>>
    %dma_start3A_515 = arith.constant 0 : i32
    %dma_start3A_516 = tpu.memref_slice %arg9[%dma_start3A_515] : memref<100001xf32, #tpu.memory_space<hbm>> -> memref<100001xf32, #tpu.memory_space<hbm>>
    tpu.enqueue_indirect_dma source(%dma_start3A_516 : memref<100001xf32, #tpu.memory_space<hbm>>) target(%dma_start3A_512 : memref<128xf32, #tpu.memory_space<vmem>>) offsets(%dma_start3A_514 : memref<128xi32, #tpu.memory_space<vmem>>) semaphore(%arg27 : memref<!tpu.dma_semaphore, #tpu.memory_space<semaphore_mem>>)
    %dma_start3A_517 = arith.constant 5632 : i32
    %dma_start3A_518 = tpu.memref_slice %arg21[%dma_start3A_517] : memref<10240xf32, #tpu.memory_space<vmem>> -> memref<128xf32, #tpu.memory_space<vmem>>
    %dma_start3A_519 = arith.constant 5632 : i32
    %dma_start3A_520 = tpu.memref_slice %arg20[%dma_start3A_519] : memref<10240xi32, #tpu.memory_space<vmem>> -> memref<128xi32, #tpu.memory_space<vmem>>
    %dma_start3A_521 = arith.constant 0 : i32
    %dma_start3A_522 = tpu.memref_slice %arg9[%dma_start3A_521] : memref<100001xf32, #tpu.memory_space<hbm>> -> memref<100001xf32, #tpu.memory_space<hbm>>
    tpu.enqueue_indirect_dma source(%dma_start3A_522 : memref<100001xf32, #tpu.memory_space<hbm>>) target(%dma_start3A_518 : memref<128xf32, #tpu.memory_space<vmem>>) offsets(%dma_start3A_520 : memref<128xi32, #tpu.memory_space<vmem>>) semaphore(%arg27 : memref<!tpu.dma_semaphore, #tpu.memory_space<semaphore_mem>>)
    %dma_start3A_523 = arith.constant 5760 : i32
    %dma_start3A_524 = tpu.memref_slice %arg21[%dma_start3A_523] : memref<10240xf32, #tpu.memory_space<vmem>> -> memref<128xf32, #tpu.memory_space<vmem>>
    %dma_start3A_525 = arith.constant 5760 : i32
    %dma_start3A_526 = tpu.memref_slice %arg20[%dma_start3A_525] : memref<10240xi32, #tpu.memory_space<vmem>> -> memref<128xi32, #tpu.memory_space<vmem>>
    %dma_start3A_527 = arith.constant 0 : i32
    %dma_start3A_528 = tpu.memref_slice %arg9[%dma_start3A_527] : memref<100001xf32, #tpu.memory_space<hbm>> -> memref<100001xf32, #tpu.memory_space<hbm>>
    tpu.enqueue_indirect_dma source(%dma_start3A_528 : memref<100001xf32, #tpu.memory_space<hbm>>) target(%dma_start3A_524 : memref<128xf32, #tpu.memory_space<vmem>>) offsets(%dma_start3A_526 : memref<128xi32, #tpu.memory_space<vmem>>) semaphore(%arg27 : memref<!tpu.dma_semaphore, #tpu.memory_space<semaphore_mem>>)
    %dma_start3A_529 = arith.constant 5888 : i32
    %dma_start3A_530 = tpu.memref_slice %arg21[%dma_start3A_529] : memref<10240xf32, #tpu.memory_space<vmem>> -> memref<128xf32, #tpu.memory_space<vmem>>
    %dma_start3A_531 = arith.constant 5888 : i32
    %dma_start3A_532 = tpu.memref_slice %arg20[%dma_start3A_531] : memref<10240xi32, #tpu.memory_space<vmem>> -> memref<128xi32, #tpu.memory_space<vmem>>
    %dma_start3A_533 = arith.constant 0 : i32
    %dma_start3A_534 = tpu.memref_slice %arg9[%dma_start3A_533] : memref<100001xf32, #tpu.memory_space<hbm>> -> memref<100001xf32, #tpu.memory_space<hbm>>
    tpu.enqueue_indirect_dma source(%dma_start3A_534 : memref<100001xf32, #tpu.memory_space<hbm>>) target(%dma_start3A_530 : memref<128xf32, #tpu.memory_space<vmem>>) offsets(%dma_start3A_532 : memref<128xi32, #tpu.memory_space<vmem>>) semaphore(%arg27 : memref<!tpu.dma_semaphore, #tpu.memory_space<semaphore_mem>>)
    %dma_start3A_535 = arith.constant 6016 : i32
    %dma_start3A_536 = tpu.memref_slice %arg21[%dma_start3A_535] : memref<10240xf32, #tpu.memory_space<vmem>> -> memref<128xf32, #tpu.memory_space<vmem>>
    %dma_start3A_537 = arith.constant 6016 : i32
    %dma_start3A_538 = tpu.memref_slice %arg20[%dma_start3A_537] : memref<10240xi32, #tpu.memory_space<vmem>> -> memref<128xi32, #tpu.memory_space<vmem>>
    %dma_start3A_539 = arith.constant 0 : i32
    %dma_start3A_540 = tpu.memref_slice %arg9[%dma_start3A_539] : memref<100001xf32, #tpu.memory_space<hbm>> -> memref<100001xf32, #tpu.memory_space<hbm>>
    tpu.enqueue_indirect_dma source(%dma_start3A_540 : memref<100001xf32, #tpu.memory_space<hbm>>) target(%dma_start3A_536 : memref<128xf32, #tpu.memory_space<vmem>>) offsets(%dma_start3A_538 : memref<128xi32, #tpu.memory_space<vmem>>) semaphore(%arg27 : memref<!tpu.dma_semaphore, #tpu.memory_space<semaphore_mem>>)
    %dma_start3A_541 = arith.constant 6144 : i32
    %dma_start3A_542 = tpu.memref_slice %arg21[%dma_start3A_541] : memref<10240xf32, #tpu.memory_space<vmem>> -> memref<128xf32, #tpu.memory_space<vmem>>
    %dma_start3A_543 = arith.constant 6144 : i32
    %dma_start3A_544 = tpu.memref_slice %arg20[%dma_start3A_543] : memref<10240xi32, #tpu.memory_space<vmem>> -> memref<128xi32, #tpu.memory_space<vmem>>
    %dma_start3A_545 = arith.constant 0 : i32
    %dma_start3A_546 = tpu.memref_slice %arg9[%dma_start3A_545] : memref<100001xf32, #tpu.memory_space<hbm>> -> memref<100001xf32, #tpu.memory_space<hbm>>
    tpu.enqueue_indirect_dma source(%dma_start3A_546 : memref<100001xf32, #tpu.memory_space<hbm>>) target(%dma_start3A_542 : memref<128xf32, #tpu.memory_space<vmem>>) offsets(%dma_start3A_544 : memref<128xi32, #tpu.memory_space<vmem>>) semaphore(%arg27 : memref<!tpu.dma_semaphore, #tpu.memory_space<semaphore_mem>>)
    %dma_start3A_547 = arith.constant 6272 : i32
    %dma_start3A_548 = tpu.memref_slice %arg21[%dma_start3A_547] : memref<10240xf32, #tpu.memory_space<vmem>> -> memref<128xf32, #tpu.memory_space<vmem>>
    %dma_start3A_549 = arith.constant 6272 : i32
    %dma_start3A_550 = tpu.memref_slice %arg20[%dma_start3A_549] : memref<10240xi32, #tpu.memory_space<vmem>> -> memref<128xi32, #tpu.memory_space<vmem>>
    %dma_start3A_551 = arith.constant 0 : i32
    %dma_start3A_552 = tpu.memref_slice %arg9[%dma_start3A_551] : memref<100001xf32, #tpu.memory_space<hbm>> -> memref<100001xf32, #tpu.memory_space<hbm>>
    tpu.enqueue_indirect_dma source(%dma_start3A_552 : memref<100001xf32, #tpu.memory_space<hbm>>) target(%dma_start3A_548 : memref<128xf32, #tpu.memory_space<vmem>>) offsets(%dma_start3A_550 : memref<128xi32, #tpu.memory_space<vmem>>) semaphore(%arg27 : memref<!tpu.dma_semaphore, #tpu.memory_space<semaphore_mem>>)
    %dma_start3A_553 = arith.constant 6400 : i32
    %dma_start3A_554 = tpu.memref_slice %arg21[%dma_start3A_553] : memref<10240xf32, #tpu.memory_space<vmem>> -> memref<128xf32, #tpu.memory_space<vmem>>
    %dma_start3A_555 = arith.constant 6400 : i32
    %dma_start3A_556 = tpu.memref_slice %arg20[%dma_start3A_555] : memref<10240xi32, #tpu.memory_space<vmem>> -> memref<128xi32, #tpu.memory_space<vmem>>
    %dma_start3A_557 = arith.constant 0 : i32
    %dma_start3A_558 = tpu.memref_slice %arg9[%dma_start3A_557] : memref<100001xf32, #tpu.memory_space<hbm>> -> memref<100001xf32, #tpu.memory_space<hbm>>
    tpu.enqueue_indirect_dma source(%dma_start3A_558 : memref<100001xf32, #tpu.memory_space<hbm>>) target(%dma_start3A_554 : memref<128xf32, #tpu.memory_space<vmem>>) offsets(%dma_start3A_556 : memref<128xi32, #tpu.memory_space<vmem>>) semaphore(%arg27 : memref<!tpu.dma_semaphore, #tpu.memory_space<semaphore_mem>>)
    %dma_start3A_559 = arith.constant 6528 : i32
    %dma_start3A_560 = tpu.memref_slice %arg21[%dma_start3A_559] : memref<10240xf32, #tpu.memory_space<vmem>> -> memref<128xf32, #tpu.memory_space<vmem>>
    %dma_start3A_561 = arith.constant 6528 : i32
    %dma_start3A_562 = tpu.memref_slice %arg20[%dma_start3A_561] : memref<10240xi32, #tpu.memory_space<vmem>> -> memref<128xi32, #tpu.memory_space<vmem>>
    %dma_start3A_563 = arith.constant 0 : i32
    %dma_start3A_564 = tpu.memref_slice %arg9[%dma_start3A_563] : memref<100001xf32, #tpu.memory_space<hbm>> -> memref<100001xf32, #tpu.memory_space<hbm>>
    tpu.enqueue_indirect_dma source(%dma_start3A_564 : memref<100001xf32, #tpu.memory_space<hbm>>) target(%dma_start3A_560 : memref<128xf32, #tpu.memory_space<vmem>>) offsets(%dma_start3A_562 : memref<128xi32, #tpu.memory_space<vmem>>) semaphore(%arg27 : memref<!tpu.dma_semaphore, #tpu.memory_space<semaphore_mem>>)
    %dma_start3A_565 = arith.constant 6656 : i32
    %dma_start3A_566 = tpu.memref_slice %arg21[%dma_start3A_565] : memref<10240xf32, #tpu.memory_space<vmem>> -> memref<128xf32, #tpu.memory_space<vmem>>
    %dma_start3A_567 = arith.constant 6656 : i32
    %dma_start3A_568 = tpu.memref_slice %arg20[%dma_start3A_567] : memref<10240xi32, #tpu.memory_space<vmem>> -> memref<128xi32, #tpu.memory_space<vmem>>
    %dma_start3A_569 = arith.constant 0 : i32
    %dma_start3A_570 = tpu.memref_slice %arg9[%dma_start3A_569] : memref<100001xf32, #tpu.memory_space<hbm>> -> memref<100001xf32, #tpu.memory_space<hbm>>
    tpu.enqueue_indirect_dma source(%dma_start3A_570 : memref<100001xf32, #tpu.memory_space<hbm>>) target(%dma_start3A_566 : memref<128xf32, #tpu.memory_space<vmem>>) offsets(%dma_start3A_568 : memref<128xi32, #tpu.memory_space<vmem>>) semaphore(%arg27 : memref<!tpu.dma_semaphore, #tpu.memory_space<semaphore_mem>>)
    %dma_start3A_571 = arith.constant 6784 : i32
    %dma_start3A_572 = tpu.memref_slice %arg21[%dma_start3A_571] : memref<10240xf32, #tpu.memory_space<vmem>> -> memref<128xf32, #tpu.memory_space<vmem>>
    %dma_start3A_573 = arith.constant 6784 : i32
    %dma_start3A_574 = tpu.memref_slice %arg20[%dma_start3A_573] : memref<10240xi32, #tpu.memory_space<vmem>> -> memref<128xi32, #tpu.memory_space<vmem>>
    %dma_start3A_575 = arith.constant 0 : i32
    %dma_start3A_576 = tpu.memref_slice %arg9[%dma_start3A_575] : memref<100001xf32, #tpu.memory_space<hbm>> -> memref<100001xf32, #tpu.memory_space<hbm>>
    tpu.enqueue_indirect_dma source(%dma_start3A_576 : memref<100001xf32, #tpu.memory_space<hbm>>) target(%dma_start3A_572 : memref<128xf32, #tpu.memory_space<vmem>>) offsets(%dma_start3A_574 : memref<128xi32, #tpu.memory_space<vmem>>) semaphore(%arg27 : memref<!tpu.dma_semaphore, #tpu.memory_space<semaphore_mem>>)
    %dma_start3A_577 = arith.constant 6912 : i32
    %dma_start3A_578 = tpu.memref_slice %arg21[%dma_start3A_577] : memref<10240xf32, #tpu.memory_space<vmem>> -> memref<128xf32, #tpu.memory_space<vmem>>
    %dma_start3A_579 = arith.constant 6912 : i32
    %dma_start3A_580 = tpu.memref_slice %arg20[%dma_start3A_579] : memref<10240xi32, #tpu.memory_space<vmem>> -> memref<128xi32, #tpu.memory_space<vmem>>
    %dma_start3A_581 = arith.constant 0 : i32
    %dma_start3A_582 = tpu.memref_slice %arg9[%dma_start3A_581] : memref<100001xf32, #tpu.memory_space<hbm>> -> memref<100001xf32, #tpu.memory_space<hbm>>
    tpu.enqueue_indirect_dma source(%dma_start3A_582 : memref<100001xf32, #tpu.memory_space<hbm>>) target(%dma_start3A_578 : memref<128xf32, #tpu.memory_space<vmem>>) offsets(%dma_start3A_580 : memref<128xi32, #tpu.memory_space<vmem>>) semaphore(%arg27 : memref<!tpu.dma_semaphore, #tpu.memory_space<semaphore_mem>>)
    %dma_start3A_583 = arith.constant 7040 : i32
    %dma_start3A_584 = tpu.memref_slice %arg21[%dma_start3A_583] : memref<10240xf32, #tpu.memory_space<vmem>> -> memref<128xf32, #tpu.memory_space<vmem>>
    %dma_start3A_585 = arith.constant 7040 : i32
    %dma_start3A_586 = tpu.memref_slice %arg20[%dma_start3A_585] : memref<10240xi32, #tpu.memory_space<vmem>> -> memref<128xi32, #tpu.memory_space<vmem>>
    %dma_start3A_587 = arith.constant 0 : i32
    %dma_start3A_588 = tpu.memref_slice %arg9[%dma_start3A_587] : memref<100001xf32, #tpu.memory_space<hbm>> -> memref<100001xf32, #tpu.memory_space<hbm>>
    tpu.enqueue_indirect_dma source(%dma_start3A_588 : memref<100001xf32, #tpu.memory_space<hbm>>) target(%dma_start3A_584 : memref<128xf32, #tpu.memory_space<vmem>>) offsets(%dma_start3A_586 : memref<128xi32, #tpu.memory_space<vmem>>) semaphore(%arg27 : memref<!tpu.dma_semaphore, #tpu.memory_space<semaphore_mem>>)
    %dma_start3A_589 = arith.constant 7168 : i32
    %dma_start3A_590 = tpu.memref_slice %arg21[%dma_start3A_589] : memref<10240xf32, #tpu.memory_space<vmem>> -> memref<128xf32, #tpu.memory_space<vmem>>
    %dma_start3A_591 = arith.constant 7168 : i32
    %dma_start3A_592 = tpu.memref_slice %arg20[%dma_start3A_591] : memref<10240xi32, #tpu.memory_space<vmem>> -> memref<128xi32, #tpu.memory_space<vmem>>
    %dma_start3A_593 = arith.constant 0 : i32
    %dma_start3A_594 = tpu.memref_slice %arg9[%dma_start3A_593] : memref<100001xf32, #tpu.memory_space<hbm>> -> memref<100001xf32, #tpu.memory_space<hbm>>
    tpu.enqueue_indirect_dma source(%dma_start3A_594 : memref<100001xf32, #tpu.memory_space<hbm>>) target(%dma_start3A_590 : memref<128xf32, #tpu.memory_space<vmem>>) offsets(%dma_start3A_592 : memref<128xi32, #tpu.memory_space<vmem>>) semaphore(%arg27 : memref<!tpu.dma_semaphore, #tpu.memory_space<semaphore_mem>>)
    %dma_start3A_595 = arith.constant 7296 : i32
    %dma_start3A_596 = tpu.memref_slice %arg21[%dma_start3A_595] : memref<10240xf32, #tpu.memory_space<vmem>> -> memref<128xf32, #tpu.memory_space<vmem>>
    %dma_start3A_597 = arith.constant 7296 : i32
    %dma_start3A_598 = tpu.memref_slice %arg20[%dma_start3A_597] : memref<10240xi32, #tpu.memory_space<vmem>> -> memref<128xi32, #tpu.memory_space<vmem>>
    %dma_start3A_599 = arith.constant 0 : i32
    %dma_start3A_600 = tpu.memref_slice %arg9[%dma_start3A_599] : memref<100001xf32, #tpu.memory_space<hbm>> -> memref<100001xf32, #tpu.memory_space<hbm>>
    tpu.enqueue_indirect_dma source(%dma_start3A_600 : memref<100001xf32, #tpu.memory_space<hbm>>) target(%dma_start3A_596 : memref<128xf32, #tpu.memory_space<vmem>>) offsets(%dma_start3A_598 : memref<128xi32, #tpu.memory_space<vmem>>) semaphore(%arg27 : memref<!tpu.dma_semaphore, #tpu.memory_space<semaphore_mem>>)
    %dma_start3A_601 = arith.constant 7424 : i32
    %dma_start3A_602 = tpu.memref_slice %arg21[%dma_start3A_601] : memref<10240xf32, #tpu.memory_space<vmem>> -> memref<128xf32, #tpu.memory_space<vmem>>
    %dma_start3A_603 = arith.constant 7424 : i32
    %dma_start3A_604 = tpu.memref_slice %arg20[%dma_start3A_603] : memref<10240xi32, #tpu.memory_space<vmem>> -> memref<128xi32, #tpu.memory_space<vmem>>
    %dma_start3A_605 = arith.constant 0 : i32
    %dma_start3A_606 = tpu.memref_slice %arg9[%dma_start3A_605] : memref<100001xf32, #tpu.memory_space<hbm>> -> memref<100001xf32, #tpu.memory_space<hbm>>
    tpu.enqueue_indirect_dma source(%dma_start3A_606 : memref<100001xf32, #tpu.memory_space<hbm>>) target(%dma_start3A_602 : memref<128xf32, #tpu.memory_space<vmem>>) offsets(%dma_start3A_604 : memref<128xi32, #tpu.memory_space<vmem>>) semaphore(%arg27 : memref<!tpu.dma_semaphore, #tpu.memory_space<semaphore_mem>>)
    %dma_start3A_607 = arith.constant 7552 : i32
    %dma_start3A_608 = tpu.memref_slice %arg21[%dma_start3A_607] : memref<10240xf32, #tpu.memory_space<vmem>> -> memref<128xf32, #tpu.memory_space<vmem>>
    %dma_start3A_609 = arith.constant 7552 : i32
    %dma_start3A_610 = tpu.memref_slice %arg20[%dma_start3A_609] : memref<10240xi32, #tpu.memory_space<vmem>> -> memref<128xi32, #tpu.memory_space<vmem>>
    %dma_start3A_611 = arith.constant 0 : i32
    %dma_start3A_612 = tpu.memref_slice %arg9[%dma_start3A_611] : memref<100001xf32, #tpu.memory_space<hbm>> -> memref<100001xf32, #tpu.memory_space<hbm>>
    tpu.enqueue_indirect_dma source(%dma_start3A_612 : memref<100001xf32, #tpu.memory_space<hbm>>) target(%dma_start3A_608 : memref<128xf32, #tpu.memory_space<vmem>>) offsets(%dma_start3A_610 : memref<128xi32, #tpu.memory_space<vmem>>) semaphore(%arg27 : memref<!tpu.dma_semaphore, #tpu.memory_space<semaphore_mem>>)
    %dma_start3A_613 = arith.constant 7680 : i32
    %dma_start3A_614 = tpu.memref_slice %arg21[%dma_start3A_613] : memref<10240xf32, #tpu.memory_space<vmem>> -> memref<128xf32, #tpu.memory_space<vmem>>
    %dma_start3A_615 = arith.constant 7680 : i32
    %dma_start3A_616 = tpu.memref_slice %arg20[%dma_start3A_615] : memref<10240xi32, #tpu.memory_space<vmem>> -> memref<128xi32, #tpu.memory_space<vmem>>
    %dma_start3A_617 = arith.constant 0 : i32
    %dma_start3A_618 = tpu.memref_slice %arg9[%dma_start3A_617] : memref<100001xf32, #tpu.memory_space<hbm>> -> memref<100001xf32, #tpu.memory_space<hbm>>
    tpu.enqueue_indirect_dma source(%dma_start3A_618 : memref<100001xf32, #tpu.memory_space<hbm>>) target(%dma_start3A_614 : memref<128xf32, #tpu.memory_space<vmem>>) offsets(%dma_start3A_616 : memref<128xi32, #tpu.memory_space<vmem>>) semaphore(%arg27 : memref<!tpu.dma_semaphore, #tpu.memory_space<semaphore_mem>>)
    %dma_start3A_619 = arith.constant 7808 : i32
    %dma_start3A_620 = tpu.memref_slice %arg21[%dma_start3A_619] : memref<10240xf32, #tpu.memory_space<vmem>> -> memref<128xf32, #tpu.memory_space<vmem>>
    %dma_start3A_621 = arith.constant 7808 : i32
    %dma_start3A_622 = tpu.memref_slice %arg20[%dma_start3A_621] : memref<10240xi32, #tpu.memory_space<vmem>> -> memref<128xi32, #tpu.memory_space<vmem>>
    %dma_start3A_623 = arith.constant 0 : i32
    %dma_start3A_624 = tpu.memref_slice %arg9[%dma_start3A_623] : memref<100001xf32, #tpu.memory_space<hbm>> -> memref<100001xf32, #tpu.memory_space<hbm>>
    tpu.enqueue_indirect_dma source(%dma_start3A_624 : memref<100001xf32, #tpu.memory_space<hbm>>) target(%dma_start3A_620 : memref<128xf32, #tpu.memory_space<vmem>>) offsets(%dma_start3A_622 : memref<128xi32, #tpu.memory_space<vmem>>) semaphore(%arg27 : memref<!tpu.dma_semaphore, #tpu.memory_space<semaphore_mem>>)
    %dma_start3A_625 = arith.constant 7936 : i32
    %dma_start3A_626 = tpu.memref_slice %arg21[%dma_start3A_625] : memref<10240xf32, #tpu.memory_space<vmem>> -> memref<128xf32, #tpu.memory_space<vmem>>
    %dma_start3A_627 = arith.constant 7936 : i32
    %dma_start3A_628 = tpu.memref_slice %arg20[%dma_start3A_627] : memref<10240xi32, #tpu.memory_space<vmem>> -> memref<128xi32, #tpu.memory_space<vmem>>
    %dma_start3A_629 = arith.constant 0 : i32
    %dma_start3A_630 = tpu.memref_slice %arg9[%dma_start3A_629] : memref<100001xf32, #tpu.memory_space<hbm>> -> memref<100001xf32, #tpu.memory_space<hbm>>
    tpu.enqueue_indirect_dma source(%dma_start3A_630 : memref<100001xf32, #tpu.memory_space<hbm>>) target(%dma_start3A_626 : memref<128xf32, #tpu.memory_space<vmem>>) offsets(%dma_start3A_628 : memref<128xi32, #tpu.memory_space<vmem>>) semaphore(%arg27 : memref<!tpu.dma_semaphore, #tpu.memory_space<semaphore_mem>>)
    %dma_start3A_631 = arith.constant 8064 : i32
    %dma_start3A_632 = tpu.memref_slice %arg21[%dma_start3A_631] : memref<10240xf32, #tpu.memory_space<vmem>> -> memref<128xf32, #tpu.memory_space<vmem>>
    %dma_start3A_633 = arith.constant 8064 : i32
    %dma_start3A_634 = tpu.memref_slice %arg20[%dma_start3A_633] : memref<10240xi32, #tpu.memory_space<vmem>> -> memref<128xi32, #tpu.memory_space<vmem>>
    %dma_start3A_635 = arith.constant 0 : i32
    %dma_start3A_636 = tpu.memref_slice %arg9[%dma_start3A_635] : memref<100001xf32, #tpu.memory_space<hbm>> -> memref<100001xf32, #tpu.memory_space<hbm>>
    tpu.enqueue_indirect_dma source(%dma_start3A_636 : memref<100001xf32, #tpu.memory_space<hbm>>) target(%dma_start3A_632 : memref<128xf32, #tpu.memory_space<vmem>>) offsets(%dma_start3A_634 : memref<128xi32, #tpu.memory_space<vmem>>) semaphore(%arg27 : memref<!tpu.dma_semaphore, #tpu.memory_space<semaphore_mem>>)
    %dma_start3A_637 = arith.constant 8192 : i32
    %dma_start3A_638 = tpu.memref_slice %arg21[%dma_start3A_637] : memref<10240xf32, #tpu.memory_space<vmem>> -> memref<128xf32, #tpu.memory_space<vmem>>
    %dma_start3A_639 = arith.constant 8192 : i32
    %dma_start3A_640 = tpu.memref_slice %arg20[%dma_start3A_639] : memref<10240xi32, #tpu.memory_space<vmem>> -> memref<128xi32, #tpu.memory_space<vmem>>
    %dma_start3A_641 = arith.constant 0 : i32
    %dma_start3A_642 = tpu.memref_slice %arg9[%dma_start3A_641] : memref<100001xf32, #tpu.memory_space<hbm>> -> memref<100001xf32, #tpu.memory_space<hbm>>
    tpu.enqueue_indirect_dma source(%dma_start3A_642 : memref<100001xf32, #tpu.memory_space<hbm>>) target(%dma_start3A_638 : memref<128xf32, #tpu.memory_space<vmem>>) offsets(%dma_start3A_640 : memref<128xi32, #tpu.memory_space<vmem>>) semaphore(%arg27 : memref<!tpu.dma_semaphore, #tpu.memory_space<semaphore_mem>>)
    %dma_start3A_643 = arith.constant 8320 : i32
    %dma_start3A_644 = tpu.memref_slice %arg21[%dma_start3A_643] : memref<10240xf32, #tpu.memory_space<vmem>> -> memref<128xf32, #tpu.memory_space<vmem>>
    %dma_start3A_645 = arith.constant 8320 : i32
    %dma_start3A_646 = tpu.memref_slice %arg20[%dma_start3A_645] : memref<10240xi32, #tpu.memory_space<vmem>> -> memref<128xi32, #tpu.memory_space<vmem>>
    %dma_start3A_647 = arith.constant 0 : i32
    %dma_start3A_648 = tpu.memref_slice %arg9[%dma_start3A_647] : memref<100001xf32, #tpu.memory_space<hbm>> -> memref<100001xf32, #tpu.memory_space<hbm>>
    tpu.enqueue_indirect_dma source(%dma_start3A_648 : memref<100001xf32, #tpu.memory_space<hbm>>) target(%dma_start3A_644 : memref<128xf32, #tpu.memory_space<vmem>>) offsets(%dma_start3A_646 : memref<128xi32, #tpu.memory_space<vmem>>) semaphore(%arg27 : memref<!tpu.dma_semaphore, #tpu.memory_space<semaphore_mem>>)
    %dma_start3A_649 = arith.constant 8448 : i32
    %dma_start3A_650 = tpu.memref_slice %arg21[%dma_start3A_649] : memref<10240xf32, #tpu.memory_space<vmem>> -> memref<128xf32, #tpu.memory_space<vmem>>
    %dma_start3A_651 = arith.constant 8448 : i32
    %dma_start3A_652 = tpu.memref_slice %arg20[%dma_start3A_651] : memref<10240xi32, #tpu.memory_space<vmem>> -> memref<128xi32, #tpu.memory_space<vmem>>
    %dma_start3A_653 = arith.constant 0 : i32
    %dma_start3A_654 = tpu.memref_slice %arg9[%dma_start3A_653] : memref<100001xf32, #tpu.memory_space<hbm>> -> memref<100001xf32, #tpu.memory_space<hbm>>
    tpu.enqueue_indirect_dma source(%dma_start3A_654 : memref<100001xf32, #tpu.memory_space<hbm>>) target(%dma_start3A_650 : memref<128xf32, #tpu.memory_space<vmem>>) offsets(%dma_start3A_652 : memref<128xi32, #tpu.memory_space<vmem>>) semaphore(%arg27 : memref<!tpu.dma_semaphore, #tpu.memory_space<semaphore_mem>>)
    %dma_start3A_655 = arith.constant 8576 : i32
    %dma_start3A_656 = tpu.memref_slice %arg21[%dma_start3A_655] : memref<10240xf32, #tpu.memory_space<vmem>> -> memref<128xf32, #tpu.memory_space<vmem>>
    %dma_start3A_657 = arith.constant 8576 : i32
    %dma_start3A_658 = tpu.memref_slice %arg20[%dma_start3A_657] : memref<10240xi32, #tpu.memory_space<vmem>> -> memref<128xi32, #tpu.memory_space<vmem>>
    %dma_start3A_659 = arith.constant 0 : i32
    %dma_start3A_660 = tpu.memref_slice %arg9[%dma_start3A_659] : memref<100001xf32, #tpu.memory_space<hbm>> -> memref<100001xf32, #tpu.memory_space<hbm>>
    tpu.enqueue_indirect_dma source(%dma_start3A_660 : memref<100001xf32, #tpu.memory_space<hbm>>) target(%dma_start3A_656 : memref<128xf32, #tpu.memory_space<vmem>>) offsets(%dma_start3A_658 : memref<128xi32, #tpu.memory_space<vmem>>) semaphore(%arg27 : memref<!tpu.dma_semaphore, #tpu.memory_space<semaphore_mem>>)
    %dma_start3A_661 = arith.constant 8704 : i32
    %dma_start3A_662 = tpu.memref_slice %arg21[%dma_start3A_661] : memref<10240xf32, #tpu.memory_space<vmem>> -> memref<128xf32, #tpu.memory_space<vmem>>
    %dma_start3A_663 = arith.constant 8704 : i32
    %dma_start3A_664 = tpu.memref_slice %arg20[%dma_start3A_663] : memref<10240xi32, #tpu.memory_space<vmem>> -> memref<128xi32, #tpu.memory_space<vmem>>
    %dma_start3A_665 = arith.constant 0 : i32
    %dma_start3A_666 = tpu.memref_slice %arg9[%dma_start3A_665] : memref<100001xf32, #tpu.memory_space<hbm>> -> memref<100001xf32, #tpu.memory_space<hbm>>
    tpu.enqueue_indirect_dma source(%dma_start3A_666 : memref<100001xf32, #tpu.memory_space<hbm>>) target(%dma_start3A_662 : memref<128xf32, #tpu.memory_space<vmem>>) offsets(%dma_start3A_664 : memref<128xi32, #tpu.memory_space<vmem>>) semaphore(%arg27 : memref<!tpu.dma_semaphore, #tpu.memory_space<semaphore_mem>>)
    %dma_start3A_667 = arith.constant 8832 : i32
    %dma_start3A_668 = tpu.memref_slice %arg21[%dma_start3A_667] : memref<10240xf32, #tpu.memory_space<vmem>> -> memref<128xf32, #tpu.memory_space<vmem>>
    %dma_start3A_669 = arith.constant 8832 : i32
    %dma_start3A_670 = tpu.memref_slice %arg20[%dma_start3A_669] : memref<10240xi32, #tpu.memory_space<vmem>> -> memref<128xi32, #tpu.memory_space<vmem>>
    %dma_start3A_671 = arith.constant 0 : i32
    %dma_start3A_672 = tpu.memref_slice %arg9[%dma_start3A_671] : memref<100001xf32, #tpu.memory_space<hbm>> -> memref<100001xf32, #tpu.memory_space<hbm>>
    tpu.enqueue_indirect_dma source(%dma_start3A_672 : memref<100001xf32, #tpu.memory_space<hbm>>) target(%dma_start3A_668 : memref<128xf32, #tpu.memory_space<vmem>>) offsets(%dma_start3A_670 : memref<128xi32, #tpu.memory_space<vmem>>) semaphore(%arg27 : memref<!tpu.dma_semaphore, #tpu.memory_space<semaphore_mem>>)
    %dma_start3A_673 = arith.constant 8960 : i32
    %dma_start3A_674 = tpu.memref_slice %arg21[%dma_start3A_673] : memref<10240xf32, #tpu.memory_space<vmem>> -> memref<128xf32, #tpu.memory_space<vmem>>
    %dma_start3A_675 = arith.constant 8960 : i32
    %dma_start3A_676 = tpu.memref_slice %arg20[%dma_start3A_675] : memref<10240xi32, #tpu.memory_space<vmem>> -> memref<128xi32, #tpu.memory_space<vmem>>
    %dma_start3A_677 = arith.constant 0 : i32
    %dma_start3A_678 = tpu.memref_slice %arg9[%dma_start3A_677] : memref<100001xf32, #tpu.memory_space<hbm>> -> memref<100001xf32, #tpu.memory_space<hbm>>
    tpu.enqueue_indirect_dma source(%dma_start3A_678 : memref<100001xf32, #tpu.memory_space<hbm>>) target(%dma_start3A_674 : memref<128xf32, #tpu.memory_space<vmem>>) offsets(%dma_start3A_676 : memref<128xi32, #tpu.memory_space<vmem>>) semaphore(%arg27 : memref<!tpu.dma_semaphore, #tpu.memory_space<semaphore_mem>>)
    %dma_start3A_679 = arith.constant 9088 : i32
    %dma_start3A_680 = tpu.memref_slice %arg21[%dma_start3A_679] : memref<10240xf32, #tpu.memory_space<vmem>> -> memref<128xf32, #tpu.memory_space<vmem>>
    %dma_start3A_681 = arith.constant 9088 : i32
    %dma_start3A_682 = tpu.memref_slice %arg20[%dma_start3A_681] : memref<10240xi32, #tpu.memory_space<vmem>> -> memref<128xi32, #tpu.memory_space<vmem>>
    %dma_start3A_683 = arith.constant 0 : i32
    %dma_start3A_684 = tpu.memref_slice %arg9[%dma_start3A_683] : memref<100001xf32, #tpu.memory_space<hbm>> -> memref<100001xf32, #tpu.memory_space<hbm>>
    tpu.enqueue_indirect_dma source(%dma_start3A_684 : memref<100001xf32, #tpu.memory_space<hbm>>) target(%dma_start3A_680 : memref<128xf32, #tpu.memory_space<vmem>>) offsets(%dma_start3A_682 : memref<128xi32, #tpu.memory_space<vmem>>) semaphore(%arg27 : memref<!tpu.dma_semaphore, #tpu.memory_space<semaphore_mem>>)
    %dma_start3A_685 = arith.constant 9216 : i32
    %dma_start3A_686 = tpu.memref_slice %arg21[%dma_start3A_685] : memref<10240xf32, #tpu.memory_space<vmem>> -> memref<128xf32, #tpu.memory_space<vmem>>
    %dma_start3A_687 = arith.constant 9216 : i32
    %dma_start3A_688 = tpu.memref_slice %arg20[%dma_start3A_687] : memref<10240xi32, #tpu.memory_space<vmem>> -> memref<128xi32, #tpu.memory_space<vmem>>
    %dma_start3A_689 = arith.constant 0 : i32
    %dma_start3A_690 = tpu.memref_slice %arg9[%dma_start3A_689] : memref<100001xf32, #tpu.memory_space<hbm>> -> memref<100001xf32, #tpu.memory_space<hbm>>
    tpu.enqueue_indirect_dma source(%dma_start3A_690 : memref<100001xf32, #tpu.memory_space<hbm>>) target(%dma_start3A_686 : memref<128xf32, #tpu.memory_space<vmem>>) offsets(%dma_start3A_688 : memref<128xi32, #tpu.memory_space<vmem>>) semaphore(%arg27 : memref<!tpu.dma_semaphore, #tpu.memory_space<semaphore_mem>>)
    %dma_start3A_691 = arith.constant 9344 : i32
    %dma_start3A_692 = tpu.memref_slice %arg21[%dma_start3A_691] : memref<10240xf32, #tpu.memory_space<vmem>> -> memref<128xf32, #tpu.memory_space<vmem>>
    %dma_start3A_693 = arith.constant 9344 : i32
    %dma_start3A_694 = tpu.memref_slice %arg20[%dma_start3A_693] : memref<10240xi32, #tpu.memory_space<vmem>> -> memref<128xi32, #tpu.memory_space<vmem>>
    %dma_start3A_695 = arith.constant 0 : i32
    %dma_start3A_696 = tpu.memref_slice %arg9[%dma_start3A_695] : memref<100001xf32, #tpu.memory_space<hbm>> -> memref<100001xf32, #tpu.memory_space<hbm>>
    tpu.enqueue_indirect_dma source(%dma_start3A_696 : memref<100001xf32, #tpu.memory_space<hbm>>) target(%dma_start3A_692 : memref<128xf32, #tpu.memory_space<vmem>>) offsets(%dma_start3A_694 : memref<128xi32, #tpu.memory_space<vmem>>) semaphore(%arg27 : memref<!tpu.dma_semaphore, #tpu.memory_space<semaphore_mem>>)
    %dma_start3A_697 = arith.constant 9472 : i32
    %dma_start3A_698 = tpu.memref_slice %arg21[%dma_start3A_697] : memref<10240xf32, #tpu.memory_space<vmem>> -> memref<128xf32, #tpu.memory_space<vmem>>
    %dma_start3A_699 = arith.constant 9472 : i32
    %dma_start3A_700 = tpu.memref_slice %arg20[%dma_start3A_699] : memref<10240xi32, #tpu.memory_space<vmem>> -> memref<128xi32, #tpu.memory_space<vmem>>
    %dma_start3A_701 = arith.constant 0 : i32
    %dma_start3A_702 = tpu.memref_slice %arg9[%dma_start3A_701] : memref<100001xf32, #tpu.memory_space<hbm>> -> memref<100001xf32, #tpu.memory_space<hbm>>
    tpu.enqueue_indirect_dma source(%dma_start3A_702 : memref<100001xf32, #tpu.memory_space<hbm>>) target(%dma_start3A_698 : memref<128xf32, #tpu.memory_space<vmem>>) offsets(%dma_start3A_700 : memref<128xi32, #tpu.memory_space<vmem>>) semaphore(%arg27 : memref<!tpu.dma_semaphore, #tpu.memory_space<semaphore_mem>>)
    %dma_start3A_703 = arith.constant 9600 : i32
    %dma_start3A_704 = tpu.memref_slice %arg21[%dma_start3A_703] : memref<10240xf32, #tpu.memory_space<vmem>> -> memref<128xf32, #tpu.memory_space<vmem>>
    %dma_start3A_705 = arith.constant 9600 : i32
    %dma_start3A_706 = tpu.memref_slice %arg20[%dma_start3A_705] : memref<10240xi32, #tpu.memory_space<vmem>> -> memref<128xi32, #tpu.memory_space<vmem>>
    %dma_start3A_707 = arith.constant 0 : i32
    %dma_start3A_708 = tpu.memref_slice %arg9[%dma_start3A_707] : memref<100001xf32, #tpu.memory_space<hbm>> -> memref<100001xf32, #tpu.memory_space<hbm>>
    tpu.enqueue_indirect_dma source(%dma_start3A_708 : memref<100001xf32, #tpu.memory_space<hbm>>) target(%dma_start3A_704 : memref<128xf32, #tpu.memory_space<vmem>>) offsets(%dma_start3A_706 : memref<128xi32, #tpu.memory_space<vmem>>) semaphore(%arg27 : memref<!tpu.dma_semaphore, #tpu.memory_space<semaphore_mem>>)
    %dma_start3A_709 = arith.constant 9728 : i32
    %dma_start3A_710 = tpu.memref_slice %arg21[%dma_start3A_709] : memref<10240xf32, #tpu.memory_space<vmem>> -> memref<128xf32, #tpu.memory_space<vmem>>
    %dma_start3A_711 = arith.constant 9728 : i32
    %dma_start3A_712 = tpu.memref_slice %arg20[%dma_start3A_711] : memref<10240xi32, #tpu.memory_space<vmem>> -> memref<128xi32, #tpu.memory_space<vmem>>
    %dma_start3A_713 = arith.constant 0 : i32
    %dma_start3A_714 = tpu.memref_slice %arg9[%dma_start3A_713] : memref<100001xf32, #tpu.memory_space<hbm>> -> memref<100001xf32, #tpu.memory_space<hbm>>
    tpu.enqueue_indirect_dma source(%dma_start3A_714 : memref<100001xf32, #tpu.memory_space<hbm>>) target(%dma_start3A_710 : memref<128xf32, #tpu.memory_space<vmem>>) offsets(%dma_start3A_712 : memref<128xi32, #tpu.memory_space<vmem>>) semaphore(%arg27 : memref<!tpu.dma_semaphore, #tpu.memory_space<semaphore_mem>>)
    %dma_start3A_715 = arith.constant 9856 : i32
    %dma_start3A_716 = tpu.memref_slice %arg21[%dma_start3A_715] : memref<10240xf32, #tpu.memory_space<vmem>> -> memref<128xf32, #tpu.memory_space<vmem>>
    %dma_start3A_717 = arith.constant 9856 : i32
    %dma_start3A_718 = tpu.memref_slice %arg20[%dma_start3A_717] : memref<10240xi32, #tpu.memory_space<vmem>> -> memref<128xi32, #tpu.memory_space<vmem>>
    %dma_start3A_719 = arith.constant 0 : i32
    %dma_start3A_720 = tpu.memref_slice %arg9[%dma_start3A_719] : memref<100001xf32, #tpu.memory_space<hbm>> -> memref<100001xf32, #tpu.memory_space<hbm>>
    tpu.enqueue_indirect_dma source(%dma_start3A_720 : memref<100001xf32, #tpu.memory_space<hbm>>) target(%dma_start3A_716 : memref<128xf32, #tpu.memory_space<vmem>>) offsets(%dma_start3A_718 : memref<128xi32, #tpu.memory_space<vmem>>) semaphore(%arg27 : memref<!tpu.dma_semaphore, #tpu.memory_space<semaphore_mem>>)
    %dma_start3A_721 = arith.constant 9984 : i32
    %dma_start3A_722 = tpu.memref_slice %arg21[%dma_start3A_721] : memref<10240xf32, #tpu.memory_space<vmem>> -> memref<128xf32, #tpu.memory_space<vmem>>
    %dma_start3A_723 = arith.constant 9984 : i32
    %dma_start3A_724 = tpu.memref_slice %arg20[%dma_start3A_723] : memref<10240xi32, #tpu.memory_space<vmem>> -> memref<128xi32, #tpu.memory_space<vmem>>
    %dma_start3A_725 = arith.constant 0 : i32
    %dma_start3A_726 = tpu.memref_slice %arg9[%dma_start3A_725] : memref<100001xf32, #tpu.memory_space<hbm>> -> memref<100001xf32, #tpu.memory_space<hbm>>
    tpu.enqueue_indirect_dma source(%dma_start3A_726 : memref<100001xf32, #tpu.memory_space<hbm>>) target(%dma_start3A_722 : memref<128xf32, #tpu.memory_space<vmem>>) offsets(%dma_start3A_724 : memref<128xi32, #tpu.memory_space<vmem>>) semaphore(%arg27 : memref<!tpu.dma_semaphore, #tpu.memory_space<semaphore_mem>>)
    %dma_start3A_727 = arith.constant 10112 : i32
    %dma_start3A_728 = tpu.memref_slice %arg21[%dma_start3A_727] : memref<10240xf32, #tpu.memory_space<vmem>> -> memref<128xf32, #tpu.memory_space<vmem>>
    %dma_start3A_729 = arith.constant 10112 : i32
    %dma_start3A_730 = tpu.memref_slice %arg20[%dma_start3A_729] : memref<10240xi32, #tpu.memory_space<vmem>> -> memref<128xi32, #tpu.memory_space<vmem>>
    %dma_start3A_731 = arith.constant 0 : i32
    %dma_start3A_732 = tpu.memref_slice %arg9[%dma_start3A_731] : memref<100001xf32, #tpu.memory_space<hbm>> -> memref<100001xf32, #tpu.memory_space<hbm>>
    tpu.enqueue_indirect_dma source(%dma_start3A_732 : memref<100001xf32, #tpu.memory_space<hbm>>) target(%dma_start3A_728 : memref<128xf32, #tpu.memory_space<vmem>>) offsets(%dma_start3A_730 : memref<128xi32, #tpu.memory_space<vmem>>) semaphore(%arg27 : memref<!tpu.dma_semaphore, #tpu.memory_space<semaphore_mem>>)
    %dma_wait3A_733 = arith.constant 0 : i32
    %dma_wait3A_734 = arith.constant 0 : i32
    %dma_wait3A_735 = tpu.memref_slice %arg14[%dma_wait3A_733, %dma_wait3A_734] : memref<512x64xf32, #tpu.memory_space<vmem>> -> memref<128x64xf32, #tpu.memory_space<vmem>>
    %dma_wait3A_736 = arith.constant 0 : i32
    %dma_wait3A_737 = tpu.memref_slice %arg12[%dma_wait3A_736] : memref<512xi32, #tpu.memory_space<vmem>> -> memref<128xi32, #tpu.memory_space<vmem>>
    %dma_wait3A_738 = arith.constant 0 : i32
    %dma_wait3A_739 = arith.constant 0 : i32
    %dma_wait3A_740 = tpu.memref_slice %arg5[%dma_wait3A_738, %dma_wait3A_739] : memref<100001x64xf32, #tpu.memory_space<hbm>> -> memref<100001x64xf32, #tpu.memory_space<hbm>>
    tpu.wait_indirect_dma semaphore(%arg24 : memref<!tpu.dma_semaphore, #tpu.memory_space<semaphore_mem>>) src(%dma_wait3A_740 : memref<100001x64xf32, #tpu.memory_space<hbm>>) dst(%dma_wait3A_735 : memref<128x64xf32, #tpu.memory_space<vmem>>)
    %dma_wait3A_741 = arith.constant 0 : i32
    %dma_wait3A_742 = arith.constant 0 : i32
    %dma_wait3A_743 = tpu.memref_slice %arg15[%dma_wait3A_741, %dma_wait3A_742] : memref<512x64xf32, #tpu.memory_space<vmem>> -> memref<128x64xf32, #tpu.memory_space<vmem>>
    %dma_wait3A_744 = arith.constant 0 : i32
    %dma_wait3A_745 = tpu.memref_slice %arg13[%dma_wait3A_744] : memref<512xi32, #tpu.memory_space<vmem>> -> memref<128xi32, #tpu.memory_space<vmem>>
    %dma_wait3A_746 = arith.constant 0 : i32
    %dma_wait3A_747 = arith.constant 0 : i32
    %dma_wait3A_748 = tpu.memref_slice %arg6[%dma_wait3A_746, %dma_wait3A_747] : memref<100000x64xf32, #tpu.memory_space<hbm>> -> memref<100000x64xf32, #tpu.memory_space<hbm>>
    tpu.wait_indirect_dma semaphore(%arg24 : memref<!tpu.dma_semaphore, #tpu.memory_space<semaphore_mem>>) src(%dma_wait3A_748 : memref<100000x64xf32, #tpu.memory_space<hbm>>) dst(%dma_wait3A_743 : memref<128x64xf32, #tpu.memory_space<vmem>>)
    %dma_wait3A_749 = arith.constant 128 : i32
    %dma_wait3A_750 = arith.constant 0 : i32
    %dma_wait3A_751 = tpu.memref_slice %arg14[%dma_wait3A_749, %dma_wait3A_750] : memref<512x64xf32, #tpu.memory_space<vmem>> -> memref<128x64xf32, #tpu.memory_space<vmem>>
    %dma_wait3A_752 = arith.constant 128 : i32
    %dma_wait3A_753 = tpu.memref_slice %arg12[%dma_wait3A_752] : memref<512xi32, #tpu.memory_space<vmem>> -> memref<128xi32, #tpu.memory_space<vmem>>
    %dma_wait3A_754 = arith.constant 0 : i32
    %dma_wait3A_755 = arith.constant 0 : i32
    %dma_wait3A_756 = tpu.memref_slice %arg5[%dma_wait3A_754, %dma_wait3A_755] : memref<100001x64xf32, #tpu.memory_space<hbm>> -> memref<100001x64xf32, #tpu.memory_space<hbm>>
    tpu.wait_indirect_dma semaphore(%arg24 : memref<!tpu.dma_semaphore, #tpu.memory_space<semaphore_mem>>) src(%dma_wait3A_756 : memref<100001x64xf32, #tpu.memory_space<hbm>>) dst(%dma_wait3A_751 : memref<128x64xf32, #tpu.memory_space<vmem>>)
    %dma_wait3A_757 = arith.constant 128 : i32
    %dma_wait3A_758 = arith.constant 0 : i32
    %dma_wait3A_759 = tpu.memref_slice %arg15[%dma_wait3A_757, %dma_wait3A_758] : memref<512x64xf32, #tpu.memory_space<vmem>> -> memref<128x64xf32, #tpu.memory_space<vmem>>
    %dma_wait3A_760 = arith.constant 128 : i32
    %dma_wait3A_761 = tpu.memref_slice %arg13[%dma_wait3A_760] : memref<512xi32, #tpu.memory_space<vmem>> -> memref<128xi32, #tpu.memory_space<vmem>>
    %dma_wait3A_762 = arith.constant 0 : i32
    %dma_wait3A_763 = arith.constant 0 : i32
    %dma_wait3A_764 = tpu.memref_slice %arg6[%dma_wait3A_762, %dma_wait3A_763] : memref<100000x64xf32, #tpu.memory_space<hbm>> -> memref<100000x64xf32, #tpu.memory_space<hbm>>
    tpu.wait_indirect_dma semaphore(%arg24 : memref<!tpu.dma_semaphore, #tpu.memory_space<semaphore_mem>>) src(%dma_wait3A_764 : memref<100000x64xf32, #tpu.memory_space<hbm>>) dst(%dma_wait3A_759 : memref<128x64xf32, #tpu.memory_space<vmem>>)
    %dma_wait3A_765 = arith.constant 256 : i32
    %dma_wait3A_766 = arith.constant 0 : i32
    %dma_wait3A_767 = tpu.memref_slice %arg14[%dma_wait3A_765, %dma_wait3A_766] : memref<512x64xf32, #tpu.memory_space<vmem>> -> memref<128x64xf32, #tpu.memory_space<vmem>>
    %dma_wait3A_768 = arith.constant 256 : i32
    %dma_wait3A_769 = tpu.memref_slice %arg12[%dma_wait3A_768] : memref<512xi32, #tpu.memory_space<vmem>> -> memref<128xi32, #tpu.memory_space<vmem>>
    %dma_wait3A_770 = arith.constant 0 : i32
    %dma_wait3A_771 = arith.constant 0 : i32
    %dma_wait3A_772 = tpu.memref_slice %arg5[%dma_wait3A_770, %dma_wait3A_771] : memref<100001x64xf32, #tpu.memory_space<hbm>> -> memref<100001x64xf32, #tpu.memory_space<hbm>>
    tpu.wait_indirect_dma semaphore(%arg24 : memref<!tpu.dma_semaphore, #tpu.memory_space<semaphore_mem>>) src(%dma_wait3A_772 : memref<100001x64xf32, #tpu.memory_space<hbm>>) dst(%dma_wait3A_767 : memref<128x64xf32, #tpu.memory_space<vmem>>)
    %dma_wait3A_773 = arith.constant 256 : i32
    %dma_wait3A_774 = arith.constant 0 : i32
    %dma_wait3A_775 = tpu.memref_slice %arg15[%dma_wait3A_773, %dma_wait3A_774] : memref<512x64xf32, #tpu.memory_space<vmem>> -> memref<128x64xf32, #tpu.memory_space<vmem>>
    %dma_wait3A_776 = arith.constant 256 : i32
    %dma_wait3A_777 = tpu.memref_slice %arg13[%dma_wait3A_776] : memref<512xi32, #tpu.memory_space<vmem>> -> memref<128xi32, #tpu.memory_space<vmem>>
    %dma_wait3A_778 = arith.constant 0 : i32
    %dma_wait3A_779 = arith.constant 0 : i32
    %dma_wait3A_780 = tpu.memref_slice %arg6[%dma_wait3A_778, %dma_wait3A_779] : memref<100000x64xf32, #tpu.memory_space<hbm>> -> memref<100000x64xf32, #tpu.memory_space<hbm>>
    tpu.wait_indirect_dma semaphore(%arg24 : memref<!tpu.dma_semaphore, #tpu.memory_space<semaphore_mem>>) src(%dma_wait3A_780 : memref<100000x64xf32, #tpu.memory_space<hbm>>) dst(%dma_wait3A_775 : memref<128x64xf32, #tpu.memory_space<vmem>>)
    %dma_wait3A_781 = arith.constant 384 : i32
    %dma_wait3A_782 = arith.constant 0 : i32
    %dma_wait3A_783 = tpu.memref_slice %arg14[%dma_wait3A_781, %dma_wait3A_782] : memref<512x64xf32, #tpu.memory_space<vmem>> -> memref<128x64xf32, #tpu.memory_space<vmem>>
    %dma_wait3A_784 = arith.constant 384 : i32
    %dma_wait3A_785 = tpu.memref_slice %arg12[%dma_wait3A_784] : memref<512xi32, #tpu.memory_space<vmem>> -> memref<128xi32, #tpu.memory_space<vmem>>
    %dma_wait3A_786 = arith.constant 0 : i32
    %dma_wait3A_787 = arith.constant 0 : i32
    %dma_wait3A_788 = tpu.memref_slice %arg5[%dma_wait3A_786, %dma_wait3A_787] : memref<100001x64xf32, #tpu.memory_space<hbm>> -> memref<100001x64xf32, #tpu.memory_space<hbm>>
    tpu.wait_indirect_dma semaphore(%arg24 : memref<!tpu.dma_semaphore, #tpu.memory_space<semaphore_mem>>) src(%dma_wait3A_788 : memref<100001x64xf32, #tpu.memory_space<hbm>>) dst(%dma_wait3A_783 : memref<128x64xf32, #tpu.memory_space<vmem>>)
    %dma_wait3A_789 = arith.constant 384 : i32
    %dma_wait3A_790 = arith.constant 0 : i32
    %dma_wait3A_791 = tpu.memref_slice %arg15[%dma_wait3A_789, %dma_wait3A_790] : memref<512x64xf32, #tpu.memory_space<vmem>> -> memref<128x64xf32, #tpu.memory_space<vmem>>
    %dma_wait3A_792 = arith.constant 384 : i32
    %dma_wait3A_793 = tpu.memref_slice %arg13[%dma_wait3A_792] : memref<512xi32, #tpu.memory_space<vmem>> -> memref<128xi32, #tpu.memory_space<vmem>>
    %dma_wait3A_794 = arith.constant 0 : i32
    %dma_wait3A_795 = arith.constant 0 : i32
    %dma_wait3A_796 = tpu.memref_slice %arg6[%dma_wait3A_794, %dma_wait3A_795] : memref<100000x64xf32, #tpu.memory_space<hbm>> -> memref<100000x64xf32, #tpu.memory_space<hbm>>
    tpu.wait_indirect_dma semaphore(%arg24 : memref<!tpu.dma_semaphore, #tpu.memory_space<semaphore_mem>>) src(%dma_wait3A_796 : memref<100000x64xf32, #tpu.memory_space<hbm>>) dst(%dma_wait3A_791 : memref<128x64xf32, #tpu.memory_space<vmem>>)
    %dma_wait3A_797 = arith.constant 0 : i32
    %dma_wait3A_798 = tpu.memref_slice %arg16[%dma_wait3A_797] : memref<512xf32, #tpu.memory_space<vmem>> -> memref<128xf32, #tpu.memory_space<vmem>>
    %dma_wait3A_799 = arith.constant 0 : i32
    %dma_wait3A_800 = tpu.memref_slice %arg12[%dma_wait3A_799] : memref<512xi32, #tpu.memory_space<vmem>> -> memref<128xi32, #tpu.memory_space<vmem>>
    %dma_wait3A_801 = arith.constant 0 : i32
    %dma_wait3A_802 = tpu.memref_slice %arg7[%dma_wait3A_801] : memref<100001xf32, #tpu.memory_space<hbm>> -> memref<100001xf32, #tpu.memory_space<hbm>>
    tpu.wait_indirect_dma semaphore(%arg25 : memref<!tpu.dma_semaphore, #tpu.memory_space<semaphore_mem>>) src(%dma_wait3A_802 : memref<100001xf32, #tpu.memory_space<hbm>>) dst(%dma_wait3A_798 : memref<128xf32, #tpu.memory_space<vmem>>)
    %dma_wait3A_803 = arith.constant 0 : i32
    %dma_wait3A_804 = tpu.memref_slice %arg17[%dma_wait3A_803] : memref<512xf32, #tpu.memory_space<vmem>> -> memref<128xf32, #tpu.memory_space<vmem>>
    %dma_wait3A_805 = arith.constant 0 : i32
    %dma_wait3A_806 = tpu.memref_slice %arg13[%dma_wait3A_805] : memref<512xi32, #tpu.memory_space<vmem>> -> memref<128xi32, #tpu.memory_space<vmem>>
    %dma_wait3A_807 = arith.constant 0 : i32
    %dma_wait3A_808 = tpu.memref_slice %arg8[%dma_wait3A_807] : memref<100000xf32, #tpu.memory_space<hbm>> -> memref<100000xf32, #tpu.memory_space<hbm>>
    tpu.wait_indirect_dma semaphore(%arg25 : memref<!tpu.dma_semaphore, #tpu.memory_space<semaphore_mem>>) src(%dma_wait3A_808 : memref<100000xf32, #tpu.memory_space<hbm>>) dst(%dma_wait3A_804 : memref<128xf32, #tpu.memory_space<vmem>>)
    %dma_wait3A_809 = arith.constant 128 : i32
    %dma_wait3A_810 = tpu.memref_slice %arg16[%dma_wait3A_809] : memref<512xf32, #tpu.memory_space<vmem>> -> memref<128xf32, #tpu.memory_space<vmem>>
    %dma_wait3A_811 = arith.constant 128 : i32
    %dma_wait3A_812 = tpu.memref_slice %arg12[%dma_wait3A_811] : memref<512xi32, #tpu.memory_space<vmem>> -> memref<128xi32, #tpu.memory_space<vmem>>
    %dma_wait3A_813 = arith.constant 0 : i32
    %dma_wait3A_814 = tpu.memref_slice %arg7[%dma_wait3A_813] : memref<100001xf32, #tpu.memory_space<hbm>> -> memref<100001xf32, #tpu.memory_space<hbm>>
    tpu.wait_indirect_dma semaphore(%arg25 : memref<!tpu.dma_semaphore, #tpu.memory_space<semaphore_mem>>) src(%dma_wait3A_814 : memref<100001xf32, #tpu.memory_space<hbm>>) dst(%dma_wait3A_810 : memref<128xf32, #tpu.memory_space<vmem>>)
    %dma_wait3A_815 = arith.constant 128 : i32
    %dma_wait3A_816 = tpu.memref_slice %arg17[%dma_wait3A_815] : memref<512xf32, #tpu.memory_space<vmem>> -> memref<128xf32, #tpu.memory_space<vmem>>
    %dma_wait3A_817 = arith.constant 128 : i32
    %dma_wait3A_818 = tpu.memref_slice %arg13[%dma_wait3A_817] : memref<512xi32, #tpu.memory_space<vmem>> -> memref<128xi32, #tpu.memory_space<vmem>>
    %dma_wait3A_819 = arith.constant 0 : i32
    %dma_wait3A_820 = tpu.memref_slice %arg8[%dma_wait3A_819] : memref<100000xf32, #tpu.memory_space<hbm>> -> memref<100000xf32, #tpu.memory_space<hbm>>
    tpu.wait_indirect_dma semaphore(%arg25 : memref<!tpu.dma_semaphore, #tpu.memory_space<semaphore_mem>>) src(%dma_wait3A_820 : memref<100000xf32, #tpu.memory_space<hbm>>) dst(%dma_wait3A_816 : memref<128xf32, #tpu.memory_space<vmem>>)
    %dma_wait3A_821 = arith.constant 256 : i32
    %dma_wait3A_822 = tpu.memref_slice %arg16[%dma_wait3A_821] : memref<512xf32, #tpu.memory_space<vmem>> -> memref<128xf32, #tpu.memory_space<vmem>>
    %dma_wait3A_823 = arith.constant 256 : i32
    %dma_wait3A_824 = tpu.memref_slice %arg12[%dma_wait3A_823] : memref<512xi32, #tpu.memory_space<vmem>> -> memref<128xi32, #tpu.memory_space<vmem>>
    %dma_wait3A_825 = arith.constant 0 : i32
    %dma_wait3A_826 = tpu.memref_slice %arg7[%dma_wait3A_825] : memref<100001xf32, #tpu.memory_space<hbm>> -> memref<100001xf32, #tpu.memory_space<hbm>>
    tpu.wait_indirect_dma semaphore(%arg25 : memref<!tpu.dma_semaphore, #tpu.memory_space<semaphore_mem>>) src(%dma_wait3A_826 : memref<100001xf32, #tpu.memory_space<hbm>>) dst(%dma_wait3A_822 : memref<128xf32, #tpu.memory_space<vmem>>)
    %dma_wait3A_827 = arith.constant 256 : i32
    %dma_wait3A_828 = tpu.memref_slice %arg17[%dma_wait3A_827] : memref<512xf32, #tpu.memory_space<vmem>> -> memref<128xf32, #tpu.memory_space<vmem>>
    %dma_wait3A_829 = arith.constant 256 : i32
    %dma_wait3A_830 = tpu.memref_slice %arg13[%dma_wait3A_829] : memref<512xi32, #tpu.memory_space<vmem>> -> memref<128xi32, #tpu.memory_space<vmem>>
    %dma_wait3A_831 = arith.constant 0 : i32
    %dma_wait3A_832 = tpu.memref_slice %arg8[%dma_wait3A_831] : memref<100000xf32, #tpu.memory_space<hbm>> -> memref<100000xf32, #tpu.memory_space<hbm>>
    tpu.wait_indirect_dma semaphore(%arg25 : memref<!tpu.dma_semaphore, #tpu.memory_space<semaphore_mem>>) src(%dma_wait3A_832 : memref<100000xf32, #tpu.memory_space<hbm>>) dst(%dma_wait3A_828 : memref<128xf32, #tpu.memory_space<vmem>>)
    %dma_wait3A_833 = arith.constant 384 : i32
    %dma_wait3A_834 = tpu.memref_slice %arg16[%dma_wait3A_833] : memref<512xf32, #tpu.memory_space<vmem>> -> memref<128xf32, #tpu.memory_space<vmem>>
    %dma_wait3A_835 = arith.constant 384 : i32
    %dma_wait3A_836 = tpu.memref_slice %arg12[%dma_wait3A_835] : memref<512xi32, #tpu.memory_space<vmem>> -> memref<128xi32, #tpu.memory_space<vmem>>
    %dma_wait3A_837 = arith.constant 0 : i32
    %dma_wait3A_838 = tpu.memref_slice %arg7[%dma_wait3A_837] : memref<100001xf32, #tpu.memory_space<hbm>> -> memref<100001xf32, #tpu.memory_space<hbm>>
    tpu.wait_indirect_dma semaphore(%arg25 : memref<!tpu.dma_semaphore, #tpu.memory_space<semaphore_mem>>) src(%dma_wait3A_838 : memref<100001xf32, #tpu.memory_space<hbm>>) dst(%dma_wait3A_834 : memref<128xf32, #tpu.memory_space<vmem>>)
    %dma_wait3A_839 = arith.constant 384 : i32
    %dma_wait3A_840 = tpu.memref_slice %arg17[%dma_wait3A_839] : memref<512xf32, #tpu.memory_space<vmem>> -> memref<128xf32, #tpu.memory_space<vmem>>
    %dma_wait3A_841 = arith.constant 384 : i32
    %dma_wait3A_842 = tpu.memref_slice %arg13[%dma_wait3A_841] : memref<512xi32, #tpu.memory_space<vmem>> -> memref<128xi32, #tpu.memory_space<vmem>>
    %dma_wait3A_843 = arith.constant 0 : i32
    %dma_wait3A_844 = tpu.memref_slice %arg8[%dma_wait3A_843] : memref<100000xf32, #tpu.memory_space<hbm>> -> memref<100000xf32, #tpu.memory_space<hbm>>
    tpu.wait_indirect_dma semaphore(%arg25 : memref<!tpu.dma_semaphore, #tpu.memory_space<semaphore_mem>>) src(%dma_wait3A_844 : memref<100000xf32, #tpu.memory_space<hbm>>) dst(%dma_wait3A_840 : memref<128xf32, #tpu.memory_space<vmem>>)
    %get3A = arith.constant 0 : index
    %get3A_845 = tpu.vector_load %arg23[%get3A] {strides = array<i32>} : memref<16xf32, #tpu.memory_space<vmem>>, vector<16xf32>,
    %slice3A = vector.extract_strided_slice %get3A_845 {offsets = [0], sizes = [1], strides = [1]} : vector<16xf32> to vector<1xf32>
    %squeeze3A = vector.extract %slice3A[0] : f32 from vector<1xf32>
    %scan3A_846 = arith.constant 0 : i32
    %scan3A_847 = arith.constant 0 : i32
    %scan3A_848 = arith.constant 32 : i32
    %scan3A_849 = arith.addi %scan3A_847, %scan3A_848 : i32
    %scan3A_850 = arith.constant 1 : i32
    scf.for %scan3A_1338 = %scan3A_847 to %scan3A_849 step %scan3A_850  : i32 {
      %mul3A_1339 = arith.constant 16 : i32
      %mul3A_1340 = arith.muli %scan3A_1338, %mul3A_1339 : i32
      %add3A_1341 = arith.constant 0 : i32
      %add3A_1342 = arith.addi %mul3A_1340, %add3A_1341 : i32
      %get3A_1343 = arith.index_cast %add3A_1342 : i32 to index
      %get3A_1344 = arith.constant 0 : index
      %get3A_1345 = tpu.vector_load %arg14[%get3A_1343, %get3A_1344] {strides = array<i32>} : memref<512x64xf32, #tpu.memory_space<vmem>>, vector<16xf32>,
      %get3A_1346 = arith.index_cast %add3A_1342 : i32 to index
      %get3A_1347 = arith.constant 16 : index
      %get3A_1348 = tpu.vector_load %arg14[%get3A_1346, %get3A_1347] {strides = array<i32>} : memref<512x64xf32, #tpu.memory_space<vmem>>, vector<16xf32>,
      %get3A_1349 = arith.index_cast %add3A_1342 : i32 to index
      %get3A_1350 = arith.constant 32 : index
      %get3A_1351 = tpu.vector_load %arg14[%get3A_1349, %get3A_1350] {strides = array<i32>} : memref<512x64xf32, #tpu.memory_space<vmem>>, vector<16xf32>,
      %get3A_1352 = arith.index_cast %add3A_1342 : i32 to index
      %get3A_1353 = arith.constant 48 : index
      %get3A_1354 = tpu.vector_load %arg14[%get3A_1352, %get3A_1353] {strides = array<i32>} : memref<512x64xf32, #tpu.memory_space<vmem>>, vector<16xf32>,
      %get3A_1355 = arith.index_cast %add3A_1342 : i32 to index
      %get3A_1356 = arith.constant 0 : index
      %get3A_1357 = tpu.vector_load %arg15[%get3A_1355, %get3A_1356] {strides = array<i32>} : memref<512x64xf32, #tpu.memory_space<vmem>>, vector<16xf32>,
      %get3A_1358 = arith.index_cast %add3A_1342 : i32 to index
      %get3A_1359 = arith.constant 16 : index
      %get3A_1360 = tpu.vector_load %arg15[%get3A_1358, %get3A_1359] {strides = array<i32>} : memref<512x64xf32, #tpu.memory_space<vmem>>, vector<16xf32>,
      %get3A_1361 = arith.index_cast %add3A_1342 : i32 to index
      %get3A_1362 = arith.constant 32 : index
      %get3A_1363 = tpu.vector_load %arg15[%get3A_1361, %get3A_1362] {strides = array<i32>} : memref<512x64xf32, #tpu.memory_space<vmem>>, vector<16xf32>,
      %get3A_1364 = arith.index_cast %add3A_1342 : i32 to index
      %get3A_1365 = arith.constant 48 : index
      %get3A_1366 = tpu.vector_load %arg15[%get3A_1364, %get3A_1365] {strides = array<i32>} : memref<512x64xf32, #tpu.memory_space<vmem>>, vector<16xf32>,
      %mul3A_1367 = arith.mulf %get3A_1345, %get3A_1357 : vector<16xf32>
      %mul3A_1368 = arith.mulf %get3A_1348, %get3A_1360 : vector<16xf32>
      %add3A_1369 = arith.addf %mul3A_1367, %mul3A_1368 : vector<16xf32>
      %mul3A_1370 = arith.mulf %get3A_1351, %get3A_1363 : vector<16xf32>
      %add3A_1371 = arith.addf %add3A_1369, %mul3A_1370 : vector<16xf32>
      %mul3A_1372 = arith.mulf %get3A_1354, %get3A_1366 : vector<16xf32>
      %add3A_1373 = arith.addf %add3A_1371, %mul3A_1372 : vector<16xf32>
      %reduce_sum3A = arith.constant true
      %reduce_sum3A_1374 = vector.broadcast %reduce_sum3A : i1 to vector<16xi1>
      %reduce_sum3A_1375 = tpu.scan <sum>, %add3A_1373 masked %reduce_sum3A_1374 : vector<16xf32>, vector<16xi1> -> vector<16xf32>
      %reduce_sum3A_1376 = vector.extract %reduce_sum3A_1375[15] : f32 from vector<16xf32>
      %eq3A = arith.constant 0 : i32
      %eq3A_1377 = vector.broadcast %eq3A : i32 to vector<16xi32>
      %eq3A_1378 = arith.cmpi eq, %iota3A, %eq3A_1377 : vector<16xi32>
      %broadcast_in_dim3A_1379 = vector.broadcast %reduce_sum3A_1376 : f32 to vector<16xf32>
      %select_n3A = arith.select %eq3A_1378, %broadcast_in_dim3A_1379, %broadcast_in_dim3A_3 : vector<16xi1>, vector<16xf32>
      %mul3A_1380 = arith.constant 16 : i32
      %mul3A_1381 = arith.muli %scan3A_1338, %mul3A_1380 : i32
      %add3A_1382 = arith.constant 1 : i32
      %add3A_1383 = arith.addi %mul3A_1381, %add3A_1382 : i32
      %get3A_1384 = arith.index_cast %add3A_1383 : i32 to index
      %get3A_1385 = arith.constant 0 : index
      %get3A_1386 = tpu.vector_load %arg14[%get3A_1384, %get3A_1385] {strides = array<i32>} : memref<512x64xf32, #tpu.memory_space<vmem>>, vector<16xf32>,
      %get3A_1387 = arith.index_cast %add3A_1383 : i32 to index
      %get3A_1388 = arith.constant 16 : index
      %get3A_1389 = tpu.vector_load %arg14[%get3A_1387, %get3A_1388] {strides = array<i32>} : memref<512x64xf32, #tpu.memory_space<vmem>>, vector<16xf32>,
      %get3A_1390 = arith.index_cast %add3A_1383 : i32 to index
      %get3A_1391 = arith.constant 32 : index
      %get3A_1392 = tpu.vector_load %arg14[%get3A_1390, %get3A_1391] {strides = array<i32>} : memref<512x64xf32, #tpu.memory_space<vmem>>, vector<16xf32>,
      %get3A_1393 = arith.index_cast %add3A_1383 : i32 to index
      %get3A_1394 = arith.constant 48 : index
      %get3A_1395 = tpu.vector_load %arg14[%get3A_1393, %get3A_1394] {strides = array<i32>} : memref<512x64xf32, #tpu.memory_space<vmem>>, vector<16xf32>,
      %get3A_1396 = arith.index_cast %add3A_1383 : i32 to index
      %get3A_1397 = arith.constant 0 : index
      %get3A_1398 = tpu.vector_load %arg15[%get3A_1396, %get3A_1397] {strides = array<i32>} : memref<512x64xf32, #tpu.memory_space<vmem>>, vector<16xf32>,
      %get3A_1399 = arith.index_cast %add3A_1383 : i32 to index
      %get3A_1400 = arith.constant 16 : index
      %get3A_1401 = tpu.vector_load %arg15[%get3A_1399, %get3A_1400] {strides = array<i32>} : memref<512x64xf32, #tpu.memory_space<vmem>>, vector<16xf32>,
      %get3A_1402 = arith.index_cast %add3A_1383 : i32 to index
      %get3A_1403 = arith.constant 32 : index
      %get3A_1404 = tpu.vector_load %arg15[%get3A_1402, %get3A_1403] {strides = array<i32>} : memref<512x64xf32, #tpu.memory_space<vmem>>, vector<16xf32>,
      %get3A_1405 = arith.index_cast %add3A_1383 : i32 to index
      %get3A_1406 = arith.constant 48 : index
      %get3A_1407 = tpu.vector_load %arg15[%get3A_1405, %get3A_1406] {strides = array<i32>} : memref<512x64xf32, #tpu.memory_space<vmem>>, vector<16xf32>,
      %mul3A_1408 = arith.mulf %get3A_1386, %get3A_1398 : vector<16xf32>
      %mul3A_1409 = arith.mulf %get3A_1389, %get3A_1401 : vector<16xf32>
      %add3A_1410 = arith.addf %mul3A_1408, %mul3A_1409 : vector<16xf32>
      %mul3A_1411 = arith.mulf %get3A_1392, %get3A_1404 : vector<16xf32>
      %add3A_1412 = arith.addf %add3A_1410, %mul3A_1411 : vector<16xf32>
      %mul3A_1413 = arith.mulf %get3A_1395, %get3A_1407 : vector<16xf32>
      %add3A_1414 = arith.addf %add3A_1412, %mul3A_1413 : vector<16xf32>
      %reduce_sum3A_1415 = arith.constant true
      %reduce_sum3A_1416 = vector.broadcast %reduce_sum3A_1415 : i1 to vector<16xi1>
      %reduce_sum3A_1417 = tpu.scan <sum>, %add3A_1414 masked %reduce_sum3A_1416 : vector<16xf32>, vector<16xi1> -> vector<16xf32>
      %reduce_sum3A_1418 = vector.extract %reduce_sum3A_1417[15] : f32 from vector<16xf32>
      %eq3A_1419 = arith.constant 1 : i32
      %eq3A_1420 = vector.broadcast %eq3A_1419 : i32 to vector<16xi32>
      %eq3A_1421 = arith.cmpi eq, %iota3A, %eq3A_1420 : vector<16xi32>
      %broadcast_in_dim3A_1422 = vector.broadcast %reduce_sum3A_1418 : f32 to vector<16xf32>
      %select_n3A_1423 = arith.select %eq3A_1421, %broadcast_in_dim3A_1422, %select_n3A : vector<16xi1>, vector<16xf32>
      %mul3A_1424 = arith.constant 16 : i32
      %mul3A_1425 = arith.muli %scan3A_1338, %mul3A_1424 : i32
      %add3A_1426 = arith.constant 2 : i32
      %add3A_1427 = arith.addi %mul3A_1425, %add3A_1426 : i32
      %get3A_1428 = arith.index_cast %add3A_1427 : i32 to index
      %get3A_1429 = arith.constant 0 : index
      %get3A_1430 = tpu.vector_load %arg14[%get3A_1428, %get3A_1429] {strides = array<i32>} : memref<512x64xf32, #tpu.memory_space<vmem>>, vector<16xf32>,
      %get3A_1431 = arith.index_cast %add3A_1427 : i32 to index
      %get3A_1432 = arith.constant 16 : index
      %get3A_1433 = tpu.vector_load %arg14[%get3A_1431, %get3A_1432] {strides = array<i32>} : memref<512x64xf32, #tpu.memory_space<vmem>>, vector<16xf32>,
      %get3A_1434 = arith.index_cast %add3A_1427 : i32 to index
      %get3A_1435 = arith.constant 32 : index
      %get3A_1436 = tpu.vector_load %arg14[%get3A_1434, %get3A_1435] {strides = array<i32>} : memref<512x64xf32, #tpu.memory_space<vmem>>, vector<16xf32>,
      %get3A_1437 = arith.index_cast %add3A_1427 : i32 to index
      %get3A_1438 = arith.constant 48 : index
      %get3A_1439 = tpu.vector_load %arg14[%get3A_1437, %get3A_1438] {strides = array<i32>} : memref<512x64xf32, #tpu.memory_space<vmem>>, vector<16xf32>,
      %get3A_1440 = arith.index_cast %add3A_1427 : i32 to index
      %get3A_1441 = arith.constant 0 : index
      %get3A_1442 = tpu.vector_load %arg15[%get3A_1440, %get3A_1441] {strides = array<i32>} : memref<512x64xf32, #tpu.memory_space<vmem>>, vector<16xf32>,
      %get3A_1443 = arith.index_cast %add3A_1427 : i32 to index
      %get3A_1444 = arith.constant 16 : index
      %get3A_1445 = tpu.vector_load %arg15[%get3A_1443, %get3A_1444] {strides = array<i32>} : memref<512x64xf32, #tpu.memory_space<vmem>>, vector<16xf32>,
      %get3A_1446 = arith.index_cast %add3A_1427 : i32 to index
      %get3A_1447 = arith.constant 32 : index
      %get3A_1448 = tpu.vector_load %arg15[%get3A_1446, %get3A_1447] {strides = array<i32>} : memref<512x64xf32, #tpu.memory_space<vmem>>, vector<16xf32>,
      %get3A_1449 = arith.index_cast %add3A_1427 : i32 to index
      %get3A_1450 = arith.constant 48 : index
      %get3A_1451 = tpu.vector_load %arg15[%get3A_1449, %get3A_1450] {strides = array<i32>} : memref<512x64xf32, #tpu.memory_space<vmem>>, vector<16xf32>,
      %mul3A_1452 = arith.mulf %get3A_1430, %get3A_1442 : vector<16xf32>
      %mul3A_1453 = arith.mulf %get3A_1433, %get3A_1445 : vector<16xf32>
      %add3A_1454 = arith.addf %mul3A_1452, %mul3A_1453 : vector<16xf32>
      %mul3A_1455 = arith.mulf %get3A_1436, %get3A_1448 : vector<16xf32>
      %add3A_1456 = arith.addf %add3A_1454, %mul3A_1455 : vector<16xf32>
      %mul3A_1457 = arith.mulf %get3A_1439, %get3A_1451 : vector<16xf32>
      %add3A_1458 = arith.addf %add3A_1456, %mul3A_1457 : vector<16xf32>
      %reduce_sum3A_1459 = arith.constant true
      %reduce_sum3A_1460 = vector.broadcast %reduce_sum3A_1459 : i1 to vector<16xi1>
      %reduce_sum3A_1461 = tpu.scan <sum>, %add3A_1458 masked %reduce_sum3A_1460 : vector<16xf32>, vector<16xi1> -> vector<16xf32>
      %reduce_sum3A_1462 = vector.extract %reduce_sum3A_1461[15] : f32 from vector<16xf32>
      %eq3A_1463 = arith.constant 2 : i32
      %eq3A_1464 = vector.broadcast %eq3A_1463 : i32 to vector<16xi32>
      %eq3A_1465 = arith.cmpi eq, %iota3A, %eq3A_1464 : vector<16xi32>
      %broadcast_in_dim3A_1466 = vector.broadcast %reduce_sum3A_1462 : f32 to vector<16xf32>
      %select_n3A_1467 = arith.select %eq3A_1465, %broadcast_in_dim3A_1466, %select_n3A_1423 : vector<16xi1>, vector<16xf32>
      %mul3A_1468 = arith.constant 16 : i32
      %mul3A_1469 = arith.muli %scan3A_1338, %mul3A_1468 : i32
      %add3A_1470 = arith.constant 3 : i32
      %add3A_1471 = arith.addi %mul3A_1469, %add3A_1470 : i32
      %get3A_1472 = arith.index_cast %add3A_1471 : i32 to index
      %get3A_1473 = arith.constant 0 : index
      %get3A_1474 = tpu.vector_load %arg14[%get3A_1472, %get3A_1473] {strides = array<i32>} : memref<512x64xf32, #tpu.memory_space<vmem>>, vector<16xf32>,
      %get3A_1475 = arith.index_cast %add3A_1471 : i32 to index
      %get3A_1476 = arith.constant 16 : index
      %get3A_1477 = tpu.vector_load %arg14[%get3A_1475, %get3A_1476] {strides = array<i32>} : memref<512x64xf32, #tpu.memory_space<vmem>>, vector<16xf32>,
      %get3A_1478 = arith.index_cast %add3A_1471 : i32 to index
      %get3A_1479 = arith.constant 32 : index
      %get3A_1480 = tpu.vector_load %arg14[%get3A_1478, %get3A_1479] {strides = array<i32>} : memref<512x64xf32, #tpu.memory_space<vmem>>, vector<16xf32>,
      %get3A_1481 = arith.index_cast %add3A_1471 : i32 to index
      %get3A_1482 = arith.constant 48 : index
      %get3A_1483 = tpu.vector_load %arg14[%get3A_1481, %get3A_1482] {strides = array<i32>} : memref<512x64xf32, #tpu.memory_space<vmem>>, vector<16xf32>,
      %get3A_1484 = arith.index_cast %add3A_1471 : i32 to index
      %get3A_1485 = arith.constant 0 : index
      %get3A_1486 = tpu.vector_load %arg15[%get3A_1484, %get3A_1485] {strides = array<i32>} : memref<512x64xf32, #tpu.memory_space<vmem>>, vector<16xf32>,
      %get3A_1487 = arith.index_cast %add3A_1471 : i32 to index
      %get3A_1488 = arith.constant 16 : index
      %get3A_1489 = tpu.vector_load %arg15[%get3A_1487, %get3A_1488] {strides = array<i32>} : memref<512x64xf32, #tpu.memory_space<vmem>>, vector<16xf32>,
      %get3A_1490 = arith.index_cast %add3A_1471 : i32 to index
      %get3A_1491 = arith.constant 32 : index
      %get3A_1492 = tpu.vector_load %arg15[%get3A_1490, %get3A_1491] {strides = array<i32>} : memref<512x64xf32, #tpu.memory_space<vmem>>, vector<16xf32>,
      %get3A_1493 = arith.index_cast %add3A_1471 : i32 to index
      %get3A_1494 = arith.constant 48 : index
      %get3A_1495 = tpu.vector_load %arg15[%get3A_1493, %get3A_1494] {strides = array<i32>} : memref<512x64xf32, #tpu.memory_space<vmem>>, vector<16xf32>,
      %mul3A_1496 = arith.mulf %get3A_1474, %get3A_1486 : vector<16xf32>
      %mul3A_1497 = arith.mulf %get3A_1477, %get3A_1489 : vector<16xf32>
      %add3A_1498 = arith.addf %mul3A_1496, %mul3A_1497 : vector<16xf32>
      %mul3A_1499 = arith.mulf %get3A_1480, %get3A_1492 : vector<16xf32>
      %add3A_1500 = arith.addf %add3A_1498, %mul3A_1499 : vector<16xf32>
      %mul3A_1501 = arith.mulf %get3A_1483, %get3A_1495 : vector<16xf32>
      %add3A_1502 = arith.addf %add3A_1500, %mul3A_1501 : vector<16xf32>
      %reduce_sum3A_1503 = arith.constant true
      %reduce_sum3A_1504 = vector.broadcast %reduce_sum3A_1503 : i1 to vector<16xi1>
      %reduce_sum3A_1505 = tpu.scan <sum>, %add3A_1502 masked %reduce_sum3A_1504 : vector<16xf32>, vector<16xi1> -> vector<16xf32>
      %reduce_sum3A_1506 = vector.extract %reduce_sum3A_1505[15] : f32 from vector<16xf32>
      %eq3A_1507 = arith.constant 3 : i32
      %eq3A_1508 = vector.broadcast %eq3A_1507 : i32 to vector<16xi32>
      %eq3A_1509 = arith.cmpi eq, %iota3A, %eq3A_1508 : vector<16xi32>
      %broadcast_in_dim3A_1510 = vector.broadcast %reduce_sum3A_1506 : f32 to vector<16xf32>
      %select_n3A_1511 = arith.select %eq3A_1509, %broadcast_in_dim3A_1510, %select_n3A_1467 : vector<16xi1>, vector<16xf32>
      %mul3A_1512 = arith.constant 16 : i32
      %mul3A_1513 = arith.muli %scan3A_1338, %mul3A_1512 : i32
      %add3A_1514 = arith.constant 4 : i32
      %add3A_1515 = arith.addi %mul3A_1513, %add3A_1514 : i32
      %get3A_1516 = arith.index_cast %add3A_1515 : i32 to index
      %get3A_1517 = arith.constant 0 : index
      %get3A_1518 = tpu.vector_load %arg14[%get3A_1516, %get3A_1517] {strides = array<i32>} : memref<512x64xf32, #tpu.memory_space<vmem>>, vector<16xf32>,
      %get3A_1519 = arith.index_cast %add3A_1515 : i32 to index
      %get3A_1520 = arith.constant 16 : index
      %get3A_1521 = tpu.vector_load %arg14[%get3A_1519, %get3A_1520] {strides = array<i32>} : memref<512x64xf32, #tpu.memory_space<vmem>>, vector<16xf32>,
      %get3A_1522 = arith.index_cast %add3A_1515 : i32 to index
      %get3A_1523 = arith.constant 32 : index
      %get3A_1524 = tpu.vector_load %arg14[%get3A_1522, %get3A_1523] {strides = array<i32>} : memref<512x64xf32, #tpu.memory_space<vmem>>, vector<16xf32>,
      %get3A_1525 = arith.index_cast %add3A_1515 : i32 to index
      %get3A_1526 = arith.constant 48 : index
      %get3A_1527 = tpu.vector_load %arg14[%get3A_1525, %get3A_1526] {strides = array<i32>} : memref<512x64xf32, #tpu.memory_space<vmem>>, vector<16xf32>,
      %get3A_1528 = arith.index_cast %add3A_1515 : i32 to index
      %get3A_1529 = arith.constant 0 : index
      %get3A_1530 = tpu.vector_load %arg15[%get3A_1528, %get3A_1529] {strides = array<i32>} : memref<512x64xf32, #tpu.memory_space<vmem>>, vector<16xf32>,
      %get3A_1531 = arith.index_cast %add3A_1515 : i32 to index
      %get3A_1532 = arith.constant 16 : index
      %get3A_1533 = tpu.vector_load %arg15[%get3A_1531, %get3A_1532] {strides = array<i32>} : memref<512x64xf32, #tpu.memory_space<vmem>>, vector<16xf32>,
      %get3A_1534 = arith.index_cast %add3A_1515 : i32 to index
      %get3A_1535 = arith.constant 32 : index
      %get3A_1536 = tpu.vector_load %arg15[%get3A_1534, %get3A_1535] {strides = array<i32>} : memref<512x64xf32, #tpu.memory_space<vmem>>, vector<16xf32>,
      %get3A_1537 = arith.index_cast %add3A_1515 : i32 to index
      %get3A_1538 = arith.constant 48 : index
      %get3A_1539 = tpu.vector_load %arg15[%get3A_1537, %get3A_1538] {strides = array<i32>} : memref<512x64xf32, #tpu.memory_space<vmem>>, vector<16xf32>,
      %mul3A_1540 = arith.mulf %get3A_1518, %get3A_1530 : vector<16xf32>
      %mul3A_1541 = arith.mulf %get3A_1521, %get3A_1533 : vector<16xf32>
      %add3A_1542 = arith.addf %mul3A_1540, %mul3A_1541 : vector<16xf32>
      %mul3A_1543 = arith.mulf %get3A_1524, %get3A_1536 : vector<16xf32>
      %add3A_1544 = arith.addf %add3A_1542, %mul3A_1543 : vector<16xf32>
      %mul3A_1545 = arith.mulf %get3A_1527, %get3A_1539 : vector<16xf32>
      %add3A_1546 = arith.addf %add3A_1544, %mul3A_1545 : vector<16xf32>
      %reduce_sum3A_1547 = arith.constant true
      %reduce_sum3A_1548 = vector.broadcast %reduce_sum3A_1547 : i1 to vector<16xi1>
      %reduce_sum3A_1549 = tpu.scan <sum>, %add3A_1546 masked %reduce_sum3A_1548 : vector<16xf32>, vector<16xi1> -> vector<16xf32>
      %reduce_sum3A_1550 = vector.extract %reduce_sum3A_1549[15] : f32 from vector<16xf32>
      %eq3A_1551 = arith.constant 4 : i32
      %eq3A_1552 = vector.broadcast %eq3A_1551 : i32 to vector<16xi32>
      %eq3A_1553 = arith.cmpi eq, %iota3A, %eq3A_1552 : vector<16xi32>
      %broadcast_in_dim3A_1554 = vector.broadcast %reduce_sum3A_1550 : f32 to vector<16xf32>
      %select_n3A_1555 = arith.select %eq3A_1553, %broadcast_in_dim3A_1554, %select_n3A_1511 : vector<16xi1>, vector<16xf32>
      %mul3A_1556 = arith.constant 16 : i32
      %mul3A_1557 = arith.muli %scan3A_1338, %mul3A_1556 : i32
      %add3A_1558 = arith.constant 5 : i32
      %add3A_1559 = arith.addi %mul3A_1557, %add3A_1558 : i32
      %get3A_1560 = arith.index_cast %add3A_1559 : i32 to index
      %get3A_1561 = arith.constant 0 : index
      %get3A_1562 = tpu.vector_load %arg14[%get3A_1560, %get3A_1561] {strides = array<i32>} : memref<512x64xf32, #tpu.memory_space<vmem>>, vector<16xf32>,
      %get3A_1563 = arith.index_cast %add3A_1559 : i32 to index
      %get3A_1564 = arith.constant 16 : index
      %get3A_1565 = tpu.vector_load %arg14[%get3A_1563, %get3A_1564] {strides = array<i32>} : memref<512x64xf32, #tpu.memory_space<vmem>>, vector<16xf32>,
      %get3A_1566 = arith.index_cast %add3A_1559 : i32 to index
      %get3A_1567 = arith.constant 32 : index
      %get3A_1568 = tpu.vector_load %arg14[%get3A_1566, %get3A_1567] {strides = array<i32>} : memref<512x64xf32, #tpu.memory_space<vmem>>, vector<16xf32>,
      %get3A_1569 = arith.index_cast %add3A_1559 : i32 to index
      %get3A_1570 = arith.constant 48 : index
      %get3A_1571 = tpu.vector_load %arg14[%get3A_1569, %get3A_1570] {strides = array<i32>} : memref<512x64xf32, #tpu.memory_space<vmem>>, vector<16xf32>,
      %get3A_1572 = arith.index_cast %add3A_1559 : i32 to index
      %get3A_1573 = arith.constant 0 : index
      %get3A_1574 = tpu.vector_load %arg15[%get3A_1572, %get3A_1573] {strides = array<i32>} : memref<512x64xf32, #tpu.memory_space<vmem>>, vector<16xf32>,
      %get3A_1575 = arith.index_cast %add3A_1559 : i32 to index
      %get3A_1576 = arith.constant 16 : index
      %get3A_1577 = tpu.vector_load %arg15[%get3A_1575, %get3A_1576] {strides = array<i32>} : memref<512x64xf32, #tpu.memory_space<vmem>>, vector<16xf32>,
      %get3A_1578 = arith.index_cast %add3A_1559 : i32 to index
      %get3A_1579 = arith.constant 32 : index
      %get3A_1580 = tpu.vector_load %arg15[%get3A_1578, %get3A_1579] {strides = array<i32>} : memref<512x64xf32, #tpu.memory_space<vmem>>, vector<16xf32>,
      %get3A_1581 = arith.index_cast %add3A_1559 : i32 to index
      %get3A_1582 = arith.constant 48 : index
      %get3A_1583 = tpu.vector_load %arg15[%get3A_1581, %get3A_1582] {strides = array<i32>} : memref<512x64xf32, #tpu.memory_space<vmem>>, vector<16xf32>,
      %mul3A_1584 = arith.mulf %get3A_1562, %get3A_1574 : vector<16xf32>
      %mul3A_1585 = arith.mulf %get3A_1565, %get3A_1577 : vector<16xf32>
      %add3A_1586 = arith.addf %mul3A_1584, %mul3A_1585 : vector<16xf32>
      %mul3A_1587 = arith.mulf %get3A_1568, %get3A_1580 : vector<16xf32>
      %add3A_1588 = arith.addf %add3A_1586, %mul3A_1587 : vector<16xf32>
      %mul3A_1589 = arith.mulf %get3A_1571, %get3A_1583 : vector<16xf32>
      %add3A_1590 = arith.addf %add3A_1588, %mul3A_1589 : vector<16xf32>
      %reduce_sum3A_1591 = arith.constant true
      %reduce_sum3A_1592 = vector.broadcast %reduce_sum3A_1591 : i1 to vector<16xi1>
      %reduce_sum3A_1593 = tpu.scan <sum>, %add3A_1590 masked %reduce_sum3A_1592 : vector<16xf32>, vector<16xi1> -> vector<16xf32>
      %reduce_sum3A_1594 = vector.extract %reduce_sum3A_1593[15] : f32 from vector<16xf32>
      %eq3A_1595 = arith.constant 5 : i32
      %eq3A_1596 = vector.broadcast %eq3A_1595 : i32 to vector<16xi32>
      %eq3A_1597 = arith.cmpi eq, %iota3A, %eq3A_1596 : vector<16xi32>
      %broadcast_in_dim3A_1598 = vector.broadcast %reduce_sum3A_1594 : f32 to vector<16xf32>
      %select_n3A_1599 = arith.select %eq3A_1597, %broadcast_in_dim3A_1598, %select_n3A_1555 : vector<16xi1>, vector<16xf32>
      %mul3A_1600 = arith.constant 16 : i32
      %mul3A_1601 = arith.muli %scan3A_1338, %mul3A_1600 : i32
      %add3A_1602 = arith.constant 6 : i32
      %add3A_1603 = arith.addi %mul3A_1601, %add3A_1602 : i32
      %get3A_1604 = arith.index_cast %add3A_1603 : i32 to index
      %get3A_1605 = arith.constant 0 : index
      %get3A_1606 = tpu.vector_load %arg14[%get3A_1604, %get3A_1605] {strides = array<i32>} : memref<512x64xf32, #tpu.memory_space<vmem>>, vector<16xf32>,
      %get3A_1607 = arith.index_cast %add3A_1603 : i32 to index
      %get3A_1608 = arith.constant 16 : index
      %get3A_1609 = tpu.vector_load %arg14[%get3A_1607, %get3A_1608] {strides = array<i32>} : memref<512x64xf32, #tpu.memory_space<vmem>>, vector<16xf32>,
      %get3A_1610 = arith.index_cast %add3A_1603 : i32 to index
      %get3A_1611 = arith.constant 32 : index
      %get3A_1612 = tpu.vector_load %arg14[%get3A_1610, %get3A_1611] {strides = array<i32>} : memref<512x64xf32, #tpu.memory_space<vmem>>, vector<16xf32>,
      %get3A_1613 = arith.index_cast %add3A_1603 : i32 to index
      %get3A_1614 = arith.constant 48 : index
      %get3A_1615 = tpu.vector_load %arg14[%get3A_1613, %get3A_1614] {strides = array<i32>} : memref<512x64xf32, #tpu.memory_space<vmem>>, vector<16xf32>,
      %get3A_1616 = arith.index_cast %add3A_1603 : i32 to index
      %get3A_1617 = arith.constant 0 : index
      %get3A_1618 = tpu.vector_load %arg15[%get3A_1616, %get3A_1617] {strides = array<i32>} : memref<512x64xf32, #tpu.memory_space<vmem>>, vector<16xf32>,
      %get3A_1619 = arith.index_cast %add3A_1603 : i32 to index
      %get3A_1620 = arith.constant 16 : index
      %get3A_1621 = tpu.vector_load %arg15[%get3A_1619, %get3A_1620] {strides = array<i32>} : memref<512x64xf32, #tpu.memory_space<vmem>>, vector<16xf32>,
      %get3A_1622 = arith.index_cast %add3A_1603 : i32 to index
      %get3A_1623 = arith.constant 32 : index
      %get3A_1624 = tpu.vector_load %arg15[%get3A_1622, %get3A_1623] {strides = array<i32>} : memref<512x64xf32, #tpu.memory_space<vmem>>, vector<16xf32>,
      %get3A_1625 = arith.index_cast %add3A_1603 : i32 to index
      %get3A_1626 = arith.constant 48 : index
      %get3A_1627 = tpu.vector_load %arg15[%get3A_1625, %get3A_1626] {strides = array<i32>} : memref<512x64xf32, #tpu.memory_space<vmem>>, vector<16xf32>,
      %mul3A_1628 = arith.mulf %get3A_1606, %get3A_1618 : vector<16xf32>
      %mul3A_1629 = arith.mulf %get3A_1609, %get3A_1621 : vector<16xf32>
      %add3A_1630 = arith.addf %mul3A_1628, %mul3A_1629 : vector<16xf32>
      %mul3A_1631 = arith.mulf %get3A_1612, %get3A_1624 : vector<16xf32>
      %add3A_1632 = arith.addf %add3A_1630, %mul3A_1631 : vector<16xf32>
      %mul3A_1633 = arith.mulf %get3A_1615, %get3A_1627 : vector<16xf32>
      %add3A_1634 = arith.addf %add3A_1632, %mul3A_1633 : vector<16xf32>
      %reduce_sum3A_1635 = arith.constant true
      %reduce_sum3A_1636 = vector.broadcast %reduce_sum3A_1635 : i1 to vector<16xi1>
      %reduce_sum3A_1637 = tpu.scan <sum>, %add3A_1634 masked %reduce_sum3A_1636 : vector<16xf32>, vector<16xi1> -> vector<16xf32>
      %reduce_sum3A_1638 = vector.extract %reduce_sum3A_1637[15] : f32 from vector<16xf32>
      %eq3A_1639 = arith.constant 6 : i32
      %eq3A_1640 = vector.broadcast %eq3A_1639 : i32 to vector<16xi32>
      %eq3A_1641 = arith.cmpi eq, %iota3A, %eq3A_1640 : vector<16xi32>
      %broadcast_in_dim3A_1642 = vector.broadcast %reduce_sum3A_1638 : f32 to vector<16xf32>
      %select_n3A_1643 = arith.select %eq3A_1641, %broadcast_in_dim3A_1642, %select_n3A_1599 : vector<16xi1>, vector<16xf32>
      %mul3A_1644 = arith.constant 16 : i32
      %mul3A_1645 = arith.muli %scan3A_1338, %mul3A_1644 : i32
      %add3A_1646 = arith.constant 7 : i32
      %add3A_1647 = arith.addi %mul3A_1645, %add3A_1646 : i32
      %get3A_1648 = arith.index_cast %add3A_1647 : i32 to index
      %get3A_1649 = arith.constant 0 : index
      %get3A_1650 = tpu.vector_load %arg14[%get3A_1648, %get3A_1649] {strides = array<i32>} : memref<512x64xf32, #tpu.memory_space<vmem>>, vector<16xf32>,
      %get3A_1651 = arith.index_cast %add3A_1647 : i32 to index
      %get3A_1652 = arith.constant 16 : index
      %get3A_1653 = tpu.vector_load %arg14[%get3A_1651, %get3A_1652] {strides = array<i32>} : memref<512x64xf32, #tpu.memory_space<vmem>>, vector<16xf32>,
      %get3A_1654 = arith.index_cast %add3A_1647 : i32 to index
      %get3A_1655 = arith.constant 32 : index
      %get3A_1656 = tpu.vector_load %arg14[%get3A_1654, %get3A_1655] {strides = array<i32>} : memref<512x64xf32, #tpu.memory_space<vmem>>, vector<16xf32>,
      %get3A_1657 = arith.index_cast %add3A_1647 : i32 to index
      %get3A_1658 = arith.constant 48 : index
      %get3A_1659 = tpu.vector_load %arg14[%get3A_1657, %get3A_1658] {strides = array<i32>} : memref<512x64xf32, #tpu.memory_space<vmem>>, vector<16xf32>,
      %get3A_1660 = arith.index_cast %add3A_1647 : i32 to index
      %get3A_1661 = arith.constant 0 : index
      %get3A_1662 = tpu.vector_load %arg15[%get3A_1660, %get3A_1661] {strides = array<i32>} : memref<512x64xf32, #tpu.memory_space<vmem>>, vector<16xf32>,
      %get3A_1663 = arith.index_cast %add3A_1647 : i32 to index
      %get3A_1664 = arith.constant 16 : index
      %get3A_1665 = tpu.vector_load %arg15[%get3A_1663, %get3A_1664] {strides = array<i32>} : memref<512x64xf32, #tpu.memory_space<vmem>>, vector<16xf32>,
      %get3A_1666 = arith.index_cast %add3A_1647 : i32 to index
      %get3A_1667 = arith.constant 32 : index
      %get3A_1668 = tpu.vector_load %arg15[%get3A_1666, %get3A_1667] {strides = array<i32>} : memref<512x64xf32, #tpu.memory_space<vmem>>, vector<16xf32>,
      %get3A_1669 = arith.index_cast %add3A_1647 : i32 to index
      %get3A_1670 = arith.constant 48 : index
      %get3A_1671 = tpu.vector_load %arg15[%get3A_1669, %get3A_1670] {strides = array<i32>} : memref<512x64xf32, #tpu.memory_space<vmem>>, vector<16xf32>,
      %mul3A_1672 = arith.mulf %get3A_1650, %get3A_1662 : vector<16xf32>
      %mul3A_1673 = arith.mulf %get3A_1653, %get3A_1665 : vector<16xf32>
      %add3A_1674 = arith.addf %mul3A_1672, %mul3A_1673 : vector<16xf32>
      %mul3A_1675 = arith.mulf %get3A_1656, %get3A_1668 : vector<16xf32>
      %add3A_1676 = arith.addf %add3A_1674, %mul3A_1675 : vector<16xf32>
      %mul3A_1677 = arith.mulf %get3A_1659, %get3A_1671 : vector<16xf32>
      %add3A_1678 = arith.addf %add3A_1676, %mul3A_1677 : vector<16xf32>
      %reduce_sum3A_1679 = arith.constant true
      %reduce_sum3A_1680 = vector.broadcast %reduce_sum3A_1679 : i1 to vector<16xi1>
      %reduce_sum3A_1681 = tpu.scan <sum>, %add3A_1678 masked %reduce_sum3A_1680 : vector<16xf32>, vector<16xi1> -> vector<16xf32>
      %reduce_sum3A_1682 = vector.extract %reduce_sum3A_1681[15] : f32 from vector<16xf32>
      %eq3A_1683 = arith.constant 7 : i32
      %eq3A_1684 = vector.broadcast %eq3A_1683 : i32 to vector<16xi32>
      %eq3A_1685 = arith.cmpi eq, %iota3A, %eq3A_1684 : vector<16xi32>
      %broadcast_in_dim3A_1686 = vector.broadcast %reduce_sum3A_1682 : f32 to vector<16xf32>
      %select_n3A_1687 = arith.select %eq3A_1685, %broadcast_in_dim3A_1686, %select_n3A_1643 : vector<16xi1>, vector<16xf32>
      %mul3A_1688 = arith.constant 16 : i32
      %mul3A_1689 = arith.muli %scan3A_1338, %mul3A_1688 : i32
      %add3A_1690 = arith.constant 8 : i32
      %add3A_1691 = arith.addi %mul3A_1689, %add3A_1690 : i32
      %get3A_1692 = arith.index_cast %add3A_1691 : i32 to index
      %get3A_1693 = arith.constant 0 : index
      %get3A_1694 = tpu.vector_load %arg14[%get3A_1692, %get3A_1693] {strides = array<i32>} : memref<512x64xf32, #tpu.memory_space<vmem>>, vector<16xf32>,
      %get3A_1695 = arith.index_cast %add3A_1691 : i32 to index
      %get3A_1696 = arith.constant 16 : index
      %get3A_1697 = tpu.vector_load %arg14[%get3A_1695, %get3A_1696] {strides = array<i32>} : memref<512x64xf32, #tpu.memory_space<vmem>>, vector<16xf32>,
      %get3A_1698 = arith.index_cast %add3A_1691 : i32 to index
      %get3A_1699 = arith.constant 32 : index
      %get3A_1700 = tpu.vector_load %arg14[%get3A_1698, %get3A_1699] {strides = array<i32>} : memref<512x64xf32, #tpu.memory_space<vmem>>, vector<16xf32>,
      %get3A_1701 = arith.index_cast %add3A_1691 : i32 to index
      %get3A_1702 = arith.constant 48 : index
      %get3A_1703 = tpu.vector_load %arg14[%get3A_1701, %get3A_1702] {strides = array<i32>} : memref<512x64xf32, #tpu.memory_space<vmem>>, vector<16xf32>,
      %get3A_1704 = arith.index_cast %add3A_1691 : i32 to index
      %get3A_1705 = arith.constant 0 : index
      %get3A_1706 = tpu.vector_load %arg15[%get3A_1704, %get3A_1705] {strides = array<i32>} : memref<512x64xf32, #tpu.memory_space<vmem>>, vector<16xf32>,
      %get3A_1707 = arith.index_cast %add3A_1691 : i32 to index
      %get3A_1708 = arith.constant 16 : index
      %get3A_1709 = tpu.vector_load %arg15[%get3A_1707, %get3A_1708] {strides = array<i32>} : memref<512x64xf32, #tpu.memory_space<vmem>>, vector<16xf32>,
      %get3A_1710 = arith.index_cast %add3A_1691 : i32 to index
      %get3A_1711 = arith.constant 32 : index
      %get3A_1712 = tpu.vector_load %arg15[%get3A_1710, %get3A_1711] {strides = array<i32>} : memref<512x64xf32, #tpu.memory_space<vmem>>, vector<16xf32>,
      %get3A_1713 = arith.index_cast %add3A_1691 : i32 to index
      %get3A_1714 = arith.constant 48 : index
      %get3A_1715 = tpu.vector_load %arg15[%get3A_1713, %get3A_1714] {strides = array<i32>} : memref<512x64xf32, #tpu.memory_space<vmem>>, vector<16xf32>,
      %mul3A_1716 = arith.mulf %get3A_1694, %get3A_1706 : vector<16xf32>
      %mul3A_1717 = arith.mulf %get3A_1697, %get3A_1709 : vector<16xf32>
      %add3A_1718 = arith.addf %mul3A_1716, %mul3A_1717 : vector<16xf32>
      %mul3A_1719 = arith.mulf %get3A_1700, %get3A_1712 : vector<16xf32>
      %add3A_1720 = arith.addf %add3A_1718, %mul3A_1719 : vector<16xf32>
      %mul3A_1721 = arith.mulf %get3A_1703, %get3A_1715 : vector<16xf32>
      %add3A_1722 = arith.addf %add3A_1720, %mul3A_1721 : vector<16xf32>
      %reduce_sum3A_1723 = arith.constant true
      %reduce_sum3A_1724 = vector.broadcast %reduce_sum3A_1723 : i1 to vector<16xi1>
      %reduce_sum3A_1725 = tpu.scan <sum>, %add3A_1722 masked %reduce_sum3A_1724 : vector<16xf32>, vector<16xi1> -> vector<16xf32>
      %reduce_sum3A_1726 = vector.extract %reduce_sum3A_1725[15] : f32 from vector<16xf32>
      %eq3A_1727 = arith.constant 8 : i32
      %eq3A_1728 = vector.broadcast %eq3A_1727 : i32 to vector<16xi32>
      %eq3A_1729 = arith.cmpi eq, %iota3A, %eq3A_1728 : vector<16xi32>
      %broadcast_in_dim3A_1730 = vector.broadcast %reduce_sum3A_1726 : f32 to vector<16xf32>
      %select_n3A_1731 = arith.select %eq3A_1729, %broadcast_in_dim3A_1730, %select_n3A_1687 : vector<16xi1>, vector<16xf32>
      %mul3A_1732 = arith.constant 16 : i32
      %mul3A_1733 = arith.muli %scan3A_1338, %mul3A_1732 : i32
      %add3A_1734 = arith.constant 9 : i32
      %add3A_1735 = arith.addi %mul3A_1733, %add3A_1734 : i32
      %get3A_1736 = arith.index_cast %add3A_1735 : i32 to index
      %get3A_1737 = arith.constant 0 : index
      %get3A_1738 = tpu.vector_load %arg14[%get3A_1736, %get3A_1737] {strides = array<i32>} : memref<512x64xf32, #tpu.memory_space<vmem>>, vector<16xf32>,
      %get3A_1739 = arith.index_cast %add3A_1735 : i32 to index
      %get3A_1740 = arith.constant 16 : index
      %get3A_1741 = tpu.vector_load %arg14[%get3A_1739, %get3A_1740] {strides = array<i32>} : memref<512x64xf32, #tpu.memory_space<vmem>>, vector<16xf32>,
      %get3A_1742 = arith.index_cast %add3A_1735 : i32 to index
      %get3A_1743 = arith.constant 32 : index
      %get3A_1744 = tpu.vector_load %arg14[%get3A_1742, %get3A_1743] {strides = array<i32>} : memref<512x64xf32, #tpu.memory_space<vmem>>, vector<16xf32>,
      %get3A_1745 = arith.index_cast %add3A_1735 : i32 to index
      %get3A_1746 = arith.constant 48 : index
      %get3A_1747 = tpu.vector_load %arg14[%get3A_1745, %get3A_1746] {strides = array<i32>} : memref<512x64xf32, #tpu.memory_space<vmem>>, vector<16xf32>,
      %get3A_1748 = arith.index_cast %add3A_1735 : i32 to index
      %get3A_1749 = arith.constant 0 : index
      %get3A_1750 = tpu.vector_load %arg15[%get3A_1748, %get3A_1749] {strides = array<i32>} : memref<512x64xf32, #tpu.memory_space<vmem>>, vector<16xf32>,
      %get3A_1751 = arith.index_cast %add3A_1735 : i32 to index
      %get3A_1752 = arith.constant 16 : index
      %get3A_1753 = tpu.vector_load %arg15[%get3A_1751, %get3A_1752] {strides = array<i32>} : memref<512x64xf32, #tpu.memory_space<vmem>>, vector<16xf32>,
      %get3A_1754 = arith.index_cast %add3A_1735 : i32 to index
      %get3A_1755 = arith.constant 32 : index
      %get3A_1756 = tpu.vector_load %arg15[%get3A_1754, %get3A_1755] {strides = array<i32>} : memref<512x64xf32, #tpu.memory_space<vmem>>, vector<16xf32>,
      %get3A_1757 = arith.index_cast %add3A_1735 : i32 to index
      %get3A_1758 = arith.constant 48 : index
      %get3A_1759 = tpu.vector_load %arg15[%get3A_1757, %get3A_1758] {strides = array<i32>} : memref<512x64xf32, #tpu.memory_space<vmem>>, vector<16xf32>,
      %mul3A_1760 = arith.mulf %get3A_1738, %get3A_1750 : vector<16xf32>
      %mul3A_1761 = arith.mulf %get3A_1741, %get3A_1753 : vector<16xf32>
      %add3A_1762 = arith.addf %mul3A_1760, %mul3A_1761 : vector<16xf32>
      %mul3A_1763 = arith.mulf %get3A_1744, %get3A_1756 : vector<16xf32>
      %add3A_1764 = arith.addf %add3A_1762, %mul3A_1763 : vector<16xf32>
      %mul3A_1765 = arith.mulf %get3A_1747, %get3A_1759 : vector<16xf32>
      %add3A_1766 = arith.addf %add3A_1764, %mul3A_1765 : vector<16xf32>
      %reduce_sum3A_1767 = arith.constant true
      %reduce_sum3A_1768 = vector.broadcast %reduce_sum3A_1767 : i1 to vector<16xi1>
      %reduce_sum3A_1769 = tpu.scan <sum>, %add3A_1766 masked %reduce_sum3A_1768 : vector<16xf32>, vector<16xi1> -> vector<16xf32>
      %reduce_sum3A_1770 = vector.extract %reduce_sum3A_1769[15] : f32 from vector<16xf32>
      %eq3A_1771 = arith.constant 9 : i32
      %eq3A_1772 = vector.broadcast %eq3A_1771 : i32 to vector<16xi32>
      %eq3A_1773 = arith.cmpi eq, %iota3A, %eq3A_1772 : vector<16xi32>
      %broadcast_in_dim3A_1774 = vector.broadcast %reduce_sum3A_1770 : f32 to vector<16xf32>
      %select_n3A_1775 = arith.select %eq3A_1773, %broadcast_in_dim3A_1774, %select_n3A_1731 : vector<16xi1>, vector<16xf32>
      %mul3A_1776 = arith.constant 16 : i32
      %mul3A_1777 = arith.muli %scan3A_1338, %mul3A_1776 : i32
      %add3A_1778 = arith.constant 10 : i32
      %add3A_1779 = arith.addi %mul3A_1777, %add3A_1778 : i32
      %get3A_1780 = arith.index_cast %add3A_1779 : i32 to index
      %get3A_1781 = arith.constant 0 : index
      %get3A_1782 = tpu.vector_load %arg14[%get3A_1780, %get3A_1781] {strides = array<i32>} : memref<512x64xf32, #tpu.memory_space<vmem>>, vector<16xf32>,
      %get3A_1783 = arith.index_cast %add3A_1779 : i32 to index
      %get3A_1784 = arith.constant 16 : index
      %get3A_1785 = tpu.vector_load %arg14[%get3A_1783, %get3A_1784] {strides = array<i32>} : memref<512x64xf32, #tpu.memory_space<vmem>>, vector<16xf32>,
      %get3A_1786 = arith.index_cast %add3A_1779 : i32 to index
      %get3A_1787 = arith.constant 32 : index
      %get3A_1788 = tpu.vector_load %arg14[%get3A_1786, %get3A_1787] {strides = array<i32>} : memref<512x64xf32, #tpu.memory_space<vmem>>, vector<16xf32>,
      %get3A_1789 = arith.index_cast %add3A_1779 : i32 to index
      %get3A_1790 = arith.constant 48 : index
      %get3A_1791 = tpu.vector_load %arg14[%get3A_1789, %get3A_1790] {strides = array<i32>} : memref<512x64xf32, #tpu.memory_space<vmem>>, vector<16xf32>,
      %get3A_1792 = arith.index_cast %add3A_1779 : i32 to index
      %get3A_1793 = arith.constant 0 : index
      %get3A_1794 = tpu.vector_load %arg15[%get3A_1792, %get3A_1793] {strides = array<i32>} : memref<512x64xf32, #tpu.memory_space<vmem>>, vector<16xf32>,
      %get3A_1795 = arith.index_cast %add3A_1779 : i32 to index
      %get3A_1796 = arith.constant 16 : index
      %get3A_1797 = tpu.vector_load %arg15[%get3A_1795, %get3A_1796] {strides = array<i32>} : memref<512x64xf32, #tpu.memory_space<vmem>>, vector<16xf32>,
      %get3A_1798 = arith.index_cast %add3A_1779 : i32 to index
      %get3A_1799 = arith.constant 32 : index
      %get3A_1800 = tpu.vector_load %arg15[%get3A_1798, %get3A_1799] {strides = array<i32>} : memref<512x64xf32, #tpu.memory_space<vmem>>, vector<16xf32>,
      %get3A_1801 = arith.index_cast %add3A_1779 : i32 to index
      %get3A_1802 = arith.constant 48 : index
      %get3A_1803 = tpu.vector_load %arg15[%get3A_1801, %get3A_1802] {strides = array<i32>} : memref<512x64xf32, #tpu.memory_space<vmem>>, vector<16xf32>,
      %mul3A_1804 = arith.mulf %get3A_1782, %get3A_1794 : vector<16xf32>
      %mul3A_1805 = arith.mulf %get3A_1785, %get3A_1797 : vector<16xf32>
      %add3A_1806 = arith.addf %mul3A_1804, %mul3A_1805 : vector<16xf32>
      %mul3A_1807 = arith.mulf %get3A_1788, %get3A_1800 : vector<16xf32>
      %add3A_1808 = arith.addf %add3A_1806, %mul3A_1807 : vector<16xf32>
      %mul3A_1809 = arith.mulf %get3A_1791, %get3A_1803 : vector<16xf32>
      %add3A_1810 = arith.addf %add3A_1808, %mul3A_1809 : vector<16xf32>
      %reduce_sum3A_1811 = arith.constant true
      %reduce_sum3A_1812 = vector.broadcast %reduce_sum3A_1811 : i1 to vector<16xi1>
      %reduce_sum3A_1813 = tpu.scan <sum>, %add3A_1810 masked %reduce_sum3A_1812 : vector<16xf32>, vector<16xi1> -> vector<16xf32>
      %reduce_sum3A_1814 = vector.extract %reduce_sum3A_1813[15] : f32 from vector<16xf32>
      %eq3A_1815 = arith.constant 10 : i32
      %eq3A_1816 = vector.broadcast %eq3A_1815 : i32 to vector<16xi32>
      %eq3A_1817 = arith.cmpi eq, %iota3A, %eq3A_1816 : vector<16xi32>
      %broadcast_in_dim3A_1818 = vector.broadcast %reduce_sum3A_1814 : f32 to vector<16xf32>
      %select_n3A_1819 = arith.select %eq3A_1817, %broadcast_in_dim3A_1818, %select_n3A_1775 : vector<16xi1>, vector<16xf32>
      %mul3A_1820 = arith.constant 16 : i32
      %mul3A_1821 = arith.muli %scan3A_1338, %mul3A_1820 : i32
      %add3A_1822 = arith.constant 11 : i32
      %add3A_1823 = arith.addi %mul3A_1821, %add3A_1822 : i32
      %get3A_1824 = arith.index_cast %add3A_1823 : i32 to index
      %get3A_1825 = arith.constant 0 : index
      %get3A_1826 = tpu.vector_load %arg14[%get3A_1824, %get3A_1825] {strides = array<i32>} : memref<512x64xf32, #tpu.memory_space<vmem>>, vector<16xf32>,
      %get3A_1827 = arith.index_cast %add3A_1823 : i32 to index
      %get3A_1828 = arith.constant 16 : index
      %get3A_1829 = tpu.vector_load %arg14[%get3A_1827, %get3A_1828] {strides = array<i32>} : memref<512x64xf32, #tpu.memory_space<vmem>>, vector<16xf32>,
      %get3A_1830 = arith.index_cast %add3A_1823 : i32 to index
      %get3A_1831 = arith.constant 32 : index
      %get3A_1832 = tpu.vector_load %arg14[%get3A_1830, %get3A_1831] {strides = array<i32>} : memref<512x64xf32, #tpu.memory_space<vmem>>, vector<16xf32>,
      %get3A_1833 = arith.index_cast %add3A_1823 : i32 to index
      %get3A_1834 = arith.constant 48 : index
      %get3A_1835 = tpu.vector_load %arg14[%get3A_1833, %get3A_1834] {strides = array<i32>} : memref<512x64xf32, #tpu.memory_space<vmem>>, vector<16xf32>,
      %get3A_1836 = arith.index_cast %add3A_1823 : i32 to index
      %get3A_1837 = arith.constant 0 : index
      %get3A_1838 = tpu.vector_load %arg15[%get3A_1836, %get3A_1837] {strides = array<i32>} : memref<512x64xf32, #tpu.memory_space<vmem>>, vector<16xf32>,
      %get3A_1839 = arith.index_cast %add3A_1823 : i32 to index
      %get3A_1840 = arith.constant 16 : index
      %get3A_1841 = tpu.vector_load %arg15[%get3A_1839, %get3A_1840] {strides = array<i32>} : memref<512x64xf32, #tpu.memory_space<vmem>>, vector<16xf32>,
      %get3A_1842 = arith.index_cast %add3A_1823 : i32 to index
      %get3A_1843 = arith.constant 32 : index
      %get3A_1844 = tpu.vector_load %arg15[%get3A_1842, %get3A_1843] {strides = array<i32>} : memref<512x64xf32, #tpu.memory_space<vmem>>, vector<16xf32>,
      %get3A_1845 = arith.index_cast %add3A_1823 : i32 to index
      %get3A_1846 = arith.constant 48 : index
      %get3A_1847 = tpu.vector_load %arg15[%get3A_1845, %get3A_1846] {strides = array<i32>} : memref<512x64xf32, #tpu.memory_space<vmem>>, vector<16xf32>,
      %mul3A_1848 = arith.mulf %get3A_1826, %get3A_1838 : vector<16xf32>
      %mul3A_1849 = arith.mulf %get3A_1829, %get3A_1841 : vector<16xf32>
      %add3A_1850 = arith.addf %mul3A_1848, %mul3A_1849 : vector<16xf32>
      %mul3A_1851 = arith.mulf %get3A_1832, %get3A_1844 : vector<16xf32>
      %add3A_1852 = arith.addf %add3A_1850, %mul3A_1851 : vector<16xf32>
      %mul3A_1853 = arith.mulf %get3A_1835, %get3A_1847 : vector<16xf32>
      %add3A_1854 = arith.addf %add3A_1852, %mul3A_1853 : vector<16xf32>
      %reduce_sum3A_1855 = arith.constant true
      %reduce_sum3A_1856 = vector.broadcast %reduce_sum3A_1855 : i1 to vector<16xi1>
      %reduce_sum3A_1857 = tpu.scan <sum>, %add3A_1854 masked %reduce_sum3A_1856 : vector<16xf32>, vector<16xi1> -> vector<16xf32>
      %reduce_sum3A_1858 = vector.extract %reduce_sum3A_1857[15] : f32 from vector<16xf32>
      %eq3A_1859 = arith.constant 11 : i32
      %eq3A_1860 = vector.broadcast %eq3A_1859 : i32 to vector<16xi32>
      %eq3A_1861 = arith.cmpi eq, %iota3A, %eq3A_1860 : vector<16xi32>
      %broadcast_in_dim3A_1862 = vector.broadcast %reduce_sum3A_1858 : f32 to vector<16xf32>
      %select_n3A_1863 = arith.select %eq3A_1861, %broadcast_in_dim3A_1862, %select_n3A_1819 : vector<16xi1>, vector<16xf32>
      %mul3A_1864 = arith.constant 16 : i32
      %mul3A_1865 = arith.muli %scan3A_1338, %mul3A_1864 : i32
      %add3A_1866 = arith.constant 12 : i32
      %add3A_1867 = arith.addi %mul3A_1865, %add3A_1866 : i32
      %get3A_1868 = arith.index_cast %add3A_1867 : i32 to index
      %get3A_1869 = arith.constant 0 : index
      %get3A_1870 = tpu.vector_load %arg14[%get3A_1868, %get3A_1869] {strides = array<i32>} : memref<512x64xf32, #tpu.memory_space<vmem>>, vector<16xf32>,
      %get3A_1871 = arith.index_cast %add3A_1867 : i32 to index
      %get3A_1872 = arith.constant 16 : index
      %get3A_1873 = tpu.vector_load %arg14[%get3A_1871, %get3A_1872] {strides = array<i32>} : memref<512x64xf32, #tpu.memory_space<vmem>>, vector<16xf32>,
      %get3A_1874 = arith.index_cast %add3A_1867 : i32 to index
      %get3A_1875 = arith.constant 32 : index
      %get3A_1876 = tpu.vector_load %arg14[%get3A_1874, %get3A_1875] {strides = array<i32>} : memref<512x64xf32, #tpu.memory_space<vmem>>, vector<16xf32>,
      %get3A_1877 = arith.index_cast %add3A_1867 : i32 to index
      %get3A_1878 = arith.constant 48 : index
      %get3A_1879 = tpu.vector_load %arg14[%get3A_1877, %get3A_1878] {strides = array<i32>} : memref<512x64xf32, #tpu.memory_space<vmem>>, vector<16xf32>,
      %get3A_1880 = arith.index_cast %add3A_1867 : i32 to index
      %get3A_1881 = arith.constant 0 : index
      %get3A_1882 = tpu.vector_load %arg15[%get3A_1880, %get3A_1881] {strides = array<i32>} : memref<512x64xf32, #tpu.memory_space<vmem>>, vector<16xf32>,
      %get3A_1883 = arith.index_cast %add3A_1867 : i32 to index
      %get3A_1884 = arith.constant 16 : index
      %get3A_1885 = tpu.vector_load %arg15[%get3A_1883, %get3A_1884] {strides = array<i32>} : memref<512x64xf32, #tpu.memory_space<vmem>>, vector<16xf32>,
      %get3A_1886 = arith.index_cast %add3A_1867 : i32 to index
      %get3A_1887 = arith.constant 32 : index
      %get3A_1888 = tpu.vector_load %arg15[%get3A_1886, %get3A_1887] {strides = array<i32>} : memref<512x64xf32, #tpu.memory_space<vmem>>, vector<16xf32>,
      %get3A_1889 = arith.index_cast %add3A_1867 : i32 to index
      %get3A_1890 = arith.constant 48 : index
      %get3A_1891 = tpu.vector_load %arg15[%get3A_1889, %get3A_1890] {strides = array<i32>} : memref<512x64xf32, #tpu.memory_space<vmem>>, vector<16xf32>,
      %mul3A_1892 = arith.mulf %get3A_1870, %get3A_1882 : vector<16xf32>
      %mul3A_1893 = arith.mulf %get3A_1873, %get3A_1885 : vector<16xf32>
      %add3A_1894 = arith.addf %mul3A_1892, %mul3A_1893 : vector<16xf32>
      %mul3A_1895 = arith.mulf %get3A_1876, %get3A_1888 : vector<16xf32>
      %add3A_1896 = arith.addf %add3A_1894, %mul3A_1895 : vector<16xf32>
      %mul3A_1897 = arith.mulf %get3A_1879, %get3A_1891 : vector<16xf32>
      %add3A_1898 = arith.addf %add3A_1896, %mul3A_1897 : vector<16xf32>
      %reduce_sum3A_1899 = arith.constant true
      %reduce_sum3A_1900 = vector.broadcast %reduce_sum3A_1899 : i1 to vector<16xi1>
      %reduce_sum3A_1901 = tpu.scan <sum>, %add3A_1898 masked %reduce_sum3A_1900 : vector<16xf32>, vector<16xi1> -> vector<16xf32>
      %reduce_sum3A_1902 = vector.extract %reduce_sum3A_1901[15] : f32 from vector<16xf32>
      %eq3A_1903 = arith.constant 12 : i32
      %eq3A_1904 = vector.broadcast %eq3A_1903 : i32 to vector<16xi32>
      %eq3A_1905 = arith.cmpi eq, %iota3A, %eq3A_1904 : vector<16xi32>
      %broadcast_in_dim3A_1906 = vector.broadcast %reduce_sum3A_1902 : f32 to vector<16xf32>
      %select_n3A_1907 = arith.select %eq3A_1905, %broadcast_in_dim3A_1906, %select_n3A_1863 : vector<16xi1>, vector<16xf32>
      %mul3A_1908 = arith.constant 16 : i32
      %mul3A_1909 = arith.muli %scan3A_1338, %mul3A_1908 : i32
      %add3A_1910 = arith.constant 13 : i32
      %add3A_1911 = arith.addi %mul3A_1909, %add3A_1910 : i32
      %get3A_1912 = arith.index_cast %add3A_1911 : i32 to index
      %get3A_1913 = arith.constant 0 : index
      %get3A_1914 = tpu.vector_load %arg14[%get3A_1912, %get3A_1913] {strides = array<i32>} : memref<512x64xf32, #tpu.memory_space<vmem>>, vector<16xf32>,
      %get3A_1915 = arith.index_cast %add3A_1911 : i32 to index
      %get3A_1916 = arith.constant 16 : index
      %get3A_1917 = tpu.vector_load %arg14[%get3A_1915, %get3A_1916] {strides = array<i32>} : memref<512x64xf32, #tpu.memory_space<vmem>>, vector<16xf32>,
      %get3A_1918 = arith.index_cast %add3A_1911 : i32 to index
      %get3A_1919 = arith.constant 32 : index
      %get3A_1920 = tpu.vector_load %arg14[%get3A_1918, %get3A_1919] {strides = array<i32>} : memref<512x64xf32, #tpu.memory_space<vmem>>, vector<16xf32>,
      %get3A_1921 = arith.index_cast %add3A_1911 : i32 to index
      %get3A_1922 = arith.constant 48 : index
      %get3A_1923 = tpu.vector_load %arg14[%get3A_1921, %get3A_1922] {strides = array<i32>} : memref<512x64xf32, #tpu.memory_space<vmem>>, vector<16xf32>,
      %get3A_1924 = arith.index_cast %add3A_1911 : i32 to index
      %get3A_1925 = arith.constant 0 : index
      %get3A_1926 = tpu.vector_load %arg15[%get3A_1924, %get3A_1925] {strides = array<i32>} : memref<512x64xf32, #tpu.memory_space<vmem>>, vector<16xf32>,
      %get3A_1927 = arith.index_cast %add3A_1911 : i32 to index
      %get3A_1928 = arith.constant 16 : index
      %get3A_1929 = tpu.vector_load %arg15[%get3A_1927, %get3A_1928] {strides = array<i32>} : memref<512x64xf32, #tpu.memory_space<vmem>>, vector<16xf32>,
      %get3A_1930 = arith.index_cast %add3A_1911 : i32 to index
      %get3A_1931 = arith.constant 32 : index
      %get3A_1932 = tpu.vector_load %arg15[%get3A_1930, %get3A_1931] {strides = array<i32>} : memref<512x64xf32, #tpu.memory_space<vmem>>, vector<16xf32>,
      %get3A_1933 = arith.index_cast %add3A_1911 : i32 to index
      %get3A_1934 = arith.constant 48 : index
      %get3A_1935 = tpu.vector_load %arg15[%get3A_1933, %get3A_1934] {strides = array<i32>} : memref<512x64xf32, #tpu.memory_space<vmem>>, vector<16xf32>,
      %mul3A_1936 = arith.mulf %get3A_1914, %get3A_1926 : vector<16xf32>
      %mul3A_1937 = arith.mulf %get3A_1917, %get3A_1929 : vector<16xf32>
      %add3A_1938 = arith.addf %mul3A_1936, %mul3A_1937 : vector<16xf32>
      %mul3A_1939 = arith.mulf %get3A_1920, %get3A_1932 : vector<16xf32>
      %add3A_1940 = arith.addf %add3A_1938, %mul3A_1939 : vector<16xf32>
      %mul3A_1941 = arith.mulf %get3A_1923, %get3A_1935 : vector<16xf32>
      %add3A_1942 = arith.addf %add3A_1940, %mul3A_1941 : vector<16xf32>
      %reduce_sum3A_1943 = arith.constant true
      %reduce_sum3A_1944 = vector.broadcast %reduce_sum3A_1943 : i1 to vector<16xi1>
      %reduce_sum3A_1945 = tpu.scan <sum>, %add3A_1942 masked %reduce_sum3A_1944 : vector<16xf32>, vector<16xi1> -> vector<16xf32>
      %reduce_sum3A_1946 = vector.extract %reduce_sum3A_1945[15] : f32 from vector<16xf32>
      %eq3A_1947 = arith.constant 13 : i32
      %eq3A_1948 = vector.broadcast %eq3A_1947 : i32 to vector<16xi32>
      %eq3A_1949 = arith.cmpi eq, %iota3A, %eq3A_1948 : vector<16xi32>
      %broadcast_in_dim3A_1950 = vector.broadcast %reduce_sum3A_1946 : f32 to vector<16xf32>
      %select_n3A_1951 = arith.select %eq3A_1949, %broadcast_in_dim3A_1950, %select_n3A_1907 : vector<16xi1>, vector<16xf32>
      %mul3A_1952 = arith.constant 16 : i32
      %mul3A_1953 = arith.muli %scan3A_1338, %mul3A_1952 : i32
      %add3A_1954 = arith.constant 14 : i32
      %add3A_1955 = arith.addi %mul3A_1953, %add3A_1954 : i32
      %get3A_1956 = arith.index_cast %add3A_1955 : i32 to index
      %get3A_1957 = arith.constant 0 : index
      %get3A_1958 = tpu.vector_load %arg14[%get3A_1956, %get3A_1957] {strides = array<i32>} : memref<512x64xf32, #tpu.memory_space<vmem>>, vector<16xf32>,
      %get3A_1959 = arith.index_cast %add3A_1955 : i32 to index
      %get3A_1960 = arith.constant 16 : index
      %get3A_1961 = tpu.vector_load %arg14[%get3A_1959, %get3A_1960] {strides = array<i32>} : memref<512x64xf32, #tpu.memory_space<vmem>>, vector<16xf32>,
      %get3A_1962 = arith.index_cast %add3A_1955 : i32 to index
      %get3A_1963 = arith.constant 32 : index
      %get3A_1964 = tpu.vector_load %arg14[%get3A_1962, %get3A_1963] {strides = array<i32>} : memref<512x64xf32, #tpu.memory_space<vmem>>, vector<16xf32>,
      %get3A_1965 = arith.index_cast %add3A_1955 : i32 to index
      %get3A_1966 = arith.constant 48 : index
      %get3A_1967 = tpu.vector_load %arg14[%get3A_1965, %get3A_1966] {strides = array<i32>} : memref<512x64xf32, #tpu.memory_space<vmem>>, vector<16xf32>,
      %get3A_1968 = arith.index_cast %add3A_1955 : i32 to index
      %get3A_1969 = arith.constant 0 : index
      %get3A_1970 = tpu.vector_load %arg15[%get3A_1968, %get3A_1969] {strides = array<i32>} : memref<512x64xf32, #tpu.memory_space<vmem>>, vector<16xf32>,
      %get3A_1971 = arith.index_cast %add3A_1955 : i32 to index
      %get3A_1972 = arith.constant 16 : index
      %get3A_1973 = tpu.vector_load %arg15[%get3A_1971, %get3A_1972] {strides = array<i32>} : memref<512x64xf32, #tpu.memory_space<vmem>>, vector<16xf32>,
      %get3A_1974 = arith.index_cast %add3A_1955 : i32 to index
      %get3A_1975 = arith.constant 32 : index
      %get3A_1976 = tpu.vector_load %arg15[%get3A_1974, %get3A_1975] {strides = array<i32>} : memref<512x64xf32, #tpu.memory_space<vmem>>, vector<16xf32>,
      %get3A_1977 = arith.index_cast %add3A_1955 : i32 to index
      %get3A_1978 = arith.constant 48 : index
      %get3A_1979 = tpu.vector_load %arg15[%get3A_1977, %get3A_1978] {strides = array<i32>} : memref<512x64xf32, #tpu.memory_space<vmem>>, vector<16xf32>,
      %mul3A_1980 = arith.mulf %get3A_1958, %get3A_1970 : vector<16xf32>
      %mul3A_1981 = arith.mulf %get3A_1961, %get3A_1973 : vector<16xf32>
      %add3A_1982 = arith.addf %mul3A_1980, %mul3A_1981 : vector<16xf32>
      %mul3A_1983 = arith.mulf %get3A_1964, %get3A_1976 : vector<16xf32>
      %add3A_1984 = arith.addf %add3A_1982, %mul3A_1983 : vector<16xf32>
      %mul3A_1985 = arith.mulf %get3A_1967, %get3A_1979 : vector<16xf32>
      %add3A_1986 = arith.addf %add3A_1984, %mul3A_1985 : vector<16xf32>
      %reduce_sum3A_1987 = arith.constant true
      %reduce_sum3A_1988 = vector.broadcast %reduce_sum3A_1987 : i1 to vector<16xi1>
      %reduce_sum3A_1989 = tpu.scan <sum>, %add3A_1986 masked %reduce_sum3A_1988 : vector<16xf32>, vector<16xi1> -> vector<16xf32>
      %reduce_sum3A_1990 = vector.extract %reduce_sum3A_1989[15] : f32 from vector<16xf32>
      %eq3A_1991 = arith.constant 14 : i32
      %eq3A_1992 = vector.broadcast %eq3A_1991 : i32 to vector<16xi32>
      %eq3A_1993 = arith.cmpi eq, %iota3A, %eq3A_1992 : vector<16xi32>
      %broadcast_in_dim3A_1994 = vector.broadcast %reduce_sum3A_1990 : f32 to vector<16xf32>
      %select_n3A_1995 = arith.select %eq3A_1993, %broadcast_in_dim3A_1994, %select_n3A_1951 : vector<16xi1>, vector<16xf32>
      %mul3A_1996 = arith.constant 16 : i32
      %mul3A_1997 = arith.muli %scan3A_1338, %mul3A_1996 : i32
      %add3A_1998 = arith.constant 15 : i32
      %add3A_1999 = arith.addi %mul3A_1997, %add3A_1998 : i32
      %get3A_2000 = arith.index_cast %add3A_1999 : i32 to index
      %get3A_2001 = arith.constant 0 : index
      %get3A_2002 = tpu.vector_load %arg14[%get3A_2000, %get3A_2001] {strides = array<i32>} : memref<512x64xf32, #tpu.memory_space<vmem>>, vector<16xf32>,
      %get3A_2003 = arith.index_cast %add3A_1999 : i32 to index
      %get3A_2004 = arith.constant 16 : index
      %get3A_2005 = tpu.vector_load %arg14[%get3A_2003, %get3A_2004] {strides = array<i32>} : memref<512x64xf32, #tpu.memory_space<vmem>>, vector<16xf32>,
      %get3A_2006 = arith.index_cast %add3A_1999 : i32 to index
      %get3A_2007 = arith.constant 32 : index
      %get3A_2008 = tpu.vector_load %arg14[%get3A_2006, %get3A_2007] {strides = array<i32>} : memref<512x64xf32, #tpu.memory_space<vmem>>, vector<16xf32>,
      %get3A_2009 = arith.index_cast %add3A_1999 : i32 to index
      %get3A_2010 = arith.constant 48 : index
      %get3A_2011 = tpu.vector_load %arg14[%get3A_2009, %get3A_2010] {strides = array<i32>} : memref<512x64xf32, #tpu.memory_space<vmem>>, vector<16xf32>,
      %get3A_2012 = arith.index_cast %add3A_1999 : i32 to index
      %get3A_2013 = arith.constant 0 : index
      %get3A_2014 = tpu.vector_load %arg15[%get3A_2012, %get3A_2013] {strides = array<i32>} : memref<512x64xf32, #tpu.memory_space<vmem>>, vector<16xf32>,
      %get3A_2015 = arith.index_cast %add3A_1999 : i32 to index
      %get3A_2016 = arith.constant 16 : index
      %get3A_2017 = tpu.vector_load %arg15[%get3A_2015, %get3A_2016] {strides = array<i32>} : memref<512x64xf32, #tpu.memory_space<vmem>>, vector<16xf32>,
      %get3A_2018 = arith.index_cast %add3A_1999 : i32 to index
      %get3A_2019 = arith.constant 32 : index
      %get3A_2020 = tpu.vector_load %arg15[%get3A_2018, %get3A_2019] {strides = array<i32>} : memref<512x64xf32, #tpu.memory_space<vmem>>, vector<16xf32>,
      %get3A_2021 = arith.index_cast %add3A_1999 : i32 to index
      %get3A_2022 = arith.constant 48 : index
      %get3A_2023 = tpu.vector_load %arg15[%get3A_2021, %get3A_2022] {strides = array<i32>} : memref<512x64xf32, #tpu.memory_space<vmem>>, vector<16xf32>,
      %mul3A_2024 = arith.mulf %get3A_2002, %get3A_2014 : vector<16xf32>
      %mul3A_2025 = arith.mulf %get3A_2005, %get3A_2017 : vector<16xf32>
      %add3A_2026 = arith.addf %mul3A_2024, %mul3A_2025 : vector<16xf32>
      %mul3A_2027 = arith.mulf %get3A_2008, %get3A_2020 : vector<16xf32>
      %add3A_2028 = arith.addf %add3A_2026, %mul3A_2027 : vector<16xf32>
      %mul3A_2029 = arith.mulf %get3A_2011, %get3A_2023 : vector<16xf32>
      %add3A_2030 = arith.addf %add3A_2028, %mul3A_2029 : vector<16xf32>
      %reduce_sum3A_2031 = arith.constant true
      %reduce_sum3A_2032 = vector.broadcast %reduce_sum3A_2031 : i1 to vector<16xi1>
      %reduce_sum3A_2033 = tpu.scan <sum>, %add3A_2030 masked %reduce_sum3A_2032 : vector<16xf32>, vector<16xi1> -> vector<16xf32>
      %reduce_sum3A_2034 = vector.extract %reduce_sum3A_2033[15] : f32 from vector<16xf32>
      %eq3A_2035 = arith.constant 15 : i32
      %eq3A_2036 = vector.broadcast %eq3A_2035 : i32 to vector<16xi32>
      %eq3A_2037 = arith.cmpi eq, %iota3A, %eq3A_2036 : vector<16xi32>
      %broadcast_in_dim3A_2038 = vector.broadcast %reduce_sum3A_2034 : f32 to vector<16xf32>
      %select_n3A_2039 = arith.select %eq3A_2037, %broadcast_in_dim3A_2038, %select_n3A_1995 : vector<16xi1>, vector<16xf32>
      %mul3A_2040 = arith.constant 16 : i32
      %mul3A_2041 = arith.muli %scan3A_1338, %mul3A_2040 : i32
      %get3A_2042 = arith.index_cast %mul3A_2041 : i32 to index
      %get3A_2043 = tpu.vector_load %arg16[%get3A_2042] {strides = array<i32>} : memref<512xf32, #tpu.memory_space<vmem>>, vector<16xf32>,
      %mul3A_2044 = arith.constant 16 : i32
      %mul3A_2045 = arith.muli %scan3A_1338, %mul3A_2044 : i32
      %get3A_2046 = arith.index_cast %mul3A_2045 : i32 to index
      %get3A_2047 = tpu.vector_load %arg17[%get3A_2046] {strides = array<i32>} : memref<512xf32, #tpu.memory_space<vmem>>, vector<16xf32>,
      %add3A_2048 = arith.addf %select_n3A_2039, %get3A_2043 : vector<16xf32>
      %add3A_2049 = arith.addf %add3A_2048, %get3A_2047 : vector<16xf32>
      %add3A_2050 = vector.broadcast %squeeze3A : f32 to vector<16xf32>
      %add3A_2051 = arith.addf %add3A_2049, %add3A_2050 : vector<16xf32>
      %mul3A_2052 = arith.constant 16 : i32
      %mul3A_2053 = arith.muli %scan3A_1338, %mul3A_2052 : i32
      %swap3A = arith.index_cast %mul3A_2053 : i32 to index
      %swap3A_2054 = tpu.vector_load %arg22[%swap3A] {strides = array<i32>} : memref<512xf32, #tpu.memory_space<vmem>>, vector<16xf32>,
      tpu.vector_store %arg22[%swap3A], %add3A_2051 {strides = array<i32>} : memref<512xf32, #tpu.memory_space<vmem>>, vector<16xf32>,
    }
    %scan3A_851 = arith.constant 32 : i32
    %dma_wait3A_852 = arith.constant 0 : i32
    %dma_wait3A_853 = tpu.memref_slice %arg21[%dma_wait3A_852] : memref<10240xf32, #tpu.memory_space<vmem>> -> memref<128xf32, #tpu.memory_space<vmem>>
    %dma_wait3A_854 = arith.constant 0 : i32
    %dma_wait3A_855 = tpu.memref_slice %arg20[%dma_wait3A_854] : memref<10240xi32, #tpu.memory_space<vmem>> -> memref<128xi32, #tpu.memory_space<vmem>>
    %dma_wait3A_856 = arith.constant 0 : i32
    %dma_wait3A_857 = tpu.memref_slice %arg9[%dma_wait3A_856] : memref<100001xf32, #tpu.memory_space<hbm>> -> memref<100001xf32, #tpu.memory_space<hbm>>
    tpu.wait_indirect_dma semaphore(%arg27 : memref<!tpu.dma_semaphore, #tpu.memory_space<semaphore_mem>>) src(%dma_wait3A_857 : memref<100001xf32, #tpu.memory_space<hbm>>) dst(%dma_wait3A_853 : memref<128xf32, #tpu.memory_space<vmem>>)
    %dma_wait3A_858 = arith.constant 128 : i32
    %dma_wait3A_859 = tpu.memref_slice %arg21[%dma_wait3A_858] : memref<10240xf32, #tpu.memory_space<vmem>> -> memref<128xf32, #tpu.memory_space<vmem>>
    %dma_wait3A_860 = arith.constant 128 : i32
    %dma_wait3A_861 = tpu.memref_slice %arg20[%dma_wait3A_860] : memref<10240xi32, #tpu.memory_space<vmem>> -> memref<128xi32, #tpu.memory_space<vmem>>
    %dma_wait3A_862 = arith.constant 0 : i32
    %dma_wait3A_863 = tpu.memref_slice %arg9[%dma_wait3A_862] : memref<100001xf32, #tpu.memory_space<hbm>> -> memref<100001xf32, #tpu.memory_space<hbm>>
    tpu.wait_indirect_dma semaphore(%arg27 : memref<!tpu.dma_semaphore, #tpu.memory_space<semaphore_mem>>) src(%dma_wait3A_863 : memref<100001xf32, #tpu.memory_space<hbm>>) dst(%dma_wait3A_859 : memref<128xf32, #tpu.memory_space<vmem>>)
    %dma_wait3A_864 = arith.constant 256 : i32
    %dma_wait3A_865 = tpu.memref_slice %arg21[%dma_wait3A_864] : memref<10240xf32, #tpu.memory_space<vmem>> -> memref<128xf32, #tpu.memory_space<vmem>>
    %dma_wait3A_866 = arith.constant 256 : i32
    %dma_wait3A_867 = tpu.memref_slice %arg20[%dma_wait3A_866] : memref<10240xi32, #tpu.memory_space<vmem>> -> memref<128xi32, #tpu.memory_space<vmem>>
    %dma_wait3A_868 = arith.constant 0 : i32
    %dma_wait3A_869 = tpu.memref_slice %arg9[%dma_wait3A_868] : memref<100001xf32, #tpu.memory_space<hbm>> -> memref<100001xf32, #tpu.memory_space<hbm>>
    tpu.wait_indirect_dma semaphore(%arg27 : memref<!tpu.dma_semaphore, #tpu.memory_space<semaphore_mem>>) src(%dma_wait3A_869 : memref<100001xf32, #tpu.memory_space<hbm>>) dst(%dma_wait3A_865 : memref<128xf32, #tpu.memory_space<vmem>>)
    %dma_wait3A_870 = arith.constant 384 : i32
    %dma_wait3A_871 = tpu.memref_slice %arg21[%dma_wait3A_870] : memref<10240xf32, #tpu.memory_space<vmem>> -> memref<128xf32, #tpu.memory_space<vmem>>
    %dma_wait3A_872 = arith.constant 384 : i32
    %dma_wait3A_873 = tpu.memref_slice %arg20[%dma_wait3A_872] : memref<10240xi32, #tpu.memory_space<vmem>> -> memref<128xi32, #tpu.memory_space<vmem>>
    %dma_wait3A_874 = arith.constant 0 : i32
    %dma_wait3A_875 = tpu.memref_slice %arg9[%dma_wait3A_874] : memref<100001xf32, #tpu.memory_space<hbm>> -> memref<100001xf32, #tpu.memory_space<hbm>>
    tpu.wait_indirect_dma semaphore(%arg27 : memref<!tpu.dma_semaphore, #tpu.memory_space<semaphore_mem>>) src(%dma_wait3A_875 : memref<100001xf32, #tpu.memory_space<hbm>>) dst(%dma_wait3A_871 : memref<128xf32, #tpu.memory_space<vmem>>)
    %dma_wait3A_876 = arith.constant 512 : i32
    %dma_wait3A_877 = tpu.memref_slice %arg21[%dma_wait3A_876] : memref<10240xf32, #tpu.memory_space<vmem>> -> memref<128xf32, #tpu.memory_space<vmem>>
    %dma_wait3A_878 = arith.constant 512 : i32
    %dma_wait3A_879 = tpu.memref_slice %arg20[%dma_wait3A_878] : memref<10240xi32, #tpu.memory_space<vmem>> -> memref<128xi32, #tpu.memory_space<vmem>>
    %dma_wait3A_880 = arith.constant 0 : i32
    %dma_wait3A_881 = tpu.memref_slice %arg9[%dma_wait3A_880] : memref<100001xf32, #tpu.memory_space<hbm>> -> memref<100001xf32, #tpu.memory_space<hbm>>
    tpu.wait_indirect_dma semaphore(%arg27 : memref<!tpu.dma_semaphore, #tpu.memory_space<semaphore_mem>>) src(%dma_wait3A_881 : memref<100001xf32, #tpu.memory_space<hbm>>) dst(%dma_wait3A_877 : memref<128xf32, #tpu.memory_space<vmem>>)
    %dma_wait3A_882 = arith.constant 640 : i32
    %dma_wait3A_883 = tpu.memref_slice %arg21[%dma_wait3A_882] : memref<10240xf32, #tpu.memory_space<vmem>> -> memref<128xf32, #tpu.memory_space<vmem>>
    %dma_wait3A_884 = arith.constant 640 : i32
    %dma_wait3A_885 = tpu.memref_slice %arg20[%dma_wait3A_884] : memref<10240xi32, #tpu.memory_space<vmem>> -> memref<128xi32, #tpu.memory_space<vmem>>
    %dma_wait3A_886 = arith.constant 0 : i32
    %dma_wait3A_887 = tpu.memref_slice %arg9[%dma_wait3A_886] : memref<100001xf32, #tpu.memory_space<hbm>> -> memref<100001xf32, #tpu.memory_space<hbm>>
    tpu.wait_indirect_dma semaphore(%arg27 : memref<!tpu.dma_semaphore, #tpu.memory_space<semaphore_mem>>) src(%dma_wait3A_887 : memref<100001xf32, #tpu.memory_space<hbm>>) dst(%dma_wait3A_883 : memref<128xf32, #tpu.memory_space<vmem>>)
    %dma_wait3A_888 = arith.constant 768 : i32
    %dma_wait3A_889 = tpu.memref_slice %arg21[%dma_wait3A_888] : memref<10240xf32, #tpu.memory_space<vmem>> -> memref<128xf32, #tpu.memory_space<vmem>>
    %dma_wait3A_890 = arith.constant 768 : i32
    %dma_wait3A_891 = tpu.memref_slice %arg20[%dma_wait3A_890] : memref<10240xi32, #tpu.memory_space<vmem>> -> memref<128xi32, #tpu.memory_space<vmem>>
    %dma_wait3A_892 = arith.constant 0 : i32
    %dma_wait3A_893 = tpu.memref_slice %arg9[%dma_wait3A_892] : memref<100001xf32, #tpu.memory_space<hbm>> -> memref<100001xf32, #tpu.memory_space<hbm>>
    tpu.wait_indirect_dma semaphore(%arg27 : memref<!tpu.dma_semaphore, #tpu.memory_space<semaphore_mem>>) src(%dma_wait3A_893 : memref<100001xf32, #tpu.memory_space<hbm>>) dst(%dma_wait3A_889 : memref<128xf32, #tpu.memory_space<vmem>>)
    %dma_wait3A_894 = arith.constant 896 : i32
    %dma_wait3A_895 = tpu.memref_slice %arg21[%dma_wait3A_894] : memref<10240xf32, #tpu.memory_space<vmem>> -> memref<128xf32, #tpu.memory_space<vmem>>
    %dma_wait3A_896 = arith.constant 896 : i32
    %dma_wait3A_897 = tpu.memref_slice %arg20[%dma_wait3A_896] : memref<10240xi32, #tpu.memory_space<vmem>> -> memref<128xi32, #tpu.memory_space<vmem>>
    %dma_wait3A_898 = arith.constant 0 : i32
    %dma_wait3A_899 = tpu.memref_slice %arg9[%dma_wait3A_898] : memref<100001xf32, #tpu.memory_space<hbm>> -> memref<100001xf32, #tpu.memory_space<hbm>>
    tpu.wait_indirect_dma semaphore(%arg27 : memref<!tpu.dma_semaphore, #tpu.memory_space<semaphore_mem>>) src(%dma_wait3A_899 : memref<100001xf32, #tpu.memory_space<hbm>>) dst(%dma_wait3A_895 : memref<128xf32, #tpu.memory_space<vmem>>)
    %dma_wait3A_900 = arith.constant 1024 : i32
    %dma_wait3A_901 = tpu.memref_slice %arg21[%dma_wait3A_900] : memref<10240xf32, #tpu.memory_space<vmem>> -> memref<128xf32, #tpu.memory_space<vmem>>
    %dma_wait3A_902 = arith.constant 1024 : i32
    %dma_wait3A_903 = tpu.memref_slice %arg20[%dma_wait3A_902] : memref<10240xi32, #tpu.memory_space<vmem>> -> memref<128xi32, #tpu.memory_space<vmem>>
    %dma_wait3A_904 = arith.constant 0 : i32
    %dma_wait3A_905 = tpu.memref_slice %arg9[%dma_wait3A_904] : memref<100001xf32, #tpu.memory_space<hbm>> -> memref<100001xf32, #tpu.memory_space<hbm>>
    tpu.wait_indirect_dma semaphore(%arg27 : memref<!tpu.dma_semaphore, #tpu.memory_space<semaphore_mem>>) src(%dma_wait3A_905 : memref<100001xf32, #tpu.memory_space<hbm>>) dst(%dma_wait3A_901 : memref<128xf32, #tpu.memory_space<vmem>>)
    %dma_wait3A_906 = arith.constant 1152 : i32
    %dma_wait3A_907 = tpu.memref_slice %arg21[%dma_wait3A_906] : memref<10240xf32, #tpu.memory_space<vmem>> -> memref<128xf32, #tpu.memory_space<vmem>>
    %dma_wait3A_908 = arith.constant 1152 : i32
    %dma_wait3A_909 = tpu.memref_slice %arg20[%dma_wait3A_908] : memref<10240xi32, #tpu.memory_space<vmem>> -> memref<128xi32, #tpu.memory_space<vmem>>
    %dma_wait3A_910 = arith.constant 0 : i32
    %dma_wait3A_911 = tpu.memref_slice %arg9[%dma_wait3A_910] : memref<100001xf32, #tpu.memory_space<hbm>> -> memref<100001xf32, #tpu.memory_space<hbm>>
    tpu.wait_indirect_dma semaphore(%arg27 : memref<!tpu.dma_semaphore, #tpu.memory_space<semaphore_mem>>) src(%dma_wait3A_911 : memref<100001xf32, #tpu.memory_space<hbm>>) dst(%dma_wait3A_907 : memref<128xf32, #tpu.memory_space<vmem>>)
    %dma_wait3A_912 = arith.constant 1280 : i32
    %dma_wait3A_913 = tpu.memref_slice %arg21[%dma_wait3A_912] : memref<10240xf32, #tpu.memory_space<vmem>> -> memref<128xf32, #tpu.memory_space<vmem>>
    %dma_wait3A_914 = arith.constant 1280 : i32
    %dma_wait3A_915 = tpu.memref_slice %arg20[%dma_wait3A_914] : memref<10240xi32, #tpu.memory_space<vmem>> -> memref<128xi32, #tpu.memory_space<vmem>>
    %dma_wait3A_916 = arith.constant 0 : i32
    %dma_wait3A_917 = tpu.memref_slice %arg9[%dma_wait3A_916] : memref<100001xf32, #tpu.memory_space<hbm>> -> memref<100001xf32, #tpu.memory_space<hbm>>
    tpu.wait_indirect_dma semaphore(%arg27 : memref<!tpu.dma_semaphore, #tpu.memory_space<semaphore_mem>>) src(%dma_wait3A_917 : memref<100001xf32, #tpu.memory_space<hbm>>) dst(%dma_wait3A_913 : memref<128xf32, #tpu.memory_space<vmem>>)
    %dma_wait3A_918 = arith.constant 1408 : i32
    %dma_wait3A_919 = tpu.memref_slice %arg21[%dma_wait3A_918] : memref<10240xf32, #tpu.memory_space<vmem>> -> memref<128xf32, #tpu.memory_space<vmem>>
    %dma_wait3A_920 = arith.constant 1408 : i32
    %dma_wait3A_921 = tpu.memref_slice %arg20[%dma_wait3A_920] : memref<10240xi32, #tpu.memory_space<vmem>> -> memref<128xi32, #tpu.memory_space<vmem>>
    %dma_wait3A_922 = arith.constant 0 : i32
    %dma_wait3A_923 = tpu.memref_slice %arg9[%dma_wait3A_922] : memref<100001xf32, #tpu.memory_space<hbm>> -> memref<100001xf32, #tpu.memory_space<hbm>>
    tpu.wait_indirect_dma semaphore(%arg27 : memref<!tpu.dma_semaphore, #tpu.memory_space<semaphore_mem>>) src(%dma_wait3A_923 : memref<100001xf32, #tpu.memory_space<hbm>>) dst(%dma_wait3A_919 : memref<128xf32, #tpu.memory_space<vmem>>)
    %dma_wait3A_924 = arith.constant 1536 : i32
    %dma_wait3A_925 = tpu.memref_slice %arg21[%dma_wait3A_924] : memref<10240xf32, #tpu.memory_space<vmem>> -> memref<128xf32, #tpu.memory_space<vmem>>
    %dma_wait3A_926 = arith.constant 1536 : i32
    %dma_wait3A_927 = tpu.memref_slice %arg20[%dma_wait3A_926] : memref<10240xi32, #tpu.memory_space<vmem>> -> memref<128xi32, #tpu.memory_space<vmem>>
    %dma_wait3A_928 = arith.constant 0 : i32
    %dma_wait3A_929 = tpu.memref_slice %arg9[%dma_wait3A_928] : memref<100001xf32, #tpu.memory_space<hbm>> -> memref<100001xf32, #tpu.memory_space<hbm>>
    tpu.wait_indirect_dma semaphore(%arg27 : memref<!tpu.dma_semaphore, #tpu.memory_space<semaphore_mem>>) src(%dma_wait3A_929 : memref<100001xf32, #tpu.memory_space<hbm>>) dst(%dma_wait3A_925 : memref<128xf32, #tpu.memory_space<vmem>>)
    %dma_wait3A_930 = arith.constant 1664 : i32
    %dma_wait3A_931 = tpu.memref_slice %arg21[%dma_wait3A_930] : memref<10240xf32, #tpu.memory_space<vmem>> -> memref<128xf32, #tpu.memory_space<vmem>>
    %dma_wait3A_932 = arith.constant 1664 : i32
    %dma_wait3A_933 = tpu.memref_slice %arg20[%dma_wait3A_932] : memref<10240xi32, #tpu.memory_space<vmem>> -> memref<128xi32, #tpu.memory_space<vmem>>
    %dma_wait3A_934 = arith.constant 0 : i32
    %dma_wait3A_935 = tpu.memref_slice %arg9[%dma_wait3A_934] : memref<100001xf32, #tpu.memory_space<hbm>> -> memref<100001xf32, #tpu.memory_space<hbm>>
    tpu.wait_indirect_dma semaphore(%arg27 : memref<!tpu.dma_semaphore, #tpu.memory_space<semaphore_mem>>) src(%dma_wait3A_935 : memref<100001xf32, #tpu.memory_space<hbm>>) dst(%dma_wait3A_931 : memref<128xf32, #tpu.memory_space<vmem>>)
    %dma_wait3A_936 = arith.constant 1792 : i32
    %dma_wait3A_937 = tpu.memref_slice %arg21[%dma_wait3A_936] : memref<10240xf32, #tpu.memory_space<vmem>> -> memref<128xf32, #tpu.memory_space<vmem>>
    %dma_wait3A_938 = arith.constant 1792 : i32
    %dma_wait3A_939 = tpu.memref_slice %arg20[%dma_wait3A_938] : memref<10240xi32, #tpu.memory_space<vmem>> -> memref<128xi32, #tpu.memory_space<vmem>>
    %dma_wait3A_940 = arith.constant 0 : i32
    %dma_wait3A_941 = tpu.memref_slice %arg9[%dma_wait3A_940] : memref<100001xf32, #tpu.memory_space<hbm>> -> memref<100001xf32, #tpu.memory_space<hbm>>
    tpu.wait_indirect_dma semaphore(%arg27 : memref<!tpu.dma_semaphore, #tpu.memory_space<semaphore_mem>>) src(%dma_wait3A_941 : memref<100001xf32, #tpu.memory_space<hbm>>) dst(%dma_wait3A_937 : memref<128xf32, #tpu.memory_space<vmem>>)
    %dma_wait3A_942 = arith.constant 1920 : i32
    %dma_wait3A_943 = tpu.memref_slice %arg21[%dma_wait3A_942] : memref<10240xf32, #tpu.memory_space<vmem>> -> memref<128xf32, #tpu.memory_space<vmem>>
    %dma_wait3A_944 = arith.constant 1920 : i32
    %dma_wait3A_945 = tpu.memref_slice %arg20[%dma_wait3A_944] : memref<10240xi32, #tpu.memory_space<vmem>> -> memref<128xi32, #tpu.memory_space<vmem>>
    %dma_wait3A_946 = arith.constant 0 : i32
    %dma_wait3A_947 = tpu.memref_slice %arg9[%dma_wait3A_946] : memref<100001xf32, #tpu.memory_space<hbm>> -> memref<100001xf32, #tpu.memory_space<hbm>>
    tpu.wait_indirect_dma semaphore(%arg27 : memref<!tpu.dma_semaphore, #tpu.memory_space<semaphore_mem>>) src(%dma_wait3A_947 : memref<100001xf32, #tpu.memory_space<hbm>>) dst(%dma_wait3A_943 : memref<128xf32, #tpu.memory_space<vmem>>)
    %dma_wait3A_948 = arith.constant 2048 : i32
    %dma_wait3A_949 = tpu.memref_slice %arg21[%dma_wait3A_948] : memref<10240xf32, #tpu.memory_space<vmem>> -> memref<128xf32, #tpu.memory_space<vmem>>
    %dma_wait3A_950 = arith.constant 2048 : i32
    %dma_wait3A_951 = tpu.memref_slice %arg20[%dma_wait3A_950] : memref<10240xi32, #tpu.memory_space<vmem>> -> memref<128xi32, #tpu.memory_space<vmem>>
    %dma_wait3A_952 = arith.constant 0 : i32
    %dma_wait3A_953 = tpu.memref_slice %arg9[%dma_wait3A_952] : memref<100001xf32, #tpu.memory_space<hbm>> -> memref<100001xf32, #tpu.memory_space<hbm>>
    tpu.wait_indirect_dma semaphore(%arg27 : memref<!tpu.dma_semaphore, #tpu.memory_space<semaphore_mem>>) src(%dma_wait3A_953 : memref<100001xf32, #tpu.memory_space<hbm>>) dst(%dma_wait3A_949 : memref<128xf32, #tpu.memory_space<vmem>>)
    %dma_wait3A_954 = arith.constant 2176 : i32
    %dma_wait3A_955 = tpu.memref_slice %arg21[%dma_wait3A_954] : memref<10240xf32, #tpu.memory_space<vmem>> -> memref<128xf32, #tpu.memory_space<vmem>>
    %dma_wait3A_956 = arith.constant 2176 : i32
    %dma_wait3A_957 = tpu.memref_slice %arg20[%dma_wait3A_956] : memref<10240xi32, #tpu.memory_space<vmem>> -> memref<128xi32, #tpu.memory_space<vmem>>
    %dma_wait3A_958 = arith.constant 0 : i32
    %dma_wait3A_959 = tpu.memref_slice %arg9[%dma_wait3A_958] : memref<100001xf32, #tpu.memory_space<hbm>> -> memref<100001xf32, #tpu.memory_space<hbm>>
    tpu.wait_indirect_dma semaphore(%arg27 : memref<!tpu.dma_semaphore, #tpu.memory_space<semaphore_mem>>) src(%dma_wait3A_959 : memref<100001xf32, #tpu.memory_space<hbm>>) dst(%dma_wait3A_955 : memref<128xf32, #tpu.memory_space<vmem>>)
    %dma_wait3A_960 = arith.constant 2304 : i32
    %dma_wait3A_961 = tpu.memref_slice %arg21[%dma_wait3A_960] : memref<10240xf32, #tpu.memory_space<vmem>> -> memref<128xf32, #tpu.memory_space<vmem>>
    %dma_wait3A_962 = arith.constant 2304 : i32
    %dma_wait3A_963 = tpu.memref_slice %arg20[%dma_wait3A_962] : memref<10240xi32, #tpu.memory_space<vmem>> -> memref<128xi32, #tpu.memory_space<vmem>>
    %dma_wait3A_964 = arith.constant 0 : i32
    %dma_wait3A_965 = tpu.memref_slice %arg9[%dma_wait3A_964] : memref<100001xf32, #tpu.memory_space<hbm>> -> memref<100001xf32, #tpu.memory_space<hbm>>
    tpu.wait_indirect_dma semaphore(%arg27 : memref<!tpu.dma_semaphore, #tpu.memory_space<semaphore_mem>>) src(%dma_wait3A_965 : memref<100001xf32, #tpu.memory_space<hbm>>) dst(%dma_wait3A_961 : memref<128xf32, #tpu.memory_space<vmem>>)
    %dma_wait3A_966 = arith.constant 2432 : i32
    %dma_wait3A_967 = tpu.memref_slice %arg21[%dma_wait3A_966] : memref<10240xf32, #tpu.memory_space<vmem>> -> memref<128xf32, #tpu.memory_space<vmem>>
    %dma_wait3A_968 = arith.constant 2432 : i32
    %dma_wait3A_969 = tpu.memref_slice %arg20[%dma_wait3A_968] : memref<10240xi32, #tpu.memory_space<vmem>> -> memref<128xi32, #tpu.memory_space<vmem>>
    %dma_wait3A_970 = arith.constant 0 : i32
    %dma_wait3A_971 = tpu.memref_slice %arg9[%dma_wait3A_970] : memref<100001xf32, #tpu.memory_space<hbm>> -> memref<100001xf32, #tpu.memory_space<hbm>>
    tpu.wait_indirect_dma semaphore(%arg27 : memref<!tpu.dma_semaphore, #tpu.memory_space<semaphore_mem>>) src(%dma_wait3A_971 : memref<100001xf32, #tpu.memory_space<hbm>>) dst(%dma_wait3A_967 : memref<128xf32, #tpu.memory_space<vmem>>)
    %dma_wait3A_972 = arith.constant 2560 : i32
    %dma_wait3A_973 = tpu.memref_slice %arg21[%dma_wait3A_972] : memref<10240xf32, #tpu.memory_space<vmem>> -> memref<128xf32, #tpu.memory_space<vmem>>
    %dma_wait3A_974 = arith.constant 2560 : i32
    %dma_wait3A_975 = tpu.memref_slice %arg20[%dma_wait3A_974] : memref<10240xi32, #tpu.memory_space<vmem>> -> memref<128xi32, #tpu.memory_space<vmem>>
    %dma_wait3A_976 = arith.constant 0 : i32
    %dma_wait3A_977 = tpu.memref_slice %arg9[%dma_wait3A_976] : memref<100001xf32, #tpu.memory_space<hbm>> -> memref<100001xf32, #tpu.memory_space<hbm>>
    tpu.wait_indirect_dma semaphore(%arg27 : memref<!tpu.dma_semaphore, #tpu.memory_space<semaphore_mem>>) src(%dma_wait3A_977 : memref<100001xf32, #tpu.memory_space<hbm>>) dst(%dma_wait3A_973 : memref<128xf32, #tpu.memory_space<vmem>>)
    %dma_wait3A_978 = arith.constant 2688 : i32
    %dma_wait3A_979 = tpu.memref_slice %arg21[%dma_wait3A_978] : memref<10240xf32, #tpu.memory_space<vmem>> -> memref<128xf32, #tpu.memory_space<vmem>>
    %dma_wait3A_980 = arith.constant 2688 : i32
    %dma_wait3A_981 = tpu.memref_slice %arg20[%dma_wait3A_980] : memref<10240xi32, #tpu.memory_space<vmem>> -> memref<128xi32, #tpu.memory_space<vmem>>
    %dma_wait3A_982 = arith.constant 0 : i32
    %dma_wait3A_983 = tpu.memref_slice %arg9[%dma_wait3A_982] : memref<100001xf32, #tpu.memory_space<hbm>> -> memref<100001xf32, #tpu.memory_space<hbm>>
    tpu.wait_indirect_dma semaphore(%arg27 : memref<!tpu.dma_semaphore, #tpu.memory_space<semaphore_mem>>) src(%dma_wait3A_983 : memref<100001xf32, #tpu.memory_space<hbm>>) dst(%dma_wait3A_979 : memref<128xf32, #tpu.memory_space<vmem>>)
    %dma_wait3A_984 = arith.constant 2816 : i32
    %dma_wait3A_985 = tpu.memref_slice %arg21[%dma_wait3A_984] : memref<10240xf32, #tpu.memory_space<vmem>> -> memref<128xf32, #tpu.memory_space<vmem>>
    %dma_wait3A_986 = arith.constant 2816 : i32
    %dma_wait3A_987 = tpu.memref_slice %arg20[%dma_wait3A_986] : memref<10240xi32, #tpu.memory_space<vmem>> -> memref<128xi32, #tpu.memory_space<vmem>>
    %dma_wait3A_988 = arith.constant 0 : i32
    %dma_wait3A_989 = tpu.memref_slice %arg9[%dma_wait3A_988] : memref<100001xf32, #tpu.memory_space<hbm>> -> memref<100001xf32, #tpu.memory_space<hbm>>
    tpu.wait_indirect_dma semaphore(%arg27 : memref<!tpu.dma_semaphore, #tpu.memory_space<semaphore_mem>>) src(%dma_wait3A_989 : memref<100001xf32, #tpu.memory_space<hbm>>) dst(%dma_wait3A_985 : memref<128xf32, #tpu.memory_space<vmem>>)
    %dma_wait3A_990 = arith.constant 2944 : i32
    %dma_wait3A_991 = tpu.memref_slice %arg21[%dma_wait3A_990] : memref<10240xf32, #tpu.memory_space<vmem>> -> memref<128xf32, #tpu.memory_space<vmem>>
    %dma_wait3A_992 = arith.constant 2944 : i32
    %dma_wait3A_993 = tpu.memref_slice %arg20[%dma_wait3A_992] : memref<10240xi32, #tpu.memory_space<vmem>> -> memref<128xi32, #tpu.memory_space<vmem>>
    %dma_wait3A_994 = arith.constant 0 : i32
    %dma_wait3A_995 = tpu.memref_slice %arg9[%dma_wait3A_994] : memref<100001xf32, #tpu.memory_space<hbm>> -> memref<100001xf32, #tpu.memory_space<hbm>>
    tpu.wait_indirect_dma semaphore(%arg27 : memref<!tpu.dma_semaphore, #tpu.memory_space<semaphore_mem>>) src(%dma_wait3A_995 : memref<100001xf32, #tpu.memory_space<hbm>>) dst(%dma_wait3A_991 : memref<128xf32, #tpu.memory_space<vmem>>)
    %dma_wait3A_996 = arith.constant 3072 : i32
    %dma_wait3A_997 = tpu.memref_slice %arg21[%dma_wait3A_996] : memref<10240xf32, #tpu.memory_space<vmem>> -> memref<128xf32, #tpu.memory_space<vmem>>
    %dma_wait3A_998 = arith.constant 3072 : i32
    %dma_wait3A_999 = tpu.memref_slice %arg20[%dma_wait3A_998] : memref<10240xi32, #tpu.memory_space<vmem>> -> memref<128xi32, #tpu.memory_space<vmem>>
    %dma_wait3A_1000 = arith.constant 0 : i32
    %dma_wait3A_1001 = tpu.memref_slice %arg9[%dma_wait3A_1000] : memref<100001xf32, #tpu.memory_space<hbm>> -> memref<100001xf32, #tpu.memory_space<hbm>>
    tpu.wait_indirect_dma semaphore(%arg27 : memref<!tpu.dma_semaphore, #tpu.memory_space<semaphore_mem>>) src(%dma_wait3A_1001 : memref<100001xf32, #tpu.memory_space<hbm>>) dst(%dma_wait3A_997 : memref<128xf32, #tpu.memory_space<vmem>>)
    %dma_wait3A_1002 = arith.constant 3200 : i32
    %dma_wait3A_1003 = tpu.memref_slice %arg21[%dma_wait3A_1002] : memref<10240xf32, #tpu.memory_space<vmem>> -> memref<128xf32, #tpu.memory_space<vmem>>
    %dma_wait3A_1004 = arith.constant 3200 : i32
    %dma_wait3A_1005 = tpu.memref_slice %arg20[%dma_wait3A_1004] : memref<10240xi32, #tpu.memory_space<vmem>> -> memref<128xi32, #tpu.memory_space<vmem>>
    %dma_wait3A_1006 = arith.constant 0 : i32
    %dma_wait3A_1007 = tpu.memref_slice %arg9[%dma_wait3A_1006] : memref<100001xf32, #tpu.memory_space<hbm>> -> memref<100001xf32, #tpu.memory_space<hbm>>
    tpu.wait_indirect_dma semaphore(%arg27 : memref<!tpu.dma_semaphore, #tpu.memory_space<semaphore_mem>>) src(%dma_wait3A_1007 : memref<100001xf32, #tpu.memory_space<hbm>>) dst(%dma_wait3A_1003 : memref<128xf32, #tpu.memory_space<vmem>>)
    %dma_wait3A_1008 = arith.constant 3328 : i32
    %dma_wait3A_1009 = tpu.memref_slice %arg21[%dma_wait3A_1008] : memref<10240xf32, #tpu.memory_space<vmem>> -> memref<128xf32, #tpu.memory_space<vmem>>
    %dma_wait3A_1010 = arith.constant 3328 : i32
    %dma_wait3A_1011 = tpu.memref_slice %arg20[%dma_wait3A_1010] : memref<10240xi32, #tpu.memory_space<vmem>> -> memref<128xi32, #tpu.memory_space<vmem>>
    %dma_wait3A_1012 = arith.constant 0 : i32
    %dma_wait3A_1013 = tpu.memref_slice %arg9[%dma_wait3A_1012] : memref<100001xf32, #tpu.memory_space<hbm>> -> memref<100001xf32, #tpu.memory_space<hbm>>
    tpu.wait_indirect_dma semaphore(%arg27 : memref<!tpu.dma_semaphore, #tpu.memory_space<semaphore_mem>>) src(%dma_wait3A_1013 : memref<100001xf32, #tpu.memory_space<hbm>>) dst(%dma_wait3A_1009 : memref<128xf32, #tpu.memory_space<vmem>>)
    %dma_wait3A_1014 = arith.constant 3456 : i32
    %dma_wait3A_1015 = tpu.memref_slice %arg21[%dma_wait3A_1014] : memref<10240xf32, #tpu.memory_space<vmem>> -> memref<128xf32, #tpu.memory_space<vmem>>
    %dma_wait3A_1016 = arith.constant 3456 : i32
    %dma_wait3A_1017 = tpu.memref_slice %arg20[%dma_wait3A_1016] : memref<10240xi32, #tpu.memory_space<vmem>> -> memref<128xi32, #tpu.memory_space<vmem>>
    %dma_wait3A_1018 = arith.constant 0 : i32
    %dma_wait3A_1019 = tpu.memref_slice %arg9[%dma_wait3A_1018] : memref<100001xf32, #tpu.memory_space<hbm>> -> memref<100001xf32, #tpu.memory_space<hbm>>
    tpu.wait_indirect_dma semaphore(%arg27 : memref<!tpu.dma_semaphore, #tpu.memory_space<semaphore_mem>>) src(%dma_wait3A_1019 : memref<100001xf32, #tpu.memory_space<hbm>>) dst(%dma_wait3A_1015 : memref<128xf32, #tpu.memory_space<vmem>>)
    %dma_wait3A_1020 = arith.constant 3584 : i32
    %dma_wait3A_1021 = tpu.memref_slice %arg21[%dma_wait3A_1020] : memref<10240xf32, #tpu.memory_space<vmem>> -> memref<128xf32, #tpu.memory_space<vmem>>
    %dma_wait3A_1022 = arith.constant 3584 : i32
    %dma_wait3A_1023 = tpu.memref_slice %arg20[%dma_wait3A_1022] : memref<10240xi32, #tpu.memory_space<vmem>> -> memref<128xi32, #tpu.memory_space<vmem>>
    %dma_wait3A_1024 = arith.constant 0 : i32
    %dma_wait3A_1025 = tpu.memref_slice %arg9[%dma_wait3A_1024] : memref<100001xf32, #tpu.memory_space<hbm>> -> memref<100001xf32, #tpu.memory_space<hbm>>
    tpu.wait_indirect_dma semaphore(%arg27 : memref<!tpu.dma_semaphore, #tpu.memory_space<semaphore_mem>>) src(%dma_wait3A_1025 : memref<100001xf32, #tpu.memory_space<hbm>>) dst(%dma_wait3A_1021 : memref<128xf32, #tpu.memory_space<vmem>>)
    %dma_wait3A_1026 = arith.constant 3712 : i32
    %dma_wait3A_1027 = tpu.memref_slice %arg21[%dma_wait3A_1026] : memref<10240xf32, #tpu.memory_space<vmem>> -> memref<128xf32, #tpu.memory_space<vmem>>
    %dma_wait3A_1028 = arith.constant 3712 : i32
    %dma_wait3A_1029 = tpu.memref_slice %arg20[%dma_wait3A_1028] : memref<10240xi32, #tpu.memory_space<vmem>> -> memref<128xi32, #tpu.memory_space<vmem>>
    %dma_wait3A_1030 = arith.constant 0 : i32
    %dma_wait3A_1031 = tpu.memref_slice %arg9[%dma_wait3A_1030] : memref<100001xf32, #tpu.memory_space<hbm>> -> memref<100001xf32, #tpu.memory_space<hbm>>
    tpu.wait_indirect_dma semaphore(%arg27 : memref<!tpu.dma_semaphore, #tpu.memory_space<semaphore_mem>>) src(%dma_wait3A_1031 : memref<100001xf32, #tpu.memory_space<hbm>>) dst(%dma_wait3A_1027 : memref<128xf32, #tpu.memory_space<vmem>>)
    %dma_wait3A_1032 = arith.constant 3840 : i32
    %dma_wait3A_1033 = tpu.memref_slice %arg21[%dma_wait3A_1032] : memref<10240xf32, #tpu.memory_space<vmem>> -> memref<128xf32, #tpu.memory_space<vmem>>
    %dma_wait3A_1034 = arith.constant 3840 : i32
    %dma_wait3A_1035 = tpu.memref_slice %arg20[%dma_wait3A_1034] : memref<10240xi32, #tpu.memory_space<vmem>> -> memref<128xi32, #tpu.memory_space<vmem>>
    %dma_wait3A_1036 = arith.constant 0 : i32
    %dma_wait3A_1037 = tpu.memref_slice %arg9[%dma_wait3A_1036] : memref<100001xf32, #tpu.memory_space<hbm>> -> memref<100001xf32, #tpu.memory_space<hbm>>
    tpu.wait_indirect_dma semaphore(%arg27 : memref<!tpu.dma_semaphore, #tpu.memory_space<semaphore_mem>>) src(%dma_wait3A_1037 : memref<100001xf32, #tpu.memory_space<hbm>>) dst(%dma_wait3A_1033 : memref<128xf32, #tpu.memory_space<vmem>>)
    %dma_wait3A_1038 = arith.constant 3968 : i32
    %dma_wait3A_1039 = tpu.memref_slice %arg21[%dma_wait3A_1038] : memref<10240xf32, #tpu.memory_space<vmem>> -> memref<128xf32, #tpu.memory_space<vmem>>
    %dma_wait3A_1040 = arith.constant 3968 : i32
    %dma_wait3A_1041 = tpu.memref_slice %arg20[%dma_wait3A_1040] : memref<10240xi32, #tpu.memory_space<vmem>> -> memref<128xi32, #tpu.memory_space<vmem>>
    %dma_wait3A_1042 = arith.constant 0 : i32
    %dma_wait3A_1043 = tpu.memref_slice %arg9[%dma_wait3A_1042] : memref<100001xf32, #tpu.memory_space<hbm>> -> memref<100001xf32, #tpu.memory_space<hbm>>
    tpu.wait_indirect_dma semaphore(%arg27 : memref<!tpu.dma_semaphore, #tpu.memory_space<semaphore_mem>>) src(%dma_wait3A_1043 : memref<100001xf32, #tpu.memory_space<hbm>>) dst(%dma_wait3A_1039 : memref<128xf32, #tpu.memory_space<vmem>>)
    %dma_wait3A_1044 = arith.constant 4096 : i32
    %dma_wait3A_1045 = tpu.memref_slice %arg21[%dma_wait3A_1044] : memref<10240xf32, #tpu.memory_space<vmem>> -> memref<128xf32, #tpu.memory_space<vmem>>
    %dma_wait3A_1046 = arith.constant 4096 : i32
    %dma_wait3A_1047 = tpu.memref_slice %arg20[%dma_wait3A_1046] : memref<10240xi32, #tpu.memory_space<vmem>> -> memref<128xi32, #tpu.memory_space<vmem>>
    %dma_wait3A_1048 = arith.constant 0 : i32
    %dma_wait3A_1049 = tpu.memref_slice %arg9[%dma_wait3A_1048] : memref<100001xf32, #tpu.memory_space<hbm>> -> memref<100001xf32, #tpu.memory_space<hbm>>
    tpu.wait_indirect_dma semaphore(%arg27 : memref<!tpu.dma_semaphore, #tpu.memory_space<semaphore_mem>>) src(%dma_wait3A_1049 : memref<100001xf32, #tpu.memory_space<hbm>>) dst(%dma_wait3A_1045 : memref<128xf32, #tpu.memory_space<vmem>>)
    %dma_wait3A_1050 = arith.constant 4224 : i32
    %dma_wait3A_1051 = tpu.memref_slice %arg21[%dma_wait3A_1050] : memref<10240xf32, #tpu.memory_space<vmem>> -> memref<128xf32, #tpu.memory_space<vmem>>
    %dma_wait3A_1052 = arith.constant 4224 : i32
    %dma_wait3A_1053 = tpu.memref_slice %arg20[%dma_wait3A_1052] : memref<10240xi32, #tpu.memory_space<vmem>> -> memref<128xi32, #tpu.memory_space<vmem>>
    %dma_wait3A_1054 = arith.constant 0 : i32
    %dma_wait3A_1055 = tpu.memref_slice %arg9[%dma_wait3A_1054] : memref<100001xf32, #tpu.memory_space<hbm>> -> memref<100001xf32, #tpu.memory_space<hbm>>
    tpu.wait_indirect_dma semaphore(%arg27 : memref<!tpu.dma_semaphore, #tpu.memory_space<semaphore_mem>>) src(%dma_wait3A_1055 : memref<100001xf32, #tpu.memory_space<hbm>>) dst(%dma_wait3A_1051 : memref<128xf32, #tpu.memory_space<vmem>>)
    %dma_wait3A_1056 = arith.constant 4352 : i32
    %dma_wait3A_1057 = tpu.memref_slice %arg21[%dma_wait3A_1056] : memref<10240xf32, #tpu.memory_space<vmem>> -> memref<128xf32, #tpu.memory_space<vmem>>
    %dma_wait3A_1058 = arith.constant 4352 : i32
    %dma_wait3A_1059 = tpu.memref_slice %arg20[%dma_wait3A_1058] : memref<10240xi32, #tpu.memory_space<vmem>> -> memref<128xi32, #tpu.memory_space<vmem>>
    %dma_wait3A_1060 = arith.constant 0 : i32
    %dma_wait3A_1061 = tpu.memref_slice %arg9[%dma_wait3A_1060] : memref<100001xf32, #tpu.memory_space<hbm>> -> memref<100001xf32, #tpu.memory_space<hbm>>
    tpu.wait_indirect_dma semaphore(%arg27 : memref<!tpu.dma_semaphore, #tpu.memory_space<semaphore_mem>>) src(%dma_wait3A_1061 : memref<100001xf32, #tpu.memory_space<hbm>>) dst(%dma_wait3A_1057 : memref<128xf32, #tpu.memory_space<vmem>>)
    %dma_wait3A_1062 = arith.constant 4480 : i32
    %dma_wait3A_1063 = tpu.memref_slice %arg21[%dma_wait3A_1062] : memref<10240xf32, #tpu.memory_space<vmem>> -> memref<128xf32, #tpu.memory_space<vmem>>
    %dma_wait3A_1064 = arith.constant 4480 : i32
    %dma_wait3A_1065 = tpu.memref_slice %arg20[%dma_wait3A_1064] : memref<10240xi32, #tpu.memory_space<vmem>> -> memref<128xi32, #tpu.memory_space<vmem>>
    %dma_wait3A_1066 = arith.constant 0 : i32
    %dma_wait3A_1067 = tpu.memref_slice %arg9[%dma_wait3A_1066] : memref<100001xf32, #tpu.memory_space<hbm>> -> memref<100001xf32, #tpu.memory_space<hbm>>
    tpu.wait_indirect_dma semaphore(%arg27 : memref<!tpu.dma_semaphore, #tpu.memory_space<semaphore_mem>>) src(%dma_wait3A_1067 : memref<100001xf32, #tpu.memory_space<hbm>>) dst(%dma_wait3A_1063 : memref<128xf32, #tpu.memory_space<vmem>>)
    %dma_wait3A_1068 = arith.constant 4608 : i32
    %dma_wait3A_1069 = tpu.memref_slice %arg21[%dma_wait3A_1068] : memref<10240xf32, #tpu.memory_space<vmem>> -> memref<128xf32, #tpu.memory_space<vmem>>
    %dma_wait3A_1070 = arith.constant 4608 : i32
    %dma_wait3A_1071 = tpu.memref_slice %arg20[%dma_wait3A_1070] : memref<10240xi32, #tpu.memory_space<vmem>> -> memref<128xi32, #tpu.memory_space<vmem>>
    %dma_wait3A_1072 = arith.constant 0 : i32
    %dma_wait3A_1073 = tpu.memref_slice %arg9[%dma_wait3A_1072] : memref<100001xf32, #tpu.memory_space<hbm>> -> memref<100001xf32, #tpu.memory_space<hbm>>
    tpu.wait_indirect_dma semaphore(%arg27 : memref<!tpu.dma_semaphore, #tpu.memory_space<semaphore_mem>>) src(%dma_wait3A_1073 : memref<100001xf32, #tpu.memory_space<hbm>>) dst(%dma_wait3A_1069 : memref<128xf32, #tpu.memory_space<vmem>>)
    %dma_wait3A_1074 = arith.constant 4736 : i32
    %dma_wait3A_1075 = tpu.memref_slice %arg21[%dma_wait3A_1074] : memref<10240xf32, #tpu.memory_space<vmem>> -> memref<128xf32, #tpu.memory_space<vmem>>
    %dma_wait3A_1076 = arith.constant 4736 : i32
    %dma_wait3A_1077 = tpu.memref_slice %arg20[%dma_wait3A_1076] : memref<10240xi32, #tpu.memory_space<vmem>> -> memref<128xi32, #tpu.memory_space<vmem>>
    %dma_wait3A_1078 = arith.constant 0 : i32
    %dma_wait3A_1079 = tpu.memref_slice %arg9[%dma_wait3A_1078] : memref<100001xf32, #tpu.memory_space<hbm>> -> memref<100001xf32, #tpu.memory_space<hbm>>
    tpu.wait_indirect_dma semaphore(%arg27 : memref<!tpu.dma_semaphore, #tpu.memory_space<semaphore_mem>>) src(%dma_wait3A_1079 : memref<100001xf32, #tpu.memory_space<hbm>>) dst(%dma_wait3A_1075 : memref<128xf32, #tpu.memory_space<vmem>>)
    %dma_wait3A_1080 = arith.constant 4864 : i32
    %dma_wait3A_1081 = tpu.memref_slice %arg21[%dma_wait3A_1080] : memref<10240xf32, #tpu.memory_space<vmem>> -> memref<128xf32, #tpu.memory_space<vmem>>
    %dma_wait3A_1082 = arith.constant 4864 : i32
    %dma_wait3A_1083 = tpu.memref_slice %arg20[%dma_wait3A_1082] : memref<10240xi32, #tpu.memory_space<vmem>> -> memref<128xi32, #tpu.memory_space<vmem>>
    %dma_wait3A_1084 = arith.constant 0 : i32
    %dma_wait3A_1085 = tpu.memref_slice %arg9[%dma_wait3A_1084] : memref<100001xf32, #tpu.memory_space<hbm>> -> memref<100001xf32, #tpu.memory_space<hbm>>
    tpu.wait_indirect_dma semaphore(%arg27 : memref<!tpu.dma_semaphore, #tpu.memory_space<semaphore_mem>>) src(%dma_wait3A_1085 : memref<100001xf32, #tpu.memory_space<hbm>>) dst(%dma_wait3A_1081 : memref<128xf32, #tpu.memory_space<vmem>>)
    %dma_wait3A_1086 = arith.constant 4992 : i32
    %dma_wait3A_1087 = tpu.memref_slice %arg21[%dma_wait3A_1086] : memref<10240xf32, #tpu.memory_space<vmem>> -> memref<128xf32, #tpu.memory_space<vmem>>
    %dma_wait3A_1088 = arith.constant 4992 : i32
    %dma_wait3A_1089 = tpu.memref_slice %arg20[%dma_wait3A_1088] : memref<10240xi32, #tpu.memory_space<vmem>> -> memref<128xi32, #tpu.memory_space<vmem>>
    %dma_wait3A_1090 = arith.constant 0 : i32
    %dma_wait3A_1091 = tpu.memref_slice %arg9[%dma_wait3A_1090] : memref<100001xf32, #tpu.memory_space<hbm>> -> memref<100001xf32, #tpu.memory_space<hbm>>
    tpu.wait_indirect_dma semaphore(%arg27 : memref<!tpu.dma_semaphore, #tpu.memory_space<semaphore_mem>>) src(%dma_wait3A_1091 : memref<100001xf32, #tpu.memory_space<hbm>>) dst(%dma_wait3A_1087 : memref<128xf32, #tpu.memory_space<vmem>>)
    %dma_wait3A_1092 = arith.constant 5120 : i32
    %dma_wait3A_1093 = tpu.memref_slice %arg21[%dma_wait3A_1092] : memref<10240xf32, #tpu.memory_space<vmem>> -> memref<128xf32, #tpu.memory_space<vmem>>
    %dma_wait3A_1094 = arith.constant 5120 : i32
    %dma_wait3A_1095 = tpu.memref_slice %arg20[%dma_wait3A_1094] : memref<10240xi32, #tpu.memory_space<vmem>> -> memref<128xi32, #tpu.memory_space<vmem>>
    %dma_wait3A_1096 = arith.constant 0 : i32
    %dma_wait3A_1097 = tpu.memref_slice %arg9[%dma_wait3A_1096] : memref<100001xf32, #tpu.memory_space<hbm>> -> memref<100001xf32, #tpu.memory_space<hbm>>
    tpu.wait_indirect_dma semaphore(%arg27 : memref<!tpu.dma_semaphore, #tpu.memory_space<semaphore_mem>>) src(%dma_wait3A_1097 : memref<100001xf32, #tpu.memory_space<hbm>>) dst(%dma_wait3A_1093 : memref<128xf32, #tpu.memory_space<vmem>>)
    %dma_wait3A_1098 = arith.constant 5248 : i32
    %dma_wait3A_1099 = tpu.memref_slice %arg21[%dma_wait3A_1098] : memref<10240xf32, #tpu.memory_space<vmem>> -> memref<128xf32, #tpu.memory_space<vmem>>
    %dma_wait3A_1100 = arith.constant 5248 : i32
    %dma_wait3A_1101 = tpu.memref_slice %arg20[%dma_wait3A_1100] : memref<10240xi32, #tpu.memory_space<vmem>> -> memref<128xi32, #tpu.memory_space<vmem>>
    %dma_wait3A_1102 = arith.constant 0 : i32
    %dma_wait3A_1103 = tpu.memref_slice %arg9[%dma_wait3A_1102] : memref<100001xf32, #tpu.memory_space<hbm>> -> memref<100001xf32, #tpu.memory_space<hbm>>
    tpu.wait_indirect_dma semaphore(%arg27 : memref<!tpu.dma_semaphore, #tpu.memory_space<semaphore_mem>>) src(%dma_wait3A_1103 : memref<100001xf32, #tpu.memory_space<hbm>>) dst(%dma_wait3A_1099 : memref<128xf32, #tpu.memory_space<vmem>>)
    %dma_wait3A_1104 = arith.constant 5376 : i32
    %dma_wait3A_1105 = tpu.memref_slice %arg21[%dma_wait3A_1104] : memref<10240xf32, #tpu.memory_space<vmem>> -> memref<128xf32, #tpu.memory_space<vmem>>
    %dma_wait3A_1106 = arith.constant 5376 : i32
    %dma_wait3A_1107 = tpu.memref_slice %arg20[%dma_wait3A_1106] : memref<10240xi32, #tpu.memory_space<vmem>> -> memref<128xi32, #tpu.memory_space<vmem>>
    %dma_wait3A_1108 = arith.constant 0 : i32
    %dma_wait3A_1109 = tpu.memref_slice %arg9[%dma_wait3A_1108] : memref<100001xf32, #tpu.memory_space<hbm>> -> memref<100001xf32, #tpu.memory_space<hbm>>
    tpu.wait_indirect_dma semaphore(%arg27 : memref<!tpu.dma_semaphore, #tpu.memory_space<semaphore_mem>>) src(%dma_wait3A_1109 : memref<100001xf32, #tpu.memory_space<hbm>>) dst(%dma_wait3A_1105 : memref<128xf32, #tpu.memory_space<vmem>>)
    %dma_wait3A_1110 = arith.constant 5504 : i32
    %dma_wait3A_1111 = tpu.memref_slice %arg21[%dma_wait3A_1110] : memref<10240xf32, #tpu.memory_space<vmem>> -> memref<128xf32, #tpu.memory_space<vmem>>
    %dma_wait3A_1112 = arith.constant 5504 : i32
    %dma_wait3A_1113 = tpu.memref_slice %arg20[%dma_wait3A_1112] : memref<10240xi32, #tpu.memory_space<vmem>> -> memref<128xi32, #tpu.memory_space<vmem>>
    %dma_wait3A_1114 = arith.constant 0 : i32
    %dma_wait3A_1115 = tpu.memref_slice %arg9[%dma_wait3A_1114] : memref<100001xf32, #tpu.memory_space<hbm>> -> memref<100001xf32, #tpu.memory_space<hbm>>
    tpu.wait_indirect_dma semaphore(%arg27 : memref<!tpu.dma_semaphore, #tpu.memory_space<semaphore_mem>>) src(%dma_wait3A_1115 : memref<100001xf32, #tpu.memory_space<hbm>>) dst(%dma_wait3A_1111 : memref<128xf32, #tpu.memory_space<vmem>>)
    %dma_wait3A_1116 = arith.constant 5632 : i32
    %dma_wait3A_1117 = tpu.memref_slice %arg21[%dma_wait3A_1116] : memref<10240xf32, #tpu.memory_space<vmem>> -> memref<128xf32, #tpu.memory_space<vmem>>
    %dma_wait3A_1118 = arith.constant 5632 : i32
    %dma_wait3A_1119 = tpu.memref_slice %arg20[%dma_wait3A_1118] : memref<10240xi32, #tpu.memory_space<vmem>> -> memref<128xi32, #tpu.memory_space<vmem>>
    %dma_wait3A_1120 = arith.constant 0 : i32
    %dma_wait3A_1121 = tpu.memref_slice %arg9[%dma_wait3A_1120] : memref<100001xf32, #tpu.memory_space<hbm>> -> memref<100001xf32, #tpu.memory_space<hbm>>
    tpu.wait_indirect_dma semaphore(%arg27 : memref<!tpu.dma_semaphore, #tpu.memory_space<semaphore_mem>>) src(%dma_wait3A_1121 : memref<100001xf32, #tpu.memory_space<hbm>>) dst(%dma_wait3A_1117 : memref<128xf32, #tpu.memory_space<vmem>>)
    %dma_wait3A_1122 = arith.constant 5760 : i32
    %dma_wait3A_1123 = tpu.memref_slice %arg21[%dma_wait3A_1122] : memref<10240xf32, #tpu.memory_space<vmem>> -> memref<128xf32, #tpu.memory_space<vmem>>
    %dma_wait3A_1124 = arith.constant 5760 : i32
    %dma_wait3A_1125 = tpu.memref_slice %arg20[%dma_wait3A_1124] : memref<10240xi32, #tpu.memory_space<vmem>> -> memref<128xi32, #tpu.memory_space<vmem>>
    %dma_wait3A_1126 = arith.constant 0 : i32
    %dma_wait3A_1127 = tpu.memref_slice %arg9[%dma_wait3A_1126] : memref<100001xf32, #tpu.memory_space<hbm>> -> memref<100001xf32, #tpu.memory_space<hbm>>
    tpu.wait_indirect_dma semaphore(%arg27 : memref<!tpu.dma_semaphore, #tpu.memory_space<semaphore_mem>>) src(%dma_wait3A_1127 : memref<100001xf32, #tpu.memory_space<hbm>>) dst(%dma_wait3A_1123 : memref<128xf32, #tpu.memory_space<vmem>>)
    %dma_wait3A_1128 = arith.constant 5888 : i32
    %dma_wait3A_1129 = tpu.memref_slice %arg21[%dma_wait3A_1128] : memref<10240xf32, #tpu.memory_space<vmem>> -> memref<128xf32, #tpu.memory_space<vmem>>
    %dma_wait3A_1130 = arith.constant 5888 : i32
    %dma_wait3A_1131 = tpu.memref_slice %arg20[%dma_wait3A_1130] : memref<10240xi32, #tpu.memory_space<vmem>> -> memref<128xi32, #tpu.memory_space<vmem>>
    %dma_wait3A_1132 = arith.constant 0 : i32
    %dma_wait3A_1133 = tpu.memref_slice %arg9[%dma_wait3A_1132] : memref<100001xf32, #tpu.memory_space<hbm>> -> memref<100001xf32, #tpu.memory_space<hbm>>
    tpu.wait_indirect_dma semaphore(%arg27 : memref<!tpu.dma_semaphore, #tpu.memory_space<semaphore_mem>>) src(%dma_wait3A_1133 : memref<100001xf32, #tpu.memory_space<hbm>>) dst(%dma_wait3A_1129 : memref<128xf32, #tpu.memory_space<vmem>>)
    %dma_wait3A_1134 = arith.constant 6016 : i32
    %dma_wait3A_1135 = tpu.memref_slice %arg21[%dma_wait3A_1134] : memref<10240xf32, #tpu.memory_space<vmem>> -> memref<128xf32, #tpu.memory_space<vmem>>
    %dma_wait3A_1136 = arith.constant 6016 : i32
    %dma_wait3A_1137 = tpu.memref_slice %arg20[%dma_wait3A_1136] : memref<10240xi32, #tpu.memory_space<vmem>> -> memref<128xi32, #tpu.memory_space<vmem>>
    %dma_wait3A_1138 = arith.constant 0 : i32
    %dma_wait3A_1139 = tpu.memref_slice %arg9[%dma_wait3A_1138] : memref<100001xf32, #tpu.memory_space<hbm>> -> memref<100001xf32, #tpu.memory_space<hbm>>
    tpu.wait_indirect_dma semaphore(%arg27 : memref<!tpu.dma_semaphore, #tpu.memory_space<semaphore_mem>>) src(%dma_wait3A_1139 : memref<100001xf32, #tpu.memory_space<hbm>>) dst(%dma_wait3A_1135 : memref<128xf32, #tpu.memory_space<vmem>>)
    %dma_wait3A_1140 = arith.constant 6144 : i32
    %dma_wait3A_1141 = tpu.memref_slice %arg21[%dma_wait3A_1140] : memref<10240xf32, #tpu.memory_space<vmem>> -> memref<128xf32, #tpu.memory_space<vmem>>
    %dma_wait3A_1142 = arith.constant 6144 : i32
    %dma_wait3A_1143 = tpu.memref_slice %arg20[%dma_wait3A_1142] : memref<10240xi32, #tpu.memory_space<vmem>> -> memref<128xi32, #tpu.memory_space<vmem>>
    %dma_wait3A_1144 = arith.constant 0 : i32
    %dma_wait3A_1145 = tpu.memref_slice %arg9[%dma_wait3A_1144] : memref<100001xf32, #tpu.memory_space<hbm>> -> memref<100001xf32, #tpu.memory_space<hbm>>
    tpu.wait_indirect_dma semaphore(%arg27 : memref<!tpu.dma_semaphore, #tpu.memory_space<semaphore_mem>>) src(%dma_wait3A_1145 : memref<100001xf32, #tpu.memory_space<hbm>>) dst(%dma_wait3A_1141 : memref<128xf32, #tpu.memory_space<vmem>>)
    %dma_wait3A_1146 = arith.constant 6272 : i32
    %dma_wait3A_1147 = tpu.memref_slice %arg21[%dma_wait3A_1146] : memref<10240xf32, #tpu.memory_space<vmem>> -> memref<128xf32, #tpu.memory_space<vmem>>
    %dma_wait3A_1148 = arith.constant 6272 : i32
    %dma_wait3A_1149 = tpu.memref_slice %arg20[%dma_wait3A_1148] : memref<10240xi32, #tpu.memory_space<vmem>> -> memref<128xi32, #tpu.memory_space<vmem>>
    %dma_wait3A_1150 = arith.constant 0 : i32
    %dma_wait3A_1151 = tpu.memref_slice %arg9[%dma_wait3A_1150] : memref<100001xf32, #tpu.memory_space<hbm>> -> memref<100001xf32, #tpu.memory_space<hbm>>
    tpu.wait_indirect_dma semaphore(%arg27 : memref<!tpu.dma_semaphore, #tpu.memory_space<semaphore_mem>>) src(%dma_wait3A_1151 : memref<100001xf32, #tpu.memory_space<hbm>>) dst(%dma_wait3A_1147 : memref<128xf32, #tpu.memory_space<vmem>>)
    %dma_wait3A_1152 = arith.constant 6400 : i32
    %dma_wait3A_1153 = tpu.memref_slice %arg21[%dma_wait3A_1152] : memref<10240xf32, #tpu.memory_space<vmem>> -> memref<128xf32, #tpu.memory_space<vmem>>
    %dma_wait3A_1154 = arith.constant 6400 : i32
    %dma_wait3A_1155 = tpu.memref_slice %arg20[%dma_wait3A_1154] : memref<10240xi32, #tpu.memory_space<vmem>> -> memref<128xi32, #tpu.memory_space<vmem>>
    %dma_wait3A_1156 = arith.constant 0 : i32
    %dma_wait3A_1157 = tpu.memref_slice %arg9[%dma_wait3A_1156] : memref<100001xf32, #tpu.memory_space<hbm>> -> memref<100001xf32, #tpu.memory_space<hbm>>
    tpu.wait_indirect_dma semaphore(%arg27 : memref<!tpu.dma_semaphore, #tpu.memory_space<semaphore_mem>>) src(%dma_wait3A_1157 : memref<100001xf32, #tpu.memory_space<hbm>>) dst(%dma_wait3A_1153 : memref<128xf32, #tpu.memory_space<vmem>>)
    %dma_wait3A_1158 = arith.constant 6528 : i32
    %dma_wait3A_1159 = tpu.memref_slice %arg21[%dma_wait3A_1158] : memref<10240xf32, #tpu.memory_space<vmem>> -> memref<128xf32, #tpu.memory_space<vmem>>
    %dma_wait3A_1160 = arith.constant 6528 : i32
    %dma_wait3A_1161 = tpu.memref_slice %arg20[%dma_wait3A_1160] : memref<10240xi32, #tpu.memory_space<vmem>> -> memref<128xi32, #tpu.memory_space<vmem>>
    %dma_wait3A_1162 = arith.constant 0 : i32
    %dma_wait3A_1163 = tpu.memref_slice %arg9[%dma_wait3A_1162] : memref<100001xf32, #tpu.memory_space<hbm>> -> memref<100001xf32, #tpu.memory_space<hbm>>
    tpu.wait_indirect_dma semaphore(%arg27 : memref<!tpu.dma_semaphore, #tpu.memory_space<semaphore_mem>>) src(%dma_wait3A_1163 : memref<100001xf32, #tpu.memory_space<hbm>>) dst(%dma_wait3A_1159 : memref<128xf32, #tpu.memory_space<vmem>>)
    %dma_wait3A_1164 = arith.constant 6656 : i32
    %dma_wait3A_1165 = tpu.memref_slice %arg21[%dma_wait3A_1164] : memref<10240xf32, #tpu.memory_space<vmem>> -> memref<128xf32, #tpu.memory_space<vmem>>
    %dma_wait3A_1166 = arith.constant 6656 : i32
    %dma_wait3A_1167 = tpu.memref_slice %arg20[%dma_wait3A_1166] : memref<10240xi32, #tpu.memory_space<vmem>> -> memref<128xi32, #tpu.memory_space<vmem>>
    %dma_wait3A_1168 = arith.constant 0 : i32
    %dma_wait3A_1169 = tpu.memref_slice %arg9[%dma_wait3A_1168] : memref<100001xf32, #tpu.memory_space<hbm>> -> memref<100001xf32, #tpu.memory_space<hbm>>
    tpu.wait_indirect_dma semaphore(%arg27 : memref<!tpu.dma_semaphore, #tpu.memory_space<semaphore_mem>>) src(%dma_wait3A_1169 : memref<100001xf32, #tpu.memory_space<hbm>>) dst(%dma_wait3A_1165 : memref<128xf32, #tpu.memory_space<vmem>>)
    %dma_wait3A_1170 = arith.constant 6784 : i32
    %dma_wait3A_1171 = tpu.memref_slice %arg21[%dma_wait3A_1170] : memref<10240xf32, #tpu.memory_space<vmem>> -> memref<128xf32, #tpu.memory_space<vmem>>
    %dma_wait3A_1172 = arith.constant 6784 : i32
    %dma_wait3A_1173 = tpu.memref_slice %arg20[%dma_wait3A_1172] : memref<10240xi32, #tpu.memory_space<vmem>> -> memref<128xi32, #tpu.memory_space<vmem>>
    %dma_wait3A_1174 = arith.constant 0 : i32
    %dma_wait3A_1175 = tpu.memref_slice %arg9[%dma_wait3A_1174] : memref<100001xf32, #tpu.memory_space<hbm>> -> memref<100001xf32, #tpu.memory_space<hbm>>
    tpu.wait_indirect_dma semaphore(%arg27 : memref<!tpu.dma_semaphore, #tpu.memory_space<semaphore_mem>>) src(%dma_wait3A_1175 : memref<100001xf32, #tpu.memory_space<hbm>>) dst(%dma_wait3A_1171 : memref<128xf32, #tpu.memory_space<vmem>>)
    %dma_wait3A_1176 = arith.constant 6912 : i32
    %dma_wait3A_1177 = tpu.memref_slice %arg21[%dma_wait3A_1176] : memref<10240xf32, #tpu.memory_space<vmem>> -> memref<128xf32, #tpu.memory_space<vmem>>
    %dma_wait3A_1178 = arith.constant 6912 : i32
    %dma_wait3A_1179 = tpu.memref_slice %arg20[%dma_wait3A_1178] : memref<10240xi32, #tpu.memory_space<vmem>> -> memref<128xi32, #tpu.memory_space<vmem>>
    %dma_wait3A_1180 = arith.constant 0 : i32
    %dma_wait3A_1181 = tpu.memref_slice %arg9[%dma_wait3A_1180] : memref<100001xf32, #tpu.memory_space<hbm>> -> memref<100001xf32, #tpu.memory_space<hbm>>
    tpu.wait_indirect_dma semaphore(%arg27 : memref<!tpu.dma_semaphore, #tpu.memory_space<semaphore_mem>>) src(%dma_wait3A_1181 : memref<100001xf32, #tpu.memory_space<hbm>>) dst(%dma_wait3A_1177 : memref<128xf32, #tpu.memory_space<vmem>>)
    %dma_wait3A_1182 = arith.constant 7040 : i32
    %dma_wait3A_1183 = tpu.memref_slice %arg21[%dma_wait3A_1182] : memref<10240xf32, #tpu.memory_space<vmem>> -> memref<128xf32, #tpu.memory_space<vmem>>
    %dma_wait3A_1184 = arith.constant 7040 : i32
    %dma_wait3A_1185 = tpu.memref_slice %arg20[%dma_wait3A_1184] : memref<10240xi32, #tpu.memory_space<vmem>> -> memref<128xi32, #tpu.memory_space<vmem>>
    %dma_wait3A_1186 = arith.constant 0 : i32
    %dma_wait3A_1187 = tpu.memref_slice %arg9[%dma_wait3A_1186] : memref<100001xf32, #tpu.memory_space<hbm>> -> memref<100001xf32, #tpu.memory_space<hbm>>
    tpu.wait_indirect_dma semaphore(%arg27 : memref<!tpu.dma_semaphore, #tpu.memory_space<semaphore_mem>>) src(%dma_wait3A_1187 : memref<100001xf32, #tpu.memory_space<hbm>>) dst(%dma_wait3A_1183 : memref<128xf32, #tpu.memory_space<vmem>>)
    %dma_wait3A_1188 = arith.constant 7168 : i32
    %dma_wait3A_1189 = tpu.memref_slice %arg21[%dma_wait3A_1188] : memref<10240xf32, #tpu.memory_space<vmem>> -> memref<128xf32, #tpu.memory_space<vmem>>
    %dma_wait3A_1190 = arith.constant 7168 : i32
    %dma_wait3A_1191 = tpu.memref_slice %arg20[%dma_wait3A_1190] : memref<10240xi32, #tpu.memory_space<vmem>> -> memref<128xi32, #tpu.memory_space<vmem>>
    %dma_wait3A_1192 = arith.constant 0 : i32
    %dma_wait3A_1193 = tpu.memref_slice %arg9[%dma_wait3A_1192] : memref<100001xf32, #tpu.memory_space<hbm>> -> memref<100001xf32, #tpu.memory_space<hbm>>
    tpu.wait_indirect_dma semaphore(%arg27 : memref<!tpu.dma_semaphore, #tpu.memory_space<semaphore_mem>>) src(%dma_wait3A_1193 : memref<100001xf32, #tpu.memory_space<hbm>>) dst(%dma_wait3A_1189 : memref<128xf32, #tpu.memory_space<vmem>>)
    %dma_wait3A_1194 = arith.constant 7296 : i32
    %dma_wait3A_1195 = tpu.memref_slice %arg21[%dma_wait3A_1194] : memref<10240xf32, #tpu.memory_space<vmem>> -> memref<128xf32, #tpu.memory_space<vmem>>
    %dma_wait3A_1196 = arith.constant 7296 : i32
    %dma_wait3A_1197 = tpu.memref_slice %arg20[%dma_wait3A_1196] : memref<10240xi32, #tpu.memory_space<vmem>> -> memref<128xi32, #tpu.memory_space<vmem>>
    %dma_wait3A_1198 = arith.constant 0 : i32
    %dma_wait3A_1199 = tpu.memref_slice %arg9[%dma_wait3A_1198] : memref<100001xf32, #tpu.memory_space<hbm>> -> memref<100001xf32, #tpu.memory_space<hbm>>
    tpu.wait_indirect_dma semaphore(%arg27 : memref<!tpu.dma_semaphore, #tpu.memory_space<semaphore_mem>>) src(%dma_wait3A_1199 : memref<100001xf32, #tpu.memory_space<hbm>>) dst(%dma_wait3A_1195 : memref<128xf32, #tpu.memory_space<vmem>>)
    %dma_wait3A_1200 = arith.constant 7424 : i32
    %dma_wait3A_1201 = tpu.memref_slice %arg21[%dma_wait3A_1200] : memref<10240xf32, #tpu.memory_space<vmem>> -> memref<128xf32, #tpu.memory_space<vmem>>
    %dma_wait3A_1202 = arith.constant 7424 : i32
    %dma_wait3A_1203 = tpu.memref_slice %arg20[%dma_wait3A_1202] : memref<10240xi32, #tpu.memory_space<vmem>> -> memref<128xi32, #tpu.memory_space<vmem>>
    %dma_wait3A_1204 = arith.constant 0 : i32
    %dma_wait3A_1205 = tpu.memref_slice %arg9[%dma_wait3A_1204] : memref<100001xf32, #tpu.memory_space<hbm>> -> memref<100001xf32, #tpu.memory_space<hbm>>
    tpu.wait_indirect_dma semaphore(%arg27 : memref<!tpu.dma_semaphore, #tpu.memory_space<semaphore_mem>>) src(%dma_wait3A_1205 : memref<100001xf32, #tpu.memory_space<hbm>>) dst(%dma_wait3A_1201 : memref<128xf32, #tpu.memory_space<vmem>>)
    %dma_wait3A_1206 = arith.constant 7552 : i32
    %dma_wait3A_1207 = tpu.memref_slice %arg21[%dma_wait3A_1206] : memref<10240xf32, #tpu.memory_space<vmem>> -> memref<128xf32, #tpu.memory_space<vmem>>
    %dma_wait3A_1208 = arith.constant 7552 : i32
    %dma_wait3A_1209 = tpu.memref_slice %arg20[%dma_wait3A_1208] : memref<10240xi32, #tpu.memory_space<vmem>> -> memref<128xi32, #tpu.memory_space<vmem>>
    %dma_wait3A_1210 = arith.constant 0 : i32
    %dma_wait3A_1211 = tpu.memref_slice %arg9[%dma_wait3A_1210] : memref<100001xf32, #tpu.memory_space<hbm>> -> memref<100001xf32, #tpu.memory_space<hbm>>
    tpu.wait_indirect_dma semaphore(%arg27 : memref<!tpu.dma_semaphore, #tpu.memory_space<semaphore_mem>>) src(%dma_wait3A_1211 : memref<100001xf32, #tpu.memory_space<hbm>>) dst(%dma_wait3A_1207 : memref<128xf32, #tpu.memory_space<vmem>>)
    %dma_wait3A_1212 = arith.constant 7680 : i32
    %dma_wait3A_1213 = tpu.memref_slice %arg21[%dma_wait3A_1212] : memref<10240xf32, #tpu.memory_space<vmem>> -> memref<128xf32, #tpu.memory_space<vmem>>
    %dma_wait3A_1214 = arith.constant 7680 : i32
    %dma_wait3A_1215 = tpu.memref_slice %arg20[%dma_wait3A_1214] : memref<10240xi32, #tpu.memory_space<vmem>> -> memref<128xi32, #tpu.memory_space<vmem>>
    %dma_wait3A_1216 = arith.constant 0 : i32
    %dma_wait3A_1217 = tpu.memref_slice %arg9[%dma_wait3A_1216] : memref<100001xf32, #tpu.memory_space<hbm>> -> memref<100001xf32, #tpu.memory_space<hbm>>
    tpu.wait_indirect_dma semaphore(%arg27 : memref<!tpu.dma_semaphore, #tpu.memory_space<semaphore_mem>>) src(%dma_wait3A_1217 : memref<100001xf32, #tpu.memory_space<hbm>>) dst(%dma_wait3A_1213 : memref<128xf32, #tpu.memory_space<vmem>>)
    %dma_wait3A_1218 = arith.constant 7808 : i32
    %dma_wait3A_1219 = tpu.memref_slice %arg21[%dma_wait3A_1218] : memref<10240xf32, #tpu.memory_space<vmem>> -> memref<128xf32, #tpu.memory_space<vmem>>
    %dma_wait3A_1220 = arith.constant 7808 : i32
    %dma_wait3A_1221 = tpu.memref_slice %arg20[%dma_wait3A_1220] : memref<10240xi32, #tpu.memory_space<vmem>> -> memref<128xi32, #tpu.memory_space<vmem>>
    %dma_wait3A_1222 = arith.constant 0 : i32
    %dma_wait3A_1223 = tpu.memref_slice %arg9[%dma_wait3A_1222] : memref<100001xf32, #tpu.memory_space<hbm>> -> memref<100001xf32, #tpu.memory_space<hbm>>
    tpu.wait_indirect_dma semaphore(%arg27 : memref<!tpu.dma_semaphore, #tpu.memory_space<semaphore_mem>>) src(%dma_wait3A_1223 : memref<100001xf32, #tpu.memory_space<hbm>>) dst(%dma_wait3A_1219 : memref<128xf32, #tpu.memory_space<vmem>>)
    %dma_wait3A_1224 = arith.constant 7936 : i32
    %dma_wait3A_1225 = tpu.memref_slice %arg21[%dma_wait3A_1224] : memref<10240xf32, #tpu.memory_space<vmem>> -> memref<128xf32, #tpu.memory_space<vmem>>
    %dma_wait3A_1226 = arith.constant 7936 : i32
    %dma_wait3A_1227 = tpu.memref_slice %arg20[%dma_wait3A_1226] : memref<10240xi32, #tpu.memory_space<vmem>> -> memref<128xi32, #tpu.memory_space<vmem>>
    %dma_wait3A_1228 = arith.constant 0 : i32
    %dma_wait3A_1229 = tpu.memref_slice %arg9[%dma_wait3A_1228] : memref<100001xf32, #tpu.memory_space<hbm>> -> memref<100001xf32, #tpu.memory_space<hbm>>
    tpu.wait_indirect_dma semaphore(%arg27 : memref<!tpu.dma_semaphore, #tpu.memory_space<semaphore_mem>>) src(%dma_wait3A_1229 : memref<100001xf32, #tpu.memory_space<hbm>>) dst(%dma_wait3A_1225 : memref<128xf32, #tpu.memory_space<vmem>>)
    %dma_wait3A_1230 = arith.constant 8064 : i32
    %dma_wait3A_1231 = tpu.memref_slice %arg21[%dma_wait3A_1230] : memref<10240xf32, #tpu.memory_space<vmem>> -> memref<128xf32, #tpu.memory_space<vmem>>
    %dma_wait3A_1232 = arith.constant 8064 : i32
    %dma_wait3A_1233 = tpu.memref_slice %arg20[%dma_wait3A_1232] : memref<10240xi32, #tpu.memory_space<vmem>> -> memref<128xi32, #tpu.memory_space<vmem>>
    %dma_wait3A_1234 = arith.constant 0 : i32
    %dma_wait3A_1235 = tpu.memref_slice %arg9[%dma_wait3A_1234] : memref<100001xf32, #tpu.memory_space<hbm>> -> memref<100001xf32, #tpu.memory_space<hbm>>
    tpu.wait_indirect_dma semaphore(%arg27 : memref<!tpu.dma_semaphore, #tpu.memory_space<semaphore_mem>>) src(%dma_wait3A_1235 : memref<100001xf32, #tpu.memory_space<hbm>>) dst(%dma_wait3A_1231 : memref<128xf32, #tpu.memory_space<vmem>>)
    %dma_wait3A_1236 = arith.constant 8192 : i32
    %dma_wait3A_1237 = tpu.memref_slice %arg21[%dma_wait3A_1236] : memref<10240xf32, #tpu.memory_space<vmem>> -> memref<128xf32, #tpu.memory_space<vmem>>
    %dma_wait3A_1238 = arith.constant 8192 : i32
    %dma_wait3A_1239 = tpu.memref_slice %arg20[%dma_wait3A_1238] : memref<10240xi32, #tpu.memory_space<vmem>> -> memref<128xi32, #tpu.memory_space<vmem>>
    %dma_wait3A_1240 = arith.constant 0 : i32
    %dma_wait3A_1241 = tpu.memref_slice %arg9[%dma_wait3A_1240] : memref<100001xf32, #tpu.memory_space<hbm>> -> memref<100001xf32, #tpu.memory_space<hbm>>
    tpu.wait_indirect_dma semaphore(%arg27 : memref<!tpu.dma_semaphore, #tpu.memory_space<semaphore_mem>>) src(%dma_wait3A_1241 : memref<100001xf32, #tpu.memory_space<hbm>>) dst(%dma_wait3A_1237 : memref<128xf32, #tpu.memory_space<vmem>>)
    %dma_wait3A_1242 = arith.constant 8320 : i32
    %dma_wait3A_1243 = tpu.memref_slice %arg21[%dma_wait3A_1242] : memref<10240xf32, #tpu.memory_space<vmem>> -> memref<128xf32, #tpu.memory_space<vmem>>
    %dma_wait3A_1244 = arith.constant 8320 : i32
    %dma_wait3A_1245 = tpu.memref_slice %arg20[%dma_wait3A_1244] : memref<10240xi32, #tpu.memory_space<vmem>> -> memref<128xi32, #tpu.memory_space<vmem>>
    %dma_wait3A_1246 = arith.constant 0 : i32
    %dma_wait3A_1247 = tpu.memref_slice %arg9[%dma_wait3A_1246] : memref<100001xf32, #tpu.memory_space<hbm>> -> memref<100001xf32, #tpu.memory_space<hbm>>
    tpu.wait_indirect_dma semaphore(%arg27 : memref<!tpu.dma_semaphore, #tpu.memory_space<semaphore_mem>>) src(%dma_wait3A_1247 : memref<100001xf32, #tpu.memory_space<hbm>>) dst(%dma_wait3A_1243 : memref<128xf32, #tpu.memory_space<vmem>>)
    %dma_wait3A_1248 = arith.constant 8448 : i32
    %dma_wait3A_1249 = tpu.memref_slice %arg21[%dma_wait3A_1248] : memref<10240xf32, #tpu.memory_space<vmem>> -> memref<128xf32, #tpu.memory_space<vmem>>
    %dma_wait3A_1250 = arith.constant 8448 : i32
    %dma_wait3A_1251 = tpu.memref_slice %arg20[%dma_wait3A_1250] : memref<10240xi32, #tpu.memory_space<vmem>> -> memref<128xi32, #tpu.memory_space<vmem>>
    %dma_wait3A_1252 = arith.constant 0 : i32
    %dma_wait3A_1253 = tpu.memref_slice %arg9[%dma_wait3A_1252] : memref<100001xf32, #tpu.memory_space<hbm>> -> memref<100001xf32, #tpu.memory_space<hbm>>
    tpu.wait_indirect_dma semaphore(%arg27 : memref<!tpu.dma_semaphore, #tpu.memory_space<semaphore_mem>>) src(%dma_wait3A_1253 : memref<100001xf32, #tpu.memory_space<hbm>>) dst(%dma_wait3A_1249 : memref<128xf32, #tpu.memory_space<vmem>>)
    %dma_wait3A_1254 = arith.constant 8576 : i32
    %dma_wait3A_1255 = tpu.memref_slice %arg21[%dma_wait3A_1254] : memref<10240xf32, #tpu.memory_space<vmem>> -> memref<128xf32, #tpu.memory_space<vmem>>
    %dma_wait3A_1256 = arith.constant 8576 : i32
    %dma_wait3A_1257 = tpu.memref_slice %arg20[%dma_wait3A_1256] : memref<10240xi32, #tpu.memory_space<vmem>> -> memref<128xi32, #tpu.memory_space<vmem>>
    %dma_wait3A_1258 = arith.constant 0 : i32
    %dma_wait3A_1259 = tpu.memref_slice %arg9[%dma_wait3A_1258] : memref<100001xf32, #tpu.memory_space<hbm>> -> memref<100001xf32, #tpu.memory_space<hbm>>
    tpu.wait_indirect_dma semaphore(%arg27 : memref<!tpu.dma_semaphore, #tpu.memory_space<semaphore_mem>>) src(%dma_wait3A_1259 : memref<100001xf32, #tpu.memory_space<hbm>>) dst(%dma_wait3A_1255 : memref<128xf32, #tpu.memory_space<vmem>>)
    %dma_wait3A_1260 = arith.constant 8704 : i32
    %dma_wait3A_1261 = tpu.memref_slice %arg21[%dma_wait3A_1260] : memref<10240xf32, #tpu.memory_space<vmem>> -> memref<128xf32, #tpu.memory_space<vmem>>
    %dma_wait3A_1262 = arith.constant 8704 : i32
    %dma_wait3A_1263 = tpu.memref_slice %arg20[%dma_wait3A_1262] : memref<10240xi32, #tpu.memory_space<vmem>> -> memref<128xi32, #tpu.memory_space<vmem>>
    %dma_wait3A_1264 = arith.constant 0 : i32
    %dma_wait3A_1265 = tpu.memref_slice %arg9[%dma_wait3A_1264] : memref<100001xf32, #tpu.memory_space<hbm>> -> memref<100001xf32, #tpu.memory_space<hbm>>
    tpu.wait_indirect_dma semaphore(%arg27 : memref<!tpu.dma_semaphore, #tpu.memory_space<semaphore_mem>>) src(%dma_wait3A_1265 : memref<100001xf32, #tpu.memory_space<hbm>>) dst(%dma_wait3A_1261 : memref<128xf32, #tpu.memory_space<vmem>>)
    %dma_wait3A_1266 = arith.constant 8832 : i32
    %dma_wait3A_1267 = tpu.memref_slice %arg21[%dma_wait3A_1266] : memref<10240xf32, #tpu.memory_space<vmem>> -> memref<128xf32, #tpu.memory_space<vmem>>
    %dma_wait3A_1268 = arith.constant 8832 : i32
    %dma_wait3A_1269 = tpu.memref_slice %arg20[%dma_wait3A_1268] : memref<10240xi32, #tpu.memory_space<vmem>> -> memref<128xi32, #tpu.memory_space<vmem>>
    %dma_wait3A_1270 = arith.constant 0 : i32
    %dma_wait3A_1271 = tpu.memref_slice %arg9[%dma_wait3A_1270] : memref<100001xf32, #tpu.memory_space<hbm>> -> memref<100001xf32, #tpu.memory_space<hbm>>
    tpu.wait_indirect_dma semaphore(%arg27 : memref<!tpu.dma_semaphore, #tpu.memory_space<semaphore_mem>>) src(%dma_wait3A_1271 : memref<100001xf32, #tpu.memory_space<hbm>>) dst(%dma_wait3A_1267 : memref<128xf32, #tpu.memory_space<vmem>>)
    %dma_wait3A_1272 = arith.constant 8960 : i32
    %dma_wait3A_1273 = tpu.memref_slice %arg21[%dma_wait3A_1272] : memref<10240xf32, #tpu.memory_space<vmem>> -> memref<128xf32, #tpu.memory_space<vmem>>
    %dma_wait3A_1274 = arith.constant 8960 : i32
    %dma_wait3A_1275 = tpu.memref_slice %arg20[%dma_wait3A_1274] : memref<10240xi32, #tpu.memory_space<vmem>> -> memref<128xi32, #tpu.memory_space<vmem>>
    %dma_wait3A_1276 = arith.constant 0 : i32
    %dma_wait3A_1277 = tpu.memref_slice %arg9[%dma_wait3A_1276] : memref<100001xf32, #tpu.memory_space<hbm>> -> memref<100001xf32, #tpu.memory_space<hbm>>
    tpu.wait_indirect_dma semaphore(%arg27 : memref<!tpu.dma_semaphore, #tpu.memory_space<semaphore_mem>>) src(%dma_wait3A_1277 : memref<100001xf32, #tpu.memory_space<hbm>>) dst(%dma_wait3A_1273 : memref<128xf32, #tpu.memory_space<vmem>>)
    %dma_wait3A_1278 = arith.constant 9088 : i32
    %dma_wait3A_1279 = tpu.memref_slice %arg21[%dma_wait3A_1278] : memref<10240xf32, #tpu.memory_space<vmem>> -> memref<128xf32, #tpu.memory_space<vmem>>
    %dma_wait3A_1280 = arith.constant 9088 : i32
    %dma_wait3A_1281 = tpu.memref_slice %arg20[%dma_wait3A_1280] : memref<10240xi32, #tpu.memory_space<vmem>> -> memref<128xi32, #tpu.memory_space<vmem>>
    %dma_wait3A_1282 = arith.constant 0 : i32
    %dma_wait3A_1283 = tpu.memref_slice %arg9[%dma_wait3A_1282] : memref<100001xf32, #tpu.memory_space<hbm>> -> memref<100001xf32, #tpu.memory_space<hbm>>
    tpu.wait_indirect_dma semaphore(%arg27 : memref<!tpu.dma_semaphore, #tpu.memory_space<semaphore_mem>>) src(%dma_wait3A_1283 : memref<100001xf32, #tpu.memory_space<hbm>>) dst(%dma_wait3A_1279 : memref<128xf32, #tpu.memory_space<vmem>>)
    %dma_wait3A_1284 = arith.constant 9216 : i32
    %dma_wait3A_1285 = tpu.memref_slice %arg21[%dma_wait3A_1284] : memref<10240xf32, #tpu.memory_space<vmem>> -> memref<128xf32, #tpu.memory_space<vmem>>
    %dma_wait3A_1286 = arith.constant 9216 : i32
    %dma_wait3A_1287 = tpu.memref_slice %arg20[%dma_wait3A_1286] : memref<10240xi32, #tpu.memory_space<vmem>> -> memref<128xi32, #tpu.memory_space<vmem>>
    %dma_wait3A_1288 = arith.constant 0 : i32
    %dma_wait3A_1289 = tpu.memref_slice %arg9[%dma_wait3A_1288] : memref<100001xf32, #tpu.memory_space<hbm>> -> memref<100001xf32, #tpu.memory_space<hbm>>
    tpu.wait_indirect_dma semaphore(%arg27 : memref<!tpu.dma_semaphore, #tpu.memory_space<semaphore_mem>>) src(%dma_wait3A_1289 : memref<100001xf32, #tpu.memory_space<hbm>>) dst(%dma_wait3A_1285 : memref<128xf32, #tpu.memory_space<vmem>>)
    %dma_wait3A_1290 = arith.constant 9344 : i32
    %dma_wait3A_1291 = tpu.memref_slice %arg21[%dma_wait3A_1290] : memref<10240xf32, #tpu.memory_space<vmem>> -> memref<128xf32, #tpu.memory_space<vmem>>
    %dma_wait3A_1292 = arith.constant 9344 : i32
    %dma_wait3A_1293 = tpu.memref_slice %arg20[%dma_wait3A_1292] : memref<10240xi32, #tpu.memory_space<vmem>> -> memref<128xi32, #tpu.memory_space<vmem>>
    %dma_wait3A_1294 = arith.constant 0 : i32
    %dma_wait3A_1295 = tpu.memref_slice %arg9[%dma_wait3A_1294] : memref<100001xf32, #tpu.memory_space<hbm>> -> memref<100001xf32, #tpu.memory_space<hbm>>
    tpu.wait_indirect_dma semaphore(%arg27 : memref<!tpu.dma_semaphore, #tpu.memory_space<semaphore_mem>>) src(%dma_wait3A_1295 : memref<100001xf32, #tpu.memory_space<hbm>>) dst(%dma_wait3A_1291 : memref<128xf32, #tpu.memory_space<vmem>>)
    %dma_wait3A_1296 = arith.constant 9472 : i32
    %dma_wait3A_1297 = tpu.memref_slice %arg21[%dma_wait3A_1296] : memref<10240xf32, #tpu.memory_space<vmem>> -> memref<128xf32, #tpu.memory_space<vmem>>
    %dma_wait3A_1298 = arith.constant 9472 : i32
    %dma_wait3A_1299 = tpu.memref_slice %arg20[%dma_wait3A_1298] : memref<10240xi32, #tpu.memory_space<vmem>> -> memref<128xi32, #tpu.memory_space<vmem>>
    %dma_wait3A_1300 = arith.constant 0 : i32
    %dma_wait3A_1301 = tpu.memref_slice %arg9[%dma_wait3A_1300] : memref<100001xf32, #tpu.memory_space<hbm>> -> memref<100001xf32, #tpu.memory_space<hbm>>
    tpu.wait_indirect_dma semaphore(%arg27 : memref<!tpu.dma_semaphore, #tpu.memory_space<semaphore_mem>>) src(%dma_wait3A_1301 : memref<100001xf32, #tpu.memory_space<hbm>>) dst(%dma_wait3A_1297 : memref<128xf32, #tpu.memory_space<vmem>>)
    %dma_wait3A_1302 = arith.constant 9600 : i32
    %dma_wait3A_1303 = tpu.memref_slice %arg21[%dma_wait3A_1302] : memref<10240xf32, #tpu.memory_space<vmem>> -> memref<128xf32, #tpu.memory_space<vmem>>
    %dma_wait3A_1304 = arith.constant 9600 : i32
    %dma_wait3A_1305 = tpu.memref_slice %arg20[%dma_wait3A_1304] : memref<10240xi32, #tpu.memory_space<vmem>> -> memref<128xi32, #tpu.memory_space<vmem>>
    %dma_wait3A_1306 = arith.constant 0 : i32
    %dma_wait3A_1307 = tpu.memref_slice %arg9[%dma_wait3A_1306] : memref<100001xf32, #tpu.memory_space<hbm>> -> memref<100001xf32, #tpu.memory_space<hbm>>
    tpu.wait_indirect_dma semaphore(%arg27 : memref<!tpu.dma_semaphore, #tpu.memory_space<semaphore_mem>>) src(%dma_wait3A_1307 : memref<100001xf32, #tpu.memory_space<hbm>>) dst(%dma_wait3A_1303 : memref<128xf32, #tpu.memory_space<vmem>>)
    %dma_wait3A_1308 = arith.constant 9728 : i32
    %dma_wait3A_1309 = tpu.memref_slice %arg21[%dma_wait3A_1308] : memref<10240xf32, #tpu.memory_space<vmem>> -> memref<128xf32, #tpu.memory_space<vmem>>
    %dma_wait3A_1310 = arith.constant 9728 : i32
    %dma_wait3A_1311 = tpu.memref_slice %arg20[%dma_wait3A_1310] : memref<10240xi32, #tpu.memory_space<vmem>> -> memref<128xi32, #tpu.memory_space<vmem>>
    %dma_wait3A_1312 = arith.constant 0 : i32
    %dma_wait3A_1313 = tpu.memref_slice %arg9[%dma_wait3A_1312] : memref<100001xf32, #tpu.memory_space<hbm>> -> memref<100001xf32, #tpu.memory_space<hbm>>
    tpu.wait_indirect_dma semaphore(%arg27 : memref<!tpu.dma_semaphore, #tpu.memory_space<semaphore_mem>>) src(%dma_wait3A_1313 : memref<100001xf32, #tpu.memory_space<hbm>>) dst(%dma_wait3A_1309 : memref<128xf32, #tpu.memory_space<vmem>>)
    %dma_wait3A_1314 = arith.constant 9856 : i32
    %dma_wait3A_1315 = tpu.memref_slice %arg21[%dma_wait3A_1314] : memref<10240xf32, #tpu.memory_space<vmem>> -> memref<128xf32, #tpu.memory_space<vmem>>
    %dma_wait3A_1316 = arith.constant 9856 : i32
    %dma_wait3A_1317 = tpu.memref_slice %arg20[%dma_wait3A_1316] : memref<10240xi32, #tpu.memory_space<vmem>> -> memref<128xi32, #tpu.memory_space<vmem>>
    %dma_wait3A_1318 = arith.constant 0 : i32
    %dma_wait3A_1319 = tpu.memref_slice %arg9[%dma_wait3A_1318] : memref<100001xf32, #tpu.memory_space<hbm>> -> memref<100001xf32, #tpu.memory_space<hbm>>
    tpu.wait_indirect_dma semaphore(%arg27 : memref<!tpu.dma_semaphore, #tpu.memory_space<semaphore_mem>>) src(%dma_wait3A_1319 : memref<100001xf32, #tpu.memory_space<hbm>>) dst(%dma_wait3A_1315 : memref<128xf32, #tpu.memory_space<vmem>>)
    %dma_wait3A_1320 = arith.constant 9984 : i32
    %dma_wait3A_1321 = tpu.memref_slice %arg21[%dma_wait3A_1320] : memref<10240xf32, #tpu.memory_space<vmem>> -> memref<128xf32, #tpu.memory_space<vmem>>
    %dma_wait3A_1322 = arith.constant 9984 : i32
    %dma_wait3A_1323 = tpu.memref_slice %arg20[%dma_wait3A_1322] : memref<10240xi32, #tpu.memory_space<vmem>> -> memref<128xi32, #tpu.memory_space<vmem>>
    %dma_wait3A_1324 = arith.constant 0 : i32
    %dma_wait3A_1325 = tpu.memref_slice %arg9[%dma_wait3A_1324] : memref<100001xf32, #tpu.memory_space<hbm>> -> memref<100001xf32, #tpu.memory_space<hbm>>
    tpu.wait_indirect_dma semaphore(%arg27 : memref<!tpu.dma_semaphore, #tpu.memory_space<semaphore_mem>>) src(%dma_wait3A_1325 : memref<100001xf32, #tpu.memory_space<hbm>>) dst(%dma_wait3A_1321 : memref<128xf32, #tpu.memory_space<vmem>>)
    %dma_wait3A_1326 = arith.constant 10112 : i32
    %dma_wait3A_1327 = tpu.memref_slice %arg21[%dma_wait3A_1326] : memref<10240xf32, #tpu.memory_space<vmem>> -> memref<128xf32, #tpu.memory_space<vmem>>
    %dma_wait3A_1328 = arith.constant 10112 : i32
    %dma_wait3A_1329 = tpu.memref_slice %arg20[%dma_wait3A_1328] : memref<10240xi32, #tpu.memory_space<vmem>> -> memref<128xi32, #tpu.memory_space<vmem>>
    %dma_wait3A_1330 = arith.constant 0 : i32
    %dma_wait3A_1331 = tpu.memref_slice %arg9[%dma_wait3A_1330] : memref<100001xf32, #tpu.memory_space<hbm>> -> memref<100001xf32, #tpu.memory_space<hbm>>
    tpu.wait_indirect_dma semaphore(%arg27 : memref<!tpu.dma_semaphore, #tpu.memory_space<semaphore_mem>>) src(%dma_wait3A_1331 : memref<100001xf32, #tpu.memory_space<hbm>>) dst(%dma_wait3A_1327 : memref<128xf32, #tpu.memory_space<vmem>>)
    %scan3A_1332 = arith.constant 0 : i32
    %scan3A_1333 = arith.constant 0 : i32
    %scan3A_1334 = arith.constant 32 : i32
    %scan3A_1335 = arith.addi %scan3A_1333, %scan3A_1334 : i32
    %scan3A_1336 = arith.constant 1 : i32
    scf.for %scan3A_1338 = %scan3A_1333 to %scan3A_1335 step %scan3A_1336  : i32 {
      %mul3A_1339 = arith.constant 16 : i32
      %mul3A_1340 = arith.muli %scan3A_1338, %mul3A_1339 : i32
      %get3A_1341 = arith.index_cast %mul3A_1340 : i32 to index
      %get3A_1342 = tpu.vector_load %arg22[%get3A_1341] {strides = array<i32>} : memref<512xf32, #tpu.memory_space<vmem>>, vector<16xf32>,
      %mul3A_1343 = arith.constant 16 : i32
      %mul3A_1344 = arith.muli %scan3A_1338, %mul3A_1343 : i32
      %add3A_1345 = arith.constant 0 : i32
      %add3A_1346 = arith.addi %add3A_1345, %mul3A_1344 : i32
      %get3A_1347 = arith.index_cast %add3A_1346 : i32 to index
      %get3A_1348 = tpu.vector_load %arg21[%get3A_1347] {strides = array<i32>} : memref<10240xf32, #tpu.memory_space<vmem>>, vector<16xf32>,
      %add3A_1349 = arith.addf %get3A_1342, %get3A_1348 : vector<16xf32>
      %mul3A_1350 = arith.constant 16 : i32
      %mul3A_1351 = arith.muli %scan3A_1338, %mul3A_1350 : i32
      %add3A_1352 = arith.constant 512 : i32
      %add3A_1353 = arith.addi %add3A_1352, %mul3A_1351 : i32
      %get3A_1354 = arith.index_cast %add3A_1353 : i32 to index
      %get3A_1355 = tpu.vector_load %arg21[%get3A_1354] {strides = array<i32>} : memref<10240xf32, #tpu.memory_space<vmem>>, vector<16xf32>,
      %add3A_1356 = arith.addf %add3A_1349, %get3A_1355 : vector<16xf32>
      %mul3A_1357 = arith.constant 16 : i32
      %mul3A_1358 = arith.muli %scan3A_1338, %mul3A_1357 : i32
      %add3A_1359 = arith.constant 1024 : i32
      %add3A_1360 = arith.addi %add3A_1359, %mul3A_1358 : i32
      %get3A_1361 = arith.index_cast %add3A_1360 : i32 to index
      %get3A_1362 = tpu.vector_load %arg21[%get3A_1361] {strides = array<i32>} : memref<10240xf32, #tpu.memory_space<vmem>>, vector<16xf32>,
      %add3A_1363 = arith.addf %add3A_1356, %get3A_1362 : vector<16xf32>
      %mul3A_1364 = arith.constant 16 : i32
      %mul3A_1365 = arith.muli %scan3A_1338, %mul3A_1364 : i32
      %add3A_1366 = arith.constant 1536 : i32
      %add3A_1367 = arith.addi %add3A_1366, %mul3A_1365 : i32
      %get3A_1368 = arith.index_cast %add3A_1367 : i32 to index
      %get3A_1369 = tpu.vector_load %arg21[%get3A_1368] {strides = array<i32>} : memref<10240xf32, #tpu.memory_space<vmem>>, vector<16xf32>,
      %add3A_1370 = arith.addf %add3A_1363, %get3A_1369 : vector<16xf32>
      %mul3A_1371 = arith.constant 16 : i32
      %mul3A_1372 = arith.muli %scan3A_1338, %mul3A_1371 : i32
      %add3A_1373 = arith.constant 2048 : i32
      %add3A_1374 = arith.addi %add3A_1373, %mul3A_1372 : i32
      %get3A_1375 = arith.index_cast %add3A_1374 : i32 to index
      %get3A_1376 = tpu.vector_load %arg21[%get3A_1375] {strides = array<i32>} : memref<10240xf32, #tpu.memory_space<vmem>>, vector<16xf32>,
      %add3A_1377 = arith.addf %add3A_1370, %get3A_1376 : vector<16xf32>
      %mul3A_1378 = arith.constant 16 : i32
      %mul3A_1379 = arith.muli %scan3A_1338, %mul3A_1378 : i32
      %add3A_1380 = arith.constant 2560 : i32
      %add3A_1381 = arith.addi %add3A_1380, %mul3A_1379 : i32
      %get3A_1382 = arith.index_cast %add3A_1381 : i32 to index
      %get3A_1383 = tpu.vector_load %arg21[%get3A_1382] {strides = array<i32>} : memref<10240xf32, #tpu.memory_space<vmem>>, vector<16xf32>,
      %add3A_1384 = arith.addf %add3A_1377, %get3A_1383 : vector<16xf32>
      %mul3A_1385 = arith.constant 16 : i32
      %mul3A_1386 = arith.muli %scan3A_1338, %mul3A_1385 : i32
      %add3A_1387 = arith.constant 3072 : i32
      %add3A_1388 = arith.addi %add3A_1387, %mul3A_1386 : i32
      %get3A_1389 = arith.index_cast %add3A_1388 : i32 to index
      %get3A_1390 = tpu.vector_load %arg21[%get3A_1389] {strides = array<i32>} : memref<10240xf32, #tpu.memory_space<vmem>>, vector<16xf32>,
      %add3A_1391 = arith.addf %add3A_1384, %get3A_1390 : vector<16xf32>
      %mul3A_1392 = arith.constant 16 : i32
      %mul3A_1393 = arith.muli %scan3A_1338, %mul3A_1392 : i32
      %add3A_1394 = arith.constant 3584 : i32
      %add3A_1395 = arith.addi %add3A_1394, %mul3A_1393 : i32
      %get3A_1396 = arith.index_cast %add3A_1395 : i32 to index
      %get3A_1397 = tpu.vector_load %arg21[%get3A_1396] {strides = array<i32>} : memref<10240xf32, #tpu.memory_space<vmem>>, vector<16xf32>,
      %add3A_1398 = arith.addf %add3A_1391, %get3A_1397 : vector<16xf32>
      %mul3A_1399 = arith.constant 16 : i32
      %mul3A_1400 = arith.muli %scan3A_1338, %mul3A_1399 : i32
      %add3A_1401 = arith.constant 4096 : i32
      %add3A_1402 = arith.addi %add3A_1401, %mul3A_1400 : i32
      %get3A_1403 = arith.index_cast %add3A_1402 : i32 to index
      %get3A_1404 = tpu.vector_load %arg21[%get3A_1403] {strides = array<i32>} : memref<10240xf32, #tpu.memory_space<vmem>>, vector<16xf32>,
      %add3A_1405 = arith.addf %add3A_1398, %get3A_1404 : vector<16xf32>
      %mul3A_1406 = arith.constant 16 : i32
      %mul3A_1407 = arith.muli %scan3A_1338, %mul3A_1406 : i32
      %add3A_1408 = arith.constant 4608 : i32
      %add3A_1409 = arith.addi %add3A_1408, %mul3A_1407 : i32
      %get3A_1410 = arith.index_cast %add3A_1409 : i32 to index
      %get3A_1411 = tpu.vector_load %arg21[%get3A_1410] {strides = array<i32>} : memref<10240xf32, #tpu.memory_space<vmem>>, vector<16xf32>,
      %add3A_1412 = arith.addf %add3A_1405, %get3A_1411 : vector<16xf32>
      %mul3A_1413 = arith.constant 16 : i32
      %mul3A_1414 = arith.muli %scan3A_1338, %mul3A_1413 : i32
      %add3A_1415 = arith.constant 5120 : i32
      %add3A_1416 = arith.addi %add3A_1415, %mul3A_1414 : i32
      %get3A_1417 = arith.index_cast %add3A_1416 : i32 to index
      %get3A_1418 = tpu.vector_load %arg21[%get3A_1417] {strides = array<i32>} : memref<10240xf32, #tpu.memory_space<vmem>>, vector<16xf32>,
      %add3A_1419 = arith.addf %add3A_1412, %get3A_1418 : vector<16xf32>
      %mul3A_1420 = arith.constant 16 : i32
      %mul3A_1421 = arith.muli %scan3A_1338, %mul3A_1420 : i32
      %add3A_1422 = arith.constant 5632 : i32
      %add3A_1423 = arith.addi %add3A_1422, %mul3A_1421 : i32
      %get3A_1424 = arith.index_cast %add3A_1423 : i32 to index
      %get3A_1425 = tpu.vector_load %arg21[%get3A_1424] {strides = array<i32>} : memref<10240xf32, #tpu.memory_space<vmem>>, vector<16xf32>,
      %add3A_1426 = arith.addf %add3A_1419, %get3A_1425 : vector<16xf32>
      %mul3A_1427 = arith.constant 16 : i32
      %mul3A_1428 = arith.muli %scan3A_1338, %mul3A_1427 : i32
      %add3A_1429 = arith.constant 6144 : i32
      %add3A_1430 = arith.addi %add3A_1429, %mul3A_1428 : i32
      %get3A_1431 = arith.index_cast %add3A_1430 : i32 to index
      %get3A_1432 = tpu.vector_load %arg21[%get3A_1431] {strides = array<i32>} : memref<10240xf32, #tpu.memory_space<vmem>>, vector<16xf32>,
      %add3A_1433 = arith.addf %add3A_1426, %get3A_1432 : vector<16xf32>
      %mul3A_1434 = arith.constant 16 : i32
      %mul3A_1435 = arith.muli %scan3A_1338, %mul3A_1434 : i32
      %add3A_1436 = arith.constant 6656 : i32
      %add3A_1437 = arith.addi %add3A_1436, %mul3A_1435 : i32
      %get3A_1438 = arith.index_cast %add3A_1437 : i32 to index
      %get3A_1439 = tpu.vector_load %arg21[%get3A_1438] {strides = array<i32>} : memref<10240xf32, #tpu.memory_space<vmem>>, vector<16xf32>,
      %add3A_1440 = arith.addf %add3A_1433, %get3A_1439 : vector<16xf32>
      %mul3A_1441 = arith.constant 16 : i32
      %mul3A_1442 = arith.muli %scan3A_1338, %mul3A_1441 : i32
      %add3A_1443 = arith.constant 7168 : i32
      %add3A_1444 = arith.addi %add3A_1443, %mul3A_1442 : i32
      %get3A_1445 = arith.index_cast %add3A_1444 : i32 to index
      %get3A_1446 = tpu.vector_load %arg21[%get3A_1445] {strides = array<i32>} : memref<10240xf32, #tpu.memory_space<vmem>>, vector<16xf32>,
      %add3A_1447 = arith.addf %add3A_1440, %get3A_1446 : vector<16xf32>
      %mul3A_1448 = arith.constant 16 : i32
      %mul3A_1449 = arith.muli %scan3A_1338, %mul3A_1448 : i32
      %add3A_1450 = arith.constant 7680 : i32
      %add3A_1451 = arith.addi %add3A_1450, %mul3A_1449 : i32
      %get3A_1452 = arith.index_cast %add3A_1451 : i32 to index
      %get3A_1453 = tpu.vector_load %arg21[%get3A_1452] {strides = array<i32>} : memref<10240xf32, #tpu.memory_space<vmem>>, vector<16xf32>,
      %add3A_1454 = arith.addf %add3A_1447, %get3A_1453 : vector<16xf32>
      %mul3A_1455 = arith.constant 16 : i32
      %mul3A_1456 = arith.muli %scan3A_1338, %mul3A_1455 : i32
      %add3A_1457 = arith.constant 8192 : i32
      %add3A_1458 = arith.addi %add3A_1457, %mul3A_1456 : i32
      %get3A_1459 = arith.index_cast %add3A_1458 : i32 to index
      %get3A_1460 = tpu.vector_load %arg21[%get3A_1459] {strides = array<i32>} : memref<10240xf32, #tpu.memory_space<vmem>>, vector<16xf32>,
      %add3A_1461 = arith.addf %add3A_1454, %get3A_1460 : vector<16xf32>
      %mul3A_1462 = arith.constant 16 : i32
      %mul3A_1463 = arith.muli %scan3A_1338, %mul3A_1462 : i32
      %add3A_1464 = arith.constant 8704 : i32
      %add3A_1465 = arith.addi %add3A_1464, %mul3A_1463 : i32
      %get3A_1466 = arith.index_cast %add3A_1465 : i32 to index
      %get3A_1467 = tpu.vector_load %arg21[%get3A_1466] {strides = array<i32>} : memref<10240xf32, #tpu.memory_space<vmem>>, vector<16xf32>,
      %add3A_1468 = arith.addf %add3A_1461, %get3A_1467 : vector<16xf32>
      %mul3A_1469 = arith.constant 16 : i32
      %mul3A_1470 = arith.muli %scan3A_1338, %mul3A_1469 : i32
      %add3A_1471 = arith.constant 9216 : i32
      %add3A_1472 = arith.addi %add3A_1471, %mul3A_1470 : i32
      %get3A_1473 = arith.index_cast %add3A_1472 : i32 to index
      %get3A_1474 = tpu.vector_load %arg21[%get3A_1473] {strides = array<i32>} : memref<10240xf32, #tpu.memory_space<vmem>>, vector<16xf32>,
      %add3A_1475 = arith.addf %add3A_1468, %get3A_1474 : vector<16xf32>
      %mul3A_1476 = arith.constant 16 : i32
      %mul3A_1477 = arith.muli %scan3A_1338, %mul3A_1476 : i32
      %add3A_1478 = arith.constant 9728 : i32
      %add3A_1479 = arith.addi %add3A_1478, %mul3A_1477 : i32
      %get3A_1480 = arith.index_cast %add3A_1479 : i32 to index
      %get3A_1481 = tpu.vector_load %arg21[%get3A_1480] {strides = array<i32>} : memref<10240xf32, #tpu.memory_space<vmem>>, vector<16xf32>,
      %add3A_1482 = arith.addf %add3A_1475, %get3A_1481 : vector<16xf32>
      %mul3A_1483 = arith.constant 16 : i32
      %mul3A_1484 = arith.muli %scan3A_1338, %mul3A_1483 : i32
      %swap3A = arith.index_cast %mul3A_1484 : i32 to index
      %swap3A_1485 = tpu.vector_load %arg22[%swap3A] {strides = array<i32>} : memref<512xf32, #tpu.memory_space<vmem>>, vector<16xf32>,
      tpu.vector_store %arg22[%swap3A], %add3A_1482 {strides = array<i32>} : memref<512xf32, #tpu.memory_space<vmem>>, vector<16xf32>,
    }
    %scan3A_1337 = arith.constant 32 : i32
    "tpu.region"() ({
      %run_scoped3A = tpu.sem_alloc : memref<!tpu.dma_semaphore, #tpu.memory_space<semaphore_mem>>
      %dma_start3A_1338 = tpu.memref_slice %arg11[%mul3A_2] : memref<16384xf32, #tpu.memory_space<hbm>> -> memref<512xf32, #tpu.memory_space<hbm>>
      %dma_start3A_1339 = tpu.memref_slice %arg11[%mul3A_2] : memref<16384xf32, #tpu.memory_space<hbm>> -> memref<512xf32, #tpu.memory_space<hbm>>
      tpu.enqueue_dma source(%arg22 : memref<512xf32, #tpu.memory_space<vmem>>) target(%dma_start3A_1339 : memref<512xf32, #tpu.memory_space<hbm>>) target_semaphore(%run_scoped3A : memref<!tpu.dma_semaphore, #tpu.memory_space<semaphore_mem>>)
      %dma_wait3A_1340 = tpu.memref_slice %arg11[%mul3A_2] : memref<16384xf32, #tpu.memory_space<hbm>> -> memref<512xf32, #tpu.memory_space<hbm>>
      %dma_wait3A_1341 = tpu.memref_slice %arg11[%mul3A_2] : memref<16384xf32, #tpu.memory_space<hbm>> -> memref<512xf32, #tpu.memory_space<hbm>>
      tpu.wait_dma2 semaphore(%run_scoped3A : memref<!tpu.dma_semaphore, #tpu.memory_space<semaphore_mem>>) src(%arg22 : memref<512xf32, #tpu.memory_space<vmem>>) dst(%dma_wait3A_1341 : memref<512xf32, #tpu.memory_space<hbm>>)
      tpu.yield
    }) : () -> ()
    return
  }
}

module attributes {stable_mosaic.version = 14 : i64} {
  func.func @_kw_score_body(%arg0: i32, %arg1: memref<8192x32xf32, #tpu.memory_space<vmem>>, %arg2: memref<32x1xf32, #tpu.memory_space<vmem>>, %arg3: memref<8192xf32, #tpu.memory_space<vmem>>) attributes {dimension_semantics = [#tpu.dimension_semantics<arbitrary>], iteration_bounds = array<i64: 13>, scalar_prefetch = 0 : i64, scratch_operands = 0 : i64, tpu.core_type = #tpu.core_type<tc>, window_params = [{transform_indices = @transform_0, window_bounds = array<i64: 8192, 32>}, {pipeline_mode = #tpu.pipeline_mode<synchronous>, transform_indices = @transform_1, window_bounds = array<i64: 32, 1>}, {transform_indices = @transform_2, window_bounds = array<i64: 8192>}]} {
    %get3A = arith.constant 0 : index
    %get3A_0 = arith.constant 0 : index
    %get3A_1 = vector.load %arg2[%get3A, %get3A_0] : memref<32x1xf32, #tpu.memory_space<vmem>>, vector<32x1xf32>
    %squeeze3A = vector.shape_cast %get3A_1 : vector<32x1xf32> to vector<32xf32>
    %get3A_2 = arith.constant 0 : index
    %get3A_3 = arith.constant 0 : index
    %get3A_4 = vector.load %arg1[%get3A_2, %get3A_3] : memref<8192x32xf32, #tpu.memory_space<vmem>>, vector<8192x32xf32>
    %broadcast_in_dim3A = vector.shape_cast %squeeze3A : vector<32xf32> to vector<1x32xf32>
    %mul3A = vector.broadcast %broadcast_in_dim3A : vector<1x32xf32> to vector<8192x32xf32>
    %mul3A_5 = arith.mulf %get3A_4, %mul3A : vector<8192x32xf32>
    %reduce_sum3A = arith.constant dense<0.000000e+00> : vector<8192xf32>
    %reduce_sum3A_6 = vector.multi_reduction <add>, %mul3A_5, %reduce_sum3A [1] : vector<8192x32xf32> to vector<8192xf32>
    %swap3A = arith.constant 0 : index
    %swap3A_7 = vector.load %arg3[%swap3A] : memref<8192xf32, #tpu.memory_space<vmem>>, vector<8192xf32>
    tpu.vector_store %arg3[%swap3A], %reduce_sum3A_6 {strides = array<i32>} : memref<8192xf32, #tpu.memory_space<vmem>>, vector<8192xf32>,
    return
  }
  func.func @transform_0(%arg0: i32) -> (i32, i32) {
    %c0_i32 = arith.constant 0 : i32
    %c0_i32_0 = arith.constant 0 : i32
    return %arg0, %c0_i32 : i32, i32
  }
  func.func @transform_1(%arg0: i32) -> (i32, i32) {
    %c0_i32 = arith.constant 0 : i32
    %c0_i32_0 = arith.constant 0 : i32
    %c0_i32_1 = arith.constant 0 : i32
    return %c0_i32, %c0_i32_0 : i32, i32
  }
  func.func @transform_2(%arg0: i32) -> i32 {
    %c0_i32 = arith.constant 0 : i32
    return %arg0 : i32
  }
}

</mosaic_0001>

<sc_bundles>
// kernel: kernel.4.cloned.1.call-start
scs
__scs_entry_jumppad:
0x0: {  	(pc) =	sbr.rel $0x88, $3  }
0x1: {  	(tag) =	ssettag $0x0;
	lr =	simm.s32 $0x1  }
0x2: {  	[smem:$0x3F97] =	sst lr;
	_ =	strace $0xD0000000  }
0x3: {  	_ = 	snop  }
0x4: {  	_ = 	snop  }
0x5: {  	_ = 	snop  }
0x6: {  	_ = 	snop  }
0x7: {  	_ = 	snop  }
__scs_overlays_trampoline_lowered:
0x8: {  	[smem:$0x3FA6] =	sst s0  }
0x9: {  	[smem:$0x3FA7] =	sst s1  }
0xa: {  	[smem:$0x3FA8] =	sst s2  }
0xb: {  	[smem:$0x3FA9] =	sst s3  }
0xc: {  	[smem:$0x3FAA] =	sst s4  }
0xd: {  	[smem:$0x3FAB] =	sst s5  }
0xe: {  	[smem:$0x3FAC] =	sst s6  }
0xf: {  	[smem:$0x3FAD] =	sst s7  }
0x10: {  	[smem:$0x3FAE] =	sst s8  }
0x11: {  	[smem:$0x3FAF] =	sst s9;
	s0 =	simm.s32 @!p0 $0x0  }
0x12: {  	s1 =	sld [smem:$0x3F95];
	s0 =	simm.s32 @p0 $0x1  }
0x13: {  	[smem:$0x3FB0] =	sst s0;
	s0 =	simm.s32 @!p1 $0x0  }
0x14: {  	s2 =	sld [smem:$0x3F94];
	s0 =	simm.s32 @p1 $0x1  }
0x15: {  	[smem:$0x3FB1] =	sst s0;
	s0 =	simm.s32 @!p2 $0x0  }
0x16: {  	s3 =	sld [smem:$0x3FDB];
	s0 =	simm.s32 @p2 $0x1  }
0x17: {  	s4 =	simm.s32 $0x1BF5;
	[smem:$0x3FB3] =	sst s0  }
0x18: {  	s0 =	sld [smem:$0x3F96];
	_ =	swait.ge [sflag:s4], $0x0  }
0x19: {  	s7 =	sld [smem:$0x3F97]  }
0x1a: {  	s8 =	sadd.s32 $0xFFFFE003, lr  }
0x1b: {  	s9 =	sadd.s32 $0xFFFFFEF7, lr;
	s5 =	simm.s32 $0xFFFFFFFF;
	p2 =	slt.u32 s8, $0xFFFFF086  }
0x1c: {  	p1 =	slt.u32 s9, $0xF7A;
	s5 =	simm.s32 @!p2 $0x0  }
0x1d: {  	s5 =	simm.s32 @p1 $0x1;
	p0 =	seq.s32 s7, s2  }
0x1e: {  	s7 =	smul.u32 @!p0 $0xF7A, s2;
	p2 =	seq.s32 @!p0 s5, $0x0  }
0x1f: {  	s9 =	smul.u32 $0xF7A, s1;
	s8 =	simm.s32 @!p0 $0x1BF5;
	p2 =	por !p2, p0  }
0x20: {  	[sflag:s8] =	ssyncset.s32 @!p0 $0xFFFFF086;
	s6 =	sadd.s32 @!p0 s3, s7;
	s7 =	simm.s32 @!p0 $0x108  }
0x21: {  	s3 =	sadd.s32 s3, s9;
	s6 =	sadd.s32 @!p0 $0x88, s6;
	s7 =	simm.s32 @p2 $0x1082  }
0x22: {  	[simem:s7], [sflag:s8] =	dma.local @!p0 [hbm:s6], $0xF7A  }
0x23: {  	s9 =	sor.u32 $0xD0000000, s2;
	s6 =	simm.s32 $0x108;
	_ =	swait.ge @!p0 [sflag:s8], $0x0  }
0x24: {  	s3 =	sadd.s32 $0x88, s3;
	s6 =	simm.s32 @!p1 $0x1082;
	[sflag:s4] =	ssyncset.s32 $0xFFFFF086  }
0x25: {  	[simem:s6], [sflag:s4] =	dma.local [hbm:s3], $0xF7A  }
0x26: {  	[smem:$0x3F97] =	sst s1;
	(tag) =	ssettag s2;
	_ =	strace s9  }
0x27: {  	s1 =	sld [smem:$0x3FA7]  }
0x28: {  	s2 =	sld [smem:$0x3FA8]  }
0x29: {  	s4 =	sld [smem:$0x3FAA]  }
0x2a: {  	p0 =	seq.s32 s5, $0x0;
	s5 =	sld [smem:$0x3FAB]  }
0x2b: {  	s6 =	sld [smem:$0x3FAC]  }
0x2c: {  	s7 =	sld [smem:$0x3FAD]  }
0x2d: {  	s3 =	simm.s32 $0x108;
	s8 =	sld [smem:$0x3FAE]  }
0x2e: {  	s3 =	simm.s32 @!p0 $0x1082;
	s9 =	sld [smem:$0x3FAF]  }
0x2f: {  	lr =	sadd.s32 s0, s3;
	s0 =	sld [smem:$0x3FA6]  }
0x30: {  	s3 =	sld [smem:$0x3FA9]  }
0x31: {  	[smem:$0x3FB2] =	sst s10  }
0x32: {  	s10 =	sld [smem:$0x3FB0];
	_ =	sdelay $0x3  }
0x33: {  	p0 =	seq.s32 s10, $0x1;
	s10 =	sld [smem:$0x3FB2];
	_ =	sdelay $0x3  }
0x34: {  	[smem:$0x3FB2] =	sst s10  }
0x35: {  	s10 =	sld [smem:$0x3FB1];
	_ =	sdelay $0x3  }
0x36: {  	p1 =	seq.s32 s10, $0x1;
	s10 =	sld [smem:$0x3FB2];
	_ =	sdelay $0x3  }
0x37: {  	[smem:$0x3FB2] =	sst s10  }
0x38: {  	s10 =	sld [smem:$0x3FB3]  }
0x39: {  	_ = 	snop;
	(pc) =	sbr.ind lr, $3  }
0x3a: {  	_ = 	snop  }
0x3b: {  	_ = 	snop  }
0x3c: {  	p2 =	seq.s32 s10, $0x1;
	s10 =	sld [smem:$0x3FB2]  }
0x3d: {  	_ =	shalt  }
0x3e: {  	_ =	shalt  }
0x3f: {  	_ =	shalt  }
0x40: {  	_ =	shalt  }
0x41: {  	_ =	shalt  }
0x42: {  	_ =	shalt  }
0x43: {  	_ =	shalt  }
0x44: {  	_ =	shalt  }
0x45: {  	_ =	shalt  }
0x46: {  	_ =	shalt  }
0x47: {  	_ =	shalt  }
0x48: {  	_ =	shalt  }
0x49: {  	_ =	shalt  }
0x4a: {  	_ =	shalt  }
0x4b: {  	_ =	shalt  }
0x4c: {  	_ =	shalt  }
0x4d: {  	_ =	shalt  }
0x4e: {  	_ =	shalt  }
0x4f: {  	_ =	shalt  }
0x50: {  	_ =	shalt  }
0x51: {  	_ =	shalt  }
0x52: {  	_ =	shalt  }
0x53: {  	_ =	shalt  }
0x54: {  	_ =	shalt  }
0x55: {  	_ =	shalt  }
0x56: {  	_ =	shalt  }
0x57: {  	_ =	shalt  }
0x58: {  	_ =	shalt  }
0x59: {  	_ =	shalt  }
0x5a: {  	_ =	shalt  }
0x5b: {  	_ =	shalt  }
0x5c: {  	_ =	shalt  }
0x5d: {  	_ =	shalt  }
0x5e: {  	_ =	shalt  }
0x5f: {  	_ =	shalt  }
0x60: {  	_ =	shalt  }
0x61: {  	_ =	shalt  }
0x62: {  	_ =	shalt  }
0x63: {  	_ =	shalt  }
0x64: {  	_ =	shalt  }
0x65: {  	_ =	shalt  }
0x66: {  	_ =	shalt  }
0x67: {  	_ =	shalt  }
0x68: {  	_ =	shalt  }
0x69: {  	_ =	shalt  }
0x6a: {  	_ =	shalt  }
0x6b: {  	_ =	shalt  }
0x6c: {  	_ =	shalt  }
0x6d: {  	_ =	shalt  }
0x6e: {  	_ =	shalt  }
0x6f: {  	_ =	shalt  }
0x70: {  	_ =	shalt  }
0x71: {  	_ =	shalt  }
0x72: {  	_ =	shalt  }
0x73: {  	_ =	shalt  }
0x74: {  	_ =	shalt  }
0x75: {  	_ =	shalt  }
0x76: {  	_ =	shalt  }
0x77: {  	_ =	shalt  }
0x78: {  	_ =	shalt  }
0x79: {  	_ =	shalt  }
0x7a: {  	_ =	shalt  }
0x7b: {  	_ =	shalt  }
0x7c: {  	_ =	shalt  }
0x7d: {  	_ =	shalt  }
0x7e: {  	_ =	shalt  }
0x7f: {  	_ =	shalt  }
0x80: {  	_ =	shalt  }
0x81: {  	_ =	shalt  }
0x82: {  	_ =	shalt  }
0x83: {  	_ =	shalt  }
0x84: {  	_ =	shalt  }
0x85: {  	_ =	shalt  }
0x86: {  	_ =	shalt  }
0x87: {  	_ =	shalt  }
.Lfunc_end0:
.L_simem_size_0:
called_computation_lowered:
.L_overlay_start_0:
0x88: {  	s2 =	sld [smem:$0x3FD9]  }
0x89: {  	s3 =	sld [smem:$0x3FFE];
	_ =	sdelay $0x1  }
0x8a: {  	s1 =	srdreg.scid  }
0x8b: {  	s0 =	sand.u32 $0x1, s1  }
0x8c: {  	s17 =	sshll.u32 s0, $0xA;
	s2 =	sadd.s32 s3, s2  }
0x8d: {  	s2 =	sadd.s32 s2, s17  }
0x8e: {  	[smem:$0x3FBE] =	sst s2  }
0x8f: {  	_ = 	snop  }
0x90: {  	s2 =	sld [smem:$0x3FC9]  }
0x91: {  	s18 =	sld [smem:$0x3FC8]  }
0x92: {  	s4 =	sld [smem:$0x3FC0]  }
0x93: {  	s5 =	sld [smem:$0x3FD0];
	(tm) =	ssettm $0x1  }
0x94: {  	s6 =	sld [smem:$0x3FFB];
	_ =	sdelay $0x3  }
0x95: {  	_ =	strace s6  }
0x96: {  	s6 =	sld [smem:$0x3FFC];
	_ =	sdelay $0x3  }
0x97: {  	_ =	strace s6  }
0x98: {  	s6 =	sld [smem:$0x3FFD];
	_ =	sdelay $0x3  }
0x99: {  	_ =	strace s6  }
0x9a: {  	_ =	strace $0x8FFFFFFF  }
0x9b: {  	s19 =	sld [smem:$0x3FDB];
	_ =	sdelay $0x1  }
0x9c: {  	s7 =	simm.s32 $_scs_section_size  }
0x9d: {  	s8 =	simm.s32 $_size__tile_overlayer_lowered;
	s9 =	simm.s32 $_tile_overlayer_lowered  }
0x9e: {  	s22 =	simm.s32 $0x1BFF;
	s21 =	sshll.u32 s9, $0x1;
	s6 =	sadd.s32 s7, s19  }
0x9f: {  	s10 =	simm.s32 $0x0;
	s20 =	sshll.u32 s8, $0x1;
	s8 =	sadd.s32 s21, s6  }
0xa0: {  	[timem:s10], [sflag:s22] =	dma.local [hbm:s8], s20  }
0xa1: {  	_ =	swait.ge [sflag:s22], s20  }
0xa2: {  	s7 =	ssub.s32 $0x0, s20;
	[sflag:s22] =	ssyncset.done $0x0  }
0xa3: {  	[sflag:s22] =	ssyncadd.s32 s7;
	_ =	sdelay $0x1  }
0xa4: {  	s23 =	simm.s32 $0x1B8B  }
0xa5: {  	_ =	swait.ge [sflag:s23], $0x1  }
0xa6: {  	[sflag:s23] =	ssyncset.done $0x0  }
0xa7: {  	s25 =	simm.s32 $0x1B8E;
	s24 =	sld [smem:$0x3FFE];
	[sflag:s23] =	ssyncadd.s32 $0xFFFFFFFF  }
0xa8: {  	s26 =	simm.s32 $execute0_lowered;
	[smem:$0x3FD2] =	sst s25  }
0xa9: {  	s8 =	sshll.u32 s26, $0x1;
	_ =	strace $0x80000046;
	[dreg:$0x1] =	wrdreg $0xFFFFFFFF  }
0xaa: {  	s28 =	simm.s32 $_size_execute0_lowered;
	s6 =	sadd.s32 s6, s8;
	[dreg:$0x0] =	wrdreg $0x0  }
0xab: {  	s8 =	sshll.u32 s28, $0x1;
	[dreg:$0x2] =	wrdreg s6  }
0xac: {  	[dreg:$0x3] =	wrdreg s8  }
0xad: {  	[dreg:$0x4] =	wrdreg $0xC0  }
0xae: {  	_ =	task [dreg:s10], $0x5FFFF  }
0xaf: {  	[dreg:$0x1] =	wrdreg $0xFFFFFFFF  }
0xb0: {  	[dreg:$0x0] =	wrdreg $0x60  }
0xb1: {  	[dreg:$0x2] =	wrdreg s2  }
0xb2: {  	[dreg:$0x3] =	wrdreg s18  }
0xb3: {  	[dreg:$0x4] =	wrdreg s24  }
0xb4: {  	[dreg:$0x5] =	wrdreg s4  }
0xb5: {  	[dreg:$0x6] =	wrdreg s5  }
0xb6: {  	[dreg:$0x7] =	wrdreg $0x9  }
0xb7: {  	_ =	task.clear_ibuf [dreg:s10], $0x8FFFF;
	_ =	strace $0x90000046  }
0xb8: {  	s29 =	simm.s32 $0x9;
	_ =	strace $0x80000048  }
0xb9: {  	_ =	swait.ge [sflag:s29], $0x1  }
0xba: {  	[sflag:s29] =	ssyncadd.s32 $0xFFFFFFFF  }
0xbb: {  	_ =	strace $0x90000048  }
0xbc: {  	_ =	sfence  }
0xbd: {  	s30 =	sld [smem:$0x0];
	_ =	sdelay $0x2  }
0xbe: {  	s31 =	sshll.u32 s1, $0xD;
	s1 =	sshrl.u32 s1, $0x2  }
0xbf: {  	s3 =	sand.u32 $0x4000, s31;
	s1 =	sadd.s32 s1, s30  }
0xc0: {  	s0 =	sor.u32 s3, s0;
	s1 =	sshll.u32 s1, $0x11  }
0xc1: {  	s0 =	sor.u32 s1, s0  }
0xc2: {  	s0 =	sadd.s32 $0x8F2B, s0  }
0xc3: {  	[sflag:s0] =	ssyncadd.remote.s32 $0x1  }
0xc4: {  	_ =	sfence.sel $0xFFFF  }
0xc5: {  	[dreg:$0x0] =	wrdreg $0xFFFFFFFF;
	(pc) =	sbr.abs _section_cstart, $3  }
0xc6: {  	[dreg:$0x1] =	wrdreg $0xFFFFFFFF  }
0xc7: {  	_ =	task.clear_ibuf [dreg:s10], $0x2FFFF;
	_ =	strace $0x9FFFFFFF  }
0xc8: {  	(tm) =	ssettm $0x7FFFFFFF  }
0xc9: {  	_ =	shalt  }
tec
execute0_lowered:
.L_overlay_start_1:
0x0: {  	(tag) =	ssettag $0x1  }
0x1: {  	s0 =	rddreg [dreg:$0x0]  }
0x2: {  	s1 =	rddreg [dreg:$0x1]  }
0x3: {  	s5 =	rddreg [dreg:$0x2]  }
0x4: {  	s12 =	rddreg [dreg:$0x4];
	s2 =	simm.s32 $0x0  }
0x5: {  	s8 =	srdreg.scid;
	s13 =	stileid.u32;
	s16 =	simm.s32 $0x10800  }
0x6: {  	s17 =	simm.s32 $0x80;
	s18 =	simm.s32 $0x10C00;
	s20 =	simm.s32 $0x280  }
0x7: {  	s22 =	simm.s32 $0x100;
	s24 =	simm.s32 $0x300;
	s29 =	simm.s32 $0x380  }
0x8: {  	s25 =	simm.s32 $0x3;
	s28 =	simm.s32 $0x1;
	[smem:$0x7FF] =	sst s2  }
0x9: {  	s30 =	simm.s32 $0x2;
	s3 =	sadd.s32 $0x311200, s5;
	s4 =	sadd.s32 $0x18A600, s5  }
0xa: {  	s31 =	simm.s32 $0x4;
	s6 =	sadd.s32 $0x24DC00, s5;
	s7 =	sadd.s32 $0x351600, s5  }
0xb: {  	v1 =	vlaneseq.u32;
	vm0 =	vmmov $0x1;
	vm1 =	vmmov $0x3;
	s9 =	sand.u32 $0x1, s8;
	s8 =	sadd.s32 $0x34E400, s5;
	s13 =	sshll.u32 s13, $0x7  }
0xc: {  	vm2 =	vmmov $0x7;
	vm3 =	vmmov $0xf;
	vm4 =	vmmov $0x1f;
	_ =	strace $0x80000047;
	s10 =	ssub.s32 $0x2, s9;
	s14 =	sshll.u32 s9, $0x6  }
0xd: {  	vm5 =	vmmov $0x3f;
	vm6 =	vmmov $0x7f;
	v0 =	vmul.u32 $0x2, v1;
	s9 =	sadd.s32 $0x3A00, s5;
	s5 =	simm.s32 $0x0;
	s11 =	sshrl.u32 s10, $0x1  }
0xe: {  	vm7 =	vmmov $0xff;
	vm8 =	vmmov $0x1ff;
	v1 =	vmul.u32 $0x20, v1;
	s13 =	sor.u32 s14, s13;
	s14 =	simm.s32 $0x5;
	s26 =	ssub.s32 s10, s11  }
0xf: {  	vm9 =	vmmov $0x3ff;
	vm10 =	vmmov $0x7ff;
	vm11 =	vmmov $0xfff;
	[tilespmem:$0x1FFE0] =	vst v0;
	s10 =	sadd.s32 s0, s13;
	s11 =	sadd.s32 s1, s13;
	s12 =	sadd.s32 s12, s13  }
0x10: {  	vm12 =	vmmov $0x1fff;
	vm13 =	vmmov $0x3fff;
	vm14 =	vmmov $0x7fff;
	[tilespmem:$0x1FFF0] =	vst v1;
	s0 =	simm.s32 $0x19C00;
	s13 =	smax.u32 s26, $0x1;
	s26 =	simm.s32 $0x180  }
.LBB2_1:
0x11: {  	[tilespmem:s2], [sflag:$0x5] =	stream.linear.gather [hbm4b:s10+s2], $0x200, $0x38;
	[tilespmem:$0x19E10] =	vst v63  }
0x12: {  	_ =	swait.ge [sflag:s14], $0x200  }
0x13: {  	[sflag:s14] =	ssyncset.done $0x0  }
0x14: {  	s1 =	simm.s32 $0x200;
	[sflag:s14] =	ssyncadd.s32 $0xFFFFFE00  }
0x15: {  	[tilespmem:s1], [sflag:$0x5] =	stream.linear.gather [hbm4b:s11+s2], $0x200, $0x38;
	[tilespmem:$0x19E10] =	vst v63  }
0x16: {  	_ =	swait.ge [sflag:s14], $0x200  }
0x17: {  	[sflag:s14] =	ssyncset.done $0x0  }
0x18: {  	[sflag:s14] =	ssyncadd.s32 $0xFFFFFE00  }
0x19: {  	s19 =	simm.s32 $0x19E00;
	s15 =	rddreg [dreg:$0x3]  }
0x1a: {  	[tilespmem:s19], [sflag:$0x5] =	stream.linear.gather [hbm4b:s15+s2], $0x1, $0x38;
	[tilespmem:$0x19E10] =	vst v63  }
0x1b: {  	_ =	swait.ge [sflag:s14], $0x1  }
0x1c: {  	[sflag:s14] =	ssyncset.done $0x0  }
0x1d: {  	[sflag:s14] =	ssyncadd.s32 $0xFFFFFFFF  }
0x1e: {  	s15 =	simm.s32 $0x10;
	s19 =	simm.s32 $0x0;
	v2 =	vld [tilespmem:s1+$0x0]  }
.LBB2_2:
0x1f: {  	p0 =	sne.s32 s15, $0x1F0;
	v3 =	vmov s19;
	s19 =	smov.u32 s15  }
0x20: {  	v3 =	vshll.u32 v3, $0x1  }
0x21: {  	v3 =	vor.u32 v0, v3  }
0x22: {  	v4 =	vor.u32 $0x1, v3  }
0x23: {  	v2 =	vmul.u32 $0x14, v2  }
.Ltmp0:
0x24: {  	(pc) =	sbr.rel @p0 .LBB2_2-.Ltmp0, $4  }
0x25: {  	v2 =	vshrl.u32 v2, $0x4  }
0x26: {  	[tilespmem:v3+s16+$0x0] =	vst.idx.msk $0xffff, v2;
	v2 =	vadd.s32 $0x1, v2  }
0x27: {  	s1 =	sadd.s32 $0x10, s1;
	[tilespmem:v4+s16+$0x0] =	vst.idx.msk $0xffff, v2  }
0x28: {  	s15 =	sadd.s32 $0x10, s15;
	v2 =	vld [tilespmem:s1+$0x0]  }
0x29: {  	v3 =	vmov s19  }
0x2a: {  	v3 =	vshll.u32 v3, $0x1  }
0x2b: {  	v3 =	vor.u32 v0, v3  }
0x2c: {  	v4 =	vor.u32 $0x1, v3  }
0x2d: {  	v2 =	vmul.u32 $0x14, v2;
	_ =	sdelay $0x1  }
0x2e: {  	v2 =	vshrl.u32 v2, $0x4  }
0x2f: {  	[tilespmem:v3+s16+$0x0] =	vst.idx.msk $0xffff, v2;
	v2 =	vadd.s32 $0x1, v2  }
0x30: {  	[tilespmem:v4+s16+$0x0] =	vst.idx.msk $0xffff, v2  }
0x31: {  	[tilespmem:s18], [sflag:$0x3] =	stream.indirect.gather [hbm4b:s3+s17], $0x10, s16, s17, $0xb8;
	[tilespmem:$0x19E10] =	vst v63  }
0x32: {  	s1 =	simm.s32 $0x10880;
	s15 =	simm.s32 $0x11400  }
0x33: {  	[tilespmem:s15], [sflag:$0x3] =	stream.indirect.gather [hbm4b:s3+s17], $0x10, s1, s17, $0xb8;
	[tilespmem:$0x19E10] =	vst v63  }
0x34: {  	s21 =	simm.s32 $0x10900;
	s23 =	simm.s32 $0x11C00  }
0x35: {  	[tilespmem:s23], [sflag:$0x3] =	stream.indirect.gather [hbm4b:s3+s17], $0x10, s21, s17, $0xb8;
	[tilespmem:$0x19E10] =	vst v63  }
0x36: {  	s19 =	simm.s32 $0x12400;
	s15 =	simm.s32 $0x10980  }
0x37: {  	[tilespmem:s19], [sflag:$0x3] =	stream.indirect.gather [hbm4b:s3+s17], $0x10, s15, s17, $0xb8;
	[tilespmem:$0x19E10] =	vst v63  }
0x38: {  	s21 =	simm.s32 $0x10A00;
	s23 =	simm.s32 $0x12C00  }
0x39: {  	[tilespmem:s23], [sflag:$0x3] =	stream.indirect.gather [hbm4b:s3+s17], $0x10, s21, s17, $0xb8;
	[tilespmem:$0x19E10] =	vst v63  }
0x3a: {  	s15 =	simm.s32 $0x10A80;
	s19 =	simm.s32 $0x13400  }
0x3b: {  	[tilespmem:s19], [sflag:$0x3] =	stream.indirect.gather [hbm4b:s3+s17], $0x10, s15, s17, $0xb8;
	[tilespmem:$0x19E10] =	vst v63  }
0x3c: {  	s21 =	simm.s32 $0x10B00;
	s23 =	simm.s32 $0x13C00  }
0x3d: {  	[tilespmem:s23], [sflag:$0x3] =	stream.indirect.gather [hbm4b:s3+s17], $0x10, s21, s17, $0xb8;
	[tilespmem:$0x19E10] =	vst v63  }
0x3e: {  	s15 =	simm.s32 $0x10B80;
	s19 =	simm.s32 $0x14400  }
0x3f: {  	[tilespmem:s19], [sflag:$0x3] =	stream.indirect.gather [hbm4b:s3+s17], $0x10, s15, s17, $0xb8;
	[tilespmem:$0x19E10] =	vst v63  }
0x40: {  	s21 =	simm.s32 $0x400;
	s15 =	simm.s32 $0x0  }
0x41: {  	[tilespmem:s21], [sflag:$0x1] =	stream.indirect.gather [hbm4b:s4+s17], $0x40, s15, s17, $0xb8;
	[tilespmem:$0x19E10] =	vst v63  }
0x42: {  	s1 =	simm.s32 $0x200;
	s23 =	simm.s32 $0x8400  }
0x43: {  	[tilespmem:s23], [sflag:$0x1] =	stream.indirect.gather [hbm4b:s6+s17], $0x40, s1, s17, $0xb8;
	[tilespmem:$0x19E10] =	vst v63  }
0x44: {  	s21 =	simm.s32 $0x2400  }
0x45: {  	[tilespmem:s21], [sflag:$0x1] =	stream.indirect.gather [hbm4b:s4+s17], $0x40, s17, s17, $0xb8;
	[tilespmem:$0x19E10] =	vst v63  }
0x46: {  	s23 =	simm.s32 $0xA400  }
0x47: {  	[tilespmem:s23], [sflag:$0x1] =	stream.indirect.gather [hbm4b:s6+s17], $0x40, s20, s17, $0xb8;
	[tilespmem:$0x19E10] =	vst v63  }
0x48: {  	s21 =	simm.s32 $0x4400  }
0x49: {  	[tilespmem:s21], [sflag:$0x1] =	stream.indirect.gather [hbm4b:s4+s17], $0x40, s22, s17, $0xb8;
	[tilespmem:$0x19E10] =	vst v63  }
0x4a: {  	s23 =	simm.s32 $0xC400  }
0x4b: {  	[tilespmem:s23], [sflag:$0x1] =	stream.indirect.gather [hbm4b:s6+s17], $0x40, s24, s17, $0xb8;
	[tilespmem:$0x19E10] =	vst v63  }
0x4c: {  	s21 =	simm.s32 $0x6400  }
0x4d: {  	[tilespmem:s21], [sflag:$0x1] =	stream.indirect.gather [hbm4b:s4+s17], $0x40, s26, s17, $0xb8;
	[tilespmem:$0x19E10] =	vst v63  }
0x4e: {  	s23 =	simm.s32 $0xE400  }
0x4f: {  	[tilespmem:s23], [sflag:$0x1] =	stream.indirect.gather [hbm4b:s6+s17], $0x40, s29, s17, $0xb8;
	[tilespmem:$0x19E10] =	vst v63  }
0x50: {  	s21 =	simm.s32 $0x10400  }
0x51: {  	[tilespmem:s21], [sflag:$0x2] =	stream.indirect.gather [hbm4b:s7+s17], $0x1, s15, s17, $0xb8;
	[tilespmem:$0x19E10] =	vst v63  }
0x52: {  	s23 =	simm.s32 $0x10600  }
0x53: {  	[tilespmem:s23], [sflag:$0x2] =	stream.indirect.gather [hbm4b:s8+s17], $0x1, s1, s17, $0xb8;
	[tilespmem:$0x19E10] =	vst v63  }
0x54: {  	s21 =	simm.s32 $0x10480  }
0x55: {  	[tilespmem:s21], [sflag:$0x2] =	stream.indirect.gather [hbm4b:s7+s17], $0x1, s17, s17, $0xb8;
	[tilespmem:$0x19E10] =	vst v63  }
0x56: {  	s23 =	simm.s32 $0x10680  }
0x57: {  	[tilespmem:s23], [sflag:$0x2] =	stream.indirect.gather [hbm4b:s8+s17], $0x1, s20, s17, $0xb8;
	[tilespmem:$0x19E10] =	vst v63  }
0x58: {  	s21 =	simm.s32 $0x10500  }
0x59: {  	[tilespmem:s21], [sflag:$0x2] =	stream.indirect.gather [hbm4b:s7+s17], $0x1, s22, s17, $0xb8;
	[tilespmem:$0x19E10] =	vst v63  }
0x5a: {  	s23 =	simm.s32 $0x10700  }
0x5b: {  	[tilespmem:s23], [sflag:$0x2] =	stream.indirect.gather [hbm4b:s8+s17], $0x1, s24, s17, $0xb8;
	[tilespmem:$0x19E10] =	vst v63  }
0x5c: {  	s21 =	simm.s32 $0x10580  }
0x5d: {  	[tilespmem:s21], [sflag:$0x2] =	stream.indirect.gather [hbm4b:s7+s17], $0x1, s26, s17, $0xb8;
	[tilespmem:$0x19E10] =	vst v63  }
0x5e: {  	s23 =	simm.s32 $0x10780  }
0x5f: {  	[tilespmem:s23], [sflag:$0x2] =	stream.indirect.gather [hbm4b:s8+s17], $0x1, s29, s17, $0xb8;
	[tilespmem:$0x19E10] =	vst v63  }
0x60: {  	_ =	swait.ge [sflag:s25], $0x800  }
0x61: {  	[sflag:s25] =	ssyncset.done $0x0  }
0x62: {  	[sflag:s25] =	ssyncadd.s32 $0xFFFFF800  }
0x63: {  	_ =	swait.ge [sflag:s25], $0x800  }
0x64: {  	[sflag:s25] =	ssyncset.done $0x0  }
0x65: {  	[sflag:s25] =	ssyncadd.s32 $0xFFFFF800  }
0x66: {  	_ =	swait.ge [sflag:s25], $0x800  }
0x67: {  	[sflag:s25] =	ssyncset.done $0x0  }
0x68: {  	[sflag:s25] =	ssyncadd.s32 $0xFFFFF800  }
0x69: {  	_ =	swait.ge [sflag:s25], $0x800  }
0x6a: {  	[sflag:s25] =	ssyncset.done $0x0  }
0x6b: {  	[sflag:s25] =	ssyncadd.s32 $0xFFFFF800  }
0x6c: {  	_ =	swait.ge [sflag:s25], $0x800  }
0x6d: {  	[sflag:s25] =	ssyncset.done $0x0  }
0x6e: {  	[sflag:s25] =	ssyncadd.s32 $0xFFFFF800  }
0x6f: {  	_ =	swait.ge [sflag:s25], $0x800  }
0x70: {  	[sflag:s25] =	ssyncset.done $0x0  }
0x71: {  	[sflag:s25] =	ssyncadd.s32 $0xFFFFF800  }
0x72: {  	_ =	swait.ge [sflag:s25], $0x800  }
0x73: {  	[sflag:s25] =	ssyncset.done $0x0  }
0x74: {  	[sflag:s25] =	ssyncadd.s32 $0xFFFFF800  }
0x75: {  	_ =	swait.ge [sflag:s25], $0x800  }
0x76: {  	[sflag:s25] =	ssyncset.done $0x0  }
0x77: {  	[sflag:s25] =	ssyncadd.s32 $0xFFFFF800  }
0x78: {  	v2 =	vld [tilespmem:s1+$0x0];
	_ =	sdelay $0x3  }
0x79: {  	v3 =	vmov s15  }
0x7a: {  	v3 =	vshll.u32 v3, $0x5;
	v2 =	vshll.u32 v2, $0x2  }
0x7b: {  	v3 =	vor.u32 v1, v3;
	v48 =	vand.u32 $0xC, v2  }
0x7c: {  	v5 =	vor.u32 v3, v48;
	_ =	sdelay $0x4  }
0x7d: {  	v6 =	vld.idx.msk [tilespmem:v5+s18+$0x0], $0xffff  }
0x7e: {  	v7 =	vor.u32 $0x1, v5;
	_ =	sdelay $0x2  }
0x7f: {  	s15 =	simm.s32 $0x16000  }
0x80: {  	[tilespmem:s15+$0xFFFFEC00] =	vst v6  }
0x81: {  	v6 =	vld.idx.msk [tilespmem:v7+s18+$0x0], $0xffff  }
0x82: {  	v49 =	vor.u32 $0x2, v5;
	_ =	sdelay $0x3  }
0x83: {  	[tilespmem:s15+$0xFFFFEE00] =	vst v6  }
0x84: {  	v6 =	vld.idx.msk [tilespmem:v49+s18+$0x0], $0xffff  }
0x85: {  	v50 =	vor.u32 $0x3, v5;
	_ =	sdelay $0x3  }
0x86: {  	[tilespmem:s15+$0xFFFFF000] =	vst v6  }
0x87: {  	v6 =	vld.idx.msk [tilespmem:v50+s18+$0x0], $0xffff  }
0x88: {  	v51 =	vadd.s32 $0x4, v5;
	_ =	sdelay $0x3  }
0x89: {  	[tilespmem:s15+$0xFFFFF200] =	vst v6  }
0x8a: {  	v6 =	vld.idx.msk [tilespmem:v51+s18+$0x0], $0xffff  }
0x8b: {  	v52 =	vadd.s32 $0x5, v5;
	_ =	sdelay $0x3  }
0x8c: {  	[tilespmem:s15+$0xFFFFF400] =	vst v6  }
0x8d: {  	v6 =	vld.idx.msk [tilespmem:v52+s18+$0x0], $0xffff  }
0x8e: {  	v53 =	vadd.s32 $0x6, v5;
	_ =	sdelay $0x3  }
0x8f: {  	[tilespmem:s15+$0xFFFFF600] =	vst v6  }
0x90: {  	v6 =	vld.idx.msk [tilespmem:v53+s18+$0x0], $0xffff  }
0x91: {  	v54 =	vadd.s32 $0x7, v5;
	_ =	sdelay $0x3  }
0x92: {  	v8 =	vand.u32 $0x4, v2;
	v55 =	vand.u32 $0x7FFFFFE8, v5;
	[tilespmem:s15+$0xFFFFF800] =	vst v6  }
0x93: {  	v6 =	vor.u32 v8, v55;
	v7 =	vld.idx.msk [tilespmem:v54+s18+$0x0], $0xffff  }
0x94: {  	v6 =	vadd.s32 $0x8, v6;
	_ =	sdelay $0x3  }
0x95: {  	[tilespmem:s15+$0xFFFFFA00] =	vst v7  }
0x96: {  	v6 =	vld.idx.msk [tilespmem:v6+s18+$0x0], $0xffff  }
0x97: {  	v56 =	vadd.s32 $0x9, v5;
	_ =	sdelay $0x3  }
0x98: {  	[tilespmem:s15+$0xFFFFFC00] =	vst v6  }
0x99: {  	v6 =	vld.idx.msk [tilespmem:v56+s18+$0x0], $0xffff  }
0x9a: {  	v57 =	vadd.s32 $0xA, v5;
	_ =	sdelay $0x3  }
0x9b: {  	[tilespmem:s15+$0xFFFFFE00] =	vst v6  }
0x9c: {  	v6 =	vld.idx.msk [tilespmem:v57+s18+$0x0], $0xffff  }
0x9d: {  	v58 =	vadd.s32 $0xB, v5;
	_ =	sdelay $0x3  }
0x9e: {  	[tilespmem:s15+$0x0] =	vst v6  }
0x9f: {  	v6 =	vld.idx.msk [tilespmem:v58+s18+$0x0], $0xffff  }
0xa0: {  	v59 =	vadd.s32 $0xC, v5;
	_ =	sdelay $0x3  }
0xa1: {  	[tilespmem:s15+$0x200] =	vst v6  }
0xa2: {  	v6 =	vld.idx.msk [tilespmem:v59+s18+$0x0], $0xffff  }
0xa3: {  	v60 =	vadd.s32 $0xD, v5;
	_ =	sdelay $0x3  }
0xa4: {  	[tilespmem:s15+$0x400] =	vst v6  }
0xa5: {  	v6 =	vld.idx.msk [tilespmem:v60+s18+$0x0], $0xffff  }
0xa6: {  	v61 =	vadd.s32 $0xE, v5;
	_ =	sdelay $0x3  }
0xa7: {  	[tilespmem:s15+$0x600] =	vst v6  }
0xa8: {  	v6 =	vld.idx.msk [tilespmem:v61+s18+$0x0], $0xffff  }
0xa9: {  	v5 =	vadd.s32 $0xF, v5;
	_ =	sdelay $0x3  }
0xaa: {  	[tilespmem:s15+$0x800] =	vst v6  }
0xab: {  	v3 =	vor.u32 $0x10, v3;
	v5 =	vld.idx.msk [tilespmem:v5+s18+$0x0], $0xffff  }
0xac: {  	v4 =	vor.u32 v3, v48;
	_ =	sdelay $0x2  }
0xad: {  	v2 =	vand.u32 $0x8, v2  }
0xae: {  	v2 =	vor.u32 v3, v2;
	[tilespmem:s15+$0xA00] =	vst v5  }
0xaf: {  	v2 =	vor.u32 v8, v2;
	v3 =	vld.idx.msk [tilespmem:v4+s18+$0x0], $0xffff  }
0xb0: {  	v62 =	vor.u32 $0x1, v2;
	_ =	sdelay $0x3  }
0xb1: {  	[tilespmem:s15+$0xC00] =	vst v3  }
0xb2: {  	v3 =	vld.idx.msk [tilespmem:v62+s18+$0x0], $0xffff  }
0xb3: {  	v63 =	vor.u32 $0x2, v2;
	_ =	sdelay $0x3  }
0xb4: {  	[tilespmem:s15+$0xE00] =	vst v3  }
0xb5: {  	v3 =	vld.idx.msk [tilespmem:v63+s18+$0x0], $0xffff  }
0xb6: {  	v2 =	vor.u32 $0x3, v2;
	_ =	sdelay $0x3  }
0xb7: {  	[tilespmem:s15+$0x1000] =	vst v3  }
0xb8: {  	s19 =	simm.s32 $0x10;
	v2 =	vld.idx.msk [tilespmem:v2+s18+$0x0], $0xffff  }
.LBB2_4:
0xb9: {  	_ =	sdelay $0x3  }
0xba: {  	p0 =	sne.s32 s19, $0x1F0;
	s1 =	sadd.s32 $0x10, s1;
	[tilespmem:s15+$0x1200] =	vst v2;
	s15 =	sadd.s32 $0x10, s15  }
0xbb: {  	s21 =	smov.u32 s19;
	s19 =	sadd.s32 $0x10, s19;
	v2 =	vld [tilespmem:s1+$0x0];
	_ =	sdelay $0x3  }
0xbc: {  	v3 =	vmov s21  }
0xbd: {  	v3 =	vshll.u32 v3, $0x5;
	v2 =	vshll.u32 v2, $0x2  }
0xbe: {  	v3 =	vor.u32 v1, v3;
	v5 =	vand.u32 $0xC, v2  }
0xbf: {  	v6 =	vor.u32 $0x10, v3;
	v7 =	vand.u32 $0x8, v2;
	v4 =	vor.u32 v3, v5  }
0xc0: {  	v2 =	vand.u32 $0x4, v2;
	v3 =	vor.u32 v6, v5;
	v8 =	vand.u32 $0x7FFFFFE8, v4  }
0xc1: {  	v6 =	vor.u32 v6, v7;
	v5 =	vor.u32 v2, v8  }
0xc2: {  	v2 =	vor.u32 v2, v6;
	_ =	sdelay $0x1  }
0xc3: {  	v6 =	vld.idx.msk [tilespmem:v4+s18+$0x0], $0xffff;
	_ =	sdelay $0x1  }
0xc4: {  	v7 =	vor.u32 $0x1, v4;
	_ =	sdelay $0x3  }
0xc5: {  	[tilespmem:s15+$0xFFFFEC00] =	vst v6  }
0xc6: {  	v6 =	vld.idx.msk [tilespmem:v7+s18+$0x0], $0xffff;
	_ =	sdelay $0x1  }
0xc7: {  	v7 =	vor.u32 $0x2, v4;
	_ =	sdelay $0x3  }
0xc8: {  	[tilespmem:s15+$0xFFFFEE00] =	vst v6  }
0xc9: {  	v6 =	vld.idx.msk [tilespmem:v7+s18+$0x0], $0xffff;
	_ =	sdelay $0x1  }
0xca: {  	v7 =	vor.u32 $0x3, v4;
	_ =	sdelay $0x3  }
0xcb: {  	[tilespmem:s15+$0xFFFFF000] =	vst v6  }
0xcc: {  	v6 =	vld.idx.msk [tilespmem:v7+s18+$0x0], $0xffff;
	_ =	sdelay $0x1  }
0xcd: {  	v7 =	vadd.s32 $0x4, v4;
	_ =	sdelay $0x3  }
0xce: {  	[tilespmem:s15+$0xFFFFF200] =	vst v6  }
0xcf: {  	v6 =	vld.idx.msk [tilespmem:v7+s18+$0x0], $0xffff;
	_ =	sdelay $0x1  }
0xd0: {  	v7 =	vadd.s32 $0x5, v4;
	_ =	sdelay $0x3  }
0xd1: {  	[tilespmem:s15+$0xFFFFF400] =	vst v6  }
0xd2: {  	v6 =	vld.idx.msk [tilespmem:v7+s18+$0x0], $0xffff;
	_ =	sdelay $0x1  }
0xd3: {  	v7 =	vadd.s32 $0x6, v4;
	_ =	sdelay $0x3  }
0xd4: {  	[tilespmem:s15+$0xFFFFF600] =	vst v6  }
0xd5: {  	v6 =	vld.idx.msk [tilespmem:v7+s18+$0x0], $0xffff;
	_ =	sdelay $0x1  }
0xd6: {  	v7 =	vadd.s32 $0x7, v4;
	_ =	sdelay $0x3  }
0xd7: {  	[tilespmem:s15+$0xFFFFF800] =	vst v6  }
0xd8: {  	v6 =	vld.idx.msk [tilespmem:v7+s18+$0x0], $0xffff;
	_ =	sdelay $0x1  }
0xd9: {  	v5 =	vadd.s32 $0x8, v5;
	_ =	sdelay $0x3  }
0xda: {  	[tilespmem:s15+$0xFFFFFA00] =	vst v6  }
0xdb: {  	v5 =	vld.idx.msk [tilespmem:v5+s18+$0x0], $0xffff;
	_ =	sdelay $0x1  }
0xdc: {  	v6 =	vadd.s32 $0x9, v4;
	_ =	sdelay $0x3  }
0xdd: {  	[tilespmem:s15+$0xFFFFFC00] =	vst v5  }
0xde: {  	v5 =	vld.idx.msk [tilespmem:v6+s18+$0x0], $0xffff;
	_ =	sdelay $0x1  }
0xdf: {  	v6 =	vadd.s32 $0xA, v4;
	_ =	sdelay $0x3  }
0xe0: {  	[tilespmem:s15+$0xFFFFFE00] =	vst v5  }
0xe1: {  	v5 =	vld.idx.msk [tilespmem:v6+s18+$0x0], $0xffff;
	_ =	sdelay $0x1  }
0xe2: {  	v6 =	vadd.s32 $0xB, v4;
	_ =	sdelay $0x3  }
0xe3: {  	[tilespmem:s15+$0x0] =	vst v5  }
0xe4: {  	v5 =	vld.idx.msk [tilespmem:v6+s18+$0x0], $0xffff;
	_ =	sdelay $0x1  }
0xe5: {  	v6 =	vadd.s32 $0xC, v4;
	_ =	sdelay $0x3  }
0xe6: {  	[tilespmem:s15+$0x200] =	vst v5  }
0xe7: {  	v5 =	vld.idx.msk [tilespmem:v6+s18+$0x0], $0xffff;
	_ =	sdelay $0x1  }
0xe8: {  	v6 =	vadd.s32 $0xD, v4;
	_ =	sdelay $0x3  }
0xe9: {  	[tilespmem:s15+$0x400] =	vst v5  }
0xea: {  	v5 =	vld.idx.msk [tilespmem:v6+s18+$0x0], $0xffff;
	_ =	sdelay $0x1  }
0xeb: {  	v6 =	vadd.s32 $0xE, v4;
	_ =	sdelay $0x3  }
0xec: {  	[tilespmem:s15+$0x600] =	vst v5  }
0xed: {  	v5 =	vld.idx.msk [tilespmem:v6+s18+$0x0], $0xffff;
	_ =	sdelay $0x1  }
0xee: {  	v4 =	vadd.s32 $0xF, v4;
	_ =	sdelay $0x3  }
0xef: {  	[tilespmem:s15+$0x800] =	vst v5  }
0xf0: {  	v4 =	vld.idx.msk [tilespmem:v4+s18+$0x0], $0xffff;
	_ =	sdelay $0x5  }
0xf1: {  	[tilespmem:s15+$0xA00] =	vst v4  }
0xf2: {  	v3 =	vld.idx.msk [tilespmem:v3+s18+$0x0], $0xffff;
	_ =	sdelay $0x1  }
0xf3: {  	v4 =	vor.u32 $0x1, v2;
	_ =	sdelay $0x3  }
0xf4: {  	[tilespmem:s15+$0xC00] =	vst v3  }
0xf5: {  	v3 =	vld.idx.msk [tilespmem:v4+s18+$0x0], $0xffff;
	_ =	sdelay $0x1  }
0xf6: {  	v4 =	vor.u32 $0x2, v2;
	_ =	sdelay $0x3  }
0xf7: {  	[tilespmem:s15+$0xE00] =	vst v3  }
0xf8: {  	v3 =	vld.idx.msk [tilespmem:v4+s18+$0x0], $0xffff;
	_ =	sdelay $0x1  }
0xf9: {  	v2 =	vor.u32 $0x3, v2  }
.Ltmp1:
0xfa: {  	(pc) =	sbr.rel @p0 .LBB2_4-.Ltmp1, $3  }
0xfb: {  	_ =	sdelay $0x1  }
0xfc: {  	[tilespmem:s15+$0x1000] =	vst v3  }
0xfd: {  	v2 =	vld.idx.msk [tilespmem:v2+s18+$0x0], $0xffff  }
0xfe: {  	_ =	sdelay $0x3  }
0xff: {  	s1 =	simm.s32 $0x14C00;
	s19 =	simm.s32 $0x17400;
	[tilespmem:s15+$0x1200] =	vst v2  }
0x100: {  	[tilespmem:s19], [sflag:$0x4] =	stream.indirect.gather [hbm4b:s9+s17], $0x1, s1, s17, $0xb8;
	[tilespmem:$0x19E10] =	vst v63  }
0x101: {  	s21 =	simm.s32 $0x14C80;
	s23 =	simm.s32 $0x17480  }
0x102: {  	[tilespmem:s23], [sflag:$0x4] =	stream.indirect.gather [hbm4b:s9+s17], $0x1, s21, s17, $0xb8;
	[tilespmem:$0x19E10] =	vst v63  }
0x103: {  	s15 =	simm.s32 $0x14D00;
	s19 =	simm.s32 $0x17500  }
0x104: {  	[tilespmem:s19], [sflag:$0x4] =	stream.indirect.gather [hbm4b:s9+s17], $0x1, s15, s17, $0xb8;
	[tilespmem:$0x19E10] =	vst v63  }
0x105: {  	s21 =	simm.s32 $0x14D80;
	s23 =	simm.s32 $0x17580  }
0x106: {  	[tilespmem:s23], [sflag:$0x4] =	stream.indirect.gather [hbm4b:s9+s17], $0x1, s21, s17, $0xb8;
	[tilespmem:$0x19E10] =	vst v63  }
0x107: {  	s15 =	simm.s32 $0x14E00;
	s19 =	simm.s32 $0x17600  }
0x108: {  	[tilespmem:s19], [sflag:$0x4] =	stream.indirect.gather [hbm4b:s9+s17], $0x1, s15, s17, $0xb8;
	[tilespmem:$0x19E10] =	vst v63  }
0x109: {  	s21 =	simm.s32 $0x14E80;
	s23 =	simm.s32 $0x17680  }
0x10a: {  	[tilespmem:s23], [sflag:$0x4] =	stream.indirect.gather [hbm4b:s9+s17], $0x1, s21, s17, $0xb8;
	[tilespmem:$0x19E10] =	vst v63  }
0x10b: {  	s15 =	simm.s32 $0x14F00;
	s19 =	simm.s32 $0x17700  }
0x10c: {  	[tilespmem:s19], [sflag:$0x4] =	stream.indirect.gather [hbm4b:s9+s17], $0x1, s15, s17, $0xb8;
	[tilespmem:$0x19E10] =	vst v63  }
0x10d: {  	s21 =	simm.s32 $0x14F80;
	s23 =	simm.s32 $0x17780  }
0x10e: {  	[tilespmem:s23], [sflag:$0x4] =	stream.indirect.gather [hbm4b:s9+s17], $0x1, s21, s17, $0xb8;
	[tilespmem:$0x19E10] =	vst v63  }
0x10f: {  	s15 =	simm.s32 $0x15000;
	s19 =	simm.s32 $0x17800  }
0x110: {  	[tilespmem:s19], [sflag:$0x4] =	stream.indirect.gather [hbm4b:s9+s17], $0x1, s15, s17, $0xb8;
	[tilespmem:$0x19E10] =	vst v63  }
0x111: {  	s21 =	simm.s32 $0x15080;
	s23 =	simm.s32 $0x17880  }
0x112: {  	[tilespmem:s23], [sflag:$0x4] =	stream.indirect.gather [hbm4b:s9+s17], $0x1, s21, s17, $0xb8;
	[tilespmem:$0x19E10] =	vst v63  }
0x113: {  	s15 =	simm.s32 $0x15100;
	s19 =	simm.s32 $0x17900  }
0x114: {  	[tilespmem:s19], [sflag:$0x4] =	stream.indirect.gather [hbm4b:s9+s17], $0x1, s15, s17, $0xb8;
	[tilespmem:$0x19E10] =	vst v63  }
0x115: {  	s21 =	simm.s32 $0x15180;
	s23 =	simm.s32 $0x17980  }
0x116: {  	[tilespmem:s23], [sflag:$0x4] =	stream.indirect.gather [hbm4b:s9+s17], $0x1, s21, s17, $0xb8;
	[tilespmem:$0x19E10] =	vst v63  }
0x117: {  	s15 =	simm.s32 $0x15200;
	s19 =	simm.s32 $0x17A00  }
0x118: {  	[tilespmem:s19], [sflag:$0x4] =	stream.indirect.gather [hbm4b:s9+s17], $0x1, s15, s17, $0xb8;
	[tilespmem:$0x19E10] =	vst v63  }
0x119: {  	s21 =	simm.s32 $0x15280;
	s23 =	simm.s32 $0x17A80  }
0x11a: {  	[tilespmem:s23], [sflag:$0x4] =	stream.indirect.gather [hbm4b:s9+s17], $0x1, s21, s17, $0xb8;
	[tilespmem:$0x19E10] =	vst v63  }
0x11b: {  	s15 =	simm.s32 $0x15300;
	s19 =	simm.s32 $0x17B00  }
0x11c: {  	[tilespmem:s19], [sflag:$0x4] =	stream.indirect.gather [hbm4b:s9+s17], $0x1, s15, s17, $0xb8;
	[tilespmem:$0x19E10] =	vst v63  }
0x11d: {  	s21 =	simm.s32 $0x15380;
	s23 =	simm.s32 $0x17B80  }
0x11e: {  	[tilespmem:s23], [sflag:$0x4] =	stream.indirect.gather [hbm4b:s9+s17], $0x1, s21, s17, $0xb8;
	[tilespmem:$0x19E10] =	vst v63  }
0x11f: {  	s15 =	simm.s32 $0x15400;
	s19 =	simm.s32 $0x17C00  }
0x120: {  	[tilespmem:s19], [sflag:$0x4] =	stream.indirect.gather [hbm4b:s9+s17], $0x1, s15, s17, $0xb8;
	[tilespmem:$0x19E10] =	vst v63  }
0x121: {  	s21 =	simm.s32 $0x15480;
	s23 =	simm.s32 $0x17C80  }
0x122: {  	[tilespmem:s23], [sflag:$0x4] =	stream.indirect.gather [hbm4b:s9+s17], $0x1, s21, s17, $0xb8;
	[tilespmem:$0x19E10] =	vst v63  }
0x123: {  	s15 =	simm.s32 $0x15500;
	s19 =	simm.s32 $0x17D00  }
0x124: {  	[tilespmem:s19], [sflag:$0x4] =	stream.indirect.gather [hbm4b:s9+s17], $0x1, s15, s17, $0xb8;
	[tilespmem:$0x19E10] =	vst v63  }
0x125: {  	s21 =	simm.s32 $0x15580;
	s23 =	simm.s32 $0x17D80  }
0x126: {  	[tilespmem:s23], [sflag:$0x4] =	stream.indirect.gather [hbm4b:s9+s17], $0x1, s21, s17, $0xb8;
	[tilespmem:$0x19E10] =	vst v63  }
0x127: {  	s15 =	simm.s32 $0x15600;
	s19 =	simm.s32 $0x17E00  }
0x128: {  	[tilespmem:s19], [sflag:$0x4] =	stream.indirect.gather [hbm4b:s9+s17], $0x1, s15, s17, $0xb8;
	[tilespmem:$0x19E10] =	vst v63  }
0x129: {  	s21 =	simm.s32 $0x15680;
	s23 =	simm.s32 $0x17E80  }
0x12a: {  	[tilespmem:s23], [sflag:$0x4] =	stream.indirect.gather [hbm4b:s9+s17], $0x1, s21, s17, $0xb8;
	[tilespmem:$0x19E10] =	vst v63  }
0x12b: {  	s15 =	simm.s32 $0x15700;
	s19 =	simm.s32 $0x17F00  }
0x12c: {  	[tilespmem:s19], [sflag:$0x4] =	stream.indirect.gather [hbm4b:s9+s17], $0x1, s15, s17, $0xb8;
	[tilespmem:$0x19E10] =	vst v63  }
0x12d: {  	s21 =	simm.s32 $0x15780;
	s23 =	simm.s32 $0x17F80  }
0x12e: {  	[tilespmem:s23], [sflag:$0x4] =	stream.indirect.gather [hbm4b:s9+s17], $0x1, s21, s17, $0xb8;
	[tilespmem:$0x19E10] =	vst v63  }
0x12f: {  	s15 =	simm.s32 $0x15800;
	s19 =	simm.s32 $0x18000  }
0x130: {  	[tilespmem:s19], [sflag:$0x4] =	stream.indirect.gather [hbm4b:s9+s17], $0x1, s15, s17, $0xb8;
	[tilespmem:$0x19E10] =	vst v63  }
0x131: {  	s21 =	simm.s32 $0x15880;
	s23 =	simm.s32 $0x18080  }
0x132: {  	[tilespmem:s23], [sflag:$0x4] =	stream.indirect.gather [hbm4b:s9+s17], $0x1, s21, s17, $0xb8;
	[tilespmem:$0x19E10] =	vst v63  }
0x133: {  	s15 =	simm.s32 $0x15900;
	s19 =	simm.s32 $0x18100  }
0x134: {  	[tilespmem:s19], [sflag:$0x4] =	stream.indirect.gather [hbm4b:s9+s17], $0x1, s15, s17, $0xb8;
	[tilespmem:$0x19E10] =	vst v63  }
0x135: {  	s21 =	simm.s32 $0x15980;
	s23 =	simm.s32 $0x18180  }
0x136: {  	[tilespmem:s23], [sflag:$0x4] =	stream.indirect.gather [hbm4b:s9+s17], $0x1, s21, s17, $0xb8;
	[tilespmem:$0x19E10] =	vst v63  }
0x137: {  	s15 =	simm.s32 $0x15A00;
	s19 =	simm.s32 $0x18200  }
0x138: {  	[tilespmem:s19], [sflag:$0x4] =	stream.indirect.gather [hbm4b:s9+s17], $0x1, s15, s17, $0xb8;
	[tilespmem:$0x19E10] =	vst v63  }
0x139: {  	s21 =	simm.s32 $0x15A80;
	s23 =	simm.s32 $0x18280  }
0x13a: {  	[tilespmem:s23], [sflag:$0x4] =	stream.indirect.gather [hbm4b:s9+s17], $0x1, s21, s17, $0xb8;
	[tilespmem:$0x19E10] =	vst v63  }
0x13b: {  	s15 =	simm.s32 $0x15B00;
	s19 =	simm.s32 $0x18300  }
0x13c: {  	[tilespmem:s19], [sflag:$0x4] =	stream.indirect.gather [hbm4b:s9+s17], $0x1, s15, s17, $0xb8;
	[tilespmem:$0x19E10] =	vst v63  }
0x13d: {  	s21 =	simm.s32 $0x15B80;
	s23 =	simm.s32 $0x18380  }
0x13e: {  	[tilespmem:s23], [sflag:$0x4] =	stream.indirect.gather [hbm4b:s9+s17], $0x1, s21, s17, $0xb8;
	[tilespmem:$0x19E10] =	vst v63  }
0x13f: {  	s15 =	simm.s32 $0x15C00;
	s19 =	simm.s32 $0x18400  }
0x140: {  	[tilespmem:s19], [sflag:$0x4] =	stream.indirect.gather [hbm4b:s9+s17], $0x1, s15, s17, $0xb8;
	[tilespmem:$0x19E10] =	vst v63  }
0x141: {  	s21 =	simm.s32 $0x15C80;
	s23 =	simm.s32 $0x18480  }
0x142: {  	[tilespmem:s23], [sflag:$0x4] =	stream.indirect.gather [hbm4b:s9+s17], $0x1, s21, s17, $0xb8;
	[tilespmem:$0x19E10] =	vst v63  }
0x143: {  	s15 =	simm.s32 $0x15D00;
	s19 =	simm.s32 $0x18500  }
0x144: {  	[tilespmem:s19], [sflag:$0x4] =	stream.indirect.gather [hbm4b:s9+s17], $0x1, s15, s17, $0xb8;
	[tilespmem:$0x19E10] =	vst v63  }
0x145: {  	s21 =	simm.s32 $0x15D80;
	s23 =	simm.s32 $0x18580  }
0x146: {  	[tilespmem:s23], [sflag:$0x4] =	stream.indirect.gather [hbm4b:s9+s17], $0x1, s21, s17, $0xb8;
	[tilespmem:$0x19E10] =	vst v63  }
0x147: {  	s15 =	simm.s32 $0x15E00;
	s19 =	simm.s32 $0x18600  }
0x148: {  	[tilespmem:s19], [sflag:$0x4] =	stream.indirect.gather [hbm4b:s9+s17], $0x1, s15, s17, $0xb8;
	[tilespmem:$0x19E10] =	vst v63  }
0x149: {  	s21 =	simm.s32 $0x15E80;
	s23 =	simm.s32 $0x18680  }
0x14a: {  	[tilespmem:s23], [sflag:$0x4] =	stream.indirect.gather [hbm4b:s9+s17], $0x1, s21, s17, $0xb8;
	[tilespmem:$0x19E10] =	vst v63  }
0x14b: {  	s15 =	simm.s32 $0x15F00;
	s19 =	simm.s32 $0x18700  }
0x14c: {  	[tilespmem:s19], [sflag:$0x4] =	stream.indirect.gather [hbm4b:s9+s17], $0x1, s15, s17, $0xb8;
	[tilespmem:$0x19E10] =	vst v63  }
0x14d: {  	s21 =	simm.s32 $0x15F80;
	s23 =	simm.s32 $0x18780  }
0x14e: {  	[tilespmem:s23], [sflag:$0x4] =	stream.indirect.gather [hbm4b:s9+s17], $0x1, s21, s17, $0xb8;
	[tilespmem:$0x19E10] =	vst v63  }
0x14f: {  	s15 =	simm.s32 $0x16000;
	s19 =	simm.s32 $0x18800  }
0x150: {  	[tilespmem:s19], [sflag:$0x4] =	stream.indirect.gather [hbm4b:s9+s17], $0x1, s15, s17, $0xb8;
	[tilespmem:$0x19E10] =	vst v63  }
0x151: {  	s21 =	simm.s32 $0x16080;
	s23 =	simm.s32 $0x18880  }
0x152: {  	[tilespmem:s23], [sflag:$0x4] =	stream.indirect.gather [hbm4b:s9+s17], $0x1, s21, s17, $0xb8;
	[tilespmem:$0x19E10] =	vst v63  }
0x153: {  	s15 =	simm.s32 $0x16100;
	s19 =	simm.s32 $0x18900  }
0x154: {  	[tilespmem:s19], [sflag:$0x4] =	stream.indirect.gather [hbm4b:s9+s17], $0x1, s15, s17, $0xb8;
	[tilespmem:$0x19E10] =	vst v63  }
0x155: {  	s21 =	simm.s32 $0x16180;
	s23 =	simm.s32 $0x18980  }
0x156: {  	[tilespmem:s23], [sflag:$0x4] =	stream.indirect.gather [hbm4b:s9+s17], $0x1, s21, s17, $0xb8;
	[tilespmem:$0x19E10] =	vst v63  }
0x157: {  	s15 =	simm.s32 $0x16200;
	s19 =	simm.s32 $0x18A00  }
0x158: {  	[tilespmem:s19], [sflag:$0x4] =	stream.indirect.gather [hbm4b:s9+s17], $0x1, s15, s17, $0xb8;
	[tilespmem:$0x19E10] =	vst v63  }
0x159: {  	s21 =	simm.s32 $0x16280;
	s23 =	simm.s32 $0x18A80  }
0x15a: {  	[tilespmem:s23], [sflag:$0x4] =	stream.indirect.gather [hbm4b:s9+s17], $0x1, s21, s17, $0xb8;
	[tilespmem:$0x19E10] =	vst v63  }
0x15b: {  	s15 =	simm.s32 $0x16300;
	s19 =	simm.s32 $0x18B00  }
0x15c: {  	[tilespmem:s19], [sflag:$0x4] =	stream.indirect.gather [hbm4b:s9+s17], $0x1, s15, s17, $0xb8;
	[tilespmem:$0x19E10] =	vst v63  }
0x15d: {  	s21 =	simm.s32 $0x16380;
	s23 =	simm.s32 $0x18B80  }
0x15e: {  	[tilespmem:s23], [sflag:$0x4] =	stream.indirect.gather [hbm4b:s9+s17], $0x1, s21, s17, $0xb8;
	[tilespmem:$0x19E10] =	vst v63  }
0x15f: {  	s15 =	simm.s32 $0x16400;
	s19 =	simm.s32 $0x18C00  }
0x160: {  	[tilespmem:s19], [sflag:$0x4] =	stream.indirect.gather [hbm4b:s9+s17], $0x1, s15, s17, $0xb8;
	[tilespmem:$0x19E10] =	vst v63  }
0x161: {  	s21 =	simm.s32 $0x16480;
	s23 =	simm.s32 $0x18C80  }
0x162: {  	[tilespmem:s23], [sflag:$0x4] =	stream.indirect.gather [hbm4b:s9+s17], $0x1, s21, s17, $0xb8;
	[tilespmem:$0x19E10] =	vst v63  }
0x163: {  	s15 =	simm.s32 $0x16500;
	s19 =	simm.s32 $0x18D00  }
0x164: {  	[tilespmem:s19], [sflag:$0x4] =	stream.indirect.gather [hbm4b:s9+s17], $0x1, s15, s17, $0xb8;
	[tilespmem:$0x19E10] =	vst v63  }
0x165: {  	s21 =	simm.s32 $0x16580;
	s23 =	simm.s32 $0x18D80  }
0x166: {  	[tilespmem:s23], [sflag:$0x4] =	stream.indirect.gather [hbm4b:s9+s17], $0x1, s21, s17, $0xb8;
	[tilespmem:$0x19E10] =	vst v63  }
0x167: {  	s15 =	simm.s32 $0x16600;
	s19 =	simm.s32 $0x18E00  }
0x168: {  	[tilespmem:s19], [sflag:$0x4] =	stream.indirect.gather [hbm4b:s9+s17], $0x1, s15, s17, $0xb8;
	[tilespmem:$0x19E10] =	vst v63  }
0x169: {  	s21 =	simm.s32 $0x16680;
	s23 =	simm.s32 $0x18E80  }
0x16a: {  	[tilespmem:s23], [sflag:$0x4] =	stream.indirect.gather [hbm4b:s9+s17], $0x1, s21, s17, $0xb8;
	[tilespmem:$0x19E10] =	vst v63  }
0x16b: {  	s15 =	simm.s32 $0x16700;
	s19 =	simm.s32 $0x18F00  }
0x16c: {  	[tilespmem:s19], [sflag:$0x4] =	stream.indirect.gather [hbm4b:s9+s17], $0x1, s15, s17, $0xb8;
	[tilespmem:$0x19E10] =	vst v63  }
0x16d: {  	s21 =	simm.s32 $0x16780;
	s23 =	simm.s32 $0x18F80  }
0x16e: {  	[tilespmem:s23], [sflag:$0x4] =	stream.indirect.gather [hbm4b:s9+s17], $0x1, s21, s17, $0xb8;
	[tilespmem:$0x19E10] =	vst v63  }
0x16f: {  	s15 =	simm.s32 $0x16800;
	s19 =	simm.s32 $0x19000  }
0x170: {  	[tilespmem:s19], [sflag:$0x4] =	stream.indirect.gather [hbm4b:s9+s17], $0x1, s15, s17, $0xb8;
	[tilespmem:$0x19E10] =	vst v63  }
0x171: {  	s21 =	simm.s32 $0x16880;
	s23 =	simm.s32 $0x19080  }
0x172: {  	[tilespmem:s23], [sflag:$0x4] =	stream.indirect.gather [hbm4b:s9+s17], $0x1, s21, s17, $0xb8;
	[tilespmem:$0x19E10] =	vst v63  }
0x173: {  	s15 =	simm.s32 $0x16900;
	s19 =	simm.s32 $0x19100  }
0x174: {  	[tilespmem:s19], [sflag:$0x4] =	stream.indirect.gather [hbm4b:s9+s17], $0x1, s15, s17, $0xb8;
	[tilespmem:$0x19E10] =	vst v63  }
0x175: {  	s21 =	simm.s32 $0x16980;
	s23 =	simm.s32 $0x19180  }
0x176: {  	[tilespmem:s23], [sflag:$0x4] =	stream.indirect.gather [hbm4b:s9+s17], $0x1, s21, s17, $0xb8;
	[tilespmem:$0x19E10] =	vst v63  }
0x177: {  	s15 =	simm.s32 $0x16A00;
	s19 =	simm.s32 $0x19200  }
0x178: {  	[tilespmem:s19], [sflag:$0x4] =	stream.indirect.gather [hbm4b:s9+s17], $0x1, s15, s17, $0xb8;
	[tilespmem:$0x19E10] =	vst v63  }
0x179: {  	s21 =	simm.s32 $0x16A80;
	s23 =	simm.s32 $0x19280  }
0x17a: {  	[tilespmem:s23], [sflag:$0x4] =	stream.indirect.gather [hbm4b:s9+s17], $0x1, s21, s17, $0xb8;
	[tilespmem:$0x19E10] =	vst v63  }
0x17b: {  	s15 =	simm.s32 $0x16B00;
	s19 =	simm.s32 $0x19300  }
0x17c: {  	[tilespmem:s19], [sflag:$0x4] =	stream.indirect.gather [hbm4b:s9+s17], $0x1, s15, s17, $0xb8;
	[tilespmem:$0x19E10] =	vst v63  }
0x17d: {  	s21 =	simm.s32 $0x16B80;
	s23 =	simm.s32 $0x19380  }
0x17e: {  	[tilespmem:s23], [sflag:$0x4] =	stream.indirect.gather [hbm4b:s9+s17], $0x1, s21, s17, $0xb8;
	[tilespmem:$0x19E10] =	vst v63  }
0x17f: {  	s15 =	simm.s32 $0x16C00;
	s19 =	simm.s32 $0x19400  }
0x180: {  	[tilespmem:s19], [sflag:$0x4] =	stream.indirect.gather [hbm4b:s9+s17], $0x1, s15, s17, $0xb8;
	[tilespmem:$0x19E10] =	vst v63  }
0x181: {  	s21 =	simm.s32 $0x16C80;
	s23 =	simm.s32 $0x19480  }
0x182: {  	[tilespmem:s23], [sflag:$0x4] =	stream.indirect.gather [hbm4b:s9+s17], $0x1, s21, s17, $0xb8;
	[tilespmem:$0x19E10] =	vst v63  }
0x183: {  	s15 =	simm.s32 $0x16D00;
	s19 =	simm.s32 $0x19500  }
0x184: {  	[tilespmem:s19], [sflag:$0x4] =	stream.indirect.gather [hbm4b:s9+s17], $0x1, s15, s17, $0xb8;
	[tilespmem:$0x19E10] =	vst v63  }
0x185: {  	s21 =	simm.s32 $0x16D80;
	s23 =	simm.s32 $0x19580  }
0x186: {  	[tilespmem:s23], [sflag:$0x4] =	stream.indirect.gather [hbm4b:s9+s17], $0x1, s21, s17, $0xb8;
	[tilespmem:$0x19E10] =	vst v63  }
0x187: {  	s15 =	simm.s32 $0x16E00;
	s19 =	simm.s32 $0x19600  }
0x188: {  	[tilespmem:s19], [sflag:$0x4] =	stream.indirect.gather [hbm4b:s9+s17], $0x1, s15, s17, $0xb8;
	[tilespmem:$0x19E10] =	vst v63  }
0x189: {  	s21 =	simm.s32 $0x16E80;
	s23 =	simm.s32 $0x19680  }
0x18a: {  	[tilespmem:s23], [sflag:$0x4] =	stream.indirect.gather [hbm4b:s9+s17], $0x1, s21, s17, $0xb8;
	[tilespmem:$0x19E10] =	vst v63  }
0x18b: {  	s15 =	simm.s32 $0x16F00;
	s19 =	simm.s32 $0x19700  }
0x18c: {  	[tilespmem:s19], [sflag:$0x4] =	stream.indirect.gather [hbm4b:s9+s17], $0x1, s15, s17, $0xb8;
	[tilespmem:$0x19E10] =	vst v63  }
0x18d: {  	s21 =	simm.s32 $0x16F80;
	s23 =	simm.s32 $0x19780  }
0x18e: {  	[tilespmem:s23], [sflag:$0x4] =	stream.indirect.gather [hbm4b:s9+s17], $0x1, s21, s17, $0xb8;
	[tilespmem:$0x19E10] =	vst v63  }
0x18f: {  	s15 =	simm.s32 $0x17000;
	s19 =	simm.s32 $0x19800  }
0x190: {  	[tilespmem:s19], [sflag:$0x4] =	stream.indirect.gather [hbm4b:s9+s17], $0x1, s15, s17, $0xb8;
	[tilespmem:$0x19E10] =	vst v63  }
0x191: {  	s21 =	simm.s32 $0x17080;
	s23 =	simm.s32 $0x19880  }
0x192: {  	[tilespmem:s23], [sflag:$0x4] =	stream.indirect.gather [hbm4b:s9+s17], $0x1, s21, s17, $0xb8;
	[tilespmem:$0x19E10] =	vst v63  }
0x193: {  	s15 =	simm.s32 $0x17100;
	s19 =	simm.s32 $0x19900  }
0x194: {  	[tilespmem:s19], [sflag:$0x4] =	stream.indirect.gather [hbm4b:s9+s17], $0x1, s15, s17, $0xb8;
	[tilespmem:$0x19E10] =	vst v63  }
0x195: {  	s21 =	simm.s32 $0x17180;
	s23 =	simm.s32 $0x19980  }
0x196: {  	[tilespmem:s23], [sflag:$0x4] =	stream.indirect.gather [hbm4b:s9+s17], $0x1, s21, s17, $0xb8;
	[tilespmem:$0x19E10] =	vst v63  }
0x197: {  	s15 =	simm.s32 $0x17200;
	s19 =	simm.s32 $0x19A00  }
0x198: {  	[tilespmem:s19], [sflag:$0x4] =	stream.indirect.gather [hbm4b:s9+s17], $0x1, s15, s17, $0xb8;
	[tilespmem:$0x19E10] =	vst v63  }
0x199: {  	s21 =	simm.s32 $0x17280;
	s23 =	simm.s32 $0x19A80  }
0x19a: {  	[tilespmem:s23], [sflag:$0x4] =	stream.indirect.gather [hbm4b:s9+s17], $0x1, s21, s17, $0xb8;
	[tilespmem:$0x19E10] =	vst v63  }
0x19b: {  	s15 =	simm.s32 $0x17300;
	s19 =	simm.s32 $0x19B00  }
0x19c: {  	[tilespmem:s19], [sflag:$0x4] =	stream.indirect.gather [hbm4b:s9+s17], $0x1, s15, s17, $0xb8;
	[tilespmem:$0x19E10] =	vst v63  }
0x19d: {  	s21 =	simm.s32 $0x17380;
	s23 =	simm.s32 $0x19B80  }
0x19e: {  	[tilespmem:s23], [sflag:$0x4] =	stream.indirect.gather [hbm4b:s9+s17], $0x1, s21, s17, $0xb8;
	[tilespmem:$0x19E10] =	vst v63  }
0x19f: {  	_ =	swait.ge [sflag:s28], $0x2000  }
0x1a0: {  	[sflag:s28] =	ssyncset.done $0x0  }
0x1a1: {  	[sflag:s28] =	ssyncadd.s32 $0xFFFFE000  }
0x1a2: {  	_ =	swait.ge [sflag:s28], $0x2000  }
0x1a3: {  	[sflag:s28] =	ssyncset.done $0x0  }
0x1a4: {  	[sflag:s28] =	ssyncadd.s32 $0xFFFFE000  }
0x1a5: {  	_ =	swait.ge [sflag:s28], $0x2000  }
0x1a6: {  	[sflag:s28] =	ssyncset.done $0x0  }
0x1a7: {  	[sflag:s28] =	ssyncadd.s32 $0xFFFFE000  }
0x1a8: {  	_ =	swait.ge [sflag:s28], $0x2000  }
0x1a9: {  	[sflag:s28] =	ssyncset.done $0x0  }
0x1aa: {  	[sflag:s28] =	ssyncadd.s32 $0xFFFFE000  }
0x1ab: {  	_ =	swait.ge [sflag:s28], $0x2000  }
0x1ac: {  	[sflag:s28] =	ssyncset.done $0x0  }
0x1ad: {  	[sflag:s28] =	ssyncadd.s32 $0xFFFFE000  }
0x1ae: {  	_ =	swait.ge [sflag:s28], $0x2000  }
0x1af: {  	[sflag:s28] =	ssyncset.done $0x0  }
0x1b0: {  	[sflag:s28] =	ssyncadd.s32 $0xFFFFE000  }
0x1b1: {  	_ =	swait.ge [sflag:s28], $0x2000  }
0x1b2: {  	[sflag:s28] =	ssyncset.done $0x0  }
0x1b3: {  	[sflag:s28] =	ssyncadd.s32 $0xFFFFE000  }
0x1b4: {  	_ =	swait.ge [sflag:s28], $0x2000  }
0x1b5: {  	[sflag:s28] =	ssyncset.done $0x0  }
0x1b6: {  	[sflag:s28] =	ssyncadd.s32 $0xFFFFE000  }
0x1b7: {  	_ =	swait.ge [sflag:s30], $0x80  }
0x1b8: {  	[sflag:s30] =	ssyncset.done $0x0  }
0x1b9: {  	[sflag:s30] =	ssyncadd.s32 $0xFFFFFF80  }
0x1ba: {  	_ =	swait.ge [sflag:s30], $0x80  }
0x1bb: {  	[sflag:s30] =	ssyncset.done $0x0  }
0x1bc: {  	[sflag:s30] =	ssyncadd.s32 $0xFFFFFF80  }
0x1bd: {  	_ =	swait.ge [sflag:s30], $0x80  }
0x1be: {  	[sflag:s30] =	ssyncset.done $0x0  }
0x1bf: {  	[sflag:s30] =	ssyncadd.s32 $0xFFFFFF80  }
0x1c0: {  	_ =	swait.ge [sflag:s30], $0x80  }
0x1c1: {  	[sflag:s30] =	ssyncset.done $0x0  }
0x1c2: {  	[sflag:s30] =	ssyncadd.s32 $0xFFFFFF80  }
0x1c3: {  	_ =	swait.ge [sflag:s30], $0x80  }
0x1c4: {  	[sflag:s30] =	ssyncset.done $0x0  }
0x1c5: {  	[sflag:s30] =	ssyncadd.s32 $0xFFFFFF80  }
0x1c6: {  	_ =	swait.ge [sflag:s30], $0x80  }
0x1c7: {  	[sflag:s30] =	ssyncset.done $0x0  }
0x1c8: {  	[sflag:s30] =	ssyncadd.s32 $0xFFFFFF80  }
0x1c9: {  	_ =	swait.ge [sflag:s30], $0x80  }
0x1ca: {  	[sflag:s30] =	ssyncset.done $0x0  }
0x1cb: {  	[sflag:s30] =	ssyncadd.s32 $0xFFFFFF80  }
0x1cc: {  	_ =	swait.ge [sflag:s30], $0x80  }
0x1cd: {  	[sflag:s30] =	ssyncset.done $0x0  }
0x1ce: {  	[sflag:s30] =	ssyncadd.s32 $0xFFFFFF80  }
0x1cf: {  	v0 =	vld.msk [tilespmem:$0x19E00 ss:$0x0], $0xffff;
	_ =	sdelay $0x3  }
0x1d0: {  	s15 =	simm.s32 $0x600  }
0x1d1: {  	[tilespmem:$0x1FE60] =	vst v0;
	v0 =	vld [tilespmem:s15+$0x1C0];
	_ =	sdelay $0x3  }
0x1d2: {  	s1 =	simm.s32 $0x8600  }
0x1d3: {  	[tilespmem:$0x1FE70] =	vst v0;
	v0 =	vld [tilespmem:s1+$0x1C0];
	_ =	sdelay $0x4  }
0x1d4: {  	[tilespmem:$0x1FE80] =	vst v0;
	v0 =	vld [tilespmem:s15+$0x1D0];
	_ =	sdelay $0x4  }
0x1d5: {  	[tilespmem:$0x1FE90] =	vst v0;
	v0 =	vld [tilespmem:s1+$0x1D0];
	_ =	sdelay $0x4  }
0x1d6: {  	[tilespmem:$0x1FEA0] =	vst v0;
	v0 =	vld [tilespmem:s1+$0x1A0];
	_ =	sdelay $0x4  }
0x1d7: {  	[tilespmem:$0x1FF40] =	vst v0;
	v0 =	vld [tilespmem:s15+$0x160];
	_ =	sdelay $0x4  }
0x1d8: {  	[tilespmem:$0x1FEB0] =	vst v0;
	v0 =	vld [tilespmem:s15+$0x120];
	_ =	sdelay $0x4  }
0x1d9: {  	[tilespmem:$0x1FF50] =	vst v0;
	v0 =	vld [tilespmem:s1+$0x120];
	_ =	sdelay $0x1  }
0x1da: {  	v5 =	vld [tilespmem:s15+$0x1B0]  }
0x1db: {  	v8 =	vld [tilespmem:s1+$0x1B0]  }
0x1dc: {  	v24 =	vld [tilespmem:s15+$0x1A0]  }
0x1dd: {  	[tilespmem:$0x1FF60] =	vst v0;
	v0 =	vld [tilespmem:s15+$0x140]  }
0x1de: {  	v13 =	vld [tilespmem:s15+$0x130]  }
0x1df: {  	v14 =	vld [tilespmem:s1+$0x130]  }
0x1e0: {  	v33 =	vld [tilespmem:s15+$0x180]  }
0x1e1: {  	v34 =	vld [tilespmem:s1+$0x180]  }
0x1e2: {  	[tilespmem:$0x1FEC0] =	vst v0;
	v0 =	vld [tilespmem:s1+$0x140]  }
0x1e3: {  	v35 =	vld [tilespmem:s15+$0x190]  }
0x1e4: {  	v32 =	vld [tilespmem:s1+$0x190]  }
0x1e5: {  	v15 =	vld [tilespmem:s15+$0xF0]  }
0x1e6: {  	v26 =	vld [tilespmem:s1+$0xF0]  }
0x1e7: {  	[tilespmem:$0x1FED0] =	vst v0;
	v0 =	vld [tilespmem:s15+$0x150]  }
0x1e8: {  	v45 =	vld [tilespmem:s15+$0x100]  }
0x1e9: {  	v46 =	vld [tilespmem:s1+$0x100]  }
0x1ea: {  	v47 =	vld [tilespmem:s15+$0x110]  }
0x1eb: {  	v48 =	vld [tilespmem:s1+$0x110]  }
0x1ec: {  	[tilespmem:$0x1FEE0] =	vst v0;
	v0 =	vld [tilespmem:s1+$0x150]  }
0x1ed: {  	v6 =	vld [tilespmem:s15+$0x70]  }
0x1ee: {  	v9 =	vld [tilespmem:s1+$0x70]  }
0x1ef: {  	v51 =	vld [tilespmem:s15+$0xC0]  }
0x1f0: {  	v1 =	vld [tilespmem:s1+$0xC0]  }
0x1f1: {  	[tilespmem:$0x1FEF0] =	vst v0;
	v0 =	vld [tilespmem:s15+$0xE0]  }
0x1f2: {  	v2 =	vld [tilespmem:s15+$0xD0]  }
0x1f3: {  	v54 =	vld [tilespmem:s1+$0xD0]  }
0x1f4: {  	v3 =	vld [tilespmem:s15+$0x30]  }
0x1f5: {  	v4 =	vld [tilespmem:s1+$0x30]  }
0x1f6: {  	[tilespmem:$0x1FF70] =	vst v0;
	v0 =	vld [tilespmem:s1+$0xE0]  }
0x1f7: {  	v60 =	vld [tilespmem:s15+$0x60]  }
0x1f8: {  	v37 =	vld [tilespmem:s1+$0x60]  }
0x1f9: {  	v16 =	vld [tilespmem:s15+$0x80]  }
0x1fa: {  	v61 =	vld [tilespmem:s15+$0x40]  }
0x1fb: {  	[tilespmem:$0x1FF80] =	vst v0;
	v0 =	vld [tilespmem:s15+$0xA0]  }
0x1fc: {  	v62 =	vld [tilespmem:s1+$0x40]  }
0x1fd: {  	v63 =	vld [tilespmem:s15+$0x50]  }
0x1fe: {  	v36 =	vld [tilespmem:s1+$0x50]  }
0x1ff: {  	v23 =	vld [tilespmem:s15+$0xFFFFFFB0]  }
0x200: {  	[tilespmem:$0x1FF00] =	vst v0;
	v0 =	vld [tilespmem:s1+$0x80]  }
0x201: {  	v52 =	vld [tilespmem:s1+$0xFFFFFFB0]  }
0x202: {  	v17 =	vld [tilespmem:s15+$0xFFFFFFE0]  }
0x203: {  	v56 =	vld [tilespmem:s15+$0x0]  }
0x204: {  	v50 =	vld [tilespmem:s1+$0x0]  }
0x205: {  	[tilespmem:$0x1FF10] =	vst v0;
	v0 =	vld [tilespmem:s15+$0x90]  }
0x206: {  	v55 =	vld [tilespmem:s15+$0x10]  }
0x207: {  	v49 =	vld [tilespmem:s1+$0x10]  }
0x208: {  	v10 =	vld [tilespmem:s15+$0xFFFFFF70]  }
0x209: {  	v12 =	vld [tilespmem:s1+$0xFFFFFF70]  }
0x20a: {  	[tilespmem:$0x1FF20] =	vst v0;
	v0 =	vld [tilespmem:s1+$0x90]  }
0x20b: {  	v58 =	vld [tilespmem:s15+$0xFFFFFFA0]  }
0x20c: {  	v57 =	vld [tilespmem:s1+$0xFFFFFFA0]  }
0x20d: {  	v18 =	vld [tilespmem:s15+$0xFFFFFFC0]  }
0x20e: {  	v19 =	vld [tilespmem:s1+$0xFFFFFFC0]  }
0x20f: {  	[tilespmem:$0x1FF30] =	vst v0;
	v0 =	vld [tilespmem:s15+$0x20]  }
0x210: {  	v20 =	vld [tilespmem:s15+$0xFFFFFFD0]  }
0x211: {  	v21 =	vld [tilespmem:s1+$0xFFFFFFD0]  }
0x212: {  	v40 =	vld [tilespmem:s15+$0xFFFFFF80]  }
0x213: {  	v39 =	vld [tilespmem:s1+$0xFFFFFF80]  }
0x214: {  	[tilespmem:$0x1FF90] =	vst v0;
	v0 =	vld [tilespmem:s1+$0x20]  }
0x215: {  	v38 =	vld [tilespmem:s15+$0xFFFFFF90]  }
0x216: {  	v25 =	vld [tilespmem:s1+$0xFFFFFF90]  }
0x217: {  	v7 =	vld [tilespmem:s15+$0xFFFFFEF0]  }
0x218: {  	v11 =	vld [tilespmem:s1+$0xFFFFFEF0]  }
0x219: {  	[tilespmem:$0x1FFA0] =	vst v0;
	v0 =	vld [tilespmem:s15+$0xFFFFFF60]  }
0x21a: {  	v22 =	vld [tilespmem:s15+$0xFFFFFF20]  }
0x21b: {  	v44 =	vld [tilespmem:s15+$0xFFFFFF40]  }
0x21c: {  	v43 =	vld [tilespmem:s1+$0xFFFFFF40]  }
0x21d: {  	v42 =	vld [tilespmem:s15+$0xFFFFFF50]  }
0x21e: {  	[tilespmem:$0x1FFB0] =	vst v0;
	v0 =	vld [tilespmem:s1+$0xFFFFFF60]  }
0x21f: {  	v41 =	vld [tilespmem:s1+$0xFFFFFF50]  }
0x220: {  	v30 =	vld [tilespmem:s15+$0xFFFFFEB0]  }
0x221: {  	v31 =	vld [tilespmem:s1+$0xFFFFFEB0]  }
0x222: {  	v59 =	vld [tilespmem:s1+$0xFFFFFEE0]  }
0x223: {  	[tilespmem:$0x1FFC0] =	vst v0;
	v0 =	vld [tilespmem:s15+$0xFFFFFEE0]  }
0x224: {  	v53 =	vld [tilespmem:s15+$0xFFFFFF00]  }
0x225: {  	v27 =	vld [tilespmem:s1+$0xFFFFFF00]  }
0x226: {  	v28 =	vld [tilespmem:s15+$0xFFFFFF10]  }
0x227: {  	v29 =	vld [tilespmem:s1+$0xFFFFFF10]  }
0x228: {  	v45 =	vmul.f32 v46, v45;
	[tilespmem:$0x1FFD0] =	vst v0;
	v0 =	vld [tilespmem:$0x1FF40]  }
0x229: {  	v46 =	vmul.f32 v48, v47;
	v47 =	vmul.f32 v1, v51;
	v1 =	vld [tilespmem:$0x1FF50]  }
0x22a: {  	v54 =	vmul.f32 v54, v2;
	v2 =	vld [tilespmem:$0x1FF60]  }
0x22b: {  	v34 =	vmul.f32 v34, v33;
	v35 =	vmul.f32 v32, v35;
	v32 =	vld [tilespmem:s15+$0xFFFFFE30]  }
0x22c: {  	v33 =	vld [tilespmem:s1+$0xFFFFFE30]  }
0x22d: {  	v8 =	vmul.f32 v8, v5;
	v51 =	vld [tilespmem:s1+$0xFFFFFED0];
	v24 =	vmul.f32 v0, v24;
	v0 =	vadd.f32 v35, v34  }
0x22e: {  	v5 =	vmul.f32 v14, v13;
	v14 =	vmul.f32 v36, v63;
	v36 =	vld [tilespmem:s15+$0xFFFFFE20]  }
0x22f: {  	v0 =	vadd.f32 v24, v0;
	v24 =	vadd.f32 v46, v45;
	v45 =	vmul.f32 v2, v1;
	v1 =	vld [tilespmem:$0x1FF70]  }
0x230: {  	v2 =	vld [tilespmem:$0x1FF80]  }
0x231: {  	v25 =	vmul.f32 v25, v38;
	v38 =	vld [tilespmem:s1+$0xFFFFFE00]  }
0x232: {  	v39 =	vmul.f32 v39, v40;
	v40 =	vld [tilespmem:s15+$0xFFFFFE10]  }
0x233: {  	v41 =	vmul.f32 v41, v42;
	v42 =	vld [tilespmem:s1+$0xFFFFFE10]  }
0x234: {  	v43 =	vmul.f32 v43, v44;
	v44 =	vld [tilespmem:s15+$0xFFFFFE50];
	v47 =	vadd.f32 v54, v47;
	v24 =	vadd.f32 v45, v24  }
0x235: {  	v25 =	vadd.f32 v25, v39;
	v39 =	vld [tilespmem:s15+$0xFFFFFE00];
	v0 =	vadd.f32 v8, v0;
	v54 =	vmul.f32 v2, v1  }
0x236: {  	v46 =	vld [tilespmem:s15+$0xFFFFFEC0];
	v24 =	vadd.f32 v5, v24  }
0x237: {  	v8 =	vmul.f32 v26, v15;
	v45 =	vld [tilespmem:s1+$0xFFFFFE80];
	(xrf2) =	vadd.scan.msk.f32 $0xffff, v0;
	v47 =	vadd.f32 v54, v47  }
0x238: {  	v13 =	vmul.f32 v62, v61;
	(xrf2) =	vadd.scan.msk.f32 $0xffff, v24;
	v24 =	vmul.f32 v50, v56;
	v50 =	vld [tilespmem:$0x1FFA0]  }
0x239: {  	v63 =	vadd.f32 v8, v47;
	v47 =	vld [tilespmem:$0x1FF90]  }
0x23a: {  	v5 =	vadd.f32 v14, v13;
	v14 =	vld [tilespmem:s15+$0xFFFFFE90]  }
0x23b: {  	v2 =	vld [tilespmem:s15+$0xFFFFFED0]  }
0x23c: {  	v0 =	vmul.f32 v37, v60;
	v60 =	vld [tilespmem:$0x1FFC0];
	v8 =	vmul.f32 v49, v55  }
0x23d: {  	v1 =	vld [tilespmem:s1+$0xFFFFFEC0];
	v55 =	vmul.f32 v57, v58;
	(xrf2) =	vadd.scan.msk.f32 $0xffff, v63  }
0x23e: {  	v57 =	vmul.f32 v4, v3;
	v3 =	vld [tilespmem:$0x1FFB0];
	v24 =	vadd.f32 v8, v24;
	v54 =	vmul.f32 v50, v47  }
0x23f: {  	v13 =	vmul.f32 v9, v6;
	v0 =	vadd.f32 v0, v5;
	v56 =	vld [tilespmem:s1+$0xFFFFFE90]  }
0x240: {  	v62 =	vmul.f32 v51, v2;
	v2 =	vld [tilespmem:$0x1FFD0];
	v24 =	vadd.f32 v54, v24  }
0x241: {  	v0 =	vadd.f32 v13, v0;
	v49 =	vld [tilespmem:s15+$0xFFFFFE80];
	v58 =	vmul.f32 v52, v23;
	v25 =	vadd.f32 v55, v25  }
0x242: {  	v41 =	vadd.f32 v41, v43;
	v43 =	vld [tilespmem:s1+$0xFFFFFE40];
	v24 =	vadd.f32 v57, v24  }
0x243: {  	v34 =	vld [tilespmem:s15+$0xFFFFFEA0];
	v46 =	vmul.f32 v1, v46;
	v25 =	vadd.f32 v58, v25;
	v61 =	vmul.f32 v60, v3  }
0x244: {  	v35 =	vld [tilespmem:s1+$0xFFFFFEA0];
	v1 =	vmul.f32 v12, v10  }
0x245: {  	v37 =	vld [tilespmem:s1+$0xFFFFFE20];
	(xrf2) =	vadd.scan.msk.f32 $0xffff, v0;
	v46 =	vadd.f32 v62, v46;
	v0, _, _ =	vpop (xrf2);
	v2 =	vmul.f32 v59, v2;
	v63 =	vadd.f32 v61, v41  }
0x246: {  	v47 =	vmul.f32 v45, v49;
	v50 =	vmul.f32 v56, v14;
	v41 =	vld [tilespmem:s15+$0xFFFFFE40];
	(xrf2) =	vadd.scan.msk.f32 $0xffff, v24;
	v24, _, _ =	vpop (xrf2)  }
0x247: {  	s19 =	simm.s32 $0x0;
	s21 =	simm.s32 $0x40;
	v49 =	vmul.f32 v11, v7;
	v48 =	vadd.f32 v2, v46;
	v46 =	vld [tilespmem:s1+$0xFFFFFE50];
	v45 =	vadd.f32 v1, v63;
	(xrf2) =	vadd.scan.msk.f32 $0xffff, v25;
	v25, _, _ =	vpop (xrf2)  }
.LBB2_6:
0x248: {  	v12 =	vld [tilespmem:s15+$0xFFFFFE70]  }
0x249: {  	v13 =	vld [tilespmem:s1+$0xFFFFFE70]  }
0x24a: {  	v1 =	vld [tilespmem:$0x1FF10];
	_ =	sdelay $0x3  }
0x24b: {  	v2 =	vld [tilespmem:$0x1FF30]  }
0x24c: {  	v56 =	vmul.f32 v13, v12;
	v13 =	vmul.f32 v1, v16;
	v1 =	vld [tilespmem:$0x1FF20]  }
0x24d: {  	v47 =	vadd.f32 v50, v47;
	v35 =	vmul.f32 v35, v34;
	_ =	sdelay $0x1  }
0x24e: {  	v14 =	vmul.f32 v43, v41;
	v35 =	vadd.f32 v35, v47;
	v47 =	vmul.f32 v46, v44  }
0x24f: {  	v18 =	vmul.f32 v19, v18;
	v19 =	vmul.f32 v21, v20;
	v20 =	vld [tilespmem:s1+$0xA0]  }
0x250: {  	v52 =	vadd.f32 v47, v14;
	v14 =	vmul.f32 v2, v1;
	v1 =	vld [tilespmem:$0x1FF00];
	_ =	sdelay $0x3  }
0x251: {  	v2 =	vld [tilespmem:$0x1FED0]  }
0x252: {  	v12 =	vmul.f32 v20, v1;
	v1 =	vld [tilespmem:$0x1FEC0];
	_ =	sdelay $0x2  }
0x253: {  	v51 =	vld [tilespmem:s15+$0xFFFFFE60]  }
0x254: {  	v10 =	vld [tilespmem:s1+$0xFFFFFE60]  }
0x255: {  	v8 =	vmul.f32 v2, v1;
	v1 =	vld [tilespmem:$0x1FEE0]  }
0x256: {  	v2 =	vld [tilespmem:$0x1FEF0]  }
0x257: {  	v55 =	vld [tilespmem:s1+$0xFFFFFF30]  }
0x258: {  	v57 =	vld [tilespmem:s15+$0xFFFFFFF0]  }
0x259: {  	v15 =	vld [tilespmem:s1+$0x160];
	(xrf2) =	vadd.scan.msk.f32 $0xffff, v45;
	v38 =	vmul.f32 v38, v39;
	v9 =	vmul.f32 v42, v40  }
0x25a: {  	v11 =	vadd.f32 v49, v48;
	v48 =	vld [tilespmem:s1+$0xFFFFFF20];
	v30 =	vmul.f32 v31, v30;
	v36 =	vmul.f32 v37, v36  }
0x25b: {  	v32 =	vmul.f32 v33, v32;
	v31 =	vadd.f32 v9, v38;
	v9 =	vmul.f32 v2, v1;
	v1 =	vld [tilespmem:$0x1FEB0]  }
0x25c: {  	v50 =	vld [tilespmem:s15+$0xFFFFFF30];
	v34, _, _ =	vpop (xrf2);
	(xrf2) =	vadd.scan.msk.f32 $0xffff, v11;
	v26 =	vmul.f32 v27, v53;
	v27 =	vmul.f32 v29, v28  }
0x25d: {  	v28 =	vld [tilespmem:s1+$0xFFFFFFE0];
	v54 =	vmul.f32 v10, v51;
	v30 =	vadd.f32 v30, v35;
	v31 =	vadd.f32 v36, v31  }
0x25e: {  	v26 =	vadd.f32 v27, v26;
	v27 =	vld [tilespmem:s1+$0xFFFFFFF0]  }
0x25f: {  	v49, _, _ =	vpop (xrf2);
	(xrf2) =	vadd.scan.msk.f32 $0xffff, v30;
	v30 =	vadd.f32 v32, v31;
	v31 =	vadd.f32 v54, v52;
	v2 =	vld [tilespmem:$0x1FE80]  }
0x260: {  	v23 =	vmul.f32 v48, v22;
	v7 =	vmul.f32 v15, v1;
	v1 =	vld [tilespmem:$0x1FE70]  }
0x261: {  	v18 =	vadd.f32 v19, v18;
	v19 =	vld [tilespmem:s1+$0xB0];
	v29, _, _ =	vpop (xrf2);
	(xrf2) =	vadd.scan.msk.f32 $0xffff, v30;
	v30 =	vadd.f32 v56, v31  }
0x262: {  	v23 =	vadd.f32 v23, v26;
	v26 =	vmul.f32 v55, v50;
	v17 =	vmul.f32 v28, v17;
	v31 =	vld [tilespmem:s15+$0xB0]  }
0x263: {  	v58 =	vld [tilespmem:s1+$0x170];
	v21, _, _ =	vpop (xrf2);
	(xrf2) =	vadd.scan.msk.f32 $0xffff, v30  }
0x264: {  	v23 =	vadd.f32 v26, v23;
	v26 =	vld [tilespmem:s15+$0x170];
	v17 =	vadd.f32 v17, v18  }
0x265: {  	v18 =	vmul.f32 v27, v57;
	v13 =	vadd.f32 v14, v13;
	v4 =	vmul.f32 v2, v1;
	v1 =	vld [tilespmem:$0x1FE90]  }
0x266: {  	v16, _, _ =	vpop (xrf2);
	(xrf2) =	vadd.scan.msk.f32 $0xffff, v23;
	v2 =	vld [tilespmem:$0x1FEA0]  }
0x267: {  	v10 =	vld [tilespmem:s15+$0x1E0];
	v17 =	vadd.f32 v18, v17;
	v12 =	vadd.f32 v12, v13;
	v59 =	vmul.f32 v19, v31  }
0x268: {  	v18 =	vld [tilespmem:s1+$0x1E0]  }
0x269: {  	v60 =	vld [tilespmem:s15+$0x1F0];
	v12 =	vadd.f32 v59, v12;
	v11, _, _ =	vpop (xrf2);
	(xrf2) =	vadd.scan.msk.f32 $0xffff, v17;
	v8 =	vadd.f32 v9, v8  }
0x26a: {  	v61 =	vld [tilespmem:s1+$0x1F0]  }
0x26b: {  	v62 =	vmul.f32 v58, v26;
	v15 =	vadd.f32 v7, v8;
	v3 =	vmul.f32 v2, v1  }
0x26c: {  	v6, _, _ =	vpop (xrf2);
	(xrf2) =	vadd.scan.msk.f32 $0xffff, v12  }
0x26d: {  	v63 =	vmul.f32 v18, v10;
	v12, _, _ =	vpop (xrf2);
	v5 =	vadd.f32 v62, v15;
	v3 =	vadd.f32 v3, v4  }
0x26e: {  	v6 =	vbroadcast v6, $0xF;
	v1 =	vbroadcast v12, $0xF  }
0x26f: {  	v32 =	vmul.f32 v61, v60;
	v14 =	vbroadcast v11, $0xF;
	(xrf2) =	vadd.scan.msk.f32 $0xffff, v5;
	v3 =	vadd.f32 v63, v3  }
0x270: {  	v35 =	vbroadcast v16, $0xF;
	v36, _, _ =	vpop (xrf2);
	v33 =	vsel vm0, v6, v1  }
0x271: {  	v1 =	vbroadcast v36, $0xF;
	v5 =	vsel vm1, v33, v14;
	v3 =	vadd.f32 v32, v3  }
0x272: {  	v38 =	vbroadcast v21, $0xF;
	v37 =	vsel vm2, v5, v35  }
0x273: {  	v39, _, _ =	vpop (xrf2);
	v4 =	vsel vm3, v37, v1;
	v1 =	vbroadcast v29, $0xF;
	(xrf2) =	vadd.scan.msk.f32 $0xffff, v3  }
0x274: {  	v40 =	vbroadcast v39, $0xF;
	v3 =	vsel vm4, v4, v38  }
0x275: {  	v42 =	vbroadcast v49, $0xF;
	v3 =	vsel vm5, v3, v1  }
0x276: {  	v43 =	vbroadcast v34, $0xF;
	v44, _, _ =	vpop (xrf2);
	v3 =	vsel vm6, v3, v40  }
0x277: {  	v45 =	vbroadcast v44, $0xF;
	v3 =	vsel vm7, v3, v42  }
0x278: {  	v46 =	vbroadcast v25, $0xF;
	v3 =	vsel vm8, v3, v43  }
0x279: {  	s23 =	sshra.s32 s19, $0x2;
	v47 =	vbroadcast v24, $0xF;
	v48, _, _ =	vpop (xrf2);
	v3 =	vsel vm9, v3, v45  }
0x27a: {  	v50 =	vld [tilespmem:s23+$0x10400];
	v49 =	vbroadcast v48, $0xF;
	v3 =	vsel vm10, v3, v46  }
0x27b: {  	v0 =	vbroadcast v0, $0xF;
	v3 =	vsel vm11, v3, v47  }
0x27c: {  	v51 =	vld [tilespmem:s23+$0x10600];
	v3 =	vsel vm12, v3, v49  }
0x27d: {  	v3 =	vsel vm13, v3, v0;
	v52, _, _ =	vpop (xrf2)  }
0x27e: {  	v0 =	vld [tilespmem:$0x1FE60];
	v3 =	vsel vm14, v3, v52  }
0x27f: {  	v3 =	vadd.f32 v3, v50;
	_ =	sdelay $0x1  }
0x280: {  	v3 =	vadd.f32 v3, v51;
	_ =	sdelay $0x1  }
0x281: {  	v3 =	vadd.f32 v3, v0;
	_ =	sdelay $0x1  }
0x282: {  	s15 =	sadd.s32 $0x400, s15;
	[tilespmem:s23+$0x19C00] =	vst v3  }
0x283: {  	v0 =	vld [tilespmem:s15+$0x1B0];
	_ =	sdelay $0x1  }
0x284: {  	s1 =	sadd.s32 $0x400, s1  }
0x285: {  	v24 =	vld [tilespmem:s1+$0x1B0]  }
0x286: {  	v29 =	vld [tilespmem:s15+$0x1A0]  }
0x287: {  	[tilespmem:$0x1FDF0] =	vst v0;
	v0 =	vld [tilespmem:s15+$0x1C0]  }
0x288: {  	v32 =	vld [tilespmem:s1+$0x1A0]  }
0x289: {  	v36 =	vld [tilespmem:s15+$0x130]  }
0x28a: {  	v38 =	vld [tilespmem:s1+$0x130]  }
0x28b: {  	v27 =	vld [tilespmem:s15+$0x180]  }
0x28c: {  	[tilespmem:$0x1FE70] =	vst v0;
	v0 =	vld [tilespmem:s1+$0x1C0]  }
0x28d: {  	v28 =	vld [tilespmem:s1+$0x180]  }
0x28e: {  	v33 =	vld [tilespmem:s15+$0x190]  }
0x28f: {  	v50 =	vld [tilespmem:s1+$0x190]  }
0x290: {  	v25 =	vld [tilespmem:s15+$0xF0]  }
0x291: {  	[tilespmem:$0x1FE80] =	vst v0;
	v0 =	vld [tilespmem:s15+$0x1D0]  }
0x292: {  	v37 =	vld [tilespmem:s1+$0xF0]  }
0x293: {  	v34 =	vld [tilespmem:s15+$0x120]  }
0x294: {  	v35 =	vld [tilespmem:s1+$0x120]  }
0x295: {  	v44 =	vld [tilespmem:s15+$0xE0]  }
0x296: {  	[tilespmem:$0x1FE90] =	vst v0;
	v0 =	vld [tilespmem:s1+$0x1D0]  }
0x297: {  	v47 =	vld [tilespmem:s1+$0xE0]  }
0x298: {  	v56 =	vld [tilespmem:s15+$0x100]  }
0x299: {  	v57 =	vld [tilespmem:s1+$0x100]  }
0x29a: {  	v58 =	vld [tilespmem:s15+$0x110]  }
0x29b: {  	[tilespmem:$0x1FEA0] =	vst v0;
	v0 =	vld [tilespmem:s15+$0x160]  }
0x29c: {  	v59 =	vld [tilespmem:s1+$0x110]  }
0x29d: {  	v42 =	vld [tilespmem:s1+$0x70]  }
0x29e: {  	v60 =	vld [tilespmem:s15+$0xC0]  }
0x29f: {  	v61 =	vld [tilespmem:s1+$0xC0]  }
0x2a0: {  	[tilespmem:$0x1FEB0] =	vst v0;
	v0 =	vld [tilespmem:s15+$0x140]  }
0x2a1: {  	v62 =	vld [tilespmem:s15+$0xD0]  }
0x2a2: {  	v63 =	vld [tilespmem:s1+$0xD0]  }
0x2a3: {  	v54 =	vld [tilespmem:s15+$0x60]  }
0x2a4: {  	v55 =	vld [tilespmem:s1+$0x60]  }
0x2a5: {  	[tilespmem:$0x1FEC0] =	vst v0;
	v0 =	vld [tilespmem:s1+$0x140]  }
0x2a6: {  	v51 =	vld [tilespmem:s15+$0x20]  }
0x2a7: {  	v39 =	vld [tilespmem:s1+$0x20]  }
0x2a8: {  	v1 =	vld [tilespmem:s1+$0x40]  }
0x2a9: {  	v2 =	vld [tilespmem:s15+$0x50]  }
0x2aa: {  	[tilespmem:$0x1FED0] =	vst v0;
	v0 =	vld [tilespmem:s15+$0x150]  }
0x2ab: {  	v3 =	vld [tilespmem:s1+$0x50]  }
0x2ac: {  	v41 =	vld [tilespmem:s15+$0xFFFFFFB0]  }
0x2ad: {  	v48 =	vld [tilespmem:s1+$0xFFFFFFB0]  }
0x2ae: {  	v40 =	vld [tilespmem:s15+$0xFFFFFFE0]  }
0x2af: {  	[tilespmem:$0x1FEE0] =	vst v0;
	v0 =	vld [tilespmem:s1+$0x150]  }
0x2b0: {  	v4 =	vld [tilespmem:s15+$0x0]  }
0x2b1: {  	v5 =	vld [tilespmem:s1+$0x0]  }
0x2b2: {  	v6 =	vld [tilespmem:s15+$0x10]  }
0x2b3: {  	v7 =	vld [tilespmem:s1+$0x10]  }
0x2b4: {  	[tilespmem:$0x1FEF0] =	vst v0;
	v0 =	vld [tilespmem:s15+$0x70]  }
0x2b5: {  	v53 =	vld [tilespmem:s15+$0xFFFFFF70]  }
0x2b6: {  	v43 =	vld [tilespmem:s1+$0xFFFFFF70]  }
0x2b7: {  	v8 =	vld [tilespmem:s15+$0xFFFFFFA0]  }
0x2b8: {  	v9 =	vld [tilespmem:s1+$0xFFFFFFA0]  }
0x2b9: {  	[tilespmem:$0x1FE00] =	vst v0;
	v0 =	vld [tilespmem:s15+$0xA0]  }
0x2ba: {  	v26 =	vld [tilespmem:s15+$0xFFFFFFC0]  }
0x2bb: {  	v52 =	vld [tilespmem:s1+$0xFFFFFFC0]  }
0x2bc: {  	v46 =	vld [tilespmem:s15+$0xFFFFFFD0]  }
0x2bd: {  	v45 =	vld [tilespmem:s1+$0xFFFFFFD0]  }
0x2be: {  	[tilespmem:$0x1FF00] =	vst v0;
	v0 =	vld [tilespmem:s15+$0x30]  }
0x2bf: {  	v10 =	vld [tilespmem:s15+$0xFFFFFF60]  }
0x2c0: {  	v11 =	vld [tilespmem:s1+$0xFFFFFF60]  }
0x2c1: {  	v12 =	vld [tilespmem:s15+$0xFFFFFF80]  }
0x2c2: {  	v13 =	vld [tilespmem:s1+$0xFFFFFF80]  }
0x2c3: {  	[tilespmem:$0x1FE10] =	vst v0;
	v0 =	vld [tilespmem:s1+$0x30]  }
0x2c4: {  	v14 =	vld [tilespmem:s15+$0xFFFFFF90]  }
0x2c5: {  	v15 =	vld [tilespmem:s1+$0xFFFFFF90]  }
0x2c6: {  	v16 =	vld [tilespmem:s15+$0xFFFFFEF0]  }
0x2c7: {  	v49 =	vld [tilespmem:s1+$0xFFFFFEF0]  }
0x2c8: {  	[tilespmem:$0x1FE20] =	vst v0;
	v0 =	vld [tilespmem:s15+$0x80]  }
0x2c9: {  	v22 =	vld [tilespmem:s15+$0xFFFFFF20]  }
0x2ca: {  	v17 =	vld [tilespmem:s1+$0xFFFFFF40]  }
0x2cb: {  	v18 =	vld [tilespmem:s15+$0xFFFFFF50]  }
0x2cc: {  	v19 =	vld [tilespmem:s1+$0xFFFFFF50]  }
0x2cd: {  	[tilespmem:$0x1FE30] =	vst v0;
	v0 =	vld [tilespmem:s1+$0x80]  }
0x2ce: {  	v30 =	vld [tilespmem:s15+$0xFFFFFEB0]  }
0x2cf: {  	v31 =	vld [tilespmem:s1+$0xFFFFFEB0]  }
0x2d0: {  	v20 =	vld [tilespmem:s15+$0xFFFFFEE0]  }
0x2d1: {  	v21 =	vld [tilespmem:s1+$0xFFFFFEE0]  }
0x2d2: {  	[tilespmem:$0x1FF10] =	vst v0;
	v0 =	vld [tilespmem:s15+$0x90]  }
0x2d3: {  	[tilespmem:$0x1FE50] =	vst v16;
	v16 =	vld [tilespmem:s15+$0xFFFFFF40]  }
0x2d4: {  	[tilespmem:$0x1FE40] =	vst v53;
	v53 =	vld [tilespmem:s15+$0xFFFFFF00]  }
0x2d5: {  	v23 =	vmul.f32 v28, v27;
	v27 =	vld [tilespmem:s1+$0xFFFFFF00]  }
0x2d6: {  	v28 =	vld [tilespmem:s15+$0xFFFFFF10]  }
0x2d7: {  	v33 =	vmul.f32 v50, v33;
	[tilespmem:$0x1FF20] =	vst v0;
	v0 =	vld [tilespmem:s1+$0x90]  }
0x2d8: {  	v61 =	vmul.f32 v61, v60;
	v25 =	vmul.f32 v37, v25;
	v37 =	vld [tilespmem:s1+$0xFFFFFE20]  }
0x2d9: {  	v60 =	vmul.f32 v63, v62;
	v62 =	vmul.f32 v7, v6;
	v6 =	vld [tilespmem:s15+$0xFFFFFE80]  }
0x2da: {  	v50 =	vmul.f32 v57, v56;
	v56 =	vmul.f32 v59, v58;
	v59 =	vld [tilespmem:$0x1FDF0]  }
0x2db: {  	v23 =	vadd.f32 v33, v23;
	v33 =	vmul.f32 v32, v29;
	v29 =	vld [tilespmem:s1+$0xFFFFFF10]  }
0x2dc: {  	[tilespmem:$0x1FF30] =	vst v0;
	v0 =	vld [tilespmem:s15+$0x40]  }
0x2dd: {  	v32 =	vld [tilespmem:s15+$0xFFFFFE30]  }
0x2de: {  	v50 =	vadd.f32 v56, v50;
	v56 =	vmul.f32 v35, v34;
	v34 =	vld [tilespmem:s15+$0xFFFFFEA0]  }
0x2df: {  	v35 =	vld [tilespmem:s1+$0xFFFFFEA0]  }
0x2e0: {  	v23 =	vadd.f32 v33, v23;
	v33 =	vld [tilespmem:s1+$0xFFFFFE30];
	v24 =	vmul.f32 v24, v59;
	v59 =	vmul.f32 v48, v41  }
0x2e1: {  	v41 =	vld [tilespmem:s15+$0xFFFFFE40];
	v0 =	vmul.f32 v1, v0;
	v1 =	vmul.f32 v3, v2  }
0x2e2: {  	v23 =	vadd.f32 v24, v23;
	v24 =	vadd.f32 v56, v50;
	v50 =	vld [tilespmem:s15+$0xFFFFFEC0]  }
0x2e3: {  	v56 =	vmul.f32 v17, v16;
	v17 =	vmovc v40;
	v40 =	vld [tilespmem:s15+$0xFFFFFE10];
	v0 =	vadd.f32 v1, v0;
	v1 =	vmul.f32 v55, v54  }
0x2e4: {  	(xrf2) =	vadd.scan.msk.f32 $0xffff, v23;
	v23 =	vld [tilespmem:s1+$0xFFFFFEC0]  }
0x2e5: {  	v36 =	vmul.f32 v38, v36;
	v0 =	vadd.f32 v1, v0;
	v1 =	vld [tilespmem:$0x1FE00]  }
0x2e6: {  	v44 =	vmul.f32 v47, v44;
	v38 =	vmul.f32 v39, v51;
	v61 =	vadd.f32 v60, v61;
	v51 =	vld [tilespmem:$0x1FE10]  }
0x2e7: {  	v16 =	vld [tilespmem:$0x1FE30];
	v2 =	vadd.f32 v36, v24  }
0x2e8: {  	v24 =	vadd.f32 v44, v61;
	v54 =	vld [tilespmem:$0x1FE20]  }
0x2e9: {  	v3 =	vld [tilespmem:s15+$0xFFFFFED0];
	(xrf2) =	vadd.scan.msk.f32 $0xffff, v2;
	v2 =	vmul.f32 v5, v4  }
0x2ea: {  	v44 =	vld [tilespmem:s1+$0xFFFFFED0];
	v63 =	vadd.f32 v25, v24;
	v1 =	vmul.f32 v42, v1  }
0x2eb: {  	v55 =	vld [tilespmem:s1+$0xFFFFFE90];
	v2 =	vadd.f32 v62, v2  }
0x2ec: {  	(xrf2) =	vadd.scan.msk.f32 $0xffff, v63;
	v47 =	vadd.f32 v1, v0;
	v1 =	vld [tilespmem:s15+$0xFFFFFE90]  }
0x2ed: {  	v36 =	vld [tilespmem:s15+$0xFFFFFE20];
	v2 =	vadd.f32 v38, v2;
	v4 =	vmul.f32 v54, v51  }
0x2ee: {  	v39 =	vmul.f32 v13, v12;
	v63 =	vld [tilespmem:$0x1FE40];
	v42 =	vmul.f32 v15, v14  }
0x2ef: {  	v8 =	vmul.f32 v9, v8;
	v57 =	vmul.f32 v19, v18;
	v5 =	vld [tilespmem:s1+$0xFFFFFE80];
	v2 =	vadd.f32 v4, v2  }
0x2f0: {  	v61 =	vmul.f32 v11, v10;
	v3 =	vmul.f32 v44, v3;
	v44 =	vld [tilespmem:s15+$0xFFFFFE50];
	v7 =	vadd.f32 v42, v39;
	(xrf2) =	vadd.scan.msk.f32 $0xffff, v47  }
0x2f1: {  	p0 =	sne.s32 s21, $0x7C0;
	v60 =	vadd.f32 v57, v56;
	v0, _, _ =	vpop (xrf2);
	(xrf2) =	vadd.scan.msk.f32 $0xffff, v2;
	v2 =	vmul.f32 v23, v50;
	v50 =	vmul.f32 v55, v1;
	v1 =	vld [tilespmem:$0x1FE50]  }
.Ltmp2:
0x2f2: {  	v38 =	vld [tilespmem:s1+$0xFFFFFE00];
	v58 =	vadd.f32 v8, v7;
	(pc) =	sbr.rel @p0 .LBB2_6-.Ltmp2, $4  }
0x2f3: {  	v19 =	vmov v52;
	v62 =	vadd.f32 v61, v60;
	v39 =	vld [tilespmem:s15+$0xFFFFFE00];
	v8 =	vmul.f32 v43, v63  }
0x2f4: {  	v18 =	vmovc v26;
	v42 =	vld [tilespmem:s1+$0xFFFFFE10];
	v4 =	vadd.f32 v59, v58;
	v2 =	vadd.f32 v3, v2;
	v3 =	vmul.f32 v21, v20  }
0x2f5: {  	v24, _, _ =	vpop (xrf2);
	v43 =	vld [tilespmem:s1+$0xFFFFFE40];
	v47 =	vmul.f32 v5, v6;
	v21 =	vmov v45;
	v20 =	vmov v46  }
0x2f6: {  	s19 =	smov.u32 s21;
	s21 =	sadd.s32 $0x40, s21;
	v25, _, _ =	vpop (xrf2);
	v45 =	vadd.f32 v8, v62;
	v46 =	vld [tilespmem:s1+$0xFFFFFE50];
	(xrf2) =	vadd.scan.msk.f32 $0xffff, v4;
	v48 =	vadd.f32 v3, v2;
	v49 =	vmul.f32 v49, v1  }
0x2f7: {  	v1 =	vld [tilespmem:s15+$0xFFFFFE60]  }
0x2f8: {  	v2 =	vld [tilespmem:s1+$0xFFFFFE60]  }
0x2f9: {  	v5 =	vld [tilespmem:s15+$0xFFFFFE70]  }
0x2fa: {  	v9 =	vld [tilespmem:s1+$0xFFFFFE70]  }
0x2fb: {  	v11 =	vld [tilespmem:s1+$0xFFFFFF20]  }
0x2fc: {  	v13 =	vld [tilespmem:s15+$0xFFFFFF30]  }
0x2fd: {  	v15 =	vld [tilespmem:s1+$0xFFFFFFE0]  }
0x2fe: {  	v63 =	vld [tilespmem:s15+$0xFFFFFFF0]  }
0x2ff: {  	v4 =	vmul.f32 v35, v34;
	v23 =	vld [tilespmem:s1+$0xB0]  }
0x300: {  	v12 =	vmul.f32 v31, v30;
	v59 =	vmul.f32 v37, v36;
	v26 =	vld [tilespmem:$0x1FF20]  }
0x301: {  	v3 =	vadd.f32 v50, v47;
	v60 =	vmul.f32 v27, v53;
	v61 =	vmul.f32 v29, v28;
	v27 =	vld [tilespmem:$0x1FF30]  }
0x302: {  	v28 =	vld [tilespmem:s1+$0x160];
	v6 =	vmul.f32 v38, v39;
	v7 =	vmul.f32 v42, v40  }
0x303: {  	v30 =	vld [tilespmem:s15+$0x170];
	v3 =	vadd.f32 v4, v3;
	v58 =	vmul.f32 v43, v41;
	v10 =	vmul.f32 v46, v44  }
0x304: {  	v8 =	vadd.f32 v49, v48;
	v6 =	vadd.f32 v7, v6;
	v1 =	vmul.f32 v2, v1;
	v2 =	vld [tilespmem:s1+$0xFFFFFF30]  }
0x305: {  	v14 =	vmul.f32 v33, v32;
	v32 =	vld [tilespmem:$0x1FF00];
	v3 =	vadd.f32 v12, v3;
	v4 =	vadd.f32 v10, v58  }
0x306: {  	v33 =	vld [tilespmem:s1+$0x170];
	(xrf2) =	vadd.scan.msk.f32 $0xffff, v45;
	v7 =	vadd.f32 v61, v60;
	v6 =	vadd.f32 v59, v6  }
0x307: {  	v34 =	vld [tilespmem:$0x1FEC0];
	(xrf2) =	vadd.scan.msk.f32 $0xffff, v8;
	v62 =	vmul.f32 v9, v5;
	v12 =	vmul.f32 v11, v22;
	v1 =	vadd.f32 v1, v4  }
0x308: {  	v35 =	vld [tilespmem:$0x1FED0];
	(xrf2) =	vadd.scan.msk.f32 $0xffff, v3;
	v3 =	vmul.f32 v19, v18;
	v18 =	vmul.f32 v21, v20;
	v6 =	vadd.f32 v14, v6  }
0x309: {  	v36 =	vld [tilespmem:$0x1FEE0];
	v20 =	vadd.f32 v12, v7;
	v1 =	vadd.f32 v62, v1;
	v2 =	vmul.f32 v2, v13  }
0x30a: {  	v14 =	vld [tilespmem:s1+$0xFFFFFFF0];
	(xrf2) =	vadd.scan.msk.f32 $0xffff, v6  }
0x30b: {  	(xrf2) =	vadd.scan.msk.f32 $0xffff, v1;
	v1 =	vadd.f32 v2, v20;
	v2 =	vld [tilespmem:$0x1FF10]  }
0x30c: {  	v37 =	vld [tilespmem:$0x1FEF0]  }
0x30d: {  	v19 =	vld [tilespmem:s1+$0xA0]  }
0x30e: {  	v47 =	vld [tilespmem:$0x1FE80];
	v22 =	vmul.f32 v15, v17;
	v3 =	vadd.f32 v18, v3  }
0x30f: {  	v21 =	vld [tilespmem:s15+$0xB0];
	v6 =	vmul.f32 v27, v26  }
0x310: {  	v43 =	vld [tilespmem:$0x1FEB0];
	v3 =	vadd.f32 v22, v3;
	v29 =	vmul.f32 v14, v63;
	v2 =	vmul.f32 v2, v16  }
0x311: {  	v50 =	vld [tilespmem:$0x1FEA0]  }
0x312: {  	v38 =	vld [tilespmem:s15+$0x1E0];
	v31, _, _ =	vpop (xrf2);
	(xrf2) =	vadd.scan.msk.f32 $0xffff, v1;
	v3 =	vadd.f32 v29, v3;
	v2 =	vadd.f32 v6, v2;
	v6 =	vmul.f32 v19, v32  }
0x313: {  	v49 =	vld [tilespmem:$0x1FE90];
	v12 =	vmul.f32 v37, v36;
	v4 =	vmul.f32 v35, v34;
	v1, _, _ =	vpop (xrf2)  }
0x314: {  	v46 =	vld [tilespmem:$0x1FE70];
	v40 =	vmul.f32 v23, v21;
	v39, _, _ =	vpop (xrf2);
	v2 =	vadd.f32 v6, v2  }
0x315: {  	v45 =	vld [tilespmem:s1+$0x1F0];
	v11 =	vmul.f32 v28, v43;
	v4 =	vadd.f32 v12, v4;
	(xrf2) =	vadd.scan.msk.f32 $0xffff, v3;
	v42, _, _ =	vpop (xrf2)  }
0x316: {  	v41 =	vld [tilespmem:s1+$0x1E0];
	v3, _, _ =	vpop (xrf2);
	v2 =	vadd.f32 v40, v2  }
0x317: {  	v44 =	vld [tilespmem:s15+$0x1F0];
	v5 =	vmul.f32 v33, v30;
	v4 =	vadd.f32 v11, v4;
	v48, _, _ =	vpop (xrf2)  }
0x318: {  	v51, _, _ =	vpop (xrf2);
	(xrf2) =	vadd.scan.msk.f32 $0xffff, v2  }
0x319: {  	v10 =	vmul.f32 v50, v49;
	v15 =	vmul.f32 v47, v46;
	v54, _, _ =	vpop (xrf2);
	v2 =	vadd.f32 v5, v4  }
0x31a: {  	v55 =	vbroadcast v51, $0xF;
	v7 =	vbroadcast v54, $0xF  }
0x31b: {  	v53 =	vmul.f32 v41, v38;
	v52 =	vadd.f32 v10, v15;
	v56 =	vbroadcast v48, $0xF;
	(xrf2) =	vadd.scan.msk.f32 $0xffff, v2  }
0x31c: {  	v57 =	vmul.f32 v45, v44;
	v3 =	vbroadcast v3, $0xF;
	v58, _, _ =	vpop (xrf2);
	v2 =	vsel vm0, v55, v7  }
0x31d: {  	v4 =	vadd.f32 v53, v52;
	v6 =	vbroadcast v58, $0xF;
	v2 =	vsel vm1, v2, v56  }
0x31e: {  	v2 =	vsel vm2, v2, v3;
	v3 =	vbroadcast v42, $0xF  }
0x31f: {  	v59 =	vbroadcast v39, $0xF;
	v4 =	vadd.f32 v57, v4;
	v60, _, _ =	vpop (xrf2);
	v2 =	vsel vm3, v2, v6  }
0x320: {  	v2 =	vsel vm4, v2, v3;
	v3 =	vbroadcast v60, $0xF  }
0x321: {  	v1 =	vbroadcast v1, $0xF;
	(xrf2) =	vadd.scan.msk.f32 $0xffff, v4;
	v2 =	vsel vm5, v2, v59  }
0x322: {  	v2 =	vsel vm6, v2, v3;
	v3 =	vbroadcast v31, $0xF;
	v61, _, _ =	vpop (xrf2)  }
0x323: {  	v1 =	vsel vm7, v2, v1;
	v2 =	vbroadcast v61, $0xF  }
0x324: {  	v1 =	vsel vm8, v1, v3;
	v3 =	vbroadcast v25, $0xF  }
0x325: {  	v62, _, _ =	vpop (xrf2);
	v1 =	vsel vm9, v1, v2;
	v2 =	vbroadcast v24, $0xF  }
0x326: {  	v1 =	vsel vm10, v1, v3;
	v3 =	vbroadcast v62, $0xF  }
0x327: {  	s23 =	sshra.s32 s19, $0x2;
	v1 =	vsel vm11, v1, v2  }
0x328: {  	v63 =	vld [tilespmem:s23+$0x10400];
	v1 =	vsel vm12, v1, v3  }
0x329: {  	v0 =	vbroadcast v0, $0xF  }
0x32a: {  	v2 =	vld [tilespmem:s23+$0x10600]  }
0x32b: {  	v0 =	vsel vm13, v1, v0;
	v1, _, _ =	vpop (xrf2)  }
0x32c: {  	v0 =	vsel vm14, v0, v1;
	v1 =	vld [tilespmem:$0x1FE60]  }
0x32d: {  	v0 =	vadd.f32 v0, v63;
	_ =	sdelay $0x1  }
0x32e: {  	v0 =	vadd.f32 v0, v2;
	_ =	sdelay $0x1  }
0x32f: {  	v0 =	vadd.f32 v0, v1;
	_ =	sdelay $0x1  }
0x330: {  	[tilespmem:s23+$0x19C00] =	vst v0  }
0x331: {  	_ =	swait.ge [sflag:s31], $0x80  }
0x332: {  	[sflag:s31] =	ssyncset.done $0x0  }
0x333: {  	[sflag:s31] =	ssyncadd.s32 $0xFFFFFF80  }
0x334: {  	_ =	swait.ge [sflag:s31], $0x80  }
0x335: {  	[sflag:s31] =	ssyncset.done $0x0  }
0x336: {  	[sflag:s31] =	ssyncadd.s32 $0xFFFFFF80  }
0x337: {  	_ =	swait.ge [sflag:s31], $0x80  }
0x338: {  	[sflag:s31] =	ssyncset.done $0x0  }
0x339: {  	[sflag:s31] =	ssyncadd.s32 $0xFFFFFF80  }
0x33a: {  	_ =	swait.ge [sflag:s31], $0x80  }
0x33b: {  	[sflag:s31] =	ssyncset.done $0x0  }
0x33c: {  	[sflag:s31] =	ssyncadd.s32 $0xFFFFFF80  }
0x33d: {  	_ =	swait.ge [sflag:s31], $0x80  }
0x33e: {  	[sflag:s31] =	ssyncset.done $0x0  }
0x33f: {  	[sflag:s31] =	ssyncadd.s32 $0xFFFFFF80  }
0x340: {  	_ =	swait.ge [sflag:s31], $0x80  }
0x341: {  	[sflag:s31] =	ssyncset.done $0x0  }
0x342: {  	[sflag:s31] =	ssyncadd.s32 $0xFFFFFF80  }
0x343: {  	_ =	swait.ge [sflag:s31], $0x80  }
0x344: {  	[sflag:s31] =	ssyncset.done $0x0  }
0x345: {  	[sflag:s31] =	ssyncadd.s32 $0xFFFFFF80  }
0x346: {  	_ =	swait.ge [sflag:s31], $0x80  }
0x347: {  	[sflag:s31] =	ssyncset.done $0x0  }
0x348: {  	[sflag:s31] =	ssyncadd.s32 $0xFFFFFF80  }
0x349: {  	_ =	swait.ge [sflag:s31], $0x80  }
0x34a: {  	[sflag:s31] =	ssyncset.done $0x0  }
0x34b: {  	[sflag:s31] =	ssyncadd.s32 $0xFFFFFF80  }
0x34c: {  	_ =	swait.ge [sflag:s31], $0x80  }
0x34d: {  	[sflag:s31] =	ssyncset.done $0x0  }
0x34e: {  	[sflag:s31] =	ssyncadd.s32 $0xFFFFFF80  }
0x34f: {  	_ =	swait.ge [sflag:s31], $0x80  }
0x350: {  	[sflag:s31] =	ssyncset.done $0x0  }
0x351: {  	[sflag:s31] =	ssyncadd.s32 $0xFFFFFF80  }
0x352: {  	_ =	swait.ge [sflag:s31], $0x80  }
0x353: {  	[sflag:s31] =	ssyncset.done $0x0  }
0x354: {  	[sflag:s31] =	ssyncadd.s32 $0xFFFFFF80  }
0x355: {  	_ =	swait.ge [sflag:s31], $0x80  }
0x356: {  	[sflag:s31] =	ssyncset.done $0x0  }
0x357: {  	[sflag:s31] =	ssyncadd.s32 $0xFFFFFF80  }
0x358: {  	_ =	swait.ge [sflag:s31], $0x80  }
0x359: {  	[sflag:s31] =	ssyncset.done $0x0  }
0x35a: {  	[sflag:s31] =	ssyncadd.s32 $0xFFFFFF80  }
0x35b: {  	_ =	swait.ge [sflag:s31], $0x80  }
0x35c: {  	[sflag:s31] =	ssyncset.done $0x0  }
0x35d: {  	[sflag:s31] =	ssyncadd.s32 $0xFFFFFF80  }
0x35e: {  	_ =	swait.ge [sflag:s31], $0x80  }
0x35f: {  	[sflag:s31] =	ssyncset.done $0x0  }
0x360: {  	[sflag:s31] =	ssyncadd.s32 $0xFFFFFF80  }
0x361: {  	_ =	swait.ge [sflag:s31], $0x80  }
0x362: {  	[sflag:s31] =	ssyncset.done $0x0  }
0x363: {  	[sflag:s31] =	ssyncadd.s32 $0xFFFFFF80  }
0x364: {  	_ =	swait.ge [sflag:s31], $0x80  }
0x365: {  	[sflag:s31] =	ssyncset.done $0x0  }
0x366: {  	[sflag:s31] =	ssyncadd.s32 $0xFFFFFF80  }
0x367: {  	_ =	swait.ge [sflag:s31], $0x80  }
0x368: {  	[sflag:s31] =	ssyncset.done $0x0  }
0x369: {  	[sflag:s31] =	ssyncadd.s32 $0xFFFFFF80  }
0x36a: {  	_ =	swait.ge [sflag:s31], $0x80  }
0x36b: {  	[sflag:s31] =	ssyncset.done $0x0  }
0x36c: {  	[sflag:s31] =	ssyncadd.s32 $0xFFFFFF80  }
0x36d: {  	_ =	swait.ge [sflag:s31], $0x80  }
0x36e: {  	[sflag:s31] =	ssyncset.done $0x0  }
0x36f: {  	[sflag:s31] =	ssyncadd.s32 $0xFFFFFF80  }
0x370: {  	_ =	swait.ge [sflag:s31], $0x80  }
0x371: {  	[sflag:s31] =	ssyncset.done $0x0  }
0x372: {  	[sflag:s31] =	ssyncadd.s32 $0xFFFFFF80  }
0x373: {  	_ =	swait.ge [sflag:s31], $0x80  }
0x374: {  	[sflag:s31] =	ssyncset.done $0x0  }
0x375: {  	[sflag:s31] =	ssyncadd.s32 $0xFFFFFF80  }
0x376: {  	_ =	swait.ge [sflag:s31], $0x80  }
0x377: {  	[sflag:s31] =	ssyncset.done $0x0  }
0x378: {  	[sflag:s31] =	ssyncadd.s32 $0xFFFFFF80  }
0x379: {  	_ =	swait.ge [sflag:s31], $0x80  }
0x37a: {  	[sflag:s31] =	ssyncset.done $0x0  }
0x37b: {  	[sflag:s31] =	ssyncadd.s32 $0xFFFFFF80  }
0x37c: {  	_ =	swait.ge [sflag:s31], $0x80  }
0x37d: {  	[sflag:s31] =	ssyncset.done $0x0  }
0x37e: {  	[sflag:s31] =	ssyncadd.s32 $0xFFFFFF80  }
0x37f: {  	_ =	swait.ge [sflag:s31], $0x80  }
0x380: {  	[sflag:s31] =	ssyncset.done $0x0  }
0x381: {  	[sflag:s31] =	ssyncadd.s32 $0xFFFFFF80  }
0x382: {  	_ =	swait.ge [sflag:s31], $0x80  }
0x383: {  	[sflag:s31] =	ssyncset.done $0x0  }
0x384: {  	[sflag:s31] =	ssyncadd.s32 $0xFFFFFF80  }
0x385: {  	_ =	swait.ge [sflag:s31], $0x80  }
0x386: {  	[sflag:s31] =	ssyncset.done $0x0  }
0x387: {  	[sflag:s31] =	ssyncadd.s32 $0xFFFFFF80  }
0x388: {  	_ =	swait.ge [sflag:s31], $0x80  }
0x389: {  	[sflag:s31] =	ssyncset.done $0x0  }
0x38a: {  	[sflag:s31] =	ssyncadd.s32 $0xFFFFFF80  }
0x38b: {  	_ =	swait.ge [sflag:s31], $0x80  }
0x38c: {  	[sflag:s31] =	ssyncset.done $0x0  }
0x38d: {  	[sflag:s31] =	ssyncadd.s32 $0xFFFFFF80  }
0x38e: {  	_ =	swait.ge [sflag:s31], $0x80  }
0x38f: {  	[sflag:s31] =	ssyncset.done $0x0  }
0x390: {  	[sflag:s31] =	ssyncadd.s32 $0xFFFFFF80  }
0x391: {  	_ =	swait.ge [sflag:s31], $0x80  }
0x392: {  	[sflag:s31] =	ssyncset.done $0x0  }
0x393: {  	[sflag:s31] =	ssyncadd.s32 $0xFFFFFF80  }
0x394: {  	_ =	swait.ge [sflag:s31], $0x80  }
0x395: {  	[sflag:s31] =	ssyncset.done $0x0  }
0x396: {  	[sflag:s31] =	ssyncadd.s32 $0xFFFFFF80  }
0x397: {  	_ =	swait.ge [sflag:s31], $0x80  }
0x398: {  	[sflag:s31] =	ssyncset.done $0x0  }
0x399: {  	[sflag:s31] =	ssyncadd.s32 $0xFFFFFF80  }
0x39a: {  	_ =	swait.ge [sflag:s31], $0x80  }
0x39b: {  	[sflag:s31] =	ssyncset.done $0x0  }
0x39c: {  	[sflag:s31] =	ssyncadd.s32 $0xFFFFFF80  }
0x39d: {  	_ =	swait.ge [sflag:s31], $0x80  }
0x39e: {  	[sflag:s31] =	ssyncset.done $0x0  }
0x39f: {  	[sflag:s31] =	ssyncadd.s32 $0xFFFFFF80  }
0x3a0: {  	_ =	swait.ge [sflag:s31], $0x80  }
0x3a1: {  	[sflag:s31] =	ssyncset.done $0x0  }
0x3a2: {  	[sflag:s31] =	ssyncadd.s32 $0xFFFFFF80  }
0x3a3: {  	_ =	swait.ge [sflag:s31], $0x80  }
0x3a4: {  	[sflag:s31] =	ssyncset.done $0x0  }
0x3a5: {  	[sflag:s31] =	ssyncadd.s32 $0xFFFFFF80  }
0x3a6: {  	_ =	swait.ge [sflag:s31], $0x80  }
0x3a7: {  	[sflag:s31] =	ssyncset.done $0x0  }
0x3a8: {  	[sflag:s31] =	ssyncadd.s32 $0xFFFFFF80  }
0x3a9: {  	_ =	swait.ge [sflag:s31], $0x80  }
0x3aa: {  	[sflag:s31] =	ssyncset.done $0x0  }
0x3ab: {  	[sflag:s31] =	ssyncadd.s32 $0xFFFFFF80  }
0x3ac: {  	_ =	swait.ge [sflag:s31], $0x80  }
0x3ad: {  	[sflag:s31] =	ssyncset.done $0x0  }
0x3ae: {  	[sflag:s31] =	ssyncadd.s32 $0xFFFFFF80  }
0x3af: {  	_ =	swait.ge [sflag:s31], $0x80  }
0x3b0: {  	[sflag:s31] =	ssyncset.done $0x0  }
0x3b1: {  	[sflag:s31] =	ssyncadd.s32 $0xFFFFFF80  }
0x3b2: {  	_ =	swait.ge [sflag:s31], $0x80  }
0x3b3: {  	[sflag:s31] =	ssyncset.done $0x0  }
0x3b4: {  	[sflag:s31] =	ssyncadd.s32 $0xFFFFFF80  }
0x3b5: {  	_ =	swait.ge [sflag:s31], $0x80  }
0x3b6: {  	[sflag:s31] =	ssyncset.done $0x0  }
0x3b7: {  	[sflag:s31] =	ssyncadd.s32 $0xFFFFFF80  }
0x3b8: {  	_ =	swait.ge [sflag:s31], $0x80  }
0x3b9: {  	[sflag:s31] =	ssyncset.done $0x0  }
0x3ba: {  	[sflag:s31] =	ssyncadd.s32 $0xFFFFFF80  }
0x3bb: {  	_ =	swait.ge [sflag:s31], $0x80  }
0x3bc: {  	[sflag:s31] =	ssyncset.done $0x0  }
0x3bd: {  	[sflag:s31] =	ssyncadd.s32 $0xFFFFFF80  }
0x3be: {  	_ =	swait.ge [sflag:s31], $0x80  }
0x3bf: {  	[sflag:s31] =	ssyncset.done $0x0  }
0x3c0: {  	[sflag:s31] =	ssyncadd.s32 $0xFFFFFF80  }
0x3c1: {  	_ =	swait.ge [sflag:s31], $0x80  }
0x3c2: {  	[sflag:s31] =	ssyncset.done $0x0  }
0x3c3: {  	[sflag:s31] =	ssyncadd.s32 $0xFFFFFF80  }
0x3c4: {  	_ =	swait.ge [sflag:s31], $0x80  }
0x3c5: {  	[sflag:s31] =	ssyncset.done $0x0  }
0x3c6: {  	[sflag:s31] =	ssyncadd.s32 $0xFFFFFF80  }
0x3c7: {  	_ =	swait.ge [sflag:s31], $0x80  }
0x3c8: {  	[sflag:s31] =	ssyncset.done $0x0  }
0x3c9: {  	[sflag:s31] =	ssyncadd.s32 $0xFFFFFF80  }
0x3ca: {  	_ =	swait.ge [sflag:s31], $0x80  }
0x3cb: {  	[sflag:s31] =	ssyncset.done $0x0  }
0x3cc: {  	[sflag:s31] =	ssyncadd.s32 $0xFFFFFF80  }
0x3cd: {  	_ =	swait.ge [sflag:s31], $0x80  }
0x3ce: {  	[sflag:s31] =	ssyncset.done $0x0  }
0x3cf: {  	[sflag:s31] =	ssyncadd.s32 $0xFFFFFF80  }
0x3d0: {  	_ =	swait.ge [sflag:s31], $0x80  }
0x3d1: {  	[sflag:s31] =	ssyncset.done $0x0  }
0x3d2: {  	[sflag:s31] =	ssyncadd.s32 $0xFFFFFF80  }
0x3d3: {  	_ =	swait.ge [sflag:s31], $0x80  }
0x3d4: {  	[sflag:s31] =	ssyncset.done $0x0  }
0x3d5: {  	[sflag:s31] =	ssyncadd.s32 $0xFFFFFF80  }
0x3d6: {  	_ =	swait.ge [sflag:s31], $0x80  }
0x3d7: {  	[sflag:s31] =	ssyncset.done $0x0  }
0x3d8: {  	[sflag:s31] =	ssyncadd.s32 $0xFFFFFF80  }
0x3d9: {  	_ =	swait.ge [sflag:s31], $0x80  }
0x3da: {  	[sflag:s31] =	ssyncset.done $0x0  }
0x3db: {  	[sflag:s31] =	ssyncadd.s32 $0xFFFFFF80  }
0x3dc: {  	_ =	swait.ge [sflag:s31], $0x80  }
0x3dd: {  	[sflag:s31] =	ssyncset.done $0x0  }
0x3de: {  	[sflag:s31] =	ssyncadd.s32 $0xFFFFFF80  }
0x3df: {  	_ =	swait.ge [sflag:s31], $0x80  }
0x3e0: {  	[sflag:s31] =	ssyncset.done $0x0  }
0x3e1: {  	[sflag:s31] =	ssyncadd.s32 $0xFFFFFF80  }
0x3e2: {  	_ =	swait.ge [sflag:s31], $0x80  }
0x3e3: {  	[sflag:s31] =	ssyncset.done $0x0  }
0x3e4: {  	[sflag:s31] =	ssyncadd.s32 $0xFFFFFF80  }
0x3e5: {  	_ =	swait.ge [sflag:s31], $0x80  }
0x3e6: {  	[sflag:s31] =	ssyncset.done $0x0  }
0x3e7: {  	[sflag:s31] =	ssyncadd.s32 $0xFFFFFF80  }
0x3e8: {  	_ =	swait.ge [sflag:s31], $0x80  }
0x3e9: {  	[sflag:s31] =	ssyncset.done $0x0  }
0x3ea: {  	[sflag:s31] =	ssyncadd.s32 $0xFFFFFF80  }
0x3eb: {  	_ =	swait.ge [sflag:s31], $0x80  }
0x3ec: {  	[sflag:s31] =	ssyncset.done $0x0  }
0x3ed: {  	[sflag:s31] =	ssyncadd.s32 $0xFFFFFF80  }
0x3ee: {  	_ =	swait.ge [sflag:s31], $0x80  }
0x3ef: {  	[sflag:s31] =	ssyncset.done $0x0  }
0x3f0: {  	[sflag:s31] =	ssyncadd.s32 $0xFFFFFF80  }
0x3f1: {  	_ =	swait.ge [sflag:s31], $0x80  }
0x3f2: {  	[sflag:s31] =	ssyncset.done $0x0  }
0x3f3: {  	[sflag:s31] =	ssyncadd.s32 $0xFFFFFF80  }
0x3f4: {  	_ =	swait.ge [sflag:s31], $0x80  }
0x3f5: {  	[sflag:s31] =	ssyncset.done $0x0  }
0x3f6: {  	[sflag:s31] =	ssyncadd.s32 $0xFFFFFF80  }
0x3f7: {  	_ =	swait.ge [sflag:s31], $0x80  }
0x3f8: {  	[sflag:s31] =	ssyncset.done $0x0  }
0x3f9: {  	[sflag:s31] =	ssyncadd.s32 $0xFFFFFF80  }
0x3fa: {  	_ =	swait.ge [sflag:s31], $0x80  }
0x3fb: {  	[sflag:s31] =	ssyncset.done $0x0  }
0x3fc: {  	[sflag:s31] =	ssyncadd.s32 $0xFFFFFF80  }
0x3fd: {  	_ =	swait.ge [sflag:s31], $0x80  }
0x3fe: {  	[sflag:s31] =	ssyncset.done $0x0  }
0x3ff: {  	[sflag:s31] =	ssyncadd.s32 $0xFFFFFF80  }
0x400: {  	_ =	swait.ge [sflag:s31], $0x80  }
0x401: {  	[sflag:s31] =	ssyncset.done $0x0  }
0x402: {  	[sflag:s31] =	ssyncadd.s32 $0xFFFFFF80  }
0x403: {  	_ =	swait.ge [sflag:s31], $0x80  }
0x404: {  	[sflag:s31] =	ssyncset.done $0x0  }
0x405: {  	[sflag:s31] =	ssyncadd.s32 $0xFFFFFF80  }
0x406: {  	_ =	swait.ge [sflag:s31], $0x80  }
0x407: {  	[sflag:s31] =	ssyncset.done $0x0  }
0x408: {  	[sflag:s31] =	ssyncadd.s32 $0xFFFFFF80  }
0x409: {  	_ =	swait.ge [sflag:s31], $0x80  }
0x40a: {  	[sflag:s31] =	ssyncset.done $0x0  }
0x40b: {  	[sflag:s31] =	ssyncadd.s32 $0xFFFFFF80  }
0x40c: {  	_ =	swait.ge [sflag:s31], $0x80  }
0x40d: {  	[sflag:s31] =	ssyncset.done $0x0  }
0x40e: {  	[sflag:s31] =	ssyncadd.s32 $0xFFFFFF80  }
0x40f: {  	_ =	swait.ge [sflag:s31], $0x80  }
0x410: {  	[sflag:s31] =	ssyncset.done $0x0  }
0x411: {  	[sflag:s31] =	ssyncadd.s32 $0xFFFFFF80  }
0x412: {  	_ =	swait.ge [sflag:s31], $0x80  }
0x413: {  	[sflag:s31] =	ssyncset.done $0x0  }
0x414: {  	[sflag:s31] =	ssyncadd.s32 $0xFFFFFF80  }
0x415: {  	_ =	swait.ge [sflag:s31], $0x80  }
0x416: {  	[sflag:s31] =	ssyncset.done $0x0  }
0x417: {  	[sflag:s31] =	ssyncadd.s32 $0xFFFFFF80  }
0x418: {  	_ =	swait.ge [sflag:s31], $0x80  }
0x419: {  	[sflag:s31] =	ssyncset.done $0x0  }
0x41a: {  	[sflag:s31] =	ssyncadd.s32 $0xFFFFFF80  }
0x41b: {  	_ =	swait.ge [sflag:s31], $0x80  }
0x41c: {  	[sflag:s31] =	ssyncset.done $0x0  }
0x41d: {  	[sflag:s31] =	ssyncadd.s32 $0xFFFFFF80  }
0x41e: {  	_ =	swait.ge [sflag:s31], $0x80  }
0x41f: {  	[sflag:s31] =	ssyncset.done $0x0  }
0x420: {  	s1 =	simm.s32 $0x0;
	[sflag:s31] =	ssyncadd.s32 $0xFFFFFF80  }
0x421: {  	s15 =	simm.s32 $0x40;
	v2 =	vld [tilespmem:s1+$0x17400]  }
.LBB2_8:
0x422: {  	p0 =	sne.s32 s15, $0x7C0;
	v0 =	vld [tilespmem:s1+$0x19C00];
	_ =	sdelay $0x1  }
0x423: {  	v1 =	vld [tilespmem:s1+$0x17600];
	_ =	sdelay $0x1  }
0x424: {  	v3 =	vld [tilespmem:s1+$0x17800]  }
0x425: {  	v0 =	vadd.f32 v2, v0  }
0x426: {  	v2 =	vld [tilespmem:s1+$0x17A00]  }
0x427: {  	v0 =	vadd.f32 v1, v0  }
0x428: {  	v1 =	vld [tilespmem:s1+$0x17C00]  }
0x429: {  	v0 =	vadd.f32 v3, v0  }
0x42a: {  	v3 =	vld [tilespmem:s1+$0x17E00]  }
0x42b: {  	v0 =	vadd.f32 v2, v0  }
0x42c: {  	v2 =	vld [tilespmem:s1+$0x18000]  }
0x42d: {  	v0 =	vadd.f32 v1, v0  }
0x42e: {  	v1 =	vld [tilespmem:s1+$0x18200]  }
0x42f: {  	v0 =	vadd.f32 v3, v0  }
0x430: {  	v3 =	vld [tilespmem:s1+$0x18400]  }
0x431: {  	v0 =	vadd.f32 v2, v0  }
0x432: {  	v2 =	vld [tilespmem:s1+$0x18600]  }
0x433: {  	v0 =	vadd.f32 v1, v0  }
0x434: {  	v1 =	vld [tilespmem:s1+$0x18800]  }
0x435: {  	v0 =	vadd.f32 v3, v0  }
0x436: {  	v3 =	vld [tilespmem:s1+$0x18A00]  }
0x437: {  	v0 =	vadd.f32 v2, v0  }
0x438: {  	v2 =	vld [tilespmem:s1+$0x18C00]  }
0x439: {  	v0 =	vadd.f32 v1, v0  }
0x43a: {  	v1 =	vld [tilespmem:s1+$0x18E00]  }
0x43b: {  	v0 =	vadd.f32 v3, v0  }
0x43c: {  	v3 =	vld [tilespmem:s1+$0x19000]  }
0x43d: {  	v0 =	vadd.f32 v2, v0  }
0x43e: {  	v2 =	vld [tilespmem:s1+$0x19200]  }
0x43f: {  	v0 =	vadd.f32 v1, v0  }
0x440: {  	v1 =	vld [tilespmem:s1+$0x19400]  }
0x441: {  	v0 =	vadd.f32 v3, v0  }
0x442: {  	v3 =	vld [tilespmem:s1+$0x19600]  }
0x443: {  	v0 =	vadd.f32 v2, v0  }
0x444: {  	v2 =	vld [tilespmem:s1+$0x19800]  }
0x445: {  	v0 =	vadd.f32 v1, v0  }
0x446: {  	v1 =	vld [tilespmem:s1+$0x19A00]  }
0x447: {  	v0 =	vadd.f32 v3, v0;
	_ =	sdelay $0x1  }
.Ltmp3:
0x448: {  	v0 =	vadd.f32 v2, v0;
	(pc) =	sbr.rel @p0 .LBB2_8-.Ltmp3, $4  }
0x449: {  	_ = 	snop  }
0x44a: {  	v0 =	vadd.f32 v1, v0  }
0x44b: {  	s19 =	sshra.s32 s15, $0x2  }
0x44c: {  	s15 =	sadd.s32 $0x40, s15;
	v2 =	vld [tilespmem:s19+$0x17400];
	[tilespmem:s1+$0x19C00] =	vst v0;
	s1 =	smov.u32 s19  }
0x44d: {  	v0 =	vld [tilespmem:s1+$0x19C00];
	_ =	sdelay $0x1  }
0x44e: {  	v1 =	vld [tilespmem:s1+$0x17600];
	_ =	sdelay $0x1  }
0x44f: {  	v3 =	vld [tilespmem:s1+$0x17800]  }
0x450: {  	v0 =	vadd.f32 v2, v0  }
0x451: {  	v2 =	vld [tilespmem:s1+$0x17A00]  }
0x452: {  	v0 =	vadd.f32 v1, v0  }
0x453: {  	v1 =	vld [tilespmem:s1+$0x17C00]  }
0x454: {  	v0 =	vadd.f32 v3, v0  }
0x455: {  	v3 =	vld [tilespmem:s1+$0x17E00]  }
0x456: {  	v0 =	vadd.f32 v2, v0  }
0x457: {  	v2 =	vld [tilespmem:s1+$0x18000]  }
0x458: {  	v0 =	vadd.f32 v1, v0  }
0x459: {  	v1 =	vld [tilespmem:s1+$0x18200]  }
0x45a: {  	v0 =	vadd.f32 v3, v0  }
0x45b: {  	v3 =	vld [tilespmem:s1+$0x18400]  }
0x45c: {  	v0 =	vadd.f32 v2, v0  }
0x45d: {  	v2 =	vld [tilespmem:s1+$0x18600]  }
0x45e: {  	v0 =	vadd.f32 v1, v0  }
0x45f: {  	v1 =	vld [tilespmem:s1+$0x18800]  }
0x460: {  	v0 =	vadd.f32 v3, v0  }
0x461: {  	v3 =	vld [tilespmem:s1+$0x18A00]  }
0x462: {  	v0 =	vadd.f32 v2, v0  }
0x463: {  	v2 =	vld [tilespmem:s1+$0x18C00]  }
0x464: {  	v0 =	vadd.f32 v1, v0  }
0x465: {  	v1 =	vld [tilespmem:s1+$0x18E00]  }
0x466: {  	v0 =	vadd.f32 v3, v0  }
0x467: {  	v3 =	vld [tilespmem:s1+$0x19000]  }
0x468: {  	v0 =	vadd.f32 v2, v0  }
0x469: {  	v2 =	vld [tilespmem:s1+$0x19200]  }
0x46a: {  	v0 =	vadd.f32 v1, v0  }
0x46b: {  	v1 =	vld [tilespmem:s1+$0x19400]  }
0x46c: {  	v0 =	vadd.f32 v3, v0  }
0x46d: {  	v3 =	vld [tilespmem:s1+$0x19600]  }
0x46e: {  	v0 =	vadd.f32 v2, v0  }
0x46f: {  	v2 =	vld [tilespmem:s1+$0x19800]  }
0x470: {  	v0 =	vadd.f32 v1, v0  }
0x471: {  	v1 =	vld [tilespmem:s1+$0x19A00]  }
0x472: {  	v0 =	vadd.f32 v3, v0;
	_ =	sdelay $0x1  }
0x473: {  	v0 =	vadd.f32 v2, v0;
	_ =	sdelay $0x1  }
0x474: {  	v0 =	vadd.f32 v1, v0  }
0x475: {  	s5 =	sadd.s32 $0x1, s5  }
0x476: {  	p0 =	sne.s32 s5, s13;
	[tilespmem:s1+$0x19C00] =	vst v0  }
0x477: {  	[hbm4b:s12+s2] =	stream.linear.scatter [tilespmem:s0], [sflag:$0x5], $0x200, $0x38;
	[tilespmem:$0x19E10] =	vst v63  }
.Ltmp4:
0x478: {  	_ = 	snop;
	(pc) =	sbr.rel @p0 .LBB2_1-.Ltmp4, $4  }
0x479: {  	_ =	swait.ge [sflag:s14], $0x200  }
0x47a: {  	v0 =	vld [tilespmem:$0x1FFE0]  }
0x47b: {  	[sflag:s14] =	ssyncset.done $0x0  }
0x47c: {  	v1 =	vld [tilespmem:$0x1FFF0];
	[sflag:s14] =	ssyncadd.s32 $0xFFFFFE00  }
0x47d: {  	_ =	sfence.sel $0x180000  }
0x47e: {  	[bflag:$0x0] =	sbarrier.arrive $0xFFFF  }
0x47f: {  	_ =	strace $0x90000047  }
0x480: {  	s0 =	stileid.u32;
	[bflag:$0x2] =	sbarrier.arrive $0xFFFF  }
0x481: {  	p0 =	sne.s32 s0, $0x0;
	s0 =	rddreg [dreg:$0x5]  }
0x482: {  	s0 =	sadd.s32 @!p0 $0x100000, s0  }
0x483: {  	[sflag:s0] =	ssyncadd.tile.s32 @!p0 $0x1;
	_ =	shalt  }
.Lfunc_end2:
_tile_overlayer_lowered:
.L_overlay_start_2:
0x484: {  	(tag) =	ssettag $0x2  }
0x485: {  	s0 =	rddreg [dreg:$0x0];
	s2 =	stileid.u32  }
0x486: {  	s1 =	rddreg [dreg:$0x1];
	p0 =	sne.s32 s2, $0x0  }
0x487: {  	s3 =	rddreg [dreg:$0x2];
	[bflag:$0x3] =	sbarrier.arrive $0xFFFF;
	s2 =	simm.s32 @!p0 $0x1C05  }
0x488: {  	[timem:s3], [sflag:s2] =	dma.local @!p0 [hbm:s0], s1  }
0x489: {  	s0 =	simm.s32 @!p0 $0x5  }
0x48a: {  	_ =	swait.ge @!p0 [sflag:s0], s1  }
0x48b: {  	s1 =	ssub.s32 @!p0 $0x0, s1;
	[sflag:s0] =	ssyncset.done @!p0 $0x0  }
0x48c: {  	[sflag:s0] =	ssyncadd.s32 @!p0 s1  }
0x48d: {  	[bflag:$0x3] =	sbarrier.arrive $0xFFFF  }
0x48e: {  	_ =	shalt  }

</sc_bundles>
